<compile_context>
chip_gen: v7x
topology: tpu7x:2x2x1
jax: 0.10.2.dev20260603
libtpu: 0.0.44.dev20260713+nightly
codegen_flags: <defaults>
</compile_context>

<pallas_src>
import functools

import jax
import jax.numpy as jnp
from jax import lax
from jax.experimental import pallas as pl
from jax.experimental.pallas import tpu as pltpu
from jax.experimental.pallas import tpu_sc as plsc

B = 16384
L = 50
V = 1000000
D = 16
OUT = 8

NW = 32
BAGS_W = B // NW
CHUNK_BAGS = 64
ROWS_CHUNK = CHUNK_BAGS * L
G = 128
NG = ROWS_CHUNK // G
NCHUNK = BAGS_W // CHUNK_BAGS


@functools.partial(
    pl.kernel,
    out_type=jax.ShapeDtypeStruct((B, D), jnp.float32),
    scratch_types=[
        pltpu.VMEM((NCHUNK * NG * G,), jnp.int32),
        pltpu.VMEM((ROWS_CHUNK, D), jnp.float32),
        pltpu.VMEM((ROWS_CHUNK, D), jnp.float32),
        pltpu.VMEM((CHUNK_BAGS, D), jnp.float32),
        pltpu.SemaphoreType.DMA,
        pltpu.SemaphoreType.DMA,
    ],
    mesh=plsc.VectorSubcoreMesh(core_axis_name="c", subcore_axis_name="s"),
    compiler_params=pltpu.CompilerParams(use_tc_tiling_on_sc=False),
)
def _sc_bag_sums(idx_hbm, table_hbm, out_hbm, ib, rb0, rb1, sv,
                 sem0, sem1):
    wid = lax.axis_index("c") * 16 + lax.axis_index("s")
    idx0 = wid * (NCHUNK * NG * G)
    bag0 = wid * BAGS_W

    def fire(c, rb, sem):
        def fb(j, carry):
            pltpu.make_async_copy(
                table_hbm.at[ib.at[pl.ds((c * NG + j) * G, G)]],
                rb.at[pl.ds(j * G, G)], sem
            ).start()
            return carry
        lax.fori_loop(0, NG, fb, 0)

    def drain(rb, sem):
        pltpu.make_async_copy(
            table_hbm.at[pl.ds(0, ROWS_CHUNK)], rb, sem
        ).wait()

    def reduce_chunk(rb):
        def bag(i, carry):
            base = i * L
            acc = rb[base]
            for j in range(1, L):
                acc = acc + rb[base + j]
            sv[i] = acc
            return carry
        lax.fori_loop(0, CHUNK_BAGS, bag, 0)

    def store(c):
        pltpu.sync_copy(
            sv, out_hbm.at[pl.ds(bag0 + c * CHUNK_BAGS, CHUNK_BAGS)]
        )

    pltpu.sync_copy(idx_hbm.at[pl.ds(idx0, NCHUNK * NG * G)], ib)
    fire(0, rb0, sem0)
    for c in range(NCHUNK):
        cur_rb, cur_sem = (rb0, sem0) if c % 2 == 0 else (rb1, sem1)
        nxt_rb, nxt_sem = (rb1, sem1) if c % 2 == 0 else (rb0, sem0)
        if c + 1 < NCHUNK:
            fire(c + 1, nxt_rb, nxt_sem)
        drain(cur_rb, cur_sem)
        reduce_chunk(cur_rb)
        store(c)


TBN = 16384
TGRID = (V + TBN - 1) // TBN


def _tc_untile_body(t_ref, o_ref):
    x = t_ref[...]
    c = x.T
    c3 = c.reshape(TBN // 8, 8, D)
    o128 = jnp.concatenate([c3[:, j, :] for j in range(8)], axis=1)
    o_ref[...] = o128.reshape(-1)


def _tc_untile(table_t):
    return pl.pallas_call(
        _tc_untile_body,
        grid=(TGRID,),
        in_specs=[pl.BlockSpec((D, TBN), lambda i: (0, i))],
        out_specs=pl.BlockSpec((TBN * D,), lambda i: (i,)),
        out_shape=jax.ShapeDtypeStruct((V * D,), jnp.float32),
        compiler_params=pltpu.CompilerParams(
            dimension_semantics=("parallel",)),
    )(table_t)


def _tc_linear_body(x_ref, wt_ref, b_ref, o_ref):
    o_ref[...] = (
        jnp.dot(x_ref[...], wt_ref[...], preferred_element_type=jnp.float32)
        + b_ref[...]
    )


def _tc_linear(x, wt, b2):
    m = x.shape[0]
    bm = 2048
    return pl.pallas_call(
        _tc_linear_body,
        grid=(m // bm,),
        in_specs=[
            pl.BlockSpec((bm, D), lambda i: (i, 0)),
            pl.BlockSpec((D, OUT), lambda i: (0, 0)),
            pl.BlockSpec((1, OUT), lambda i: (0, 0)),
        ],
        out_specs=pl.BlockSpec((bm, OUT), lambda i: (i, 0)),
        out_shape=jax.ShapeDtypeStruct((m, OUT), jnp.float32),
    )(x, wt, b2)


def kernel(indices, offsets, table, W, b):
    table_lin = _tc_untile(table.T).reshape(V, D)
    sums = _sc_bag_sums(indices, table_lin)
    wt = W.T.astype(jnp.float32) * (1.0 / L)
    return _tc_linear(sums, wt, b.reshape(1, OUT))

# --- scband reference (transcript-rebuilt; emitter-appended) ---
"""Pipeline reference for scband-hybrid-model-10995116277952 (READ-ONLY COPY).

The authoritative reference and input builder live on the scoring server;
editing this copy changes nothing except your own understanding.
"""

import jax, jax.numpy as jnp
import numpy as np

B = 16384
L = 50
V = 1000000
D = 16
OUT = 8


def setup_inputs(seed: int = 0) -> dict:
    key = jax.random.key(seed)
    k1, k2, k3 = jax.random.split(key, 3)
    indices = jax.random.randint(k1, (B * L,), 0, V, dtype=jnp.int32)
    offsets = jnp.arange(B, dtype=jnp.int32) * L
    table = jax.random.normal(k2, (V, D), dtype=jnp.float32) * 0.02
    W = jax.random.normal(k3, (OUT, D), dtype=jnp.float32) * 0.1
    b = jnp.zeros((OUT,), dtype=jnp.float32)
    return {"indices": indices, "offsets": offsets, "table": table, "W": W, "b": b}


def reference(indices, offsets, table, W, b):
    # EmbeddingBag(mode='mean'): gather rows then mean-pool per bag defined by offsets
    emb = jnp.take(table, indices, axis=0)  # [N, D]
    N = indices.shape[0]
    num_bags = offsets.shape[0]
    seg = jnp.searchsorted(offsets, jnp.arange(N, dtype=offsets.dtype), side='right') - 1
    sums = jax.ops.segment_sum(emb, seg, num_segments=num_bags)
    counts = jax.ops.segment_sum(jnp.ones((N,), dtype=emb.dtype), seg, num_segments=num_bags)
    pooled = sums / jnp.maximum(counts, 1.0)[:, None]  # [B, D]
    # dense part: nn.Linear(16, 8)
    return pooled @ W.T + b

if __name__ == "__main__":
    import jax
    _d = setup_inputs()
    print(jax.jit(kernel)(*tuple(_d.values())))

</pallas_src>

<mosaic_0001>
#map = affine_map<(d0, d1) -> (0)>
#map1 = affine_map<(d0, d1) -> (0, 0)>
module attributes {stable_mosaic.version = 14 : i64} {
  func.func @_sc_bag_sums(%arg0: i32, %arg1: i32, %arg2: memref<819200xi32, #tpu.memory_space<hbm>>, %arg3: memref<1000000x16xf32, #tpu.memory_space<hbm>>, %arg4: memref<16384x16xf32, #tpu.memory_space<hbm>>, %arg5: memref<25600xi32, #tpu.memory_space<vmem>>, %arg6: memref<3200x16xf32, #tpu.memory_space<vmem>>, %arg7: memref<3200x16xf32, #tpu.memory_space<vmem>>, %arg8: memref<64x16xf32, #tpu.memory_space<vmem>>, %arg9: memref<!tpu.dma_semaphore, #tpu.memory_space<semaphore_mem>>, %arg10: memref<!tpu.dma_semaphore, #tpu.memory_space<semaphore_mem>>) attributes {dimension_semantics = [#tpu.dimension_semantics<core_parallel>, #tpu.dimension_semantics<subcore_parallel>], iteration_bounds = array<i64: 2, 16>, scalar_prefetch = 0 : i64, scratch_operands = 6 : i64, tpu.core_type = #tpu.core_type<sc_vector_subcore>, window_params = [{transform_indices = #map}, {transform_indices = #map1}, {transform_indices = #map1}]} {
    %mul3A = arith.constant 16 : i32
    %mul3A_0 = arith.muli %arg0, %mul3A : i32
    %add3A = arith.addi %mul3A_0, %arg1 : i32
    %mul3A_1 = arith.constant 25600 : i32
    %mul3A_2 = arith.muli %add3A, %mul3A_1 : i32
    %mul3A_3 = arith.constant 512 : i32
    %mul3A_4 = arith.muli %add3A, %mul3A_3 : i32
    "tpu.region"() ({
      %run_scoped3A = tpu.sem_alloc : memref<!tpu.dma_semaphore, #tpu.memory_space<semaphore_mem>>
      %dma_start3A = tpu.memref_slice %arg2[%mul3A_2] : memref<819200xi32, #tpu.memory_space<hbm>> -> memref<25600xi32, #tpu.memory_space<hbm>>
      %dma_start3A_163 = tpu.memref_slice %arg2[%mul3A_2] : memref<819200xi32, #tpu.memory_space<hbm>> -> memref<25600xi32, #tpu.memory_space<hbm>>
      tpu.enqueue_dma source(%dma_start3A_163 : memref<25600xi32, #tpu.memory_space<hbm>>) target(%arg5 : memref<25600xi32, #tpu.memory_space<vmem>>) target_semaphore(%run_scoped3A : memref<!tpu.dma_semaphore, #tpu.memory_space<semaphore_mem>>)
      %dma_wait3A_164 = tpu.memref_slice %arg2[%mul3A_2] : memref<819200xi32, #tpu.memory_space<hbm>> -> memref<25600xi32, #tpu.memory_space<hbm>>
      %dma_wait3A_165 = tpu.memref_slice %arg2[%mul3A_2] : memref<819200xi32, #tpu.memory_space<hbm>> -> memref<25600xi32, #tpu.memory_space<hbm>>
      tpu.wait_dma2 semaphore(%run_scoped3A : memref<!tpu.dma_semaphore, #tpu.memory_space<semaphore_mem>>) src(%dma_wait3A_165 : memref<25600xi32, #tpu.memory_space<hbm>>) dst(%arg5 : memref<25600xi32, #tpu.memory_space<vmem>>)
      tpu.yield
    }) : () -> ()
    %scan3A = arith.constant 0 : i32
    %scan3A_5 = arith.constant 0 : i32
    %scan3A_6 = arith.constant 25 : i32
    %scan3A_7 = arith.addi %scan3A_5, %scan3A_6 : i32
    %scan3A_8 = arith.constant 1 : i32
    scf.for %scan3A_163 = %scan3A_5 to %scan3A_7 step %scan3A_8  : i32 {
      %add3A_164 = arith.constant 0 : i32
      %add3A_165 = arith.addi %add3A_164, %scan3A_163 : i32
      %mul3A_166 = arith.constant 128 : i32
      %mul3A_167 = arith.muli %add3A_165, %mul3A_166 : i32
      %mul3A_168 = arith.constant 128 : i32
      %mul3A_169 = arith.muli %scan3A_163, %mul3A_168 : i32
      %dma_start3A = arith.constant 0 : i32
      %dma_start3A_170 = tpu.memref_slice %arg6[%mul3A_169, %dma_start3A] : memref<3200x16xf32, #tpu.memory_space<vmem>> -> memref<128x16xf32, #tpu.memory_space<vmem>>
      %dma_start3A_171 = tpu.memref_slice %arg5[%mul3A_167] : memref<25600xi32, #tpu.memory_space<vmem>> -> memref<128xi32, #tpu.memory_space<vmem>>
      %dma_start3A_172 = arith.constant 0 : i32
      %dma_start3A_173 = arith.constant 0 : i32
      %dma_start3A_174 = tpu.memref_slice %arg3[%dma_start3A_172, %dma_start3A_173] : memref<1000000x16xf32, #tpu.memory_space<hbm>> -> memref<1000000x16xf32, #tpu.memory_space<hbm>>
      tpu.enqueue_indirect_dma source(%dma_start3A_174 : memref<1000000x16xf32, #tpu.memory_space<hbm>>) target(%dma_start3A_170 : memref<128x16xf32, #tpu.memory_space<vmem>>) offsets(%dma_start3A_171 : memref<128xi32, #tpu.memory_space<vmem>>) semaphore(%arg9 : memref<!tpu.dma_semaphore, #tpu.memory_space<semaphore_mem>>)
    }
    %scan3A_9 = arith.constant 25 : i32
    %scan3A_10 = arith.constant 0 : i32
    %scan3A_11 = arith.constant 0 : i32
    %scan3A_12 = arith.constant 25 : i32
    %scan3A_13 = arith.addi %scan3A_11, %scan3A_12 : i32
    %scan3A_14 = arith.constant 1 : i32
    scf.for %scan3A_163 = %scan3A_11 to %scan3A_13 step %scan3A_14  : i32 {
      %add3A_164 = arith.constant 25 : i32
      %add3A_165 = arith.addi %add3A_164, %scan3A_163 : i32
      %mul3A_166 = arith.constant 128 : i32
      %mul3A_167 = arith.muli %add3A_165, %mul3A_166 : i32
      %mul3A_168 = arith.constant 128 : i32
      %mul3A_169 = arith.muli %scan3A_163, %mul3A_168 : i32
      %dma_start3A = arith.constant 0 : i32
      %dma_start3A_170 = tpu.memref_slice %arg7[%mul3A_169, %dma_start3A] : memref<3200x16xf32, #tpu.memory_space<vmem>> -> memref<128x16xf32, #tpu.memory_space<vmem>>
      %dma_start3A_171 = tpu.memref_slice %arg5[%mul3A_167] : memref<25600xi32, #tpu.memory_space<vmem>> -> memref<128xi32, #tpu.memory_space<vmem>>
      %dma_start3A_172 = arith.constant 0 : i32
      %dma_start3A_173 = arith.constant 0 : i32
      %dma_start3A_174 = tpu.memref_slice %arg3[%dma_start3A_172, %dma_start3A_173] : memref<1000000x16xf32, #tpu.memory_space<hbm>> -> memref<1000000x16xf32, #tpu.memory_space<hbm>>
      tpu.enqueue_indirect_dma source(%dma_start3A_174 : memref<1000000x16xf32, #tpu.memory_space<hbm>>) target(%dma_start3A_170 : memref<128x16xf32, #tpu.memory_space<vmem>>) offsets(%dma_start3A_171 : memref<128xi32, #tpu.memory_space<vmem>>) semaphore(%arg10 : memref<!tpu.dma_semaphore, #tpu.memory_space<semaphore_mem>>)
    }
    %scan3A_15 = arith.constant 25 : i32
    %dma_wait3A = arith.constant 0 : i32
    %dma_wait3A_16 = arith.constant 0 : i32
    %dma_wait3A_17 = tpu.memref_slice %arg3[%dma_wait3A, %dma_wait3A_16] : memref<1000000x16xf32, #tpu.memory_space<hbm>> -> memref<3200x16xf32, #tpu.memory_space<hbm>>
    %dma_wait3A_18 = arith.constant 0 : i32
    %dma_wait3A_19 = arith.constant 0 : i32
    %dma_wait3A_20 = tpu.memref_slice %arg3[%dma_wait3A_18, %dma_wait3A_19] : memref<1000000x16xf32, #tpu.memory_space<hbm>> -> memref<3200x16xf32, #tpu.memory_space<hbm>>
    tpu.wait_dma2 semaphore(%arg9 : memref<!tpu.dma_semaphore, #tpu.memory_space<semaphore_mem>>) src(%dma_wait3A_20 : memref<3200x16xf32, #tpu.memory_space<hbm>>) dst(%arg6 : memref<3200x16xf32, #tpu.memory_space<vmem>>)
    %scan3A_21 = arith.constant 0 : i32
    %scan3A_22 = arith.constant 0 : i32
    %scan3A_23 = arith.constant 64 : i32
    %scan3A_24 = arith.addi %scan3A_22, %scan3A_23 : i32
    %scan3A_25 = arith.constant 1 : i32
    scf.for %scan3A_163 = %scan3A_22 to %scan3A_24 step %scan3A_25  : i32 {
      %mul3A_164 = arith.constant 50 : i32
      %mul3A_165 = arith.muli %scan3A_163, %mul3A_164 : i32
      %get3A = arith.index_cast %mul3A_165 : i32 to index
      %get3A_166 = arith.constant 0 : index
      %get3A_167 = tpu.vector_load %arg6[%get3A, %get3A_166] {strides = array<i32>} : memref<3200x16xf32, #tpu.memory_space<vmem>>, vector<1x16xf32>,
      %get3A_168 = vector.shape_cast %get3A_167 : vector<1x16xf32> to vector<16xf32>
      %add3A_169 = arith.constant 1 : i32
      %add3A_170 = arith.addi %mul3A_165, %add3A_169 : i32
      %get3A_171 = arith.index_cast %add3A_170 : i32 to index
      %get3A_172 = arith.constant 0 : index
      %get3A_173 = tpu.vector_load %arg6[%get3A_171, %get3A_172] {strides = array<i32>} : memref<3200x16xf32, #tpu.memory_space<vmem>>, vector<1x16xf32>,
      %get3A_174 = vector.shape_cast %get3A_173 : vector<1x16xf32> to vector<16xf32>
      %add3A_175 = arith.addf %get3A_168, %get3A_174 : vector<16xf32>
      %add3A_176 = arith.constant 2 : i32
      %add3A_177 = arith.addi %mul3A_165, %add3A_176 : i32
      %get3A_178 = arith.index_cast %add3A_177 : i32 to index
      %get3A_179 = arith.constant 0 : index
      %get3A_180 = tpu.vector_load %arg6[%get3A_178, %get3A_179] {strides = array<i32>} : memref<3200x16xf32, #tpu.memory_space<vmem>>, vector<1x16xf32>,
      %get3A_181 = vector.shape_cast %get3A_180 : vector<1x16xf32> to vector<16xf32>
      %add3A_182 = arith.addf %add3A_175, %get3A_181 : vector<16xf32>
      %add3A_183 = arith.constant 3 : i32
      %add3A_184 = arith.addi %mul3A_165, %add3A_183 : i32
      %get3A_185 = arith.index_cast %add3A_184 : i32 to index
      %get3A_186 = arith.constant 0 : index
      %get3A_187 = tpu.vector_load %arg6[%get3A_185, %get3A_186] {strides = array<i32>} : memref<3200x16xf32, #tpu.memory_space<vmem>>, vector<1x16xf32>,
      %get3A_188 = vector.shape_cast %get3A_187 : vector<1x16xf32> to vector<16xf32>
      %add3A_189 = arith.addf %add3A_182, %get3A_188 : vector<16xf32>
      %add3A_190 = arith.constant 4 : i32
      %add3A_191 = arith.addi %mul3A_165, %add3A_190 : i32
      %get3A_192 = arith.index_cast %add3A_191 : i32 to index
      %get3A_193 = arith.constant 0 : index
      %get3A_194 = tpu.vector_load %arg6[%get3A_192, %get3A_193] {strides = array<i32>} : memref<3200x16xf32, #tpu.memory_space<vmem>>, vector<1x16xf32>,
      %get3A_195 = vector.shape_cast %get3A_194 : vector<1x16xf32> to vector<16xf32>
      %add3A_196 = arith.addf %add3A_189, %get3A_195 : vector<16xf32>
      %add3A_197 = arith.constant 5 : i32
      %add3A_198 = arith.addi %mul3A_165, %add3A_197 : i32
      %get3A_199 = arith.index_cast %add3A_198 : i32 to index
      %get3A_200 = arith.constant 0 : index
      %get3A_201 = tpu.vector_load %arg6[%get3A_199, %get3A_200] {strides = array<i32>} : memref<3200x16xf32, #tpu.memory_space<vmem>>, vector<1x16xf32>,
      %get3A_202 = vector.shape_cast %get3A_201 : vector<1x16xf32> to vector<16xf32>
      %add3A_203 = arith.addf %add3A_196, %get3A_202 : vector<16xf32>
      %add3A_204 = arith.constant 6 : i32
      %add3A_205 = arith.addi %mul3A_165, %add3A_204 : i32
      %get3A_206 = arith.index_cast %add3A_205 : i32 to index
      %get3A_207 = arith.constant 0 : index
      %get3A_208 = tpu.vector_load %arg6[%get3A_206, %get3A_207] {strides = array<i32>} : memref<3200x16xf32, #tpu.memory_space<vmem>>, vector<1x16xf32>,
      %get3A_209 = vector.shape_cast %get3A_208 : vector<1x16xf32> to vector<16xf32>
      %add3A_210 = arith.addf %add3A_203, %get3A_209 : vector<16xf32>
      %add3A_211 = arith.constant 7 : i32
      %add3A_212 = arith.addi %mul3A_165, %add3A_211 : i32
      %get3A_213 = arith.index_cast %add3A_212 : i32 to index
      %get3A_214 = arith.constant 0 : index
      %get3A_215 = tpu.vector_load %arg6[%get3A_213, %get3A_214] {strides = array<i32>} : memref<3200x16xf32, #tpu.memory_space<vmem>>, vector<1x16xf32>,
      %get3A_216 = vector.shape_cast %get3A_215 : vector<1x16xf32> to vector<16xf32>
      %add3A_217 = arith.addf %add3A_210, %get3A_216 : vector<16xf32>
      %add3A_218 = arith.constant 8 : i32
      %add3A_219 = arith.addi %mul3A_165, %add3A_218 : i32
      %get3A_220 = arith.index_cast %add3A_219 : i32 to index
      %get3A_221 = arith.constant 0 : index
      %get3A_222 = tpu.vector_load %arg6[%get3A_220, %get3A_221] {strides = array<i32>} : memref<3200x16xf32, #tpu.memory_space<vmem>>, vector<1x16xf32>,
      %get3A_223 = vector.shape_cast %get3A_222 : vector<1x16xf32> to vector<16xf32>
      %add3A_224 = arith.addf %add3A_217, %get3A_223 : vector<16xf32>
      %add3A_225 = arith.constant 9 : i32
      %add3A_226 = arith.addi %mul3A_165, %add3A_225 : i32
      %get3A_227 = arith.index_cast %add3A_226 : i32 to index
      %get3A_228 = arith.constant 0 : index
      %get3A_229 = tpu.vector_load %arg6[%get3A_227, %get3A_228] {strides = array<i32>} : memref<3200x16xf32, #tpu.memory_space<vmem>>, vector<1x16xf32>,
      %get3A_230 = vector.shape_cast %get3A_229 : vector<1x16xf32> to vector<16xf32>
      %add3A_231 = arith.addf %add3A_224, %get3A_230 : vector<16xf32>
      %add3A_232 = arith.constant 10 : i32
      %add3A_233 = arith.addi %mul3A_165, %add3A_232 : i32
      %get3A_234 = arith.index_cast %add3A_233 : i32 to index
      %get3A_235 = arith.constant 0 : index
      %get3A_236 = tpu.vector_load %arg6[%get3A_234, %get3A_235] {strides = array<i32>} : memref<3200x16xf32, #tpu.memory_space<vmem>>, vector<1x16xf32>,
      %get3A_237 = vector.shape_cast %get3A_236 : vector<1x16xf32> to vector<16xf32>
      %add3A_238 = arith.addf %add3A_231, %get3A_237 : vector<16xf32>
      %add3A_239 = arith.constant 11 : i32
      %add3A_240 = arith.addi %mul3A_165, %add3A_239 : i32
      %get3A_241 = arith.index_cast %add3A_240 : i32 to index
      %get3A_242 = arith.constant 0 : index
      %get3A_243 = tpu.vector_load %arg6[%get3A_241, %get3A_242] {strides = array<i32>} : memref<3200x16xf32, #tpu.memory_space<vmem>>, vector<1x16xf32>,
      %get3A_244 = vector.shape_cast %get3A_243 : vector<1x16xf32> to vector<16xf32>
      %add3A_245 = arith.addf %add3A_238, %get3A_244 : vector<16xf32>
      %add3A_246 = arith.constant 12 : i32
      %add3A_247 = arith.addi %mul3A_165, %add3A_246 : i32
      %get3A_248 = arith.index_cast %add3A_247 : i32 to index
      %get3A_249 = arith.constant 0 : index
      %get3A_250 = tpu.vector_load %arg6[%get3A_248, %get3A_249] {strides = array<i32>} : memref<3200x16xf32, #tpu.memory_space<vmem>>, vector<1x16xf32>,
      %get3A_251 = vector.shape_cast %get3A_250 : vector<1x16xf32> to vector<16xf32>
      %add3A_252 = arith.addf %add3A_245, %get3A_251 : vector<16xf32>
      %add3A_253 = arith.constant 13 : i32
      %add3A_254 = arith.addi %mul3A_165, %add3A_253 : i32
      %get3A_255 = arith.index_cast %add3A_254 : i32 to index
      %get3A_256 = arith.constant 0 : index
      %get3A_257 = tpu.vector_load %arg6[%get3A_255, %get3A_256] {strides = array<i32>} : memref<3200x16xf32, #tpu.memory_space<vmem>>, vector<1x16xf32>,
      %get3A_258 = vector.shape_cast %get3A_257 : vector<1x16xf32> to vector<16xf32>
      %add3A_259 = arith.addf %add3A_252, %get3A_258 : vector<16xf32>
      %add3A_260 = arith.constant 14 : i32
      %add3A_261 = arith.addi %mul3A_165, %add3A_260 : i32
      %get3A_262 = arith.index_cast %add3A_261 : i32 to index
      %get3A_263 = arith.constant 0 : index
      %get3A_264 = tpu.vector_load %arg6[%get3A_262, %get3A_263] {strides = array<i32>} : memref<3200x16xf32, #tpu.memory_space<vmem>>, vector<1x16xf32>,
      %get3A_265 = vector.shape_cast %get3A_264 : vector<1x16xf32> to vector<16xf32>
      %add3A_266 = arith.addf %add3A_259, %get3A_265 : vector<16xf32>
      %add3A_267 = arith.constant 15 : i32
      %add3A_268 = arith.addi %mul3A_165, %add3A_267 : i32
      %get3A_269 = arith.index_cast %add3A_268 : i32 to index
      %get3A_270 = arith.constant 0 : index
      %get3A_271 = tpu.vector_load %arg6[%get3A_269, %get3A_270] {strides = array<i32>} : memref<3200x16xf32, #tpu.memory_space<vmem>>, vector<1x16xf32>,
      %get3A_272 = vector.shape_cast %get3A_271 : vector<1x16xf32> to vector<16xf32>
      %add3A_273 = arith.addf %add3A_266, %get3A_272 : vector<16xf32>
      %add3A_274 = arith.constant 16 : i32
      %add3A_275 = arith.addi %mul3A_165, %add3A_274 : i32
      %get3A_276 = arith.index_cast %add3A_275 : i32 to index
      %get3A_277 = arith.constant 0 : index
      %get3A_278 = tpu.vector_load %arg6[%get3A_276, %get3A_277] {strides = array<i32>} : memref<3200x16xf32, #tpu.memory_space<vmem>>, vector<1x16xf32>,
      %get3A_279 = vector.shape_cast %get3A_278 : vector<1x16xf32> to vector<16xf32>
      %add3A_280 = arith.addf %add3A_273, %get3A_279 : vector<16xf32>
      %add3A_281 = arith.constant 17 : i32
      %add3A_282 = arith.addi %mul3A_165, %add3A_281 : i32
      %get3A_283 = arith.index_cast %add3A_282 : i32 to index
      %get3A_284 = arith.constant 0 : index
      %get3A_285 = tpu.vector_load %arg6[%get3A_283, %get3A_284] {strides = array<i32>} : memref<3200x16xf32, #tpu.memory_space<vmem>>, vector<1x16xf32>,
      %get3A_286 = vector.shape_cast %get3A_285 : vector<1x16xf32> to vector<16xf32>
      %add3A_287 = arith.addf %add3A_280, %get3A_286 : vector<16xf32>
      %add3A_288 = arith.constant 18 : i32
      %add3A_289 = arith.addi %mul3A_165, %add3A_288 : i32
      %get3A_290 = arith.index_cast %add3A_289 : i32 to index
      %get3A_291 = arith.constant 0 : index
      %get3A_292 = tpu.vector_load %arg6[%get3A_290, %get3A_291] {strides = array<i32>} : memref<3200x16xf32, #tpu.memory_space<vmem>>, vector<1x16xf32>,
      %get3A_293 = vector.shape_cast %get3A_292 : vector<1x16xf32> to vector<16xf32>
      %add3A_294 = arith.addf %add3A_287, %get3A_293 : vector<16xf32>
      %add3A_295 = arith.constant 19 : i32
      %add3A_296 = arith.addi %mul3A_165, %add3A_295 : i32
      %get3A_297 = arith.index_cast %add3A_296 : i32 to index
      %get3A_298 = arith.constant 0 : index
      %get3A_299 = tpu.vector_load %arg6[%get3A_297, %get3A_298] {strides = array<i32>} : memref<3200x16xf32, #tpu.memory_space<vmem>>, vector<1x16xf32>,
      %get3A_300 = vector.shape_cast %get3A_299 : vector<1x16xf32> to vector<16xf32>
      %add3A_301 = arith.addf %add3A_294, %get3A_300 : vector<16xf32>
      %add3A_302 = arith.constant 20 : i32
      %add3A_303 = arith.addi %mul3A_165, %add3A_302 : i32
      %get3A_304 = arith.index_cast %add3A_303 : i32 to index
      %get3A_305 = arith.constant 0 : index
      %get3A_306 = tpu.vector_load %arg6[%get3A_304, %get3A_305] {strides = array<i32>} : memref<3200x16xf32, #tpu.memory_space<vmem>>, vector<1x16xf32>,
      %get3A_307 = vector.shape_cast %get3A_306 : vector<1x16xf32> to vector<16xf32>
      %add3A_308 = arith.addf %add3A_301, %get3A_307 : vector<16xf32>
      %add3A_309 = arith.constant 21 : i32
      %add3A_310 = arith.addi %mul3A_165, %add3A_309 : i32
      %get3A_311 = arith.index_cast %add3A_310 : i32 to index
      %get3A_312 = arith.constant 0 : index
      %get3A_313 = tpu.vector_load %arg6[%get3A_311, %get3A_312] {strides = array<i32>} : memref<3200x16xf32, #tpu.memory_space<vmem>>, vector<1x16xf32>,
      %get3A_314 = vector.shape_cast %get3A_313 : vector<1x16xf32> to vector<16xf32>
      %add3A_315 = arith.addf %add3A_308, %get3A_314 : vector<16xf32>
      %add3A_316 = arith.constant 22 : i32
      %add3A_317 = arith.addi %mul3A_165, %add3A_316 : i32
      %get3A_318 = arith.index_cast %add3A_317 : i32 to index
      %get3A_319 = arith.constant 0 : index
      %get3A_320 = tpu.vector_load %arg6[%get3A_318, %get3A_319] {strides = array<i32>} : memref<3200x16xf32, #tpu.memory_space<vmem>>, vector<1x16xf32>,
      %get3A_321 = vector.shape_cast %get3A_320 : vector<1x16xf32> to vector<16xf32>
      %add3A_322 = arith.addf %add3A_315, %get3A_321 : vector<16xf32>
      %add3A_323 = arith.constant 23 : i32
      %add3A_324 = arith.addi %mul3A_165, %add3A_323 : i32
      %get3A_325 = arith.index_cast %add3A_324 : i32 to index
      %get3A_326 = arith.constant 0 : index
      %get3A_327 = tpu.vector_load %arg6[%get3A_325, %get3A_326] {strides = array<i32>} : memref<3200x16xf32, #tpu.memory_space<vmem>>, vector<1x16xf32>,
      %get3A_328 = vector.shape_cast %get3A_327 : vector<1x16xf32> to vector<16xf32>
      %add3A_329 = arith.addf %add3A_322, %get3A_328 : vector<16xf32>
      %add3A_330 = arith.constant 24 : i32
      %add3A_331 = arith.addi %mul3A_165, %add3A_330 : i32
      %get3A_332 = arith.index_cast %add3A_331 : i32 to index
      %get3A_333 = arith.constant 0 : index
      %get3A_334 = tpu.vector_load %arg6[%get3A_332, %get3A_333] {strides = array<i32>} : memref<3200x16xf32, #tpu.memory_space<vmem>>, vector<1x16xf32>,
      %get3A_335 = vector.shape_cast %get3A_334 : vector<1x16xf32> to vector<16xf32>
      %add3A_336 = arith.addf %add3A_329, %get3A_335 : vector<16xf32>
      %add3A_337 = arith.constant 25 : i32
      %add3A_338 = arith.addi %mul3A_165, %add3A_337 : i32
      %get3A_339 = arith.index_cast %add3A_338 : i32 to index
      %get3A_340 = arith.constant 0 : index
      %get3A_341 = tpu.vector_load %arg6[%get3A_339, %get3A_340] {strides = array<i32>} : memref<3200x16xf32, #tpu.memory_space<vmem>>, vector<1x16xf32>,
      %get3A_342 = vector.shape_cast %get3A_341 : vector<1x16xf32> to vector<16xf32>
      %add3A_343 = arith.addf %add3A_336, %get3A_342 : vector<16xf32>
      %add3A_344 = arith.constant 26 : i32
      %add3A_345 = arith.addi %mul3A_165, %add3A_344 : i32
      %get3A_346 = arith.index_cast %add3A_345 : i32 to index
      %get3A_347 = arith.constant 0 : index
      %get3A_348 = tpu.vector_load %arg6[%get3A_346, %get3A_347] {strides = array<i32>} : memref<3200x16xf32, #tpu.memory_space<vmem>>, vector<1x16xf32>,
      %get3A_349 = vector.shape_cast %get3A_348 : vector<1x16xf32> to vector<16xf32>
      %add3A_350 = arith.addf %add3A_343, %get3A_349 : vector<16xf32>
      %add3A_351 = arith.constant 27 : i32
      %add3A_352 = arith.addi %mul3A_165, %add3A_351 : i32
      %get3A_353 = arith.index_cast %add3A_352 : i32 to index
      %get3A_354 = arith.constant 0 : index
      %get3A_355 = tpu.vector_load %arg6[%get3A_353, %get3A_354] {strides = array<i32>} : memref<3200x16xf32, #tpu.memory_space<vmem>>, vector<1x16xf32>,
      %get3A_356 = vector.shape_cast %get3A_355 : vector<1x16xf32> to vector<16xf32>
      %add3A_357 = arith.addf %add3A_350, %get3A_356 : vector<16xf32>
      %add3A_358 = arith.constant 28 : i32
      %add3A_359 = arith.addi %mul3A_165, %add3A_358 : i32
      %get3A_360 = arith.index_cast %add3A_359 : i32 to index
      %get3A_361 = arith.constant 0 : index
      %get3A_362 = tpu.vector_load %arg6[%get3A_360, %get3A_361] {strides = array<i32>} : memref<3200x16xf32, #tpu.memory_space<vmem>>, vector<1x16xf32>,
      %get3A_363 = vector.shape_cast %get3A_362 : vector<1x16xf32> to vector<16xf32>
      %add3A_364 = arith.addf %add3A_357, %get3A_363 : vector<16xf32>
      %add3A_365 = arith.constant 29 : i32
      %add3A_366 = arith.addi %mul3A_165, %add3A_365 : i32
      %get3A_367 = arith.index_cast %add3A_366 : i32 to index
      %get3A_368 = arith.constant 0 : index
      %get3A_369 = tpu.vector_load %arg6[%get3A_367, %get3A_368] {strides = array<i32>} : memref<3200x16xf32, #tpu.memory_space<vmem>>, vector<1x16xf32>,
      %get3A_370 = vector.shape_cast %get3A_369 : vector<1x16xf32> to vector<16xf32>
      %add3A_371 = arith.addf %add3A_364, %get3A_370 : vector<16xf32>
      %add3A_372 = arith.constant 30 : i32
      %add3A_373 = arith.addi %mul3A_165, %add3A_372 : i32
      %get3A_374 = arith.index_cast %add3A_373 : i32 to index
      %get3A_375 = arith.constant 0 : index
      %get3A_376 = tpu.vector_load %arg6[%get3A_374, %get3A_375] {strides = array<i32>} : memref<3200x16xf32, #tpu.memory_space<vmem>>, vector<1x16xf32>,
      %get3A_377 = vector.shape_cast %get3A_376 : vector<1x16xf32> to vector<16xf32>
      %add3A_378 = arith.addf %add3A_371, %get3A_377 : vector<16xf32>
      %add3A_379 = arith.constant 31 : i32
      %add3A_380 = arith.addi %mul3A_165, %add3A_379 : i32
      %get3A_381 = arith.index_cast %add3A_380 : i32 to index
      %get3A_382 = arith.constant 0 : index
      %get3A_383 = tpu.vector_load %arg6[%get3A_381, %get3A_382] {strides = array<i32>} : memref<3200x16xf32, #tpu.memory_space<vmem>>, vector<1x16xf32>,
      %get3A_384 = vector.shape_cast %get3A_383 : vector<1x16xf32> to vector<16xf32>
      %add3A_385 = arith.addf %add3A_378, %get3A_384 : vector<16xf32>
      %add3A_386 = arith.constant 32 : i32
      %add3A_387 = arith.addi %mul3A_165, %add3A_386 : i32
      %get3A_388 = arith.index_cast %add3A_387 : i32 to index
      %get3A_389 = arith.constant 0 : index
      %get3A_390 = tpu.vector_load %arg6[%get3A_388, %get3A_389] {strides = array<i32>} : memref<3200x16xf32, #tpu.memory_space<vmem>>, vector<1x16xf32>,
      %get3A_391 = vector.shape_cast %get3A_390 : vector<1x16xf32> to vector<16xf32>
      %add3A_392 = arith.addf %add3A_385, %get3A_391 : vector<16xf32>
      %add3A_393 = arith.constant 33 : i32
      %add3A_394 = arith.addi %mul3A_165, %add3A_393 : i32
      %get3A_395 = arith.index_cast %add3A_394 : i32 to index
      %get3A_396 = arith.constant 0 : index
      %get3A_397 = tpu.vector_load %arg6[%get3A_395, %get3A_396] {strides = array<i32>} : memref<3200x16xf32, #tpu.memory_space<vmem>>, vector<1x16xf32>,
      %get3A_398 = vector.shape_cast %get3A_397 : vector<1x16xf32> to vector<16xf32>
      %add3A_399 = arith.addf %add3A_392, %get3A_398 : vector<16xf32>
      %add3A_400 = arith.constant 34 : i32
      %add3A_401 = arith.addi %mul3A_165, %add3A_400 : i32
      %get3A_402 = arith.index_cast %add3A_401 : i32 to index
      %get3A_403 = arith.constant 0 : index
      %get3A_404 = tpu.vector_load %arg6[%get3A_402, %get3A_403] {strides = array<i32>} : memref<3200x16xf32, #tpu.memory_space<vmem>>, vector<1x16xf32>,
      %get3A_405 = vector.shape_cast %get3A_404 : vector<1x16xf32> to vector<16xf32>
      %add3A_406 = arith.addf %add3A_399, %get3A_405 : vector<16xf32>
      %add3A_407 = arith.constant 35 : i32
      %add3A_408 = arith.addi %mul3A_165, %add3A_407 : i32
      %get3A_409 = arith.index_cast %add3A_408 : i32 to index
      %get3A_410 = arith.constant 0 : index
      %get3A_411 = tpu.vector_load %arg6[%get3A_409, %get3A_410] {strides = array<i32>} : memref<3200x16xf32, #tpu.memory_space<vmem>>, vector<1x16xf32>,
      %get3A_412 = vector.shape_cast %get3A_411 : vector<1x16xf32> to vector<16xf32>
      %add3A_413 = arith.addf %add3A_406, %get3A_412 : vector<16xf32>
      %add3A_414 = arith.constant 36 : i32
      %add3A_415 = arith.addi %mul3A_165, %add3A_414 : i32
      %get3A_416 = arith.index_cast %add3A_415 : i32 to index
      %get3A_417 = arith.constant 0 : index
      %get3A_418 = tpu.vector_load %arg6[%get3A_416, %get3A_417] {strides = array<i32>} : memref<3200x16xf32, #tpu.memory_space<vmem>>, vector<1x16xf32>,
      %get3A_419 = vector.shape_cast %get3A_418 : vector<1x16xf32> to vector<16xf32>
      %add3A_420 = arith.addf %add3A_413, %get3A_419 : vector<16xf32>
      %add3A_421 = arith.constant 37 : i32
      %add3A_422 = arith.addi %mul3A_165, %add3A_421 : i32
      %get3A_423 = arith.index_cast %add3A_422 : i32 to index
      %get3A_424 = arith.constant 0 : index
      %get3A_425 = tpu.vector_load %arg6[%get3A_423, %get3A_424] {strides = array<i32>} : memref<3200x16xf32, #tpu.memory_space<vmem>>, vector<1x16xf32>,
      %get3A_426 = vector.shape_cast %get3A_425 : vector<1x16xf32> to vector<16xf32>
      %add3A_427 = arith.addf %add3A_420, %get3A_426 : vector<16xf32>
      %add3A_428 = arith.constant 38 : i32
      %add3A_429 = arith.addi %mul3A_165, %add3A_428 : i32
      %get3A_430 = arith.index_cast %add3A_429 : i32 to index
      %get3A_431 = arith.constant 0 : index
      %get3A_432 = tpu.vector_load %arg6[%get3A_430, %get3A_431] {strides = array<i32>} : memref<3200x16xf32, #tpu.memory_space<vmem>>, vector<1x16xf32>,
      %get3A_433 = vector.shape_cast %get3A_432 : vector<1x16xf32> to vector<16xf32>
      %add3A_434 = arith.addf %add3A_427, %get3A_433 : vector<16xf32>
      %add3A_435 = arith.constant 39 : i32
      %add3A_436 = arith.addi %mul3A_165, %add3A_435 : i32
      %get3A_437 = arith.index_cast %add3A_436 : i32 to index
      %get3A_438 = arith.constant 0 : index
      %get3A_439 = tpu.vector_load %arg6[%get3A_437, %get3A_438] {strides = array<i32>} : memref<3200x16xf32, #tpu.memory_space<vmem>>, vector<1x16xf32>,
      %get3A_440 = vector.shape_cast %get3A_439 : vector<1x16xf32> to vector<16xf32>
      %add3A_441 = arith.addf %add3A_434, %get3A_440 : vector<16xf32>
      %add3A_442 = arith.constant 40 : i32
      %add3A_443 = arith.addi %mul3A_165, %add3A_442 : i32
      %get3A_444 = arith.index_cast %add3A_443 : i32 to index
      %get3A_445 = arith.constant 0 : index
      %get3A_446 = tpu.vector_load %arg6[%get3A_444, %get3A_445] {strides = array<i32>} : memref<3200x16xf32, #tpu.memory_space<vmem>>, vector<1x16xf32>,
      %get3A_447 = vector.shape_cast %get3A_446 : vector<1x16xf32> to vector<16xf32>
      %add3A_448 = arith.addf %add3A_441, %get3A_447 : vector<16xf32>
      %add3A_449 = arith.constant 41 : i32
      %add3A_450 = arith.addi %mul3A_165, %add3A_449 : i32
      %get3A_451 = arith.index_cast %add3A_450 : i32 to index
      %get3A_452 = arith.constant 0 : index
      %get3A_453 = tpu.vector_load %arg6[%get3A_451, %get3A_452] {strides = array<i32>} : memref<3200x16xf32, #tpu.memory_space<vmem>>, vector<1x16xf32>,
      %get3A_454 = vector.shape_cast %get3A_453 : vector<1x16xf32> to vector<16xf32>
      %add3A_455 = arith.addf %add3A_448, %get3A_454 : vector<16xf32>
      %add3A_456 = arith.constant 42 : i32
      %add3A_457 = arith.addi %mul3A_165, %add3A_456 : i32
      %get3A_458 = arith.index_cast %add3A_457 : i32 to index
      %get3A_459 = arith.constant 0 : index
      %get3A_460 = tpu.vector_load %arg6[%get3A_458, %get3A_459] {strides = array<i32>} : memref<3200x16xf32, #tpu.memory_space<vmem>>, vector<1x16xf32>,
      %get3A_461 = vector.shape_cast %get3A_460 : vector<1x16xf32> to vector<16xf32>
      %add3A_462 = arith.addf %add3A_455, %get3A_461 : vector<16xf32>
      %add3A_463 = arith.constant 43 : i32
      %add3A_464 = arith.addi %mul3A_165, %add3A_463 : i32
      %get3A_465 = arith.index_cast %add3A_464 : i32 to index
      %get3A_466 = arith.constant 0 : index
      %get3A_467 = tpu.vector_load %arg6[%get3A_465, %get3A_466] {strides = array<i32>} : memref<3200x16xf32, #tpu.memory_space<vmem>>, vector<1x16xf32>,
      %get3A_468 = vector.shape_cast %get3A_467 : vector<1x16xf32> to vector<16xf32>
      %add3A_469 = arith.addf %add3A_462, %get3A_468 : vector<16xf32>
      %add3A_470 = arith.constant 44 : i32
      %add3A_471 = arith.addi %mul3A_165, %add3A_470 : i32
      %get3A_472 = arith.index_cast %add3A_471 : i32 to index
      %get3A_473 = arith.constant 0 : index
      %get3A_474 = tpu.vector_load %arg6[%get3A_472, %get3A_473] {strides = array<i32>} : memref<3200x16xf32, #tpu.memory_space<vmem>>, vector<1x16xf32>,
      %get3A_475 = vector.shape_cast %get3A_474 : vector<1x16xf32> to vector<16xf32>
      %add3A_476 = arith.addf %add3A_469, %get3A_475 : vector<16xf32>
      %add3A_477 = arith.constant 45 : i32
      %add3A_478 = arith.addi %mul3A_165, %add3A_477 : i32
      %get3A_479 = arith.index_cast %add3A_478 : i32 to index
      %get3A_480 = arith.constant 0 : index
      %get3A_481 = tpu.vector_load %arg6[%get3A_479, %get3A_480] {strides = array<i32>} : memref<3200x16xf32, #tpu.memory_space<vmem>>, vector<1x16xf32>,
      %get3A_482 = vector.shape_cast %get3A_481 : vector<1x16xf32> to vector<16xf32>
      %add3A_483 = arith.addf %add3A_476, %get3A_482 : vector<16xf32>
      %add3A_484 = arith.constant 46 : i32
      %add3A_485 = arith.addi %mul3A_165, %add3A_484 : i32
      %get3A_486 = arith.index_cast %add3A_485 : i32 to index
      %get3A_487 = arith.constant 0 : index
      %get3A_488 = tpu.vector_load %arg6[%get3A_486, %get3A_487] {strides = array<i32>} : memref<3200x16xf32, #tpu.memory_space<vmem>>, vector<1x16xf32>,
      %get3A_489 = vector.shape_cast %get3A_488 : vector<1x16xf32> to vector<16xf32>
      %add3A_490 = arith.addf %add3A_483, %get3A_489 : vector<16xf32>
      %add3A_491 = arith.constant 47 : i32
      %add3A_492 = arith.addi %mul3A_165, %add3A_491 : i32
      %get3A_493 = arith.index_cast %add3A_492 : i32 to index
      %get3A_494 = arith.constant 0 : index
      %get3A_495 = tpu.vector_load %arg6[%get3A_493, %get3A_494] {strides = array<i32>} : memref<3200x16xf32, #tpu.memory_space<vmem>>, vector<1x16xf32>,
      %get3A_496 = vector.shape_cast %get3A_495 : vector<1x16xf32> to vector<16xf32>
      %add3A_497 = arith.addf %add3A_490, %get3A_496 : vector<16xf32>
      %add3A_498 = arith.constant 48 : i32
      %add3A_499 = arith.addi %mul3A_165, %add3A_498 : i32
      %get3A_500 = arith.index_cast %add3A_499 : i32 to index
      %get3A_501 = arith.constant 0 : index
      %get3A_502 = tpu.vector_load %arg6[%get3A_500, %get3A_501] {strides = array<i32>} : memref<3200x16xf32, #tpu.memory_space<vmem>>, vector<1x16xf32>,
      %get3A_503 = vector.shape_cast %get3A_502 : vector<1x16xf32> to vector<16xf32>
      %add3A_504 = arith.addf %add3A_497, %get3A_503 : vector<16xf32>
      %add3A_505 = arith.constant 49 : i32
      %add3A_506 = arith.addi %mul3A_165, %add3A_505 : i32
      %get3A_507 = arith.index_cast %add3A_506 : i32 to index
      %get3A_508 = arith.constant 0 : index
      %get3A_509 = tpu.vector_load %arg6[%get3A_507, %get3A_508] {strides = array<i32>} : memref<3200x16xf32, #tpu.memory_space<vmem>>, vector<1x16xf32>,
      %get3A_510 = vector.shape_cast %get3A_509 : vector<1x16xf32> to vector<16xf32>
      %add3A_511 = arith.addf %add3A_504, %get3A_510 : vector<16xf32>
      %swap3A = arith.index_cast %scan3A_163 : i32 to index
      %swap3A_512 = arith.constant 0 : index
      %swap3A_513 = tpu.vector_load %arg8[%swap3A, %swap3A_512] {strides = array<i32>} : memref<64x16xf32, #tpu.memory_space<vmem>>, vector<1x16xf32>,
      %swap3A_514 = vector.shape_cast %swap3A_513 : vector<1x16xf32> to vector<16xf32>
      %swap3A_515 = vector.shape_cast %add3A_511 : vector<16xf32> to vector<1x16xf32>
      tpu.vector_store %arg8[%swap3A, %swap3A_512], %swap3A_515 {strides = array<i32>} : memref<64x16xf32, #tpu.memory_space<vmem>>, vector<1x16xf32>,
    }
    %scan3A_26 = arith.constant 64 : i32
    %add3A_27 = arith.constant 0 : i32
    %add3A_28 = arith.addi %mul3A_4, %add3A_27 : i32
    "tpu.region"() ({
      %run_scoped3A = tpu.sem_alloc : memref<!tpu.dma_semaphore, #tpu.memory_space<semaphore_mem>>
      %dma_start3A = arith.constant 0 : i32
      %dma_start3A_163 = tpu.memref_slice %arg4[%add3A_28, %dma_start3A] : memref<16384x16xf32, #tpu.memory_space<hbm>> -> memref<64x16xf32, #tpu.memory_space<hbm>>
      %dma_start3A_164 = arith.constant 0 : i32
      %dma_start3A_165 = tpu.memref_slice %arg4[%add3A_28, %dma_start3A_164] : memref<16384x16xf32, #tpu.memory_space<hbm>> -> memref<64x16xf32, #tpu.memory_space<hbm>>
      tpu.enqueue_dma source(%arg8 : memref<64x16xf32, #tpu.memory_space<vmem>>) target(%dma_start3A_165 : memref<64x16xf32, #tpu.memory_space<hbm>>) target_semaphore(%run_scoped3A : memref<!tpu.dma_semaphore, #tpu.memory_space<semaphore_mem>>)
      %dma_wait3A_166 = arith.constant 0 : i32
      %dma_wait3A_167 = tpu.memref_slice %arg4[%add3A_28, %dma_wait3A_166] : memref<16384x16xf32, #tpu.memory_space<hbm>> -> memref<64x16xf32, #tpu.memory_space<hbm>>
      %dma_wait3A_168 = arith.constant 0 : i32
      %dma_wait3A_169 = tpu.memref_slice %arg4[%add3A_28, %dma_wait3A_168] : memref<16384x16xf32, #tpu.memory_space<hbm>> -> memref<64x16xf32, #tpu.memory_space<hbm>>
      tpu.wait_dma2 semaphore(%run_scoped3A : memref<!tpu.dma_semaphore, #tpu.memory_space<semaphore_mem>>) src(%arg8 : memref<64x16xf32, #tpu.memory_space<vmem>>) dst(%dma_wait3A_169 : memref<64x16xf32, #tpu.memory_space<hbm>>)
      tpu.yield
    }) : () -> ()
    %scan3A_29 = arith.constant 0 : i32
    %scan3A_30 = arith.constant 0 : i32
    %scan3A_31 = arith.constant 25 : i32
    %scan3A_32 = arith.addi %scan3A_30, %scan3A_31 : i32
    %scan3A_33 = arith.constant 1 : i32
    scf.for %scan3A_163 = %scan3A_30 to %scan3A_32 step %scan3A_33  : i32 {
      %add3A_164 = arith.constant 50 : i32
      %add3A_165 = arith.addi %add3A_164, %scan3A_163 : i32
      %mul3A_166 = arith.constant 128 : i32
      %mul3A_167 = arith.muli %add3A_165, %mul3A_166 : i32
      %mul3A_168 = arith.constant 128 : i32
      %mul3A_169 = arith.muli %scan3A_163, %mul3A_168 : i32
      %dma_start3A = arith.constant 0 : i32
      %dma_start3A_170 = tpu.memref_slice %arg6[%mul3A_169, %dma_start3A] : memref<3200x16xf32, #tpu.memory_space<vmem>> -> memref<128x16xf32, #tpu.memory_space<vmem>>
      %dma_start3A_171 = tpu.memref_slice %arg5[%mul3A_167] : memref<25600xi32, #tpu.memory_space<vmem>> -> memref<128xi32, #tpu.memory_space<vmem>>
      %dma_start3A_172 = arith.constant 0 : i32
      %dma_start3A_173 = arith.constant 0 : i32
      %dma_start3A_174 = tpu.memref_slice %arg3[%dma_start3A_172, %dma_start3A_173] : memref<1000000x16xf32, #tpu.memory_space<hbm>> -> memref<1000000x16xf32, #tpu.memory_space<hbm>>
      tpu.enqueue_indirect_dma source(%dma_start3A_174 : memref<1000000x16xf32, #tpu.memory_space<hbm>>) target(%dma_start3A_170 : memref<128x16xf32, #tpu.memory_space<vmem>>) offsets(%dma_start3A_171 : memref<128xi32, #tpu.memory_space<vmem>>) semaphore(%arg9 : memref<!tpu.dma_semaphore, #tpu.memory_space<semaphore_mem>>)
    }
    %scan3A_34 = arith.constant 25 : i32
    %dma_wait3A_35 = arith.constant 0 : i32
    %dma_wait3A_36 = arith.constant 0 : i32
    %dma_wait3A_37 = tpu.memref_slice %arg3[%dma_wait3A_35, %dma_wait3A_36] : memref<1000000x16xf32, #tpu.memory_space<hbm>> -> memref<3200x16xf32, #tpu.memory_space<hbm>>
    %dma_wait3A_38 = arith.constant 0 : i32
    %dma_wait3A_39 = arith.constant 0 : i32
    %dma_wait3A_40 = tpu.memref_slice %arg3[%dma_wait3A_38, %dma_wait3A_39] : memref<1000000x16xf32, #tpu.memory_space<hbm>> -> memref<3200x16xf32, #tpu.memory_space<hbm>>
    tpu.wait_dma2 semaphore(%arg10 : memref<!tpu.dma_semaphore, #tpu.memory_space<semaphore_mem>>) src(%dma_wait3A_40 : memref<3200x16xf32, #tpu.memory_space<hbm>>) dst(%arg7 : memref<3200x16xf32, #tpu.memory_space<vmem>>)
    %scan3A_41 = arith.constant 0 : i32
    %scan3A_42 = arith.constant 0 : i32
    %scan3A_43 = arith.constant 64 : i32
    %scan3A_44 = arith.addi %scan3A_42, %scan3A_43 : i32
    %scan3A_45 = arith.constant 1 : i32
    scf.for %scan3A_163 = %scan3A_42 to %scan3A_44 step %scan3A_45  : i32 {
      %mul3A_164 = arith.constant 50 : i32
      %mul3A_165 = arith.muli %scan3A_163, %mul3A_164 : i32
      %get3A = arith.index_cast %mul3A_165 : i32 to index
      %get3A_166 = arith.constant 0 : index
      %get3A_167 = tpu.vector_load %arg7[%get3A, %get3A_166] {strides = array<i32>} : memref<3200x16xf32, #tpu.memory_space<vmem>>, vector<1x16xf32>,
      %get3A_168 = vector.shape_cast %get3A_167 : vector<1x16xf32> to vector<16xf32>
      %add3A_169 = arith.constant 1 : i32
      %add3A_170 = arith.addi %mul3A_165, %add3A_169 : i32
      %get3A_171 = arith.index_cast %add3A_170 : i32 to index
      %get3A_172 = arith.constant 0 : index
      %get3A_173 = tpu.vector_load %arg7[%get3A_171, %get3A_172] {strides = array<i32>} : memref<3200x16xf32, #tpu.memory_space<vmem>>, vector<1x16xf32>,
      %get3A_174 = vector.shape_cast %get3A_173 : vector<1x16xf32> to vector<16xf32>
      %add3A_175 = arith.addf %get3A_168, %get3A_174 : vector<16xf32>
      %add3A_176 = arith.constant 2 : i32
      %add3A_177 = arith.addi %mul3A_165, %add3A_176 : i32
      %get3A_178 = arith.index_cast %add3A_177 : i32 to index
      %get3A_179 = arith.constant 0 : index
      %get3A_180 = tpu.vector_load %arg7[%get3A_178, %get3A_179] {strides = array<i32>} : memref<3200x16xf32, #tpu.memory_space<vmem>>, vector<1x16xf32>,
      %get3A_181 = vector.shape_cast %get3A_180 : vector<1x16xf32> to vector<16xf32>
      %add3A_182 = arith.addf %add3A_175, %get3A_181 : vector<16xf32>
      %add3A_183 = arith.constant 3 : i32
      %add3A_184 = arith.addi %mul3A_165, %add3A_183 : i32
      %get3A_185 = arith.index_cast %add3A_184 : i32 to index
      %get3A_186 = arith.constant 0 : index
      %get3A_187 = tpu.vector_load %arg7[%get3A_185, %get3A_186] {strides = array<i32>} : memref<3200x16xf32, #tpu.memory_space<vmem>>, vector<1x16xf32>,
      %get3A_188 = vector.shape_cast %get3A_187 : vector<1x16xf32> to vector<16xf32>
      %add3A_189 = arith.addf %add3A_182, %get3A_188 : vector<16xf32>
      %add3A_190 = arith.constant 4 : i32
      %add3A_191 = arith.addi %mul3A_165, %add3A_190 : i32
      %get3A_192 = arith.index_cast %add3A_191 : i32 to index
      %get3A_193 = arith.constant 0 : index
      %get3A_194 = tpu.vector_load %arg7[%get3A_192, %get3A_193] {strides = array<i32>} : memref<3200x16xf32, #tpu.memory_space<vmem>>, vector<1x16xf32>,
      %get3A_195 = vector.shape_cast %get3A_194 : vector<1x16xf32> to vector<16xf32>
      %add3A_196 = arith.addf %add3A_189, %get3A_195 : vector<16xf32>
      %add3A_197 = arith.constant 5 : i32
      %add3A_198 = arith.addi %mul3A_165, %add3A_197 : i32
      %get3A_199 = arith.index_cast %add3A_198 : i32 to index
      %get3A_200 = arith.constant 0 : index
      %get3A_201 = tpu.vector_load %arg7[%get3A_199, %get3A_200] {strides = array<i32>} : memref<3200x16xf32, #tpu.memory_space<vmem>>, vector<1x16xf32>,
      %get3A_202 = vector.shape_cast %get3A_201 : vector<1x16xf32> to vector<16xf32>
      %add3A_203 = arith.addf %add3A_196, %get3A_202 : vector<16xf32>
      %add3A_204 = arith.constant 6 : i32
      %add3A_205 = arith.addi %mul3A_165, %add3A_204 : i32
      %get3A_206 = arith.index_cast %add3A_205 : i32 to index
      %get3A_207 = arith.constant 0 : index
      %get3A_208 = tpu.vector_load %arg7[%get3A_206, %get3A_207] {strides = array<i32>} : memref<3200x16xf32, #tpu.memory_space<vmem>>, vector<1x16xf32>,
      %get3A_209 = vector.shape_cast %get3A_208 : vector<1x16xf32> to vector<16xf32>
      %add3A_210 = arith.addf %add3A_203, %get3A_209 : vector<16xf32>
      %add3A_211 = arith.constant 7 : i32
      %add3A_212 = arith.addi %mul3A_165, %add3A_211 : i32
      %get3A_213 = arith.index_cast %add3A_212 : i32 to index
      %get3A_214 = arith.constant 0 : index
      %get3A_215 = tpu.vector_load %arg7[%get3A_213, %get3A_214] {strides = array<i32>} : memref<3200x16xf32, #tpu.memory_space<vmem>>, vector<1x16xf32>,
      %get3A_216 = vector.shape_cast %get3A_215 : vector<1x16xf32> to vector<16xf32>
      %add3A_217 = arith.addf %add3A_210, %get3A_216 : vector<16xf32>
      %add3A_218 = arith.constant 8 : i32
      %add3A_219 = arith.addi %mul3A_165, %add3A_218 : i32
      %get3A_220 = arith.index_cast %add3A_219 : i32 to index
      %get3A_221 = arith.constant 0 : index
      %get3A_222 = tpu.vector_load %arg7[%get3A_220, %get3A_221] {strides = array<i32>} : memref<3200x16xf32, #tpu.memory_space<vmem>>, vector<1x16xf32>,
      %get3A_223 = vector.shape_cast %get3A_222 : vector<1x16xf32> to vector<16xf32>
      %add3A_224 = arith.addf %add3A_217, %get3A_223 : vector<16xf32>
      %add3A_225 = arith.constant 9 : i32
      %add3A_226 = arith.addi %mul3A_165, %add3A_225 : i32
      %get3A_227 = arith.index_cast %add3A_226 : i32 to index
      %get3A_228 = arith.constant 0 : index
      %get3A_229 = tpu.vector_load %arg7[%get3A_227, %get3A_228] {strides = array<i32>} : memref<3200x16xf32, #tpu.memory_space<vmem>>, vector<1x16xf32>,
      %get3A_230 = vector.shape_cast %get3A_229 : vector<1x16xf32> to vector<16xf32>
      %add3A_231 = arith.addf %add3A_224, %get3A_230 : vector<16xf32>
      %add3A_232 = arith.constant 10 : i32
      %add3A_233 = arith.addi %mul3A_165, %add3A_232 : i32
      %get3A_234 = arith.index_cast %add3A_233 : i32 to index
      %get3A_235 = arith.constant 0 : index
      %get3A_236 = tpu.vector_load %arg7[%get3A_234, %get3A_235] {strides = array<i32>} : memref<3200x16xf32, #tpu.memory_space<vmem>>, vector<1x16xf32>,
      %get3A_237 = vector.shape_cast %get3A_236 : vector<1x16xf32> to vector<16xf32>
      %add3A_238 = arith.addf %add3A_231, %get3A_237 : vector<16xf32>
      %add3A_239 = arith.constant 11 : i32
      %add3A_240 = arith.addi %mul3A_165, %add3A_239 : i32
      %get3A_241 = arith.index_cast %add3A_240 : i32 to index
      %get3A_242 = arith.constant 0 : index
      %get3A_243 = tpu.vector_load %arg7[%get3A_241, %get3A_242] {strides = array<i32>} : memref<3200x16xf32, #tpu.memory_space<vmem>>, vector<1x16xf32>,
      %get3A_244 = vector.shape_cast %get3A_243 : vector<1x16xf32> to vector<16xf32>
      %add3A_245 = arith.addf %add3A_238, %get3A_244 : vector<16xf32>
      %add3A_246 = arith.constant 12 : i32
      %add3A_247 = arith.addi %mul3A_165, %add3A_246 : i32
      %get3A_248 = arith.index_cast %add3A_247 : i32 to index
      %get3A_249 = arith.constant 0 : index
      %get3A_250 = tpu.vector_load %arg7[%get3A_248, %get3A_249] {strides = array<i32>} : memref<3200x16xf32, #tpu.memory_space<vmem>>, vector<1x16xf32>,
      %get3A_251 = vector.shape_cast %get3A_250 : vector<1x16xf32> to vector<16xf32>
      %add3A_252 = arith.addf %add3A_245, %get3A_251 : vector<16xf32>
      %add3A_253 = arith.constant 13 : i32
      %add3A_254 = arith.addi %mul3A_165, %add3A_253 : i32
      %get3A_255 = arith.index_cast %add3A_254 : i32 to index
      %get3A_256 = arith.constant 0 : index
      %get3A_257 = tpu.vector_load %arg7[%get3A_255, %get3A_256] {strides = array<i32>} : memref<3200x16xf32, #tpu.memory_space<vmem>>, vector<1x16xf32>,
      %get3A_258 = vector.shape_cast %get3A_257 : vector<1x16xf32> to vector<16xf32>
      %add3A_259 = arith.addf %add3A_252, %get3A_258 : vector<16xf32>
      %add3A_260 = arith.constant 14 : i32
      %add3A_261 = arith.addi %mul3A_165, %add3A_260 : i32
      %get3A_262 = arith.index_cast %add3A_261 : i32 to index
      %get3A_263 = arith.constant 0 : index
      %get3A_264 = tpu.vector_load %arg7[%get3A_262, %get3A_263] {strides = array<i32>} : memref<3200x16xf32, #tpu.memory_space<vmem>>, vector<1x16xf32>,
      %get3A_265 = vector.shape_cast %get3A_264 : vector<1x16xf32> to vector<16xf32>
      %add3A_266 = arith.addf %add3A_259, %get3A_265 : vector<16xf32>
      %add3A_267 = arith.constant 15 : i32
      %add3A_268 = arith.addi %mul3A_165, %add3A_267 : i32
      %get3A_269 = arith.index_cast %add3A_268 : i32 to index
      %get3A_270 = arith.constant 0 : index
      %get3A_271 = tpu.vector_load %arg7[%get3A_269, %get3A_270] {strides = array<i32>} : memref<3200x16xf32, #tpu.memory_space<vmem>>, vector<1x16xf32>,
      %get3A_272 = vector.shape_cast %get3A_271 : vector<1x16xf32> to vector<16xf32>
      %add3A_273 = arith.addf %add3A_266, %get3A_272 : vector<16xf32>
      %add3A_274 = arith.constant 16 : i32
      %add3A_275 = arith.addi %mul3A_165, %add3A_274 : i32
      %get3A_276 = arith.index_cast %add3A_275 : i32 to index
      %get3A_277 = arith.constant 0 : index
      %get3A_278 = tpu.vector_load %arg7[%get3A_276, %get3A_277] {strides = array<i32>} : memref<3200x16xf32, #tpu.memory_space<vmem>>, vector<1x16xf32>,
      %get3A_279 = vector.shape_cast %get3A_278 : vector<1x16xf32> to vector<16xf32>
      %add3A_280 = arith.addf %add3A_273, %get3A_279 : vector<16xf32>
      %add3A_281 = arith.constant 17 : i32
      %add3A_282 = arith.addi %mul3A_165, %add3A_281 : i32
      %get3A_283 = arith.index_cast %add3A_282 : i32 to index
      %get3A_284 = arith.constant 0 : index
      %get3A_285 = tpu.vector_load %arg7[%get3A_283, %get3A_284] {strides = array<i32>} : memref<3200x16xf32, #tpu.memory_space<vmem>>, vector<1x16xf32>,
      %get3A_286 = vector.shape_cast %get3A_285 : vector<1x16xf32> to vector<16xf32>
      %add3A_287 = arith.addf %add3A_280, %get3A_286 : vector<16xf32>
      %add3A_288 = arith.constant 18 : i32
      %add3A_289 = arith.addi %mul3A_165, %add3A_288 : i32
      %get3A_290 = arith.index_cast %add3A_289 : i32 to index
      %get3A_291 = arith.constant 0 : index
      %get3A_292 = tpu.vector_load %arg7[%get3A_290, %get3A_291] {strides = array<i32>} : memref<3200x16xf32, #tpu.memory_space<vmem>>, vector<1x16xf32>,
      %get3A_293 = vector.shape_cast %get3A_292 : vector<1x16xf32> to vector<16xf32>
      %add3A_294 = arith.addf %add3A_287, %get3A_293 : vector<16xf32>
      %add3A_295 = arith.constant 19 : i32
      %add3A_296 = arith.addi %mul3A_165, %add3A_295 : i32
      %get3A_297 = arith.index_cast %add3A_296 : i32 to index
      %get3A_298 = arith.constant 0 : index
      %get3A_299 = tpu.vector_load %arg7[%get3A_297, %get3A_298] {strides = array<i32>} : memref<3200x16xf32, #tpu.memory_space<vmem>>, vector<1x16xf32>,
      %get3A_300 = vector.shape_cast %get3A_299 : vector<1x16xf32> to vector<16xf32>
      %add3A_301 = arith.addf %add3A_294, %get3A_300 : vector<16xf32>
      %add3A_302 = arith.constant 20 : i32
      %add3A_303 = arith.addi %mul3A_165, %add3A_302 : i32
      %get3A_304 = arith.index_cast %add3A_303 : i32 to index
      %get3A_305 = arith.constant 0 : index
      %get3A_306 = tpu.vector_load %arg7[%get3A_304, %get3A_305] {strides = array<i32>} : memref<3200x16xf32, #tpu.memory_space<vmem>>, vector<1x16xf32>,
      %get3A_307 = vector.shape_cast %get3A_306 : vector<1x16xf32> to vector<16xf32>
      %add3A_308 = arith.addf %add3A_301, %get3A_307 : vector<16xf32>
      %add3A_309 = arith.constant 21 : i32
      %add3A_310 = arith.addi %mul3A_165, %add3A_309 : i32
      %get3A_311 = arith.index_cast %add3A_310 : i32 to index
      %get3A_312 = arith.constant 0 : index
      %get3A_313 = tpu.vector_load %arg7[%get3A_311, %get3A_312] {strides = array<i32>} : memref<3200x16xf32, #tpu.memory_space<vmem>>, vector<1x16xf32>,
      %get3A_314 = vector.shape_cast %get3A_313 : vector<1x16xf32> to vector<16xf32>
      %add3A_315 = arith.addf %add3A_308, %get3A_314 : vector<16xf32>
      %add3A_316 = arith.constant 22 : i32
      %add3A_317 = arith.addi %mul3A_165, %add3A_316 : i32
      %get3A_318 = arith.index_cast %add3A_317 : i32 to index
      %get3A_319 = arith.constant 0 : index
      %get3A_320 = tpu.vector_load %arg7[%get3A_318, %get3A_319] {strides = array<i32>} : memref<3200x16xf32, #tpu.memory_space<vmem>>, vector<1x16xf32>,
      %get3A_321 = vector.shape_cast %get3A_320 : vector<1x16xf32> to vector<16xf32>
      %add3A_322 = arith.addf %add3A_315, %get3A_321 : vector<16xf32>
      %add3A_323 = arith.constant 23 : i32
      %add3A_324 = arith.addi %mul3A_165, %add3A_323 : i32
      %get3A_325 = arith.index_cast %add3A_324 : i32 to index
      %get3A_326 = arith.constant 0 : index
      %get3A_327 = tpu.vector_load %arg7[%get3A_325, %get3A_326] {strides = array<i32>} : memref<3200x16xf32, #tpu.memory_space<vmem>>, vector<1x16xf32>,
      %get3A_328 = vector.shape_cast %get3A_327 : vector<1x16xf32> to vector<16xf32>
      %add3A_329 = arith.addf %add3A_322, %get3A_328 : vector<16xf32>
      %add3A_330 = arith.constant 24 : i32
      %add3A_331 = arith.addi %mul3A_165, %add3A_330 : i32
      %get3A_332 = arith.index_cast %add3A_331 : i32 to index
      %get3A_333 = arith.constant 0 : index
      %get3A_334 = tpu.vector_load %arg7[%get3A_332, %get3A_333] {strides = array<i32>} : memref<3200x16xf32, #tpu.memory_space<vmem>>, vector<1x16xf32>,
      %get3A_335 = vector.shape_cast %get3A_334 : vector<1x16xf32> to vector<16xf32>
      %add3A_336 = arith.addf %add3A_329, %get3A_335 : vector<16xf32>
      %add3A_337 = arith.constant 25 : i32
      %add3A_338 = arith.addi %mul3A_165, %add3A_337 : i32
      %get3A_339 = arith.index_cast %add3A_338 : i32 to index
      %get3A_340 = arith.constant 0 : index
      %get3A_341 = tpu.vector_load %arg7[%get3A_339, %get3A_340] {strides = array<i32>} : memref<3200x16xf32, #tpu.memory_space<vmem>>, vector<1x16xf32>,
      %get3A_342 = vector.shape_cast %get3A_341 : vector<1x16xf32> to vector<16xf32>
      %add3A_343 = arith.addf %add3A_336, %get3A_342 : vector<16xf32>
      %add3A_344 = arith.constant 26 : i32
      %add3A_345 = arith.addi %mul3A_165, %add3A_344 : i32
      %get3A_346 = arith.index_cast %add3A_345 : i32 to index
      %get3A_347 = arith.constant 0 : index
      %get3A_348 = tpu.vector_load %arg7[%get3A_346, %get3A_347] {strides = array<i32>} : memref<3200x16xf32, #tpu.memory_space<vmem>>, vector<1x16xf32>,
      %get3A_349 = vector.shape_cast %get3A_348 : vector<1x16xf32> to vector<16xf32>
      %add3A_350 = arith.addf %add3A_343, %get3A_349 : vector<16xf32>
      %add3A_351 = arith.constant 27 : i32
      %add3A_352 = arith.addi %mul3A_165, %add3A_351 : i32
      %get3A_353 = arith.index_cast %add3A_352 : i32 to index
      %get3A_354 = arith.constant 0 : index
      %get3A_355 = tpu.vector_load %arg7[%get3A_353, %get3A_354] {strides = array<i32>} : memref<3200x16xf32, #tpu.memory_space<vmem>>, vector<1x16xf32>,
      %get3A_356 = vector.shape_cast %get3A_355 : vector<1x16xf32> to vector<16xf32>
      %add3A_357 = arith.addf %add3A_350, %get3A_356 : vector<16xf32>
      %add3A_358 = arith.constant 28 : i32
      %add3A_359 = arith.addi %mul3A_165, %add3A_358 : i32
      %get3A_360 = arith.index_cast %add3A_359 : i32 to index
      %get3A_361 = arith.constant 0 : index
      %get3A_362 = tpu.vector_load %arg7[%get3A_360, %get3A_361] {strides = array<i32>} : memref<3200x16xf32, #tpu.memory_space<vmem>>, vector<1x16xf32>,
      %get3A_363 = vector.shape_cast %get3A_362 : vector<1x16xf32> to vector<16xf32>
      %add3A_364 = arith.addf %add3A_357, %get3A_363 : vector<16xf32>
      %add3A_365 = arith.constant 29 : i32
      %add3A_366 = arith.addi %mul3A_165, %add3A_365 : i32
      %get3A_367 = arith.index_cast %add3A_366 : i32 to index
      %get3A_368 = arith.constant 0 : index
      %get3A_369 = tpu.vector_load %arg7[%get3A_367, %get3A_368] {strides = array<i32>} : memref<3200x16xf32, #tpu.memory_space<vmem>>, vector<1x16xf32>,
      %get3A_370 = vector.shape_cast %get3A_369 : vector<1x16xf32> to vector<16xf32>
      %add3A_371 = arith.addf %add3A_364, %get3A_370 : vector<16xf32>
      %add3A_372 = arith.constant 30 : i32
      %add3A_373 = arith.addi %mul3A_165, %add3A_372 : i32
      %get3A_374 = arith.index_cast %add3A_373 : i32 to index
      %get3A_375 = arith.constant 0 : index
      %get3A_376 = tpu.vector_load %arg7[%get3A_374, %get3A_375] {strides = array<i32>} : memref<3200x16xf32, #tpu.memory_space<vmem>>, vector<1x16xf32>,
      %get3A_377 = vector.shape_cast %get3A_376 : vector<1x16xf32> to vector<16xf32>
      %add3A_378 = arith.addf %add3A_371, %get3A_377 : vector<16xf32>
      %add3A_379 = arith.constant 31 : i32
      %add3A_380 = arith.addi %mul3A_165, %add3A_379 : i32
      %get3A_381 = arith.index_cast %add3A_380 : i32 to index
      %get3A_382 = arith.constant 0 : index
      %get3A_383 = tpu.vector_load %arg7[%get3A_381, %get3A_382] {strides = array<i32>} : memref<3200x16xf32, #tpu.memory_space<vmem>>, vector<1x16xf32>,
      %get3A_384 = vector.shape_cast %get3A_383 : vector<1x16xf32> to vector<16xf32>
      %add3A_385 = arith.addf %add3A_378, %get3A_384 : vector<16xf32>
      %add3A_386 = arith.constant 32 : i32
      %add3A_387 = arith.addi %mul3A_165, %add3A_386 : i32
      %get3A_388 = arith.index_cast %add3A_387 : i32 to index
      %get3A_389 = arith.constant 0 : index
      %get3A_390 = tpu.vector_load %arg7[%get3A_388, %get3A_389] {strides = array<i32>} : memref<3200x16xf32, #tpu.memory_space<vmem>>, vector<1x16xf32>,
      %get3A_391 = vector.shape_cast %get3A_390 : vector<1x16xf32> to vector<16xf32>
      %add3A_392 = arith.addf %add3A_385, %get3A_391 : vector<16xf32>
      %add3A_393 = arith.constant 33 : i32
      %add3A_394 = arith.addi %mul3A_165, %add3A_393 : i32
      %get3A_395 = arith.index_cast %add3A_394 : i32 to index
      %get3A_396 = arith.constant 0 : index
      %get3A_397 = tpu.vector_load %arg7[%get3A_395, %get3A_396] {strides = array<i32>} : memref<3200x16xf32, #tpu.memory_space<vmem>>, vector<1x16xf32>,
      %get3A_398 = vector.shape_cast %get3A_397 : vector<1x16xf32> to vector<16xf32>
      %add3A_399 = arith.addf %add3A_392, %get3A_398 : vector<16xf32>
      %add3A_400 = arith.constant 34 : i32
      %add3A_401 = arith.addi %mul3A_165, %add3A_400 : i32
      %get3A_402 = arith.index_cast %add3A_401 : i32 to index
      %get3A_403 = arith.constant 0 : index
      %get3A_404 = tpu.vector_load %arg7[%get3A_402, %get3A_403] {strides = array<i32>} : memref<3200x16xf32, #tpu.memory_space<vmem>>, vector<1x16xf32>,
      %get3A_405 = vector.shape_cast %get3A_404 : vector<1x16xf32> to vector<16xf32>
      %add3A_406 = arith.addf %add3A_399, %get3A_405 : vector<16xf32>
      %add3A_407 = arith.constant 35 : i32
      %add3A_408 = arith.addi %mul3A_165, %add3A_407 : i32
      %get3A_409 = arith.index_cast %add3A_408 : i32 to index
      %get3A_410 = arith.constant 0 : index
      %get3A_411 = tpu.vector_load %arg7[%get3A_409, %get3A_410] {strides = array<i32>} : memref<3200x16xf32, #tpu.memory_space<vmem>>, vector<1x16xf32>,
      %get3A_412 = vector.shape_cast %get3A_411 : vector<1x16xf32> to vector<16xf32>
      %add3A_413 = arith.addf %add3A_406, %get3A_412 : vector<16xf32>
      %add3A_414 = arith.constant 36 : i32
      %add3A_415 = arith.addi %mul3A_165, %add3A_414 : i32
      %get3A_416 = arith.index_cast %add3A_415 : i32 to index
      %get3A_417 = arith.constant 0 : index
      %get3A_418 = tpu.vector_load %arg7[%get3A_416, %get3A_417] {strides = array<i32>} : memref<3200x16xf32, #tpu.memory_space<vmem>>, vector<1x16xf32>,
      %get3A_419 = vector.shape_cast %get3A_418 : vector<1x16xf32> to vector<16xf32>
      %add3A_420 = arith.addf %add3A_413, %get3A_419 : vector<16xf32>
      %add3A_421 = arith.constant 37 : i32
      %add3A_422 = arith.addi %mul3A_165, %add3A_421 : i32
      %get3A_423 = arith.index_cast %add3A_422 : i32 to index
      %get3A_424 = arith.constant 0 : index
      %get3A_425 = tpu.vector_load %arg7[%get3A_423, %get3A_424] {strides = array<i32>} : memref<3200x16xf32, #tpu.memory_space<vmem>>, vector<1x16xf32>,
      %get3A_426 = vector.shape_cast %get3A_425 : vector<1x16xf32> to vector<16xf32>
      %add3A_427 = arith.addf %add3A_420, %get3A_426 : vector<16xf32>
      %add3A_428 = arith.constant 38 : i32
      %add3A_429 = arith.addi %mul3A_165, %add3A_428 : i32
      %get3A_430 = arith.index_cast %add3A_429 : i32 to index
      %get3A_431 = arith.constant 0 : index
      %get3A_432 = tpu.vector_load %arg7[%get3A_430, %get3A_431] {strides = array<i32>} : memref<3200x16xf32, #tpu.memory_space<vmem>>, vector<1x16xf32>,
      %get3A_433 = vector.shape_cast %get3A_432 : vector<1x16xf32> to vector<16xf32>
      %add3A_434 = arith.addf %add3A_427, %get3A_433 : vector<16xf32>
      %add3A_435 = arith.constant 39 : i32
      %add3A_436 = arith.addi %mul3A_165, %add3A_435 : i32
      %get3A_437 = arith.index_cast %add3A_436 : i32 to index
      %get3A_438 = arith.constant 0 : index
      %get3A_439 = tpu.vector_load %arg7[%get3A_437, %get3A_438] {strides = array<i32>} : memref<3200x16xf32, #tpu.memory_space<vmem>>, vector<1x16xf32>,
      %get3A_440 = vector.shape_cast %get3A_439 : vector<1x16xf32> to vector<16xf32>
      %add3A_441 = arith.addf %add3A_434, %get3A_440 : vector<16xf32>
      %add3A_442 = arith.constant 40 : i32
      %add3A_443 = arith.addi %mul3A_165, %add3A_442 : i32
      %get3A_444 = arith.index_cast %add3A_443 : i32 to index
      %get3A_445 = arith.constant 0 : index
      %get3A_446 = tpu.vector_load %arg7[%get3A_444, %get3A_445] {strides = array<i32>} : memref<3200x16xf32, #tpu.memory_space<vmem>>, vector<1x16xf32>,
      %get3A_447 = vector.shape_cast %get3A_446 : vector<1x16xf32> to vector<16xf32>
      %add3A_448 = arith.addf %add3A_441, %get3A_447 : vector<16xf32>
      %add3A_449 = arith.constant 41 : i32
      %add3A_450 = arith.addi %mul3A_165, %add3A_449 : i32
      %get3A_451 = arith.index_cast %add3A_450 : i32 to index
      %get3A_452 = arith.constant 0 : index
      %get3A_453 = tpu.vector_load %arg7[%get3A_451, %get3A_452] {strides = array<i32>} : memref<3200x16xf32, #tpu.memory_space<vmem>>, vector<1x16xf32>,
      %get3A_454 = vector.shape_cast %get3A_453 : vector<1x16xf32> to vector<16xf32>
      %add3A_455 = arith.addf %add3A_448, %get3A_454 : vector<16xf32>
      %add3A_456 = arith.constant 42 : i32
      %add3A_457 = arith.addi %mul3A_165, %add3A_456 : i32
      %get3A_458 = arith.index_cast %add3A_457 : i32 to index
      %get3A_459 = arith.constant 0 : index
      %get3A_460 = tpu.vector_load %arg7[%get3A_458, %get3A_459] {strides = array<i32>} : memref<3200x16xf32, #tpu.memory_space<vmem>>, vector<1x16xf32>,
      %get3A_461 = vector.shape_cast %get3A_460 : vector<1x16xf32> to vector<16xf32>
      %add3A_462 = arith.addf %add3A_455, %get3A_461 : vector<16xf32>
      %add3A_463 = arith.constant 43 : i32
      %add3A_464 = arith.addi %mul3A_165, %add3A_463 : i32
      %get3A_465 = arith.index_cast %add3A_464 : i32 to index
      %get3A_466 = arith.constant 0 : index
      %get3A_467 = tpu.vector_load %arg7[%get3A_465, %get3A_466] {strides = array<i32>} : memref<3200x16xf32, #tpu.memory_space<vmem>>, vector<1x16xf32>,
      %get3A_468 = vector.shape_cast %get3A_467 : vector<1x16xf32> to vector<16xf32>
      %add3A_469 = arith.addf %add3A_462, %get3A_468 : vector<16xf32>
      %add3A_470 = arith.constant 44 : i32
      %add3A_471 = arith.addi %mul3A_165, %add3A_470 : i32
      %get3A_472 = arith.index_cast %add3A_471 : i32 to index
      %get3A_473 = arith.constant 0 : index
      %get3A_474 = tpu.vector_load %arg7[%get3A_472, %get3A_473] {strides = array<i32>} : memref<3200x16xf32, #tpu.memory_space<vmem>>, vector<1x16xf32>,
      %get3A_475 = vector.shape_cast %get3A_474 : vector<1x16xf32> to vector<16xf32>
      %add3A_476 = arith.addf %add3A_469, %get3A_475 : vector<16xf32>
      %add3A_477 = arith.constant 45 : i32
      %add3A_478 = arith.addi %mul3A_165, %add3A_477 : i32
      %get3A_479 = arith.index_cast %add3A_478 : i32 to index
      %get3A_480 = arith.constant 0 : index
      %get3A_481 = tpu.vector_load %arg7[%get3A_479, %get3A_480] {strides = array<i32>} : memref<3200x16xf32, #tpu.memory_space<vmem>>, vector<1x16xf32>,
      %get3A_482 = vector.shape_cast %get3A_481 : vector<1x16xf32> to vector<16xf32>
      %add3A_483 = arith.addf %add3A_476, %get3A_482 : vector<16xf32>
      %add3A_484 = arith.constant 46 : i32
      %add3A_485 = arith.addi %mul3A_165, %add3A_484 : i32
      %get3A_486 = arith.index_cast %add3A_485 : i32 to index
      %get3A_487 = arith.constant 0 : index
      %get3A_488 = tpu.vector_load %arg7[%get3A_486, %get3A_487] {strides = array<i32>} : memref<3200x16xf32, #tpu.memory_space<vmem>>, vector<1x16xf32>,
      %get3A_489 = vector.shape_cast %get3A_488 : vector<1x16xf32> to vector<16xf32>
      %add3A_490 = arith.addf %add3A_483, %get3A_489 : vector<16xf32>
      %add3A_491 = arith.constant 47 : i32
      %add3A_492 = arith.addi %mul3A_165, %add3A_491 : i32
      %get3A_493 = arith.index_cast %add3A_492 : i32 to index
      %get3A_494 = arith.constant 0 : index
      %get3A_495 = tpu.vector_load %arg7[%get3A_493, %get3A_494] {strides = array<i32>} : memref<3200x16xf32, #tpu.memory_space<vmem>>, vector<1x16xf32>,
      %get3A_496 = vector.shape_cast %get3A_495 : vector<1x16xf32> to vector<16xf32>
      %add3A_497 = arith.addf %add3A_490, %get3A_496 : vector<16xf32>
      %add3A_498 = arith.constant 48 : i32
      %add3A_499 = arith.addi %mul3A_165, %add3A_498 : i32
      %get3A_500 = arith.index_cast %add3A_499 : i32 to index
      %get3A_501 = arith.constant 0 : index
      %get3A_502 = tpu.vector_load %arg7[%get3A_500, %get3A_501] {strides = array<i32>} : memref<3200x16xf32, #tpu.memory_space<vmem>>, vector<1x16xf32>,
      %get3A_503 = vector.shape_cast %get3A_502 : vector<1x16xf32> to vector<16xf32>
      %add3A_504 = arith.addf %add3A_497, %get3A_503 : vector<16xf32>
      %add3A_505 = arith.constant 49 : i32
      %add3A_506 = arith.addi %mul3A_165, %add3A_505 : i32
      %get3A_507 = arith.index_cast %add3A_506 : i32 to index
      %get3A_508 = arith.constant 0 : index
      %get3A_509 = tpu.vector_load %arg7[%get3A_507, %get3A_508] {strides = array<i32>} : memref<3200x16xf32, #tpu.memory_space<vmem>>, vector<1x16xf32>,
      %get3A_510 = vector.shape_cast %get3A_509 : vector<1x16xf32> to vector<16xf32>
      %add3A_511 = arith.addf %add3A_504, %get3A_510 : vector<16xf32>
      %swap3A = arith.index_cast %scan3A_163 : i32 to index
      %swap3A_512 = arith.constant 0 : index
      %swap3A_513 = tpu.vector_load %arg8[%swap3A, %swap3A_512] {strides = array<i32>} : memref<64x16xf32, #tpu.memory_space<vmem>>, vector<1x16xf32>,
      %swap3A_514 = vector.shape_cast %swap3A_513 : vector<1x16xf32> to vector<16xf32>
      %swap3A_515 = vector.shape_cast %add3A_511 : vector<16xf32> to vector<1x16xf32>
      tpu.vector_store %arg8[%swap3A, %swap3A_512], %swap3A_515 {strides = array<i32>} : memref<64x16xf32, #tpu.memory_space<vmem>>, vector<1x16xf32>,
    }
    %scan3A_46 = arith.constant 64 : i32
    %add3A_47 = arith.constant 64 : i32
    %add3A_48 = arith.addi %mul3A_4, %add3A_47 : i32
    "tpu.region"() ({
      %run_scoped3A = tpu.sem_alloc : memref<!tpu.dma_semaphore, #tpu.memory_space<semaphore_mem>>
      %dma_start3A = arith.constant 0 : i32
      %dma_start3A_163 = tpu.memref_slice %arg4[%add3A_48, %dma_start3A] : memref<16384x16xf32, #tpu.memory_space<hbm>> -> memref<64x16xf32, #tpu.memory_space<hbm>>
      %dma_start3A_164 = arith.constant 0 : i32
      %dma_start3A_165 = tpu.memref_slice %arg4[%add3A_48, %dma_start3A_164] : memref<16384x16xf32, #tpu.memory_space<hbm>> -> memref<64x16xf32, #tpu.memory_space<hbm>>
      tpu.enqueue_dma source(%arg8 : memref<64x16xf32, #tpu.memory_space<vmem>>) target(%dma_start3A_165 : memref<64x16xf32, #tpu.memory_space<hbm>>) target_semaphore(%run_scoped3A : memref<!tpu.dma_semaphore, #tpu.memory_space<semaphore_mem>>)
      %dma_wait3A_166 = arith.constant 0 : i32
      %dma_wait3A_167 = tpu.memref_slice %arg4[%add3A_48, %dma_wait3A_166] : memref<16384x16xf32, #tpu.memory_space<hbm>> -> memref<64x16xf32, #tpu.memory_space<hbm>>
      %dma_wait3A_168 = arith.constant 0 : i32
      %dma_wait3A_169 = tpu.memref_slice %arg4[%add3A_48, %dma_wait3A_168] : memref<16384x16xf32, #tpu.memory_space<hbm>> -> memref<64x16xf32, #tpu.memory_space<hbm>>
      tpu.wait_dma2 semaphore(%run_scoped3A : memref<!tpu.dma_semaphore, #tpu.memory_space<semaphore_mem>>) src(%arg8 : memref<64x16xf32, #tpu.memory_space<vmem>>) dst(%dma_wait3A_169 : memref<64x16xf32, #tpu.memory_space<hbm>>)
      tpu.yield
    }) : () -> ()
    %scan3A_49 = arith.constant 0 : i32
    %scan3A_50 = arith.constant 0 : i32
    %scan3A_51 = arith.constant 25 : i32
    %scan3A_52 = arith.addi %scan3A_50, %scan3A_51 : i32
    %scan3A_53 = arith.constant 1 : i32
    scf.for %scan3A_163 = %scan3A_50 to %scan3A_52 step %scan3A_53  : i32 {
      %add3A_164 = arith.constant 75 : i32
      %add3A_165 = arith.addi %add3A_164, %scan3A_163 : i32
      %mul3A_166 = arith.constant 128 : i32
      %mul3A_167 = arith.muli %add3A_165, %mul3A_166 : i32
      %mul3A_168 = arith.constant 128 : i32
      %mul3A_169 = arith.muli %scan3A_163, %mul3A_168 : i32
      %dma_start3A = arith.constant 0 : i32
      %dma_start3A_170 = tpu.memref_slice %arg7[%mul3A_169, %dma_start3A] : memref<3200x16xf32, #tpu.memory_space<vmem>> -> memref<128x16xf32, #tpu.memory_space<vmem>>
      %dma_start3A_171 = tpu.memref_slice %arg5[%mul3A_167] : memref<25600xi32, #tpu.memory_space<vmem>> -> memref<128xi32, #tpu.memory_space<vmem>>
      %dma_start3A_172 = arith.constant 0 : i32
      %dma_start3A_173 = arith.constant 0 : i32
      %dma_start3A_174 = tpu.memref_slice %arg3[%dma_start3A_172, %dma_start3A_173] : memref<1000000x16xf32, #tpu.memory_space<hbm>> -> memref<1000000x16xf32, #tpu.memory_space<hbm>>
      tpu.enqueue_indirect_dma source(%dma_start3A_174 : memref<1000000x16xf32, #tpu.memory_space<hbm>>) target(%dma_start3A_170 : memref<128x16xf32, #tpu.memory_space<vmem>>) offsets(%dma_start3A_171 : memref<128xi32, #tpu.memory_space<vmem>>) semaphore(%arg10 : memref<!tpu.dma_semaphore, #tpu.memory_space<semaphore_mem>>)
    }
    %scan3A_54 = arith.constant 25 : i32
    %dma_wait3A_55 = arith.constant 0 : i32
    %dma_wait3A_56 = arith.constant 0 : i32
    %dma_wait3A_57 = tpu.memref_slice %arg3[%dma_wait3A_55, %dma_wait3A_56] : memref<1000000x16xf32, #tpu.memory_space<hbm>> -> memref<3200x16xf32, #tpu.memory_space<hbm>>
    %dma_wait3A_58 = arith.constant 0 : i32
    %dma_wait3A_59 = arith.constant 0 : i32
    %dma_wait3A_60 = tpu.memref_slice %arg3[%dma_wait3A_58, %dma_wait3A_59] : memref<1000000x16xf32, #tpu.memory_space<hbm>> -> memref<3200x16xf32, #tpu.memory_space<hbm>>
    tpu.wait_dma2 semaphore(%arg9 : memref<!tpu.dma_semaphore, #tpu.memory_space<semaphore_mem>>) src(%dma_wait3A_60 : memref<3200x16xf32, #tpu.memory_space<hbm>>) dst(%arg6 : memref<3200x16xf32, #tpu.memory_space<vmem>>)
    %scan3A_61 = arith.constant 0 : i32
    %scan3A_62 = arith.constant 0 : i32
    %scan3A_63 = arith.constant 64 : i32
    %scan3A_64 = arith.addi %scan3A_62, %scan3A_63 : i32
    %scan3A_65 = arith.constant 1 : i32
    scf.for %scan3A_163 = %scan3A_62 to %scan3A_64 step %scan3A_65  : i32 {
      %mul3A_164 = arith.constant 50 : i32
      %mul3A_165 = arith.muli %scan3A_163, %mul3A_164 : i32
      %get3A = arith.index_cast %mul3A_165 : i32 to index
      %get3A_166 = arith.constant 0 : index
      %get3A_167 = tpu.vector_load %arg6[%get3A, %get3A_166] {strides = array<i32>} : memref<3200x16xf32, #tpu.memory_space<vmem>>, vector<1x16xf32>,
      %get3A_168 = vector.shape_cast %get3A_167 : vector<1x16xf32> to vector<16xf32>
      %add3A_169 = arith.constant 1 : i32
      %add3A_170 = arith.addi %mul3A_165, %add3A_169 : i32
      %get3A_171 = arith.index_cast %add3A_170 : i32 to index
      %get3A_172 = arith.constant 0 : index
      %get3A_173 = tpu.vector_load %arg6[%get3A_171, %get3A_172] {strides = array<i32>} : memref<3200x16xf32, #tpu.memory_space<vmem>>, vector<1x16xf32>,
      %get3A_174 = vector.shape_cast %get3A_173 : vector<1x16xf32> to vector<16xf32>
      %add3A_175 = arith.addf %get3A_168, %get3A_174 : vector<16xf32>
      %add3A_176 = arith.constant 2 : i32
      %add3A_177 = arith.addi %mul3A_165, %add3A_176 : i32
      %get3A_178 = arith.index_cast %add3A_177 : i32 to index
      %get3A_179 = arith.constant 0 : index
      %get3A_180 = tpu.vector_load %arg6[%get3A_178, %get3A_179] {strides = array<i32>} : memref<3200x16xf32, #tpu.memory_space<vmem>>, vector<1x16xf32>,
      %get3A_181 = vector.shape_cast %get3A_180 : vector<1x16xf32> to vector<16xf32>
      %add3A_182 = arith.addf %add3A_175, %get3A_181 : vector<16xf32>
      %add3A_183 = arith.constant 3 : i32
      %add3A_184 = arith.addi %mul3A_165, %add3A_183 : i32
      %get3A_185 = arith.index_cast %add3A_184 : i32 to index
      %get3A_186 = arith.constant 0 : index
      %get3A_187 = tpu.vector_load %arg6[%get3A_185, %get3A_186] {strides = array<i32>} : memref<3200x16xf32, #tpu.memory_space<vmem>>, vector<1x16xf32>,
      %get3A_188 = vector.shape_cast %get3A_187 : vector<1x16xf32> to vector<16xf32>
      %add3A_189 = arith.addf %add3A_182, %get3A_188 : vector<16xf32>
      %add3A_190 = arith.constant 4 : i32
      %add3A_191 = arith.addi %mul3A_165, %add3A_190 : i32
      %get3A_192 = arith.index_cast %add3A_191 : i32 to index
      %get3A_193 = arith.constant 0 : index
      %get3A_194 = tpu.vector_load %arg6[%get3A_192, %get3A_193] {strides = array<i32>} : memref<3200x16xf32, #tpu.memory_space<vmem>>, vector<1x16xf32>,
      %get3A_195 = vector.shape_cast %get3A_194 : vector<1x16xf32> to vector<16xf32>
      %add3A_196 = arith.addf %add3A_189, %get3A_195 : vector<16xf32>
      %add3A_197 = arith.constant 5 : i32
      %add3A_198 = arith.addi %mul3A_165, %add3A_197 : i32
      %get3A_199 = arith.index_cast %add3A_198 : i32 to index
      %get3A_200 = arith.constant 0 : index
      %get3A_201 = tpu.vector_load %arg6[%get3A_199, %get3A_200] {strides = array<i32>} : memref<3200x16xf32, #tpu.memory_space<vmem>>, vector<1x16xf32>,
      %get3A_202 = vector.shape_cast %get3A_201 : vector<1x16xf32> to vector<16xf32>
      %add3A_203 = arith.addf %add3A_196, %get3A_202 : vector<16xf32>
      %add3A_204 = arith.constant 6 : i32
      %add3A_205 = arith.addi %mul3A_165, %add3A_204 : i32
      %get3A_206 = arith.index_cast %add3A_205 : i32 to index
      %get3A_207 = arith.constant 0 : index
      %get3A_208 = tpu.vector_load %arg6[%get3A_206, %get3A_207] {strides = array<i32>} : memref<3200x16xf32, #tpu.memory_space<vmem>>, vector<1x16xf32>,
      %get3A_209 = vector.shape_cast %get3A_208 : vector<1x16xf32> to vector<16xf32>
      %add3A_210 = arith.addf %add3A_203, %get3A_209 : vector<16xf32>
      %add3A_211 = arith.constant 7 : i32
      %add3A_212 = arith.addi %mul3A_165, %add3A_211 : i32
      %get3A_213 = arith.index_cast %add3A_212 : i32 to index
      %get3A_214 = arith.constant 0 : index
      %get3A_215 = tpu.vector_load %arg6[%get3A_213, %get3A_214] {strides = array<i32>} : memref<3200x16xf32, #tpu.memory_space<vmem>>, vector<1x16xf32>,
      %get3A_216 = vector.shape_cast %get3A_215 : vector<1x16xf32> to vector<16xf32>
      %add3A_217 = arith.addf %add3A_210, %get3A_216 : vector<16xf32>
      %add3A_218 = arith.constant 8 : i32
      %add3A_219 = arith.addi %mul3A_165, %add3A_218 : i32
      %get3A_220 = arith.index_cast %add3A_219 : i32 to index
      %get3A_221 = arith.constant 0 : index
      %get3A_222 = tpu.vector_load %arg6[%get3A_220, %get3A_221] {strides = array<i32>} : memref<3200x16xf32, #tpu.memory_space<vmem>>, vector<1x16xf32>,
      %get3A_223 = vector.shape_cast %get3A_222 : vector<1x16xf32> to vector<16xf32>
      %add3A_224 = arith.addf %add3A_217, %get3A_223 : vector<16xf32>
      %add3A_225 = arith.constant 9 : i32
      %add3A_226 = arith.addi %mul3A_165, %add3A_225 : i32
      %get3A_227 = arith.index_cast %add3A_226 : i32 to index
      %get3A_228 = arith.constant 0 : index
      %get3A_229 = tpu.vector_load %arg6[%get3A_227, %get3A_228] {strides = array<i32>} : memref<3200x16xf32, #tpu.memory_space<vmem>>, vector<1x16xf32>,
      %get3A_230 = vector.shape_cast %get3A_229 : vector<1x16xf32> to vector<16xf32>
      %add3A_231 = arith.addf %add3A_224, %get3A_230 : vector<16xf32>
      %add3A_232 = arith.constant 10 : i32
      %add3A_233 = arith.addi %mul3A_165, %add3A_232 : i32
      %get3A_234 = arith.index_cast %add3A_233 : i32 to index
      %get3A_235 = arith.constant 0 : index
      %get3A_236 = tpu.vector_load %arg6[%get3A_234, %get3A_235] {strides = array<i32>} : memref<3200x16xf32, #tpu.memory_space<vmem>>, vector<1x16xf32>,
      %get3A_237 = vector.shape_cast %get3A_236 : vector<1x16xf32> to vector<16xf32>
      %add3A_238 = arith.addf %add3A_231, %get3A_237 : vector<16xf32>
      %add3A_239 = arith.constant 11 : i32
      %add3A_240 = arith.addi %mul3A_165, %add3A_239 : i32
      %get3A_241 = arith.index_cast %add3A_240 : i32 to index
      %get3A_242 = arith.constant 0 : index
      %get3A_243 = tpu.vector_load %arg6[%get3A_241, %get3A_242] {strides = array<i32>} : memref<3200x16xf32, #tpu.memory_space<vmem>>, vector<1x16xf32>,
      %get3A_244 = vector.shape_cast %get3A_243 : vector<1x16xf32> to vector<16xf32>
      %add3A_245 = arith.addf %add3A_238, %get3A_244 : vector<16xf32>
      %add3A_246 = arith.constant 12 : i32
      %add3A_247 = arith.addi %mul3A_165, %add3A_246 : i32
      %get3A_248 = arith.index_cast %add3A_247 : i32 to index
      %get3A_249 = arith.constant 0 : index
      %get3A_250 = tpu.vector_load %arg6[%get3A_248, %get3A_249] {strides = array<i32>} : memref<3200x16xf32, #tpu.memory_space<vmem>>, vector<1x16xf32>,
      %get3A_251 = vector.shape_cast %get3A_250 : vector<1x16xf32> to vector<16xf32>
      %add3A_252 = arith.addf %add3A_245, %get3A_251 : vector<16xf32>
      %add3A_253 = arith.constant 13 : i32
      %add3A_254 = arith.addi %mul3A_165, %add3A_253 : i32
      %get3A_255 = arith.index_cast %add3A_254 : i32 to index
      %get3A_256 = arith.constant 0 : index
      %get3A_257 = tpu.vector_load %arg6[%get3A_255, %get3A_256] {strides = array<i32>} : memref<3200x16xf32, #tpu.memory_space<vmem>>, vector<1x16xf32>,
      %get3A_258 = vector.shape_cast %get3A_257 : vector<1x16xf32> to vector<16xf32>
      %add3A_259 = arith.addf %add3A_252, %get3A_258 : vector<16xf32>
      %add3A_260 = arith.constant 14 : i32
      %add3A_261 = arith.addi %mul3A_165, %add3A_260 : i32
      %get3A_262 = arith.index_cast %add3A_261 : i32 to index
      %get3A_263 = arith.constant 0 : index
      %get3A_264 = tpu.vector_load %arg6[%get3A_262, %get3A_263] {strides = array<i32>} : memref<3200x16xf32, #tpu.memory_space<vmem>>, vector<1x16xf32>,
      %get3A_265 = vector.shape_cast %get3A_264 : vector<1x16xf32> to vector<16xf32>
      %add3A_266 = arith.addf %add3A_259, %get3A_265 : vector<16xf32>
      %add3A_267 = arith.constant 15 : i32
      %add3A_268 = arith.addi %mul3A_165, %add3A_267 : i32
      %get3A_269 = arith.index_cast %add3A_268 : i32 to index
      %get3A_270 = arith.constant 0 : index
      %get3A_271 = tpu.vector_load %arg6[%get3A_269, %get3A_270] {strides = array<i32>} : memref<3200x16xf32, #tpu.memory_space<vmem>>, vector<1x16xf32>,
      %get3A_272 = vector.shape_cast %get3A_271 : vector<1x16xf32> to vector<16xf32>
      %add3A_273 = arith.addf %add3A_266, %get3A_272 : vector<16xf32>
      %add3A_274 = arith.constant 16 : i32
      %add3A_275 = arith.addi %mul3A_165, %add3A_274 : i32
      %get3A_276 = arith.index_cast %add3A_275 : i32 to index
      %get3A_277 = arith.constant 0 : index
      %get3A_278 = tpu.vector_load %arg6[%get3A_276, %get3A_277] {strides = array<i32>} : memref<3200x16xf32, #tpu.memory_space<vmem>>, vector<1x16xf32>,
      %get3A_279 = vector.shape_cast %get3A_278 : vector<1x16xf32> to vector<16xf32>
      %add3A_280 = arith.addf %add3A_273, %get3A_279 : vector<16xf32>
      %add3A_281 = arith.constant 17 : i32
      %add3A_282 = arith.addi %mul3A_165, %add3A_281 : i32
      %get3A_283 = arith.index_cast %add3A_282 : i32 to index
      %get3A_284 = arith.constant 0 : index
      %get3A_285 = tpu.vector_load %arg6[%get3A_283, %get3A_284] {strides = array<i32>} : memref<3200x16xf32, #tpu.memory_space<vmem>>, vector<1x16xf32>,
      %get3A_286 = vector.shape_cast %get3A_285 : vector<1x16xf32> to vector<16xf32>
      %add3A_287 = arith.addf %add3A_280, %get3A_286 : vector<16xf32>
      %add3A_288 = arith.constant 18 : i32
      %add3A_289 = arith.addi %mul3A_165, %add3A_288 : i32
      %get3A_290 = arith.index_cast %add3A_289 : i32 to index
      %get3A_291 = arith.constant 0 : index
      %get3A_292 = tpu.vector_load %arg6[%get3A_290, %get3A_291] {strides = array<i32>} : memref<3200x16xf32, #tpu.memory_space<vmem>>, vector<1x16xf32>,
      %get3A_293 = vector.shape_cast %get3A_292 : vector<1x16xf32> to vector<16xf32>
      %add3A_294 = arith.addf %add3A_287, %get3A_293 : vector<16xf32>
      %add3A_295 = arith.constant 19 : i32
      %add3A_296 = arith.addi %mul3A_165, %add3A_295 : i32
      %get3A_297 = arith.index_cast %add3A_296 : i32 to index
      %get3A_298 = arith.constant 0 : index
      %get3A_299 = tpu.vector_load %arg6[%get3A_297, %get3A_298] {strides = array<i32>} : memref<3200x16xf32, #tpu.memory_space<vmem>>, vector<1x16xf32>,
      %get3A_300 = vector.shape_cast %get3A_299 : vector<1x16xf32> to vector<16xf32>
      %add3A_301 = arith.addf %add3A_294, %get3A_300 : vector<16xf32>
      %add3A_302 = arith.constant 20 : i32
      %add3A_303 = arith.addi %mul3A_165, %add3A_302 : i32
      %get3A_304 = arith.index_cast %add3A_303 : i32 to index
      %get3A_305 = arith.constant 0 : index
      %get3A_306 = tpu.vector_load %arg6[%get3A_304, %get3A_305] {strides = array<i32>} : memref<3200x16xf32, #tpu.memory_space<vmem>>, vector<1x16xf32>,
      %get3A_307 = vector.shape_cast %get3A_306 : vector<1x16xf32> to vector<16xf32>
      %add3A_308 = arith.addf %add3A_301, %get3A_307 : vector<16xf32>
      %add3A_309 = arith.constant 21 : i32
      %add3A_310 = arith.addi %mul3A_165, %add3A_309 : i32
      %get3A_311 = arith.index_cast %add3A_310 : i32 to index
      %get3A_312 = arith.constant 0 : index
      %get3A_313 = tpu.vector_load %arg6[%get3A_311, %get3A_312] {strides = array<i32>} : memref<3200x16xf32, #tpu.memory_space<vmem>>, vector<1x16xf32>,
      %get3A_314 = vector.shape_cast %get3A_313 : vector<1x16xf32> to vector<16xf32>
      %add3A_315 = arith.addf %add3A_308, %get3A_314 : vector<16xf32>
      %add3A_316 = arith.constant 22 : i32
      %add3A_317 = arith.addi %mul3A_165, %add3A_316 : i32
      %get3A_318 = arith.index_cast %add3A_317 : i32 to index
      %get3A_319 = arith.constant 0 : index
      %get3A_320 = tpu.vector_load %arg6[%get3A_318, %get3A_319] {strides = array<i32>} : memref<3200x16xf32, #tpu.memory_space<vmem>>, vector<1x16xf32>,
      %get3A_321 = vector.shape_cast %get3A_320 : vector<1x16xf32> to vector<16xf32>
      %add3A_322 = arith.addf %add3A_315, %get3A_321 : vector<16xf32>
      %add3A_323 = arith.constant 23 : i32
      %add3A_324 = arith.addi %mul3A_165, %add3A_323 : i32
      %get3A_325 = arith.index_cast %add3A_324 : i32 to index
      %get3A_326 = arith.constant 0 : index
      %get3A_327 = tpu.vector_load %arg6[%get3A_325, %get3A_326] {strides = array<i32>} : memref<3200x16xf32, #tpu.memory_space<vmem>>, vector<1x16xf32>,
      %get3A_328 = vector.shape_cast %get3A_327 : vector<1x16xf32> to vector<16xf32>
      %add3A_329 = arith.addf %add3A_322, %get3A_328 : vector<16xf32>
      %add3A_330 = arith.constant 24 : i32
      %add3A_331 = arith.addi %mul3A_165, %add3A_330 : i32
      %get3A_332 = arith.index_cast %add3A_331 : i32 to index
      %get3A_333 = arith.constant 0 : index
      %get3A_334 = tpu.vector_load %arg6[%get3A_332, %get3A_333] {strides = array<i32>} : memref<3200x16xf32, #tpu.memory_space<vmem>>, vector<1x16xf32>,
      %get3A_335 = vector.shape_cast %get3A_334 : vector<1x16xf32> to vector<16xf32>
      %add3A_336 = arith.addf %add3A_329, %get3A_335 : vector<16xf32>
      %add3A_337 = arith.constant 25 : i32
      %add3A_338 = arith.addi %mul3A_165, %add3A_337 : i32
      %get3A_339 = arith.index_cast %add3A_338 : i32 to index
      %get3A_340 = arith.constant 0 : index
      %get3A_341 = tpu.vector_load %arg6[%get3A_339, %get3A_340] {strides = array<i32>} : memref<3200x16xf32, #tpu.memory_space<vmem>>, vector<1x16xf32>,
      %get3A_342 = vector.shape_cast %get3A_341 : vector<1x16xf32> to vector<16xf32>
      %add3A_343 = arith.addf %add3A_336, %get3A_342 : vector<16xf32>
      %add3A_344 = arith.constant 26 : i32
      %add3A_345 = arith.addi %mul3A_165, %add3A_344 : i32
      %get3A_346 = arith.index_cast %add3A_345 : i32 to index
      %get3A_347 = arith.constant 0 : index
      %get3A_348 = tpu.vector_load %arg6[%get3A_346, %get3A_347] {strides = array<i32>} : memref<3200x16xf32, #tpu.memory_space<vmem>>, vector<1x16xf32>,
      %get3A_349 = vector.shape_cast %get3A_348 : vector<1x16xf32> to vector<16xf32>
      %add3A_350 = arith.addf %add3A_343, %get3A_349 : vector<16xf32>
      %add3A_351 = arith.constant 27 : i32
      %add3A_352 = arith.addi %mul3A_165, %add3A_351 : i32
      %get3A_353 = arith.index_cast %add3A_352 : i32 to index
      %get3A_354 = arith.constant 0 : index
      %get3A_355 = tpu.vector_load %arg6[%get3A_353, %get3A_354] {strides = array<i32>} : memref<3200x16xf32, #tpu.memory_space<vmem>>, vector<1x16xf32>,
      %get3A_356 = vector.shape_cast %get3A_355 : vector<1x16xf32> to vector<16xf32>
      %add3A_357 = arith.addf %add3A_350, %get3A_356 : vector<16xf32>
      %add3A_358 = arith.constant 28 : i32
      %add3A_359 = arith.addi %mul3A_165, %add3A_358 : i32
      %get3A_360 = arith.index_cast %add3A_359 : i32 to index
      %get3A_361 = arith.constant 0 : index
      %get3A_362 = tpu.vector_load %arg6[%get3A_360, %get3A_361] {strides = array<i32>} : memref<3200x16xf32, #tpu.memory_space<vmem>>, vector<1x16xf32>,
      %get3A_363 = vector.shape_cast %get3A_362 : vector<1x16xf32> to vector<16xf32>
      %add3A_364 = arith.addf %add3A_357, %get3A_363 : vector<16xf32>
      %add3A_365 = arith.constant 29 : i32
      %add3A_366 = arith.addi %mul3A_165, %add3A_365 : i32
      %get3A_367 = arith.index_cast %add3A_366 : i32 to index
      %get3A_368 = arith.constant 0 : index
      %get3A_369 = tpu.vector_load %arg6[%get3A_367, %get3A_368] {strides = array<i32>} : memref<3200x16xf32, #tpu.memory_space<vmem>>, vector<1x16xf32>,
      %get3A_370 = vector.shape_cast %get3A_369 : vector<1x16xf32> to vector<16xf32>
      %add3A_371 = arith.addf %add3A_364, %get3A_370 : vector<16xf32>
      %add3A_372 = arith.constant 30 : i32
      %add3A_373 = arith.addi %mul3A_165, %add3A_372 : i32
      %get3A_374 = arith.index_cast %add3A_373 : i32 to index
      %get3A_375 = arith.constant 0 : index
      %get3A_376 = tpu.vector_load %arg6[%get3A_374, %get3A_375] {strides = array<i32>} : memref<3200x16xf32, #tpu.memory_space<vmem>>, vector<1x16xf32>,
      %get3A_377 = vector.shape_cast %get3A_376 : vector<1x16xf32> to vector<16xf32>
      %add3A_378 = arith.addf %add3A_371, %get3A_377 : vector<16xf32>
      %add3A_379 = arith.constant 31 : i32
      %add3A_380 = arith.addi %mul3A_165, %add3A_379 : i32
      %get3A_381 = arith.index_cast %add3A_380 : i32 to index
      %get3A_382 = arith.constant 0 : index
      %get3A_383 = tpu.vector_load %arg6[%get3A_381, %get3A_382] {strides = array<i32>} : memref<3200x16xf32, #tpu.memory_space<vmem>>, vector<1x16xf32>,
      %get3A_384 = vector.shape_cast %get3A_383 : vector<1x16xf32> to vector<16xf32>
      %add3A_385 = arith.addf %add3A_378, %get3A_384 : vector<16xf32>
      %add3A_386 = arith.constant 32 : i32
      %add3A_387 = arith.addi %mul3A_165, %add3A_386 : i32
      %get3A_388 = arith.index_cast %add3A_387 : i32 to index
      %get3A_389 = arith.constant 0 : index
      %get3A_390 = tpu.vector_load %arg6[%get3A_388, %get3A_389] {strides = array<i32>} : memref<3200x16xf32, #tpu.memory_space<vmem>>, vector<1x16xf32>,
      %get3A_391 = vector.shape_cast %get3A_390 : vector<1x16xf32> to vector<16xf32>
      %add3A_392 = arith.addf %add3A_385, %get3A_391 : vector<16xf32>
      %add3A_393 = arith.constant 33 : i32
      %add3A_394 = arith.addi %mul3A_165, %add3A_393 : i32
      %get3A_395 = arith.index_cast %add3A_394 : i32 to index
      %get3A_396 = arith.constant 0 : index
      %get3A_397 = tpu.vector_load %arg6[%get3A_395, %get3A_396] {strides = array<i32>} : memref<3200x16xf32, #tpu.memory_space<vmem>>, vector<1x16xf32>,
      %get3A_398 = vector.shape_cast %get3A_397 : vector<1x16xf32> to vector<16xf32>
      %add3A_399 = arith.addf %add3A_392, %get3A_398 : vector<16xf32>
      %add3A_400 = arith.constant 34 : i32
      %add3A_401 = arith.addi %mul3A_165, %add3A_400 : i32
      %get3A_402 = arith.index_cast %add3A_401 : i32 to index
      %get3A_403 = arith.constant 0 : index
      %get3A_404 = tpu.vector_load %arg6[%get3A_402, %get3A_403] {strides = array<i32>} : memref<3200x16xf32, #tpu.memory_space<vmem>>, vector<1x16xf32>,
      %get3A_405 = vector.shape_cast %get3A_404 : vector<1x16xf32> to vector<16xf32>
      %add3A_406 = arith.addf %add3A_399, %get3A_405 : vector<16xf32>
      %add3A_407 = arith.constant 35 : i32
      %add3A_408 = arith.addi %mul3A_165, %add3A_407 : i32
      %get3A_409 = arith.index_cast %add3A_408 : i32 to index
      %get3A_410 = arith.constant 0 : index
      %get3A_411 = tpu.vector_load %arg6[%get3A_409, %get3A_410] {strides = array<i32>} : memref<3200x16xf32, #tpu.memory_space<vmem>>, vector<1x16xf32>,
      %get3A_412 = vector.shape_cast %get3A_411 : vector<1x16xf32> to vector<16xf32>
      %add3A_413 = arith.addf %add3A_406, %get3A_412 : vector<16xf32>
      %add3A_414 = arith.constant 36 : i32
      %add3A_415 = arith.addi %mul3A_165, %add3A_414 : i32
      %get3A_416 = arith.index_cast %add3A_415 : i32 to index
      %get3A_417 = arith.constant 0 : index
      %get3A_418 = tpu.vector_load %arg6[%get3A_416, %get3A_417] {strides = array<i32>} : memref<3200x16xf32, #tpu.memory_space<vmem>>, vector<1x16xf32>,
      %get3A_419 = vector.shape_cast %get3A_418 : vector<1x16xf32> to vector<16xf32>
      %add3A_420 = arith.addf %add3A_413, %get3A_419 : vector<16xf32>
      %add3A_421 = arith.constant 37 : i32
      %add3A_422 = arith.addi %mul3A_165, %add3A_421 : i32
      %get3A_423 = arith.index_cast %add3A_422 : i32 to index
      %get3A_424 = arith.constant 0 : index
      %get3A_425 = tpu.vector_load %arg6[%get3A_423, %get3A_424] {strides = array<i32>} : memref<3200x16xf32, #tpu.memory_space<vmem>>, vector<1x16xf32>,
      %get3A_426 = vector.shape_cast %get3A_425 : vector<1x16xf32> to vector<16xf32>
      %add3A_427 = arith.addf %add3A_420, %get3A_426 : vector<16xf32>
      %add3A_428 = arith.constant 38 : i32
      %add3A_429 = arith.addi %mul3A_165, %add3A_428 : i32
      %get3A_430 = arith.index_cast %add3A_429 : i32 to index
      %get3A_431 = arith.constant 0 : index
      %get3A_432 = tpu.vector_load %arg6[%get3A_430, %get3A_431] {strides = array<i32>} : memref<3200x16xf32, #tpu.memory_space<vmem>>, vector<1x16xf32>,
      %get3A_433 = vector.shape_cast %get3A_432 : vector<1x16xf32> to vector<16xf32>
      %add3A_434 = arith.addf %add3A_427, %get3A_433 : vector<16xf32>
      %add3A_435 = arith.constant 39 : i32
      %add3A_436 = arith.addi %mul3A_165, %add3A_435 : i32
      %get3A_437 = arith.index_cast %add3A_436 : i32 to index
      %get3A_438 = arith.constant 0 : index
      %get3A_439 = tpu.vector_load %arg6[%get3A_437, %get3A_438] {strides = array<i32>} : memref<3200x16xf32, #tpu.memory_space<vmem>>, vector<1x16xf32>,
      %get3A_440 = vector.shape_cast %get3A_439 : vector<1x16xf32> to vector<16xf32>
      %add3A_441 = arith.addf %add3A_434, %get3A_440 : vector<16xf32>
      %add3A_442 = arith.constant 40 : i32
      %add3A_443 = arith.addi %mul3A_165, %add3A_442 : i32
      %get3A_444 = arith.index_cast %add3A_443 : i32 to index
      %get3A_445 = arith.constant 0 : index
      %get3A_446 = tpu.vector_load %arg6[%get3A_444, %get3A_445] {strides = array<i32>} : memref<3200x16xf32, #tpu.memory_space<vmem>>, vector<1x16xf32>,
      %get3A_447 = vector.shape_cast %get3A_446 : vector<1x16xf32> to vector<16xf32>
      %add3A_448 = arith.addf %add3A_441, %get3A_447 : vector<16xf32>
      %add3A_449 = arith.constant 41 : i32
      %add3A_450 = arith.addi %mul3A_165, %add3A_449 : i32
      %get3A_451 = arith.index_cast %add3A_450 : i32 to index
      %get3A_452 = arith.constant 0 : index
      %get3A_453 = tpu.vector_load %arg6[%get3A_451, %get3A_452] {strides = array<i32>} : memref<3200x16xf32, #tpu.memory_space<vmem>>, vector<1x16xf32>,
      %get3A_454 = vector.shape_cast %get3A_453 : vector<1x16xf32> to vector<16xf32>
      %add3A_455 = arith.addf %add3A_448, %get3A_454 : vector<16xf32>
      %add3A_456 = arith.constant 42 : i32
      %add3A_457 = arith.addi %mul3A_165, %add3A_456 : i32
      %get3A_458 = arith.index_cast %add3A_457 : i32 to index
      %get3A_459 = arith.constant 0 : index
      %get3A_460 = tpu.vector_load %arg6[%get3A_458, %get3A_459] {strides = array<i32>} : memref<3200x16xf32, #tpu.memory_space<vmem>>, vector<1x16xf32>,
      %get3A_461 = vector.shape_cast %get3A_460 : vector<1x16xf32> to vector<16xf32>
      %add3A_462 = arith.addf %add3A_455, %get3A_461 : vector<16xf32>
      %add3A_463 = arith.constant 43 : i32
      %add3A_464 = arith.addi %mul3A_165, %add3A_463 : i32
      %get3A_465 = arith.index_cast %add3A_464 : i32 to index
      %get3A_466 = arith.constant 0 : index
      %get3A_467 = tpu.vector_load %arg6[%get3A_465, %get3A_466] {strides = array<i32>} : memref<3200x16xf32, #tpu.memory_space<vmem>>, vector<1x16xf32>,
      %get3A_468 = vector.shape_cast %get3A_467 : vector<1x16xf32> to vector<16xf32>
      %add3A_469 = arith.addf %add3A_462, %get3A_468 : vector<16xf32>
      %add3A_470 = arith.constant 44 : i32
      %add3A_471 = arith.addi %mul3A_165, %add3A_470 : i32
      %get3A_472 = arith.index_cast %add3A_471 : i32 to index
      %get3A_473 = arith.constant 0 : index
      %get3A_474 = tpu.vector_load %arg6[%get3A_472, %get3A_473] {strides = array<i32>} : memref<3200x16xf32, #tpu.memory_space<vmem>>, vector<1x16xf32>,
      %get3A_475 = vector.shape_cast %get3A_474 : vector<1x16xf32> to vector<16xf32>
      %add3A_476 = arith.addf %add3A_469, %get3A_475 : vector<16xf32>
      %add3A_477 = arith.constant 45 : i32
      %add3A_478 = arith.addi %mul3A_165, %add3A_477 : i32
      %get3A_479 = arith.index_cast %add3A_478 : i32 to index
      %get3A_480 = arith.constant 0 : index
      %get3A_481 = tpu.vector_load %arg6[%get3A_479, %get3A_480] {strides = array<i32>} : memref<3200x16xf32, #tpu.memory_space<vmem>>, vector<1x16xf32>,
      %get3A_482 = vector.shape_cast %get3A_481 : vector<1x16xf32> to vector<16xf32>
      %add3A_483 = arith.addf %add3A_476, %get3A_482 : vector<16xf32>
      %add3A_484 = arith.constant 46 : i32
      %add3A_485 = arith.addi %mul3A_165, %add3A_484 : i32
      %get3A_486 = arith.index_cast %add3A_485 : i32 to index
      %get3A_487 = arith.constant 0 : index
      %get3A_488 = tpu.vector_load %arg6[%get3A_486, %get3A_487] {strides = array<i32>} : memref<3200x16xf32, #tpu.memory_space<vmem>>, vector<1x16xf32>,
      %get3A_489 = vector.shape_cast %get3A_488 : vector<1x16xf32> to vector<16xf32>
      %add3A_490 = arith.addf %add3A_483, %get3A_489 : vector<16xf32>
      %add3A_491 = arith.constant 47 : i32
      %add3A_492 = arith.addi %mul3A_165, %add3A_491 : i32
      %get3A_493 = arith.index_cast %add3A_492 : i32 to index
      %get3A_494 = arith.constant 0 : index
      %get3A_495 = tpu.vector_load %arg6[%get3A_493, %get3A_494] {strides = array<i32>} : memref<3200x16xf32, #tpu.memory_space<vmem>>, vector<1x16xf32>,
      %get3A_496 = vector.shape_cast %get3A_495 : vector<1x16xf32> to vector<16xf32>
      %add3A_497 = arith.addf %add3A_490, %get3A_496 : vector<16xf32>
      %add3A_498 = arith.constant 48 : i32
      %add3A_499 = arith.addi %mul3A_165, %add3A_498 : i32
      %get3A_500 = arith.index_cast %add3A_499 : i32 to index
      %get3A_501 = arith.constant 0 : index
      %get3A_502 = tpu.vector_load %arg6[%get3A_500, %get3A_501] {strides = array<i32>} : memref<3200x16xf32, #tpu.memory_space<vmem>>, vector<1x16xf32>,
      %get3A_503 = vector.shape_cast %get3A_502 : vector<1x16xf32> to vector<16xf32>
      %add3A_504 = arith.addf %add3A_497, %get3A_503 : vector<16xf32>
      %add3A_505 = arith.constant 49 : i32
      %add3A_506 = arith.addi %mul3A_165, %add3A_505 : i32
      %get3A_507 = arith.index_cast %add3A_506 : i32 to index
      %get3A_508 = arith.constant 0 : index
      %get3A_509 = tpu.vector_load %arg6[%get3A_507, %get3A_508] {strides = array<i32>} : memref<3200x16xf32, #tpu.memory_space<vmem>>, vector<1x16xf32>,
      %get3A_510 = vector.shape_cast %get3A_509 : vector<1x16xf32> to vector<16xf32>
      %add3A_511 = arith.addf %add3A_504, %get3A_510 : vector<16xf32>
      %swap3A = arith.index_cast %scan3A_163 : i32 to index
      %swap3A_512 = arith.constant 0 : index
      %swap3A_513 = tpu.vector_load %arg8[%swap3A, %swap3A_512] {strides = array<i32>} : memref<64x16xf32, #tpu.memory_space<vmem>>, vector<1x16xf32>,
      %swap3A_514 = vector.shape_cast %swap3A_513 : vector<1x16xf32> to vector<16xf32>
      %swap3A_515 = vector.shape_cast %add3A_511 : vector<16xf32> to vector<1x16xf32>
      tpu.vector_store %arg8[%swap3A, %swap3A_512], %swap3A_515 {strides = array<i32>} : memref<64x16xf32, #tpu.memory_space<vmem>>, vector<1x16xf32>,
    }
    %scan3A_66 = arith.constant 64 : i32
    %add3A_67 = arith.constant 128 : i32
    %add3A_68 = arith.addi %mul3A_4, %add3A_67 : i32
    "tpu.region"() ({
      %run_scoped3A = tpu.sem_alloc : memref<!tpu.dma_semaphore, #tpu.memory_space<semaphore_mem>>
      %dma_start3A = arith.constant 0 : i32
      %dma_start3A_163 = tpu.memref_slice %arg4[%add3A_68, %dma_start3A] : memref<16384x16xf32, #tpu.memory_space<hbm>> -> memref<64x16xf32, #tpu.memory_space<hbm>>
      %dma_start3A_164 = arith.constant 0 : i32
      %dma_start3A_165 = tpu.memref_slice %arg4[%add3A_68, %dma_start3A_164] : memref<16384x16xf32, #tpu.memory_space<hbm>> -> memref<64x16xf32, #tpu.memory_space<hbm>>
      tpu.enqueue_dma source(%arg8 : memref<64x16xf32, #tpu.memory_space<vmem>>) target(%dma_start3A_165 : memref<64x16xf32, #tpu.memory_space<hbm>>) target_semaphore(%run_scoped3A : memref<!tpu.dma_semaphore, #tpu.memory_space<semaphore_mem>>)
      %dma_wait3A_166 = arith.constant 0 : i32
      %dma_wait3A_167 = tpu.memref_slice %arg4[%add3A_68, %dma_wait3A_166] : memref<16384x16xf32, #tpu.memory_space<hbm>> -> memref<64x16xf32, #tpu.memory_space<hbm>>
      %dma_wait3A_168 = arith.constant 0 : i32
      %dma_wait3A_169 = tpu.memref_slice %arg4[%add3A_68, %dma_wait3A_168] : memref<16384x16xf32, #tpu.memory_space<hbm>> -> memref<64x16xf32, #tpu.memory_space<hbm>>
      tpu.wait_dma2 semaphore(%run_scoped3A : memref<!tpu.dma_semaphore, #tpu.memory_space<semaphore_mem>>) src(%arg8 : memref<64x16xf32, #tpu.memory_space<vmem>>) dst(%dma_wait3A_169 : memref<64x16xf32, #tpu.memory_space<hbm>>)
      tpu.yield
    }) : () -> ()
    %scan3A_69 = arith.constant 0 : i32
    %scan3A_70 = arith.constant 0 : i32
    %scan3A_71 = arith.constant 25 : i32
    %scan3A_72 = arith.addi %scan3A_70, %scan3A_71 : i32
    %scan3A_73 = arith.constant 1 : i32
    scf.for %scan3A_163 = %scan3A_70 to %scan3A_72 step %scan3A_73  : i32 {
      %add3A_164 = arith.constant 100 : i32
      %add3A_165 = arith.addi %add3A_164, %scan3A_163 : i32
      %mul3A_166 = arith.constant 128 : i32
      %mul3A_167 = arith.muli %add3A_165, %mul3A_166 : i32
      %mul3A_168 = arith.constant 128 : i32
      %mul3A_169 = arith.muli %scan3A_163, %mul3A_168 : i32
      %dma_start3A = arith.constant 0 : i32
      %dma_start3A_170 = tpu.memref_slice %arg6[%mul3A_169, %dma_start3A] : memref<3200x16xf32, #tpu.memory_space<vmem>> -> memref<128x16xf32, #tpu.memory_space<vmem>>
      %dma_start3A_171 = tpu.memref_slice %arg5[%mul3A_167] : memref<25600xi32, #tpu.memory_space<vmem>> -> memref<128xi32, #tpu.memory_space<vmem>>
      %dma_start3A_172 = arith.constant 0 : i32
      %dma_start3A_173 = arith.constant 0 : i32
      %dma_start3A_174 = tpu.memref_slice %arg3[%dma_start3A_172, %dma_start3A_173] : memref<1000000x16xf32, #tpu.memory_space<hbm>> -> memref<1000000x16xf32, #tpu.memory_space<hbm>>
      tpu.enqueue_indirect_dma source(%dma_start3A_174 : memref<1000000x16xf32, #tpu.memory_space<hbm>>) target(%dma_start3A_170 : memref<128x16xf32, #tpu.memory_space<vmem>>) offsets(%dma_start3A_171 : memref<128xi32, #tpu.memory_space<vmem>>) semaphore(%arg9 : memref<!tpu.dma_semaphore, #tpu.memory_space<semaphore_mem>>)
    }
    %scan3A_74 = arith.constant 25 : i32
    %dma_wait3A_75 = arith.constant 0 : i32
    %dma_wait3A_76 = arith.constant 0 : i32
    %dma_wait3A_77 = tpu.memref_slice %arg3[%dma_wait3A_75, %dma_wait3A_76] : memref<1000000x16xf32, #tpu.memory_space<hbm>> -> memref<3200x16xf32, #tpu.memory_space<hbm>>
    %dma_wait3A_78 = arith.constant 0 : i32
    %dma_wait3A_79 = arith.constant 0 : i32
    %dma_wait3A_80 = tpu.memref_slice %arg3[%dma_wait3A_78, %dma_wait3A_79] : memref<1000000x16xf32, #tpu.memory_space<hbm>> -> memref<3200x16xf32, #tpu.memory_space<hbm>>
    tpu.wait_dma2 semaphore(%arg10 : memref<!tpu.dma_semaphore, #tpu.memory_space<semaphore_mem>>) src(%dma_wait3A_80 : memref<3200x16xf32, #tpu.memory_space<hbm>>) dst(%arg7 : memref<3200x16xf32, #tpu.memory_space<vmem>>)
    %scan3A_81 = arith.constant 0 : i32
    %scan3A_82 = arith.constant 0 : i32
    %scan3A_83 = arith.constant 64 : i32
    %scan3A_84 = arith.addi %scan3A_82, %scan3A_83 : i32
    %scan3A_85 = arith.constant 1 : i32
    scf.for %scan3A_163 = %scan3A_82 to %scan3A_84 step %scan3A_85  : i32 {
      %mul3A_164 = arith.constant 50 : i32
      %mul3A_165 = arith.muli %scan3A_163, %mul3A_164 : i32
      %get3A = arith.index_cast %mul3A_165 : i32 to index
      %get3A_166 = arith.constant 0 : index
      %get3A_167 = tpu.vector_load %arg7[%get3A, %get3A_166] {strides = array<i32>} : memref<3200x16xf32, #tpu.memory_space<vmem>>, vector<1x16xf32>,
      %get3A_168 = vector.shape_cast %get3A_167 : vector<1x16xf32> to vector<16xf32>
      %add3A_169 = arith.constant 1 : i32
      %add3A_170 = arith.addi %mul3A_165, %add3A_169 : i32
      %get3A_171 = arith.index_cast %add3A_170 : i32 to index
      %get3A_172 = arith.constant 0 : index
      %get3A_173 = tpu.vector_load %arg7[%get3A_171, %get3A_172] {strides = array<i32>} : memref<3200x16xf32, #tpu.memory_space<vmem>>, vector<1x16xf32>,
      %get3A_174 = vector.shape_cast %get3A_173 : vector<1x16xf32> to vector<16xf32>
      %add3A_175 = arith.addf %get3A_168, %get3A_174 : vector<16xf32>
      %add3A_176 = arith.constant 2 : i32
      %add3A_177 = arith.addi %mul3A_165, %add3A_176 : i32
      %get3A_178 = arith.index_cast %add3A_177 : i32 to index
      %get3A_179 = arith.constant 0 : index
      %get3A_180 = tpu.vector_load %arg7[%get3A_178, %get3A_179] {strides = array<i32>} : memref<3200x16xf32, #tpu.memory_space<vmem>>, vector<1x16xf32>,
      %get3A_181 = vector.shape_cast %get3A_180 : vector<1x16xf32> to vector<16xf32>
      %add3A_182 = arith.addf %add3A_175, %get3A_181 : vector<16xf32>
      %add3A_183 = arith.constant 3 : i32
      %add3A_184 = arith.addi %mul3A_165, %add3A_183 : i32
      %get3A_185 = arith.index_cast %add3A_184 : i32 to index
      %get3A_186 = arith.constant 0 : index
      %get3A_187 = tpu.vector_load %arg7[%get3A_185, %get3A_186] {strides = array<i32>} : memref<3200x16xf32, #tpu.memory_space<vmem>>, vector<1x16xf32>,
      %get3A_188 = vector.shape_cast %get3A_187 : vector<1x16xf32> to vector<16xf32>
      %add3A_189 = arith.addf %add3A_182, %get3A_188 : vector<16xf32>
      %add3A_190 = arith.constant 4 : i32
      %add3A_191 = arith.addi %mul3A_165, %add3A_190 : i32
      %get3A_192 = arith.index_cast %add3A_191 : i32 to index
      %get3A_193 = arith.constant 0 : index
      %get3A_194 = tpu.vector_load %arg7[%get3A_192, %get3A_193] {strides = array<i32>} : memref<3200x16xf32, #tpu.memory_space<vmem>>, vector<1x16xf32>,
      %get3A_195 = vector.shape_cast %get3A_194 : vector<1x16xf32> to vector<16xf32>
      %add3A_196 = arith.addf %add3A_189, %get3A_195 : vector<16xf32>
      %add3A_197 = arith.constant 5 : i32
      %add3A_198 = arith.addi %mul3A_165, %add3A_197 : i32
      %get3A_199 = arith.index_cast %add3A_198 : i32 to index
      %get3A_200 = arith.constant 0 : index
      %get3A_201 = tpu.vector_load %arg7[%get3A_199, %get3A_200] {strides = array<i32>} : memref<3200x16xf32, #tpu.memory_space<vmem>>, vector<1x16xf32>,
      %get3A_202 = vector.shape_cast %get3A_201 : vector<1x16xf32> to vector<16xf32>
      %add3A_203 = arith.addf %add3A_196, %get3A_202 : vector<16xf32>
      %add3A_204 = arith.constant 6 : i32
      %add3A_205 = arith.addi %mul3A_165, %add3A_204 : i32
      %get3A_206 = arith.index_cast %add3A_205 : i32 to index
      %get3A_207 = arith.constant 0 : index
      %get3A_208 = tpu.vector_load %arg7[%get3A_206, %get3A_207] {strides = array<i32>} : memref<3200x16xf32, #tpu.memory_space<vmem>>, vector<1x16xf32>,
      %get3A_209 = vector.shape_cast %get3A_208 : vector<1x16xf32> to vector<16xf32>
      %add3A_210 = arith.addf %add3A_203, %get3A_209 : vector<16xf32>
      %add3A_211 = arith.constant 7 : i32
      %add3A_212 = arith.addi %mul3A_165, %add3A_211 : i32
      %get3A_213 = arith.index_cast %add3A_212 : i32 to index
      %get3A_214 = arith.constant 0 : index
      %get3A_215 = tpu.vector_load %arg7[%get3A_213, %get3A_214] {strides = array<i32>} : memref<3200x16xf32, #tpu.memory_space<vmem>>, vector<1x16xf32>,
      %get3A_216 = vector.shape_cast %get3A_215 : vector<1x16xf32> to vector<16xf32>
      %add3A_217 = arith.addf %add3A_210, %get3A_216 : vector<16xf32>
      %add3A_218 = arith.constant 8 : i32
      %add3A_219 = arith.addi %mul3A_165, %add3A_218 : i32
      %get3A_220 = arith.index_cast %add3A_219 : i32 to index
      %get3A_221 = arith.constant 0 : index
      %get3A_222 = tpu.vector_load %arg7[%get3A_220, %get3A_221] {strides = array<i32>} : memref<3200x16xf32, #tpu.memory_space<vmem>>, vector<1x16xf32>,
      %get3A_223 = vector.shape_cast %get3A_222 : vector<1x16xf32> to vector<16xf32>
      %add3A_224 = arith.addf %add3A_217, %get3A_223 : vector<16xf32>
      %add3A_225 = arith.constant 9 : i32
      %add3A_226 = arith.addi %mul3A_165, %add3A_225 : i32
      %get3A_227 = arith.index_cast %add3A_226 : i32 to index
      %get3A_228 = arith.constant 0 : index
      %get3A_229 = tpu.vector_load %arg7[%get3A_227, %get3A_228] {strides = array<i32>} : memref<3200x16xf32, #tpu.memory_space<vmem>>, vector<1x16xf32>,
      %get3A_230 = vector.shape_cast %get3A_229 : vector<1x16xf32> to vector<16xf32>
      %add3A_231 = arith.addf %add3A_224, %get3A_230 : vector<16xf32>
      %add3A_232 = arith.constant 10 : i32
      %add3A_233 = arith.addi %mul3A_165, %add3A_232 : i32
      %get3A_234 = arith.index_cast %add3A_233 : i32 to index
      %get3A_235 = arith.constant 0 : index
      %get3A_236 = tpu.vector_load %arg7[%get3A_234, %get3A_235] {strides = array<i32>} : memref<3200x16xf32, #tpu.memory_space<vmem>>, vector<1x16xf32>,
      %get3A_237 = vector.shape_cast %get3A_236 : vector<1x16xf32> to vector<16xf32>
      %add3A_238 = arith.addf %add3A_231, %get3A_237 : vector<16xf32>
      %add3A_239 = arith.constant 11 : i32
      %add3A_240 = arith.addi %mul3A_165, %add3A_239 : i32
      %get3A_241 = arith.index_cast %add3A_240 : i32 to index
      %get3A_242 = arith.constant 0 : index
      %get3A_243 = tpu.vector_load %arg7[%get3A_241, %get3A_242] {strides = array<i32>} : memref<3200x16xf32, #tpu.memory_space<vmem>>, vector<1x16xf32>,
      %get3A_244 = vector.shape_cast %get3A_243 : vector<1x16xf32> to vector<16xf32>
      %add3A_245 = arith.addf %add3A_238, %get3A_244 : vector<16xf32>
      %add3A_246 = arith.constant 12 : i32
      %add3A_247 = arith.addi %mul3A_165, %add3A_246 : i32
      %get3A_248 = arith.index_cast %add3A_247 : i32 to index
      %get3A_249 = arith.constant 0 : index
      %get3A_250 = tpu.vector_load %arg7[%get3A_248, %get3A_249] {strides = array<i32>} : memref<3200x16xf32, #tpu.memory_space<vmem>>, vector<1x16xf32>,
      %get3A_251 = vector.shape_cast %get3A_250 : vector<1x16xf32> to vector<16xf32>
      %add3A_252 = arith.addf %add3A_245, %get3A_251 : vector<16xf32>
      %add3A_253 = arith.constant 13 : i32
      %add3A_254 = arith.addi %mul3A_165, %add3A_253 : i32
      %get3A_255 = arith.index_cast %add3A_254 : i32 to index
      %get3A_256 = arith.constant 0 : index
      %get3A_257 = tpu.vector_load %arg7[%get3A_255, %get3A_256] {strides = array<i32>} : memref<3200x16xf32, #tpu.memory_space<vmem>>, vector<1x16xf32>,
      %get3A_258 = vector.shape_cast %get3A_257 : vector<1x16xf32> to vector<16xf32>
      %add3A_259 = arith.addf %add3A_252, %get3A_258 : vector<16xf32>
      %add3A_260 = arith.constant 14 : i32
      %add3A_261 = arith.addi %mul3A_165, %add3A_260 : i32
      %get3A_262 = arith.index_cast %add3A_261 : i32 to index
      %get3A_263 = arith.constant 0 : index
      %get3A_264 = tpu.vector_load %arg7[%get3A_262, %get3A_263] {strides = array<i32>} : memref<3200x16xf32, #tpu.memory_space<vmem>>, vector<1x16xf32>,
      %get3A_265 = vector.shape_cast %get3A_264 : vector<1x16xf32> to vector<16xf32>
      %add3A_266 = arith.addf %add3A_259, %get3A_265 : vector<16xf32>
      %add3A_267 = arith.constant 15 : i32
      %add3A_268 = arith.addi %mul3A_165, %add3A_267 : i32
      %get3A_269 = arith.index_cast %add3A_268 : i32 to index
      %get3A_270 = arith.constant 0 : index
      %get3A_271 = tpu.vector_load %arg7[%get3A_269, %get3A_270] {strides = array<i32>} : memref<3200x16xf32, #tpu.memory_space<vmem>>, vector<1x16xf32>,
      %get3A_272 = vector.shape_cast %get3A_271 : vector<1x16xf32> to vector<16xf32>
      %add3A_273 = arith.addf %add3A_266, %get3A_272 : vector<16xf32>
      %add3A_274 = arith.constant 16 : i32
      %add3A_275 = arith.addi %mul3A_165, %add3A_274 : i32
      %get3A_276 = arith.index_cast %add3A_275 : i32 to index
      %get3A_277 = arith.constant 0 : index
      %get3A_278 = tpu.vector_load %arg7[%get3A_276, %get3A_277] {strides = array<i32>} : memref<3200x16xf32, #tpu.memory_space<vmem>>, vector<1x16xf32>,
      %get3A_279 = vector.shape_cast %get3A_278 : vector<1x16xf32> to vector<16xf32>
      %add3A_280 = arith.addf %add3A_273, %get3A_279 : vector<16xf32>
      %add3A_281 = arith.constant 17 : i32
      %add3A_282 = arith.addi %mul3A_165, %add3A_281 : i32
      %get3A_283 = arith.index_cast %add3A_282 : i32 to index
      %get3A_284 = arith.constant 0 : index
      %get3A_285 = tpu.vector_load %arg7[%get3A_283, %get3A_284] {strides = array<i32>} : memref<3200x16xf32, #tpu.memory_space<vmem>>, vector<1x16xf32>,
      %get3A_286 = vector.shape_cast %get3A_285 : vector<1x16xf32> to vector<16xf32>
      %add3A_287 = arith.addf %add3A_280, %get3A_286 : vector<16xf32>
      %add3A_288 = arith.constant 18 : i32
      %add3A_289 = arith.addi %mul3A_165, %add3A_288 : i32
      %get3A_290 = arith.index_cast %add3A_289 : i32 to index
      %get3A_291 = arith.constant 0 : index
      %get3A_292 = tpu.vector_load %arg7[%get3A_290, %get3A_291] {strides = array<i32>} : memref<3200x16xf32, #tpu.memory_space<vmem>>, vector<1x16xf32>,
      %get3A_293 = vector.shape_cast %get3A_292 : vector<1x16xf32> to vector<16xf32>
      %add3A_294 = arith.addf %add3A_287, %get3A_293 : vector<16xf32>
      %add3A_295 = arith.constant 19 : i32
      %add3A_296 = arith.addi %mul3A_165, %add3A_295 : i32
      %get3A_297 = arith.index_cast %add3A_296 : i32 to index
      %get3A_298 = arith.constant 0 : index
      %get3A_299 = tpu.vector_load %arg7[%get3A_297, %get3A_298] {strides = array<i32>} : memref<3200x16xf32, #tpu.memory_space<vmem>>, vector<1x16xf32>,
      %get3A_300 = vector.shape_cast %get3A_299 : vector<1x16xf32> to vector<16xf32>
      %add3A_301 = arith.addf %add3A_294, %get3A_300 : vector<16xf32>
      %add3A_302 = arith.constant 20 : i32
      %add3A_303 = arith.addi %mul3A_165, %add3A_302 : i32
      %get3A_304 = arith.index_cast %add3A_303 : i32 to index
      %get3A_305 = arith.constant 0 : index
      %get3A_306 = tpu.vector_load %arg7[%get3A_304, %get3A_305] {strides = array<i32>} : memref<3200x16xf32, #tpu.memory_space<vmem>>, vector<1x16xf32>,
      %get3A_307 = vector.shape_cast %get3A_306 : vector<1x16xf32> to vector<16xf32>
      %add3A_308 = arith.addf %add3A_301, %get3A_307 : vector<16xf32>
      %add3A_309 = arith.constant 21 : i32
      %add3A_310 = arith.addi %mul3A_165, %add3A_309 : i32
      %get3A_311 = arith.index_cast %add3A_310 : i32 to index
      %get3A_312 = arith.constant 0 : index
      %get3A_313 = tpu.vector_load %arg7[%get3A_311, %get3A_312] {strides = array<i32>} : memref<3200x16xf32, #tpu.memory_space<vmem>>, vector<1x16xf32>,
      %get3A_314 = vector.shape_cast %get3A_313 : vector<1x16xf32> to vector<16xf32>
      %add3A_315 = arith.addf %add3A_308, %get3A_314 : vector<16xf32>
      %add3A_316 = arith.constant 22 : i32
      %add3A_317 = arith.addi %mul3A_165, %add3A_316 : i32
      %get3A_318 = arith.index_cast %add3A_317 : i32 to index
      %get3A_319 = arith.constant 0 : index
      %get3A_320 = tpu.vector_load %arg7[%get3A_318, %get3A_319] {strides = array<i32>} : memref<3200x16xf32, #tpu.memory_space<vmem>>, vector<1x16xf32>,
      %get3A_321 = vector.shape_cast %get3A_320 : vector<1x16xf32> to vector<16xf32>
      %add3A_322 = arith.addf %add3A_315, %get3A_321 : vector<16xf32>
      %add3A_323 = arith.constant 23 : i32
      %add3A_324 = arith.addi %mul3A_165, %add3A_323 : i32
      %get3A_325 = arith.index_cast %add3A_324 : i32 to index
      %get3A_326 = arith.constant 0 : index
      %get3A_327 = tpu.vector_load %arg7[%get3A_325, %get3A_326] {strides = array<i32>} : memref<3200x16xf32, #tpu.memory_space<vmem>>, vector<1x16xf32>,
      %get3A_328 = vector.shape_cast %get3A_327 : vector<1x16xf32> to vector<16xf32>
      %add3A_329 = arith.addf %add3A_322, %get3A_328 : vector<16xf32>
      %add3A_330 = arith.constant 24 : i32
      %add3A_331 = arith.addi %mul3A_165, %add3A_330 : i32
      %get3A_332 = arith.index_cast %add3A_331 : i32 to index
      %get3A_333 = arith.constant 0 : index
      %get3A_334 = tpu.vector_load %arg7[%get3A_332, %get3A_333] {strides = array<i32>} : memref<3200x16xf32, #tpu.memory_space<vmem>>, vector<1x16xf32>,
      %get3A_335 = vector.shape_cast %get3A_334 : vector<1x16xf32> to vector<16xf32>
      %add3A_336 = arith.addf %add3A_329, %get3A_335 : vector<16xf32>
      %add3A_337 = arith.constant 25 : i32
      %add3A_338 = arith.addi %mul3A_165, %add3A_337 : i32
      %get3A_339 = arith.index_cast %add3A_338 : i32 to index
      %get3A_340 = arith.constant 0 : index
      %get3A_341 = tpu.vector_load %arg7[%get3A_339, %get3A_340] {strides = array<i32>} : memref<3200x16xf32, #tpu.memory_space<vmem>>, vector<1x16xf32>,
      %get3A_342 = vector.shape_cast %get3A_341 : vector<1x16xf32> to vector<16xf32>
      %add3A_343 = arith.addf %add3A_336, %get3A_342 : vector<16xf32>
      %add3A_344 = arith.constant 26 : i32
      %add3A_345 = arith.addi %mul3A_165, %add3A_344 : i32
      %get3A_346 = arith.index_cast %add3A_345 : i32 to index
      %get3A_347 = arith.constant 0 : index
      %get3A_348 = tpu.vector_load %arg7[%get3A_346, %get3A_347] {strides = array<i32>} : memref<3200x16xf32, #tpu.memory_space<vmem>>, vector<1x16xf32>,
      %get3A_349 = vector.shape_cast %get3A_348 : vector<1x16xf32> to vector<16xf32>
      %add3A_350 = arith.addf %add3A_343, %get3A_349 : vector<16xf32>
      %add3A_351 = arith.constant 27 : i32
      %add3A_352 = arith.addi %mul3A_165, %add3A_351 : i32
      %get3A_353 = arith.index_cast %add3A_352 : i32 to index
      %get3A_354 = arith.constant 0 : index
      %get3A_355 = tpu.vector_load %arg7[%get3A_353, %get3A_354] {strides = array<i32>} : memref<3200x16xf32, #tpu.memory_space<vmem>>, vector<1x16xf32>,
      %get3A_356 = vector.shape_cast %get3A_355 : vector<1x16xf32> to vector<16xf32>
      %add3A_357 = arith.addf %add3A_350, %get3A_356 : vector<16xf32>
      %add3A_358 = arith.constant 28 : i32
      %add3A_359 = arith.addi %mul3A_165, %add3A_358 : i32
      %get3A_360 = arith.index_cast %add3A_359 : i32 to index
      %get3A_361 = arith.constant 0 : index
      %get3A_362 = tpu.vector_load %arg7[%get3A_360, %get3A_361] {strides = array<i32>} : memref<3200x16xf32, #tpu.memory_space<vmem>>, vector<1x16xf32>,
      %get3A_363 = vector.shape_cast %get3A_362 : vector<1x16xf32> to vector<16xf32>
      %add3A_364 = arith.addf %add3A_357, %get3A_363 : vector<16xf32>
      %add3A_365 = arith.constant 29 : i32
      %add3A_366 = arith.addi %mul3A_165, %add3A_365 : i32
      %get3A_367 = arith.index_cast %add3A_366 : i32 to index
      %get3A_368 = arith.constant 0 : index
      %get3A_369 = tpu.vector_load %arg7[%get3A_367, %get3A_368] {strides = array<i32>} : memref<3200x16xf32, #tpu.memory_space<vmem>>, vector<1x16xf32>,
      %get3A_370 = vector.shape_cast %get3A_369 : vector<1x16xf32> to vector<16xf32>
      %add3A_371 = arith.addf %add3A_364, %get3A_370 : vector<16xf32>
      %add3A_372 = arith.constant 30 : i32
      %add3A_373 = arith.addi %mul3A_165, %add3A_372 : i32
      %get3A_374 = arith.index_cast %add3A_373 : i32 to index
      %get3A_375 = arith.constant 0 : index
      %get3A_376 = tpu.vector_load %arg7[%get3A_374, %get3A_375] {strides = array<i32>} : memref<3200x16xf32, #tpu.memory_space<vmem>>, vector<1x16xf32>,
      %get3A_377 = vector.shape_cast %get3A_376 : vector<1x16xf32> to vector<16xf32>
      %add3A_378 = arith.addf %add3A_371, %get3A_377 : vector<16xf32>
      %add3A_379 = arith.constant 31 : i32
      %add3A_380 = arith.addi %mul3A_165, %add3A_379 : i32
      %get3A_381 = arith.index_cast %add3A_380 : i32 to index
      %get3A_382 = arith.constant 0 : index
      %get3A_383 = tpu.vector_load %arg7[%get3A_381, %get3A_382] {strides = array<i32>} : memref<3200x16xf32, #tpu.memory_space<vmem>>, vector<1x16xf32>,
      %get3A_384 = vector.shape_cast %get3A_383 : vector<1x16xf32> to vector<16xf32>
      %add3A_385 = arith.addf %add3A_378, %get3A_384 : vector<16xf32>
      %add3A_386 = arith.constant 32 : i32
      %add3A_387 = arith.addi %mul3A_165, %add3A_386 : i32
      %get3A_388 = arith.index_cast %add3A_387 : i32 to index
      %get3A_389 = arith.constant 0 : index
      %get3A_390 = tpu.vector_load %arg7[%get3A_388, %get3A_389] {strides = array<i32>} : memref<3200x16xf32, #tpu.memory_space<vmem>>, vector<1x16xf32>,
      %get3A_391 = vector.shape_cast %get3A_390 : vector<1x16xf32> to vector<16xf32>
      %add3A_392 = arith.addf %add3A_385, %get3A_391 : vector<16xf32>
      %add3A_393 = arith.constant 33 : i32
      %add3A_394 = arith.addi %mul3A_165, %add3A_393 : i32
      %get3A_395 = arith.index_cast %add3A_394 : i32 to index
      %get3A_396 = arith.constant 0 : index
      %get3A_397 = tpu.vector_load %arg7[%get3A_395, %get3A_396] {strides = array<i32>} : memref<3200x16xf32, #tpu.memory_space<vmem>>, vector<1x16xf32>,
      %get3A_398 = vector.shape_cast %get3A_397 : vector<1x16xf32> to vector<16xf32>
      %add3A_399 = arith.addf %add3A_392, %get3A_398 : vector<16xf32>
      %add3A_400 = arith.constant 34 : i32
      %add3A_401 = arith.addi %mul3A_165, %add3A_400 : i32
      %get3A_402 = arith.index_cast %add3A_401 : i32 to index
      %get3A_403 = arith.constant 0 : index
      %get3A_404 = tpu.vector_load %arg7[%get3A_402, %get3A_403] {strides = array<i32>} : memref<3200x16xf32, #tpu.memory_space<vmem>>, vector<1x16xf32>,
      %get3A_405 = vector.shape_cast %get3A_404 : vector<1x16xf32> to vector<16xf32>
      %add3A_406 = arith.addf %add3A_399, %get3A_405 : vector<16xf32>
      %add3A_407 = arith.constant 35 : i32
      %add3A_408 = arith.addi %mul3A_165, %add3A_407 : i32
      %get3A_409 = arith.index_cast %add3A_408 : i32 to index
      %get3A_410 = arith.constant 0 : index
      %get3A_411 = tpu.vector_load %arg7[%get3A_409, %get3A_410] {strides = array<i32>} : memref<3200x16xf32, #tpu.memory_space<vmem>>, vector<1x16xf32>,
      %get3A_412 = vector.shape_cast %get3A_411 : vector<1x16xf32> to vector<16xf32>
      %add3A_413 = arith.addf %add3A_406, %get3A_412 : vector<16xf32>
      %add3A_414 = arith.constant 36 : i32
      %add3A_415 = arith.addi %mul3A_165, %add3A_414 : i32
      %get3A_416 = arith.index_cast %add3A_415 : i32 to index
      %get3A_417 = arith.constant 0 : index
      %get3A_418 = tpu.vector_load %arg7[%get3A_416, %get3A_417] {strides = array<i32>} : memref<3200x16xf32, #tpu.memory_space<vmem>>, vector<1x16xf32>,
      %get3A_419 = vector.shape_cast %get3A_418 : vector<1x16xf32> to vector<16xf32>
      %add3A_420 = arith.addf %add3A_413, %get3A_419 : vector<16xf32>
      %add3A_421 = arith.constant 37 : i32
      %add3A_422 = arith.addi %mul3A_165, %add3A_421 : i32
      %get3A_423 = arith.index_cast %add3A_422 : i32 to index
      %get3A_424 = arith.constant 0 : index
      %get3A_425 = tpu.vector_load %arg7[%get3A_423, %get3A_424] {strides = array<i32>} : memref<3200x16xf32, #tpu.memory_space<vmem>>, vector<1x16xf32>,
      %get3A_426 = vector.shape_cast %get3A_425 : vector<1x16xf32> to vector<16xf32>
      %add3A_427 = arith.addf %add3A_420, %get3A_426 : vector<16xf32>
      %add3A_428 = arith.constant 38 : i32
      %add3A_429 = arith.addi %mul3A_165, %add3A_428 : i32
      %get3A_430 = arith.index_cast %add3A_429 : i32 to index
      %get3A_431 = arith.constant 0 : index
      %get3A_432 = tpu.vector_load %arg7[%get3A_430, %get3A_431] {strides = array<i32>} : memref<3200x16xf32, #tpu.memory_space<vmem>>, vector<1x16xf32>,
      %get3A_433 = vector.shape_cast %get3A_432 : vector<1x16xf32> to vector<16xf32>
      %add3A_434 = arith.addf %add3A_427, %get3A_433 : vector<16xf32>
      %add3A_435 = arith.constant 39 : i32
      %add3A_436 = arith.addi %mul3A_165, %add3A_435 : i32
      %get3A_437 = arith.index_cast %add3A_436 : i32 to index
      %get3A_438 = arith.constant 0 : index
      %get3A_439 = tpu.vector_load %arg7[%get3A_437, %get3A_438] {strides = array<i32>} : memref<3200x16xf32, #tpu.memory_space<vmem>>, vector<1x16xf32>,
      %get3A_440 = vector.shape_cast %get3A_439 : vector<1x16xf32> to vector<16xf32>
      %add3A_441 = arith.addf %add3A_434, %get3A_440 : vector<16xf32>
      %add3A_442 = arith.constant 40 : i32
      %add3A_443 = arith.addi %mul3A_165, %add3A_442 : i32
      %get3A_444 = arith.index_cast %add3A_443 : i32 to index
      %get3A_445 = arith.constant 0 : index
      %get3A_446 = tpu.vector_load %arg7[%get3A_444, %get3A_445] {strides = array<i32>} : memref<3200x16xf32, #tpu.memory_space<vmem>>, vector<1x16xf32>,
      %get3A_447 = vector.shape_cast %get3A_446 : vector<1x16xf32> to vector<16xf32>
      %add3A_448 = arith.addf %add3A_441, %get3A_447 : vector<16xf32>
      %add3A_449 = arith.constant 41 : i32
      %add3A_450 = arith.addi %mul3A_165, %add3A_449 : i32
      %get3A_451 = arith.index_cast %add3A_450 : i32 to index
      %get3A_452 = arith.constant 0 : index
      %get3A_453 = tpu.vector_load %arg7[%get3A_451, %get3A_452] {strides = array<i32>} : memref<3200x16xf32, #tpu.memory_space<vmem>>, vector<1x16xf32>,
      %get3A_454 = vector.shape_cast %get3A_453 : vector<1x16xf32> to vector<16xf32>
      %add3A_455 = arith.addf %add3A_448, %get3A_454 : vector<16xf32>
      %add3A_456 = arith.constant 42 : i32
      %add3A_457 = arith.addi %mul3A_165, %add3A_456 : i32
      %get3A_458 = arith.index_cast %add3A_457 : i32 to index
      %get3A_459 = arith.constant 0 : index
      %get3A_460 = tpu.vector_load %arg7[%get3A_458, %get3A_459] {strides = array<i32>} : memref<3200x16xf32, #tpu.memory_space<vmem>>, vector<1x16xf32>,
      %get3A_461 = vector.shape_cast %get3A_460 : vector<1x16xf32> to vector<16xf32>
      %add3A_462 = arith.addf %add3A_455, %get3A_461 : vector<16xf32>
      %add3A_463 = arith.constant 43 : i32
      %add3A_464 = arith.addi %mul3A_165, %add3A_463 : i32
      %get3A_465 = arith.index_cast %add3A_464 : i32 to index
      %get3A_466 = arith.constant 0 : index
      %get3A_467 = tpu.vector_load %arg7[%get3A_465, %get3A_466] {strides = array<i32>} : memref<3200x16xf32, #tpu.memory_space<vmem>>, vector<1x16xf32>,
      %get3A_468 = vector.shape_cast %get3A_467 : vector<1x16xf32> to vector<16xf32>
      %add3A_469 = arith.addf %add3A_462, %get3A_468 : vector<16xf32>
      %add3A_470 = arith.constant 44 : i32
      %add3A_471 = arith.addi %mul3A_165, %add3A_470 : i32
      %get3A_472 = arith.index_cast %add3A_471 : i32 to index
      %get3A_473 = arith.constant 0 : index
      %get3A_474 = tpu.vector_load %arg7[%get3A_472, %get3A_473] {strides = array<i32>} : memref<3200x16xf32, #tpu.memory_space<vmem>>, vector<1x16xf32>,
      %get3A_475 = vector.shape_cast %get3A_474 : vector<1x16xf32> to vector<16xf32>
      %add3A_476 = arith.addf %add3A_469, %get3A_475 : vector<16xf32>
      %add3A_477 = arith.constant 45 : i32
      %add3A_478 = arith.addi %mul3A_165, %add3A_477 : i32
      %get3A_479 = arith.index_cast %add3A_478 : i32 to index
      %get3A_480 = arith.constant 0 : index
      %get3A_481 = tpu.vector_load %arg7[%get3A_479, %get3A_480] {strides = array<i32>} : memref<3200x16xf32, #tpu.memory_space<vmem>>, vector<1x16xf32>,
      %get3A_482 = vector.shape_cast %get3A_481 : vector<1x16xf32> to vector<16xf32>
      %add3A_483 = arith.addf %add3A_476, %get3A_482 : vector<16xf32>
      %add3A_484 = arith.constant 46 : i32
      %add3A_485 = arith.addi %mul3A_165, %add3A_484 : i32
      %get3A_486 = arith.index_cast %add3A_485 : i32 to index
      %get3A_487 = arith.constant 0 : index
      %get3A_488 = tpu.vector_load %arg7[%get3A_486, %get3A_487] {strides = array<i32>} : memref<3200x16xf32, #tpu.memory_space<vmem>>, vector<1x16xf32>,
      %get3A_489 = vector.shape_cast %get3A_488 : vector<1x16xf32> to vector<16xf32>
      %add3A_490 = arith.addf %add3A_483, %get3A_489 : vector<16xf32>
      %add3A_491 = arith.constant 47 : i32
      %add3A_492 = arith.addi %mul3A_165, %add3A_491 : i32
      %get3A_493 = arith.index_cast %add3A_492 : i32 to index
      %get3A_494 = arith.constant 0 : index
      %get3A_495 = tpu.vector_load %arg7[%get3A_493, %get3A_494] {strides = array<i32>} : memref<3200x16xf32, #tpu.memory_space<vmem>>, vector<1x16xf32>,
      %get3A_496 = vector.shape_cast %get3A_495 : vector<1x16xf32> to vector<16xf32>
      %add3A_497 = arith.addf %add3A_490, %get3A_496 : vector<16xf32>
      %add3A_498 = arith.constant 48 : i32
      %add3A_499 = arith.addi %mul3A_165, %add3A_498 : i32
      %get3A_500 = arith.index_cast %add3A_499 : i32 to index
      %get3A_501 = arith.constant 0 : index
      %get3A_502 = tpu.vector_load %arg7[%get3A_500, %get3A_501] {strides = array<i32>} : memref<3200x16xf32, #tpu.memory_space<vmem>>, vector<1x16xf32>,
      %get3A_503 = vector.shape_cast %get3A_502 : vector<1x16xf32> to vector<16xf32>
      %add3A_504 = arith.addf %add3A_497, %get3A_503 : vector<16xf32>
      %add3A_505 = arith.constant 49 : i32
      %add3A_506 = arith.addi %mul3A_165, %add3A_505 : i32
      %get3A_507 = arith.index_cast %add3A_506 : i32 to index
      %get3A_508 = arith.constant 0 : index
      %get3A_509 = tpu.vector_load %arg7[%get3A_507, %get3A_508] {strides = array<i32>} : memref<3200x16xf32, #tpu.memory_space<vmem>>, vector<1x16xf32>,
      %get3A_510 = vector.shape_cast %get3A_509 : vector<1x16xf32> to vector<16xf32>
      %add3A_511 = arith.addf %add3A_504, %get3A_510 : vector<16xf32>
      %swap3A = arith.index_cast %scan3A_163 : i32 to index
      %swap3A_512 = arith.constant 0 : index
      %swap3A_513 = tpu.vector_load %arg8[%swap3A, %swap3A_512] {strides = array<i32>} : memref<64x16xf32, #tpu.memory_space<vmem>>, vector<1x16xf32>,
      %swap3A_514 = vector.shape_cast %swap3A_513 : vector<1x16xf32> to vector<16xf32>
      %swap3A_515 = vector.shape_cast %add3A_511 : vector<16xf32> to vector<1x16xf32>
      tpu.vector_store %arg8[%swap3A, %swap3A_512], %swap3A_515 {strides = array<i32>} : memref<64x16xf32, #tpu.memory_space<vmem>>, vector<1x16xf32>,
    }
    %scan3A_86 = arith.constant 64 : i32
    %add3A_87 = arith.constant 192 : i32
    %add3A_88 = arith.addi %mul3A_4, %add3A_87 : i32
    "tpu.region"() ({
      %run_scoped3A = tpu.sem_alloc : memref<!tpu.dma_semaphore, #tpu.memory_space<semaphore_mem>>
      %dma_start3A = arith.constant 0 : i32
      %dma_start3A_163 = tpu.memref_slice %arg4[%add3A_88, %dma_start3A] : memref<16384x16xf32, #tpu.memory_space<hbm>> -> memref<64x16xf32, #tpu.memory_space<hbm>>
      %dma_start3A_164 = arith.constant 0 : i32
      %dma_start3A_165 = tpu.memref_slice %arg4[%add3A_88, %dma_start3A_164] : memref<16384x16xf32, #tpu.memory_space<hbm>> -> memref<64x16xf32, #tpu.memory_space<hbm>>
      tpu.enqueue_dma source(%arg8 : memref<64x16xf32, #tpu.memory_space<vmem>>) target(%dma_start3A_165 : memref<64x16xf32, #tpu.memory_space<hbm>>) target_semaphore(%run_scoped3A : memref<!tpu.dma_semaphore, #tpu.memory_space<semaphore_mem>>)
      %dma_wait3A_166 = arith.constant 0 : i32
      %dma_wait3A_167 = tpu.memref_slice %arg4[%add3A_88, %dma_wait3A_166] : memref<16384x16xf32, #tpu.memory_space<hbm>> -> memref<64x16xf32, #tpu.memory_space<hbm>>
      %dma_wait3A_168 = arith.constant 0 : i32
      %dma_wait3A_169 = tpu.memref_slice %arg4[%add3A_88, %dma_wait3A_168] : memref<16384x16xf32, #tpu.memory_space<hbm>> -> memref<64x16xf32, #tpu.memory_space<hbm>>
      tpu.wait_dma2 semaphore(%run_scoped3A : memref<!tpu.dma_semaphore, #tpu.memory_space<semaphore_mem>>) src(%arg8 : memref<64x16xf32, #tpu.memory_space<vmem>>) dst(%dma_wait3A_169 : memref<64x16xf32, #tpu.memory_space<hbm>>)
      tpu.yield
    }) : () -> ()
    %scan3A_89 = arith.constant 0 : i32
    %scan3A_90 = arith.constant 0 : i32
    %scan3A_91 = arith.constant 25 : i32
    %scan3A_92 = arith.addi %scan3A_90, %scan3A_91 : i32
    %scan3A_93 = arith.constant 1 : i32
    scf.for %scan3A_163 = %scan3A_90 to %scan3A_92 step %scan3A_93  : i32 {
      %add3A_164 = arith.constant 125 : i32
      %add3A_165 = arith.addi %add3A_164, %scan3A_163 : i32
      %mul3A_166 = arith.constant 128 : i32
      %mul3A_167 = arith.muli %add3A_165, %mul3A_166 : i32
      %mul3A_168 = arith.constant 128 : i32
      %mul3A_169 = arith.muli %scan3A_163, %mul3A_168 : i32
      %dma_start3A = arith.constant 0 : i32
      %dma_start3A_170 = tpu.memref_slice %arg7[%mul3A_169, %dma_start3A] : memref<3200x16xf32, #tpu.memory_space<vmem>> -> memref<128x16xf32, #tpu.memory_space<vmem>>
      %dma_start3A_171 = tpu.memref_slice %arg5[%mul3A_167] : memref<25600xi32, #tpu.memory_space<vmem>> -> memref<128xi32, #tpu.memory_space<vmem>>
      %dma_start3A_172 = arith.constant 0 : i32
      %dma_start3A_173 = arith.constant 0 : i32
      %dma_start3A_174 = tpu.memref_slice %arg3[%dma_start3A_172, %dma_start3A_173] : memref<1000000x16xf32, #tpu.memory_space<hbm>> -> memref<1000000x16xf32, #tpu.memory_space<hbm>>
      tpu.enqueue_indirect_dma source(%dma_start3A_174 : memref<1000000x16xf32, #tpu.memory_space<hbm>>) target(%dma_start3A_170 : memref<128x16xf32, #tpu.memory_space<vmem>>) offsets(%dma_start3A_171 : memref<128xi32, #tpu.memory_space<vmem>>) semaphore(%arg10 : memref<!tpu.dma_semaphore, #tpu.memory_space<semaphore_mem>>)
    }
    %scan3A_94 = arith.constant 25 : i32
    %dma_wait3A_95 = arith.constant 0 : i32
    %dma_wait3A_96 = arith.constant 0 : i32
    %dma_wait3A_97 = tpu.memref_slice %arg3[%dma_wait3A_95, %dma_wait3A_96] : memref<1000000x16xf32, #tpu.memory_space<hbm>> -> memref<3200x16xf32, #tpu.memory_space<hbm>>
    %dma_wait3A_98 = arith.constant 0 : i32
    %dma_wait3A_99 = arith.constant 0 : i32
    %dma_wait3A_100 = tpu.memref_slice %arg3[%dma_wait3A_98, %dma_wait3A_99] : memref<1000000x16xf32, #tpu.memory_space<hbm>> -> memref<3200x16xf32, #tpu.memory_space<hbm>>
    tpu.wait_dma2 semaphore(%arg9 : memref<!tpu.dma_semaphore, #tpu.memory_space<semaphore_mem>>) src(%dma_wait3A_100 : memref<3200x16xf32, #tpu.memory_space<hbm>>) dst(%arg6 : memref<3200x16xf32, #tpu.memory_space<vmem>>)
    %scan3A_101 = arith.constant 0 : i32
    %scan3A_102 = arith.constant 0 : i32
    %scan3A_103 = arith.constant 64 : i32
    %scan3A_104 = arith.addi %scan3A_102, %scan3A_103 : i32
    %scan3A_105 = arith.constant 1 : i32
    scf.for %scan3A_163 = %scan3A_102 to %scan3A_104 step %scan3A_105  : i32 {
      %mul3A_164 = arith.constant 50 : i32
      %mul3A_165 = arith.muli %scan3A_163, %mul3A_164 : i32
      %get3A = arith.index_cast %mul3A_165 : i32 to index
      %get3A_166 = arith.constant 0 : index
      %get3A_167 = tpu.vector_load %arg6[%get3A, %get3A_166] {strides = array<i32>} : memref<3200x16xf32, #tpu.memory_space<vmem>>, vector<1x16xf32>,
      %get3A_168 = vector.shape_cast %get3A_167 : vector<1x16xf32> to vector<16xf32>
      %add3A_169 = arith.constant 1 : i32
      %add3A_170 = arith.addi %mul3A_165, %add3A_169 : i32
      %get3A_171 = arith.index_cast %add3A_170 : i32 to index
      %get3A_172 = arith.constant 0 : index
      %get3A_173 = tpu.vector_load %arg6[%get3A_171, %get3A_172] {strides = array<i32>} : memref<3200x16xf32, #tpu.memory_space<vmem>>, vector<1x16xf32>,
      %get3A_174 = vector.shape_cast %get3A_173 : vector<1x16xf32> to vector<16xf32>
      %add3A_175 = arith.addf %get3A_168, %get3A_174 : vector<16xf32>
      %add3A_176 = arith.constant 2 : i32
      %add3A_177 = arith.addi %mul3A_165, %add3A_176 : i32
      %get3A_178 = arith.index_cast %add3A_177 : i32 to index
      %get3A_179 = arith.constant 0 : index
      %get3A_180 = tpu.vector_load %arg6[%get3A_178, %get3A_179] {strides = array<i32>} : memref<3200x16xf32, #tpu.memory_space<vmem>>, vector<1x16xf32>,
      %get3A_181 = vector.shape_cast %get3A_180 : vector<1x16xf32> to vector<16xf32>
      %add3A_182 = arith.addf %add3A_175, %get3A_181 : vector<16xf32>
      %add3A_183 = arith.constant 3 : i32
      %add3A_184 = arith.addi %mul3A_165, %add3A_183 : i32
      %get3A_185 = arith.index_cast %add3A_184 : i32 to index
      %get3A_186 = arith.constant 0 : index
      %get3A_187 = tpu.vector_load %arg6[%get3A_185, %get3A_186] {strides = array<i32>} : memref<3200x16xf32, #tpu.memory_space<vmem>>, vector<1x16xf32>,
      %get3A_188 = vector.shape_cast %get3A_187 : vector<1x16xf32> to vector<16xf32>
      %add3A_189 = arith.addf %add3A_182, %get3A_188 : vector<16xf32>
      %add3A_190 = arith.constant 4 : i32
      %add3A_191 = arith.addi %mul3A_165, %add3A_190 : i32
      %get3A_192 = arith.index_cast %add3A_191 : i32 to index
      %get3A_193 = arith.constant 0 : index
      %get3A_194 = tpu.vector_load %arg6[%get3A_192, %get3A_193] {strides = array<i32>} : memref<3200x16xf32, #tpu.memory_space<vmem>>, vector<1x16xf32>,
      %get3A_195 = vector.shape_cast %get3A_194 : vector<1x16xf32> to vector<16xf32>
      %add3A_196 = arith.addf %add3A_189, %get3A_195 : vector<16xf32>
      %add3A_197 = arith.constant 5 : i32
      %add3A_198 = arith.addi %mul3A_165, %add3A_197 : i32
      %get3A_199 = arith.index_cast %add3A_198 : i32 to index
      %get3A_200 = arith.constant 0 : index
      %get3A_201 = tpu.vector_load %arg6[%get3A_199, %get3A_200] {strides = array<i32>} : memref<3200x16xf32, #tpu.memory_space<vmem>>, vector<1x16xf32>,
      %get3A_202 = vector.shape_cast %get3A_201 : vector<1x16xf32> to vector<16xf32>
      %add3A_203 = arith.addf %add3A_196, %get3A_202 : vector<16xf32>
      %add3A_204 = arith.constant 6 : i32
      %add3A_205 = arith.addi %mul3A_165, %add3A_204 : i32
      %get3A_206 = arith.index_cast %add3A_205 : i32 to index
      %get3A_207 = arith.constant 0 : index
      %get3A_208 = tpu.vector_load %arg6[%get3A_206, %get3A_207] {strides = array<i32>} : memref<3200x16xf32, #tpu.memory_space<vmem>>, vector<1x16xf32>,
      %get3A_209 = vector.shape_cast %get3A_208 : vector<1x16xf32> to vector<16xf32>
      %add3A_210 = arith.addf %add3A_203, %get3A_209 : vector<16xf32>
      %add3A_211 = arith.constant 7 : i32
      %add3A_212 = arith.addi %mul3A_165, %add3A_211 : i32
      %get3A_213 = arith.index_cast %add3A_212 : i32 to index
      %get3A_214 = arith.constant 0 : index
      %get3A_215 = tpu.vector_load %arg6[%get3A_213, %get3A_214] {strides = array<i32>} : memref<3200x16xf32, #tpu.memory_space<vmem>>, vector<1x16xf32>,
      %get3A_216 = vector.shape_cast %get3A_215 : vector<1x16xf32> to vector<16xf32>
      %add3A_217 = arith.addf %add3A_210, %get3A_216 : vector<16xf32>
      %add3A_218 = arith.constant 8 : i32
      %add3A_219 = arith.addi %mul3A_165, %add3A_218 : i32
      %get3A_220 = arith.index_cast %add3A_219 : i32 to index
      %get3A_221 = arith.constant 0 : index
      %get3A_222 = tpu.vector_load %arg6[%get3A_220, %get3A_221] {strides = array<i32>} : memref<3200x16xf32, #tpu.memory_space<vmem>>, vector<1x16xf32>,
      %get3A_223 = vector.shape_cast %get3A_222 : vector<1x16xf32> to vector<16xf32>
      %add3A_224 = arith.addf %add3A_217, %get3A_223 : vector<16xf32>
      %add3A_225 = arith.constant 9 : i32
      %add3A_226 = arith.addi %mul3A_165, %add3A_225 : i32
      %get3A_227 = arith.index_cast %add3A_226 : i32 to index
      %get3A_228 = arith.constant 0 : index
      %get3A_229 = tpu.vector_load %arg6[%get3A_227, %get3A_228] {strides = array<i32>} : memref<3200x16xf32, #tpu.memory_space<vmem>>, vector<1x16xf32>,
      %get3A_230 = vector.shape_cast %get3A_229 : vector<1x16xf32> to vector<16xf32>
      %add3A_231 = arith.addf %add3A_224, %get3A_230 : vector<16xf32>
      %add3A_232 = arith.constant 10 : i32
      %add3A_233 = arith.addi %mul3A_165, %add3A_232 : i32
      %get3A_234 = arith.index_cast %add3A_233 : i32 to index
      %get3A_235 = arith.constant 0 : index
      %get3A_236 = tpu.vector_load %arg6[%get3A_234, %get3A_235] {strides = array<i32>} : memref<3200x16xf32, #tpu.memory_space<vmem>>, vector<1x16xf32>,
      %get3A_237 = vector.shape_cast %get3A_236 : vector<1x16xf32> to vector<16xf32>
      %add3A_238 = arith.addf %add3A_231, %get3A_237 : vector<16xf32>
      %add3A_239 = arith.constant 11 : i32
      %add3A_240 = arith.addi %mul3A_165, %add3A_239 : i32
      %get3A_241 = arith.index_cast %add3A_240 : i32 to index
      %get3A_242 = arith.constant 0 : index
      %get3A_243 = tpu.vector_load %arg6[%get3A_241, %get3A_242] {strides = array<i32>} : memref<3200x16xf32, #tpu.memory_space<vmem>>, vector<1x16xf32>,
      %get3A_244 = vector.shape_cast %get3A_243 : vector<1x16xf32> to vector<16xf32>
      %add3A_245 = arith.addf %add3A_238, %get3A_244 : vector<16xf32>
      %add3A_246 = arith.constant 12 : i32
      %add3A_247 = arith.addi %mul3A_165, %add3A_246 : i32
      %get3A_248 = arith.index_cast %add3A_247 : i32 to index
      %get3A_249 = arith.constant 0 : index
      %get3A_250 = tpu.vector_load %arg6[%get3A_248, %get3A_249] {strides = array<i32>} : memref<3200x16xf32, #tpu.memory_space<vmem>>, vector<1x16xf32>,
      %get3A_251 = vector.shape_cast %get3A_250 : vector<1x16xf32> to vector<16xf32>
      %add3A_252 = arith.addf %add3A_245, %get3A_251 : vector<16xf32>
      %add3A_253 = arith.constant 13 : i32
      %add3A_254 = arith.addi %mul3A_165, %add3A_253 : i32
      %get3A_255 = arith.index_cast %add3A_254 : i32 to index
      %get3A_256 = arith.constant 0 : index
      %get3A_257 = tpu.vector_load %arg6[%get3A_255, %get3A_256] {strides = array<i32>} : memref<3200x16xf32, #tpu.memory_space<vmem>>, vector<1x16xf32>,
      %get3A_258 = vector.shape_cast %get3A_257 : vector<1x16xf32> to vector<16xf32>
      %add3A_259 = arith.addf %add3A_252, %get3A_258 : vector<16xf32>
      %add3A_260 = arith.constant 14 : i32
      %add3A_261 = arith.addi %mul3A_165, %add3A_260 : i32
      %get3A_262 = arith.index_cast %add3A_261 : i32 to index
      %get3A_263 = arith.constant 0 : index
      %get3A_264 = tpu.vector_load %arg6[%get3A_262, %get3A_263] {strides = array<i32>} : memref<3200x16xf32, #tpu.memory_space<vmem>>, vector<1x16xf32>,
      %get3A_265 = vector.shape_cast %get3A_264 : vector<1x16xf32> to vector<16xf32>
      %add3A_266 = arith.addf %add3A_259, %get3A_265 : vector<16xf32>
      %add3A_267 = arith.constant 15 : i32
      %add3A_268 = arith.addi %mul3A_165, %add3A_267 : i32
      %get3A_269 = arith.index_cast %add3A_268 : i32 to index
      %get3A_270 = arith.constant 0 : index
      %get3A_271 = tpu.vector_load %arg6[%get3A_269, %get3A_270] {strides = array<i32>} : memref<3200x16xf32, #tpu.memory_space<vmem>>, vector<1x16xf32>,
      %get3A_272 = vector.shape_cast %get3A_271 : vector<1x16xf32> to vector<16xf32>
      %add3A_273 = arith.addf %add3A_266, %get3A_272 : vector<16xf32>
      %add3A_274 = arith.constant 16 : i32
      %add3A_275 = arith.addi %mul3A_165, %add3A_274 : i32
      %get3A_276 = arith.index_cast %add3A_275 : i32 to index
      %get3A_277 = arith.constant 0 : index
      %get3A_278 = tpu.vector_load %arg6[%get3A_276, %get3A_277] {strides = array<i32>} : memref<3200x16xf32, #tpu.memory_space<vmem>>, vector<1x16xf32>,
      %get3A_279 = vector.shape_cast %get3A_278 : vector<1x16xf32> to vector<16xf32>
      %add3A_280 = arith.addf %add3A_273, %get3A_279 : vector<16xf32>
      %add3A_281 = arith.constant 17 : i32
      %add3A_282 = arith.addi %mul3A_165, %add3A_281 : i32
      %get3A_283 = arith.index_cast %add3A_282 : i32 to index
      %get3A_284 = arith.constant 0 : index
      %get3A_285 = tpu.vector_load %arg6[%get3A_283, %get3A_284] {strides = array<i32>} : memref<3200x16xf32, #tpu.memory_space<vmem>>, vector<1x16xf32>,
      %get3A_286 = vector.shape_cast %get3A_285 : vector<1x16xf32> to vector<16xf32>
      %add3A_287 = arith.addf %add3A_280, %get3A_286 : vector<16xf32>
      %add3A_288 = arith.constant 18 : i32
      %add3A_289 = arith.addi %mul3A_165, %add3A_288 : i32
      %get3A_290 = arith.index_cast %add3A_289 : i32 to index
      %get3A_291 = arith.constant 0 : index
      %get3A_292 = tpu.vector_load %arg6[%get3A_290, %get3A_291] {strides = array<i32>} : memref<3200x16xf32, #tpu.memory_space<vmem>>, vector<1x16xf32>,
      %get3A_293 = vector.shape_cast %get3A_292 : vector<1x16xf32> to vector<16xf32>
      %add3A_294 = arith.addf %add3A_287, %get3A_293 : vector<16xf32>
      %add3A_295 = arith.constant 19 : i32
      %add3A_296 = arith.addi %mul3A_165, %add3A_295 : i32
      %get3A_297 = arith.index_cast %add3A_296 : i32 to index
      %get3A_298 = arith.constant 0 : index
      %get3A_299 = tpu.vector_load %arg6[%get3A_297, %get3A_298] {strides = array<i32>} : memref<3200x16xf32, #tpu.memory_space<vmem>>, vector<1x16xf32>,
      %get3A_300 = vector.shape_cast %get3A_299 : vector<1x16xf32> to vector<16xf32>
      %add3A_301 = arith.addf %add3A_294, %get3A_300 : vector<16xf32>
      %add3A_302 = arith.constant 20 : i32
      %add3A_303 = arith.addi %mul3A_165, %add3A_302 : i32
      %get3A_304 = arith.index_cast %add3A_303 : i32 to index
      %get3A_305 = arith.constant 0 : index
      %get3A_306 = tpu.vector_load %arg6[%get3A_304, %get3A_305] {strides = array<i32>} : memref<3200x16xf32, #tpu.memory_space<vmem>>, vector<1x16xf32>,
      %get3A_307 = vector.shape_cast %get3A_306 : vector<1x16xf32> to vector<16xf32>
      %add3A_308 = arith.addf %add3A_301, %get3A_307 : vector<16xf32>
      %add3A_309 = arith.constant 21 : i32
      %add3A_310 = arith.addi %mul3A_165, %add3A_309 : i32
      %get3A_311 = arith.index_cast %add3A_310 : i32 to index
      %get3A_312 = arith.constant 0 : index
      %get3A_313 = tpu.vector_load %arg6[%get3A_311, %get3A_312] {strides = array<i32>} : memref<3200x16xf32, #tpu.memory_space<vmem>>, vector<1x16xf32>,
      %get3A_314 = vector.shape_cast %get3A_313 : vector<1x16xf32> to vector<16xf32>
      %add3A_315 = arith.addf %add3A_308, %get3A_314 : vector<16xf32>
      %add3A_316 = arith.constant 22 : i32
      %add3A_317 = arith.addi %mul3A_165, %add3A_316 : i32
      %get3A_318 = arith.index_cast %add3A_317 : i32 to index
      %get3A_319 = arith.constant 0 : index
      %get3A_320 = tpu.vector_load %arg6[%get3A_318, %get3A_319] {strides = array<i32>} : memref<3200x16xf32, #tpu.memory_space<vmem>>, vector<1x16xf32>,
      %get3A_321 = vector.shape_cast %get3A_320 : vector<1x16xf32> to vector<16xf32>
      %add3A_322 = arith.addf %add3A_315, %get3A_321 : vector<16xf32>
      %add3A_323 = arith.constant 23 : i32
      %add3A_324 = arith.addi %mul3A_165, %add3A_323 : i32
      %get3A_325 = arith.index_cast %add3A_324 : i32 to index
      %get3A_326 = arith.constant 0 : index
      %get3A_327 = tpu.vector_load %arg6[%get3A_325, %get3A_326] {strides = array<i32>} : memref<3200x16xf32, #tpu.memory_space<vmem>>, vector<1x16xf32>,
      %get3A_328 = vector.shape_cast %get3A_327 : vector<1x16xf32> to vector<16xf32>
      %add3A_329 = arith.addf %add3A_322, %get3A_328 : vector<16xf32>
      %add3A_330 = arith.constant 24 : i32
      %add3A_331 = arith.addi %mul3A_165, %add3A_330 : i32
      %get3A_332 = arith.index_cast %add3A_331 : i32 to index
      %get3A_333 = arith.constant 0 : index
      %get3A_334 = tpu.vector_load %arg6[%get3A_332, %get3A_333] {strides = array<i32>} : memref<3200x16xf32, #tpu.memory_space<vmem>>, vector<1x16xf32>,
      %get3A_335 = vector.shape_cast %get3A_334 : vector<1x16xf32> to vector<16xf32>
      %add3A_336 = arith.addf %add3A_329, %get3A_335 : vector<16xf32>
      %add3A_337 = arith.constant 25 : i32
      %add3A_338 = arith.addi %mul3A_165, %add3A_337 : i32
      %get3A_339 = arith.index_cast %add3A_338 : i32 to index
      %get3A_340 = arith.constant 0 : index
      %get3A_341 = tpu.vector_load %arg6[%get3A_339, %get3A_340] {strides = array<i32>} : memref<3200x16xf32, #tpu.memory_space<vmem>>, vector<1x16xf32>,
      %get3A_342 = vector.shape_cast %get3A_341 : vector<1x16xf32> to vector<16xf32>
      %add3A_343 = arith.addf %add3A_336, %get3A_342 : vector<16xf32>
      %add3A_344 = arith.constant 26 : i32
      %add3A_345 = arith.addi %mul3A_165, %add3A_344 : i32
      %get3A_346 = arith.index_cast %add3A_345 : i32 to index
      %get3A_347 = arith.constant 0 : index
      %get3A_348 = tpu.vector_load %arg6[%get3A_346, %get3A_347] {strides = array<i32>} : memref<3200x16xf32, #tpu.memory_space<vmem>>, vector<1x16xf32>,
      %get3A_349 = vector.shape_cast %get3A_348 : vector<1x16xf32> to vector<16xf32>
      %add3A_350 = arith.addf %add3A_343, %get3A_349 : vector<16xf32>
      %add3A_351 = arith.constant 27 : i32
      %add3A_352 = arith.addi %mul3A_165, %add3A_351 : i32
      %get3A_353 = arith.index_cast %add3A_352 : i32 to index
      %get3A_354 = arith.constant 0 : index
      %get3A_355 = tpu.vector_load %arg6[%get3A_353, %get3A_354] {strides = array<i32>} : memref<3200x16xf32, #tpu.memory_space<vmem>>, vector<1x16xf32>,
      %get3A_356 = vector.shape_cast %get3A_355 : vector<1x16xf32> to vector<16xf32>
      %add3A_357 = arith.addf %add3A_350, %get3A_356 : vector<16xf32>
      %add3A_358 = arith.constant 28 : i32
      %add3A_359 = arith.addi %mul3A_165, %add3A_358 : i32
      %get3A_360 = arith.index_cast %add3A_359 : i32 to index
      %get3A_361 = arith.constant 0 : index
      %get3A_362 = tpu.vector_load %arg6[%get3A_360, %get3A_361] {strides = array<i32>} : memref<3200x16xf32, #tpu.memory_space<vmem>>, vector<1x16xf32>,
      %get3A_363 = vector.shape_cast %get3A_362 : vector<1x16xf32> to vector<16xf32>
      %add3A_364 = arith.addf %add3A_357, %get3A_363 : vector<16xf32>
      %add3A_365 = arith.constant 29 : i32
      %add3A_366 = arith.addi %mul3A_165, %add3A_365 : i32
      %get3A_367 = arith.index_cast %add3A_366 : i32 to index
      %get3A_368 = arith.constant 0 : index
      %get3A_369 = tpu.vector_load %arg6[%get3A_367, %get3A_368] {strides = array<i32>} : memref<3200x16xf32, #tpu.memory_space<vmem>>, vector<1x16xf32>,
      %get3A_370 = vector.shape_cast %get3A_369 : vector<1x16xf32> to vector<16xf32>
      %add3A_371 = arith.addf %add3A_364, %get3A_370 : vector<16xf32>
      %add3A_372 = arith.constant 30 : i32
      %add3A_373 = arith.addi %mul3A_165, %add3A_372 : i32
      %get3A_374 = arith.index_cast %add3A_373 : i32 to index
      %get3A_375 = arith.constant 0 : index
      %get3A_376 = tpu.vector_load %arg6[%get3A_374, %get3A_375] {strides = array<i32>} : memref<3200x16xf32, #tpu.memory_space<vmem>>, vector<1x16xf32>,
      %get3A_377 = vector.shape_cast %get3A_376 : vector<1x16xf32> to vector<16xf32>
      %add3A_378 = arith.addf %add3A_371, %get3A_377 : vector<16xf32>
      %add3A_379 = arith.constant 31 : i32
      %add3A_380 = arith.addi %mul3A_165, %add3A_379 : i32
      %get3A_381 = arith.index_cast %add3A_380 : i32 to index
      %get3A_382 = arith.constant 0 : index
      %get3A_383 = tpu.vector_load %arg6[%get3A_381, %get3A_382] {strides = array<i32>} : memref<3200x16xf32, #tpu.memory_space<vmem>>, vector<1x16xf32>,
      %get3A_384 = vector.shape_cast %get3A_383 : vector<1x16xf32> to vector<16xf32>
      %add3A_385 = arith.addf %add3A_378, %get3A_384 : vector<16xf32>
      %add3A_386 = arith.constant 32 : i32
      %add3A_387 = arith.addi %mul3A_165, %add3A_386 : i32
      %get3A_388 = arith.index_cast %add3A_387 : i32 to index
      %get3A_389 = arith.constant 0 : index
      %get3A_390 = tpu.vector_load %arg6[%get3A_388, %get3A_389] {strides = array<i32>} : memref<3200x16xf32, #tpu.memory_space<vmem>>, vector<1x16xf32>,
      %get3A_391 = vector.shape_cast %get3A_390 : vector<1x16xf32> to vector<16xf32>
      %add3A_392 = arith.addf %add3A_385, %get3A_391 : vector<16xf32>
      %add3A_393 = arith.constant 33 : i32
      %add3A_394 = arith.addi %mul3A_165, %add3A_393 : i32
      %get3A_395 = arith.index_cast %add3A_394 : i32 to index
      %get3A_396 = arith.constant 0 : index
      %get3A_397 = tpu.vector_load %arg6[%get3A_395, %get3A_396] {strides = array<i32>} : memref<3200x16xf32, #tpu.memory_space<vmem>>, vector<1x16xf32>,
      %get3A_398 = vector.shape_cast %get3A_397 : vector<1x16xf32> to vector<16xf32>
      %add3A_399 = arith.addf %add3A_392, %get3A_398 : vector<16xf32>
      %add3A_400 = arith.constant 34 : i32
      %add3A_401 = arith.addi %mul3A_165, %add3A_400 : i32
      %get3A_402 = arith.index_cast %add3A_401 : i32 to index
      %get3A_403 = arith.constant 0 : index
      %get3A_404 = tpu.vector_load %arg6[%get3A_402, %get3A_403] {strides = array<i32>} : memref<3200x16xf32, #tpu.memory_space<vmem>>, vector<1x16xf32>,
      %get3A_405 = vector.shape_cast %get3A_404 : vector<1x16xf32> to vector<16xf32>
      %add3A_406 = arith.addf %add3A_399, %get3A_405 : vector<16xf32>
      %add3A_407 = arith.constant 35 : i32
      %add3A_408 = arith.addi %mul3A_165, %add3A_407 : i32
      %get3A_409 = arith.index_cast %add3A_408 : i32 to index
      %get3A_410 = arith.constant 0 : index
      %get3A_411 = tpu.vector_load %arg6[%get3A_409, %get3A_410] {strides = array<i32>} : memref<3200x16xf32, #tpu.memory_space<vmem>>, vector<1x16xf32>,
      %get3A_412 = vector.shape_cast %get3A_411 : vector<1x16xf32> to vector<16xf32>
      %add3A_413 = arith.addf %add3A_406, %get3A_412 : vector<16xf32>
      %add3A_414 = arith.constant 36 : i32
      %add3A_415 = arith.addi %mul3A_165, %add3A_414 : i32
      %get3A_416 = arith.index_cast %add3A_415 : i32 to index
      %get3A_417 = arith.constant 0 : index
      %get3A_418 = tpu.vector_load %arg6[%get3A_416, %get3A_417] {strides = array<i32>} : memref<3200x16xf32, #tpu.memory_space<vmem>>, vector<1x16xf32>,
      %get3A_419 = vector.shape_cast %get3A_418 : vector<1x16xf32> to vector<16xf32>
      %add3A_420 = arith.addf %add3A_413, %get3A_419 : vector<16xf32>
      %add3A_421 = arith.constant 37 : i32
      %add3A_422 = arith.addi %mul3A_165, %add3A_421 : i32
      %get3A_423 = arith.index_cast %add3A_422 : i32 to index
      %get3A_424 = arith.constant 0 : index
      %get3A_425 = tpu.vector_load %arg6[%get3A_423, %get3A_424] {strides = array<i32>} : memref<3200x16xf32, #tpu.memory_space<vmem>>, vector<1x16xf32>,
      %get3A_426 = vector.shape_cast %get3A_425 : vector<1x16xf32> to vector<16xf32>
      %add3A_427 = arith.addf %add3A_420, %get3A_426 : vector<16xf32>
      %add3A_428 = arith.constant 38 : i32
      %add3A_429 = arith.addi %mul3A_165, %add3A_428 : i32
      %get3A_430 = arith.index_cast %add3A_429 : i32 to index
      %get3A_431 = arith.constant 0 : index
      %get3A_432 = tpu.vector_load %arg6[%get3A_430, %get3A_431] {strides = array<i32>} : memref<3200x16xf32, #tpu.memory_space<vmem>>, vector<1x16xf32>,
      %get3A_433 = vector.shape_cast %get3A_432 : vector<1x16xf32> to vector<16xf32>
      %add3A_434 = arith.addf %add3A_427, %get3A_433 : vector<16xf32>
      %add3A_435 = arith.constant 39 : i32
      %add3A_436 = arith.addi %mul3A_165, %add3A_435 : i32
      %get3A_437 = arith.index_cast %add3A_436 : i32 to index
      %get3A_438 = arith.constant 0 : index
      %get3A_439 = tpu.vector_load %arg6[%get3A_437, %get3A_438] {strides = array<i32>} : memref<3200x16xf32, #tpu.memory_space<vmem>>, vector<1x16xf32>,
      %get3A_440 = vector.shape_cast %get3A_439 : vector<1x16xf32> to vector<16xf32>
      %add3A_441 = arith.addf %add3A_434, %get3A_440 : vector<16xf32>
      %add3A_442 = arith.constant 40 : i32
      %add3A_443 = arith.addi %mul3A_165, %add3A_442 : i32
      %get3A_444 = arith.index_cast %add3A_443 : i32 to index
      %get3A_445 = arith.constant 0 : index
      %get3A_446 = tpu.vector_load %arg6[%get3A_444, %get3A_445] {strides = array<i32>} : memref<3200x16xf32, #tpu.memory_space<vmem>>, vector<1x16xf32>,
      %get3A_447 = vector.shape_cast %get3A_446 : vector<1x16xf32> to vector<16xf32>
      %add3A_448 = arith.addf %add3A_441, %get3A_447 : vector<16xf32>
      %add3A_449 = arith.constant 41 : i32
      %add3A_450 = arith.addi %mul3A_165, %add3A_449 : i32
      %get3A_451 = arith.index_cast %add3A_450 : i32 to index
      %get3A_452 = arith.constant 0 : index
      %get3A_453 = tpu.vector_load %arg6[%get3A_451, %get3A_452] {strides = array<i32>} : memref<3200x16xf32, #tpu.memory_space<vmem>>, vector<1x16xf32>,
      %get3A_454 = vector.shape_cast %get3A_453 : vector<1x16xf32> to vector<16xf32>
      %add3A_455 = arith.addf %add3A_448, %get3A_454 : vector<16xf32>
      %add3A_456 = arith.constant 42 : i32
      %add3A_457 = arith.addi %mul3A_165, %add3A_456 : i32
      %get3A_458 = arith.index_cast %add3A_457 : i32 to index
      %get3A_459 = arith.constant 0 : index
      %get3A_460 = tpu.vector_load %arg6[%get3A_458, %get3A_459] {strides = array<i32>} : memref<3200x16xf32, #tpu.memory_space<vmem>>, vector<1x16xf32>,
      %get3A_461 = vector.shape_cast %get3A_460 : vector<1x16xf32> to vector<16xf32>
      %add3A_462 = arith.addf %add3A_455, %get3A_461 : vector<16xf32>
      %add3A_463 = arith.constant 43 : i32
      %add3A_464 = arith.addi %mul3A_165, %add3A_463 : i32
      %get3A_465 = arith.index_cast %add3A_464 : i32 to index
      %get3A_466 = arith.constant 0 : index
      %get3A_467 = tpu.vector_load %arg6[%get3A_465, %get3A_466] {strides = array<i32>} : memref<3200x16xf32, #tpu.memory_space<vmem>>, vector<1x16xf32>,
      %get3A_468 = vector.shape_cast %get3A_467 : vector<1x16xf32> to vector<16xf32>
      %add3A_469 = arith.addf %add3A_462, %get3A_468 : vector<16xf32>
      %add3A_470 = arith.constant 44 : i32
      %add3A_471 = arith.addi %mul3A_165, %add3A_470 : i32
      %get3A_472 = arith.index_cast %add3A_471 : i32 to index
      %get3A_473 = arith.constant 0 : index
      %get3A_474 = tpu.vector_load %arg6[%get3A_472, %get3A_473] {strides = array<i32>} : memref<3200x16xf32, #tpu.memory_space<vmem>>, vector<1x16xf32>,
      %get3A_475 = vector.shape_cast %get3A_474 : vector<1x16xf32> to vector<16xf32>
      %add3A_476 = arith.addf %add3A_469, %get3A_475 : vector<16xf32>
      %add3A_477 = arith.constant 45 : i32
      %add3A_478 = arith.addi %mul3A_165, %add3A_477 : i32
      %get3A_479 = arith.index_cast %add3A_478 : i32 to index
      %get3A_480 = arith.constant 0 : index
      %get3A_481 = tpu.vector_load %arg6[%get3A_479, %get3A_480] {strides = array<i32>} : memref<3200x16xf32, #tpu.memory_space<vmem>>, vector<1x16xf32>,
      %get3A_482 = vector.shape_cast %get3A_481 : vector<1x16xf32> to vector<16xf32>
      %add3A_483 = arith.addf %add3A_476, %get3A_482 : vector<16xf32>
      %add3A_484 = arith.constant 46 : i32
      %add3A_485 = arith.addi %mul3A_165, %add3A_484 : i32
      %get3A_486 = arith.index_cast %add3A_485 : i32 to index
      %get3A_487 = arith.constant 0 : index
      %get3A_488 = tpu.vector_load %arg6[%get3A_486, %get3A_487] {strides = array<i32>} : memref<3200x16xf32, #tpu.memory_space<vmem>>, vector<1x16xf32>,
      %get3A_489 = vector.shape_cast %get3A_488 : vector<1x16xf32> to vector<16xf32>
      %add3A_490 = arith.addf %add3A_483, %get3A_489 : vector<16xf32>
      %add3A_491 = arith.constant 47 : i32
      %add3A_492 = arith.addi %mul3A_165, %add3A_491 : i32
      %get3A_493 = arith.index_cast %add3A_492 : i32 to index
      %get3A_494 = arith.constant 0 : index
      %get3A_495 = tpu.vector_load %arg6[%get3A_493, %get3A_494] {strides = array<i32>} : memref<3200x16xf32, #tpu.memory_space<vmem>>, vector<1x16xf32>,
      %get3A_496 = vector.shape_cast %get3A_495 : vector<1x16xf32> to vector<16xf32>
      %add3A_497 = arith.addf %add3A_490, %get3A_496 : vector<16xf32>
      %add3A_498 = arith.constant 48 : i32
      %add3A_499 = arith.addi %mul3A_165, %add3A_498 : i32
      %get3A_500 = arith.index_cast %add3A_499 : i32 to index
      %get3A_501 = arith.constant 0 : index
      %get3A_502 = tpu.vector_load %arg6[%get3A_500, %get3A_501] {strides = array<i32>} : memref<3200x16xf32, #tpu.memory_space<vmem>>, vector<1x16xf32>,
      %get3A_503 = vector.shape_cast %get3A_502 : vector<1x16xf32> to vector<16xf32>
      %add3A_504 = arith.addf %add3A_497, %get3A_503 : vector<16xf32>
      %add3A_505 = arith.constant 49 : i32
      %add3A_506 = arith.addi %mul3A_165, %add3A_505 : i32
      %get3A_507 = arith.index_cast %add3A_506 : i32 to index
      %get3A_508 = arith.constant 0 : index
      %get3A_509 = tpu.vector_load %arg6[%get3A_507, %get3A_508] {strides = array<i32>} : memref<3200x16xf32, #tpu.memory_space<vmem>>, vector<1x16xf32>,
      %get3A_510 = vector.shape_cast %get3A_509 : vector<1x16xf32> to vector<16xf32>
      %add3A_511 = arith.addf %add3A_504, %get3A_510 : vector<16xf32>
      %swap3A = arith.index_cast %scan3A_163 : i32 to index
      %swap3A_512 = arith.constant 0 : index
      %swap3A_513 = tpu.vector_load %arg8[%swap3A, %swap3A_512] {strides = array<i32>} : memref<64x16xf32, #tpu.memory_space<vmem>>, vector<1x16xf32>,
      %swap3A_514 = vector.shape_cast %swap3A_513 : vector<1x16xf32> to vector<16xf32>
      %swap3A_515 = vector.shape_cast %add3A_511 : vector<16xf32> to vector<1x16xf32>
      tpu.vector_store %arg8[%swap3A, %swap3A_512], %swap3A_515 {strides = array<i32>} : memref<64x16xf32, #tpu.memory_space<vmem>>, vector<1x16xf32>,
    }
    %scan3A_106 = arith.constant 64 : i32
    %add3A_107 = arith.constant 256 : i32
    %add3A_108 = arith.addi %mul3A_4, %add3A_107 : i32
    "tpu.region"() ({
      %run_scoped3A = tpu.sem_alloc : memref<!tpu.dma_semaphore, #tpu.memory_space<semaphore_mem>>
      %dma_start3A = arith.constant 0 : i32
      %dma_start3A_163 = tpu.memref_slice %arg4[%add3A_108, %dma_start3A] : memref<16384x16xf32, #tpu.memory_space<hbm>> -> memref<64x16xf32, #tpu.memory_space<hbm>>
      %dma_start3A_164 = arith.constant 0 : i32
      %dma_start3A_165 = tpu.memref_slice %arg4[%add3A_108, %dma_start3A_164] : memref<16384x16xf32, #tpu.memory_space<hbm>> -> memref<64x16xf32, #tpu.memory_space<hbm>>
      tpu.enqueue_dma source(%arg8 : memref<64x16xf32, #tpu.memory_space<vmem>>) target(%dma_start3A_165 : memref<64x16xf32, #tpu.memory_space<hbm>>) target_semaphore(%run_scoped3A : memref<!tpu.dma_semaphore, #tpu.memory_space<semaphore_mem>>)
      %dma_wait3A_166 = arith.constant 0 : i32
      %dma_wait3A_167 = tpu.memref_slice %arg4[%add3A_108, %dma_wait3A_166] : memref<16384x16xf32, #tpu.memory_space<hbm>> -> memref<64x16xf32, #tpu.memory_space<hbm>>
      %dma_wait3A_168 = arith.constant 0 : i32
      %dma_wait3A_169 = tpu.memref_slice %arg4[%add3A_108, %dma_wait3A_168] : memref<16384x16xf32, #tpu.memory_space<hbm>> -> memref<64x16xf32, #tpu.memory_space<hbm>>
      tpu.wait_dma2 semaphore(%run_scoped3A : memref<!tpu.dma_semaphore, #tpu.memory_space<semaphore_mem>>) src(%arg8 : memref<64x16xf32, #tpu.memory_space<vmem>>) dst(%dma_wait3A_169 : memref<64x16xf32, #tpu.memory_space<hbm>>)
      tpu.yield
    }) : () -> ()
    %scan3A_109 = arith.constant 0 : i32
    %scan3A_110 = arith.constant 0 : i32
    %scan3A_111 = arith.constant 25 : i32
    %scan3A_112 = arith.addi %scan3A_110, %scan3A_111 : i32
    %scan3A_113 = arith.constant 1 : i32
    scf.for %scan3A_163 = %scan3A_110 to %scan3A_112 step %scan3A_113  : i32 {
      %add3A_164 = arith.constant 150 : i32
      %add3A_165 = arith.addi %add3A_164, %scan3A_163 : i32
      %mul3A_166 = arith.constant 128 : i32
      %mul3A_167 = arith.muli %add3A_165, %mul3A_166 : i32
      %mul3A_168 = arith.constant 128 : i32
      %mul3A_169 = arith.muli %scan3A_163, %mul3A_168 : i32
      %dma_start3A = arith.constant 0 : i32
      %dma_start3A_170 = tpu.memref_slice %arg6[%mul3A_169, %dma_start3A] : memref<3200x16xf32, #tpu.memory_space<vmem>> -> memref<128x16xf32, #tpu.memory_space<vmem>>
      %dma_start3A_171 = tpu.memref_slice %arg5[%mul3A_167] : memref<25600xi32, #tpu.memory_space<vmem>> -> memref<128xi32, #tpu.memory_space<vmem>>
      %dma_start3A_172 = arith.constant 0 : i32
      %dma_start3A_173 = arith.constant 0 : i32
      %dma_start3A_174 = tpu.memref_slice %arg3[%dma_start3A_172, %dma_start3A_173] : memref<1000000x16xf32, #tpu.memory_space<hbm>> -> memref<1000000x16xf32, #tpu.memory_space<hbm>>
      tpu.enqueue_indirect_dma source(%dma_start3A_174 : memref<1000000x16xf32, #tpu.memory_space<hbm>>) target(%dma_start3A_170 : memref<128x16xf32, #tpu.memory_space<vmem>>) offsets(%dma_start3A_171 : memref<128xi32, #tpu.memory_space<vmem>>) semaphore(%arg9 : memref<!tpu.dma_semaphore, #tpu.memory_space<semaphore_mem>>)
    }
    %scan3A_114 = arith.constant 25 : i32
    %dma_wait3A_115 = arith.constant 0 : i32
    %dma_wait3A_116 = arith.constant 0 : i32
    %dma_wait3A_117 = tpu.memref_slice %arg3[%dma_wait3A_115, %dma_wait3A_116] : memref<1000000x16xf32, #tpu.memory_space<hbm>> -> memref<3200x16xf32, #tpu.memory_space<hbm>>
    %dma_wait3A_118 = arith.constant 0 : i32
    %dma_wait3A_119 = arith.constant 0 : i32
    %dma_wait3A_120 = tpu.memref_slice %arg3[%dma_wait3A_118, %dma_wait3A_119] : memref<1000000x16xf32, #tpu.memory_space<hbm>> -> memref<3200x16xf32, #tpu.memory_space<hbm>>
    tpu.wait_dma2 semaphore(%arg10 : memref<!tpu.dma_semaphore, #tpu.memory_space<semaphore_mem>>) src(%dma_wait3A_120 : memref<3200x16xf32, #tpu.memory_space<hbm>>) dst(%arg7 : memref<3200x16xf32, #tpu.memory_space<vmem>>)
    %scan3A_121 = arith.constant 0 : i32
    %scan3A_122 = arith.constant 0 : i32
    %scan3A_123 = arith.constant 64 : i32
    %scan3A_124 = arith.addi %scan3A_122, %scan3A_123 : i32
    %scan3A_125 = arith.constant 1 : i32
    scf.for %scan3A_163 = %scan3A_122 to %scan3A_124 step %scan3A_125  : i32 {
      %mul3A_164 = arith.constant 50 : i32
      %mul3A_165 = arith.muli %scan3A_163, %mul3A_164 : i32
      %get3A = arith.index_cast %mul3A_165 : i32 to index
      %get3A_166 = arith.constant 0 : index
      %get3A_167 = tpu.vector_load %arg7[%get3A, %get3A_166] {strides = array<i32>} : memref<3200x16xf32, #tpu.memory_space<vmem>>, vector<1x16xf32>,
      %get3A_168 = vector.shape_cast %get3A_167 : vector<1x16xf32> to vector<16xf32>
      %add3A_169 = arith.constant 1 : i32
      %add3A_170 = arith.addi %mul3A_165, %add3A_169 : i32
      %get3A_171 = arith.index_cast %add3A_170 : i32 to index
      %get3A_172 = arith.constant 0 : index
      %get3A_173 = tpu.vector_load %arg7[%get3A_171, %get3A_172] {strides = array<i32>} : memref<3200x16xf32, #tpu.memory_space<vmem>>, vector<1x16xf32>,
      %get3A_174 = vector.shape_cast %get3A_173 : vector<1x16xf32> to vector<16xf32>
      %add3A_175 = arith.addf %get3A_168, %get3A_174 : vector<16xf32>
      %add3A_176 = arith.constant 2 : i32
      %add3A_177 = arith.addi %mul3A_165, %add3A_176 : i32
      %get3A_178 = arith.index_cast %add3A_177 : i32 to index
      %get3A_179 = arith.constant 0 : index
      %get3A_180 = tpu.vector_load %arg7[%get3A_178, %get3A_179] {strides = array<i32>} : memref<3200x16xf32, #tpu.memory_space<vmem>>, vector<1x16xf32>,
      %get3A_181 = vector.shape_cast %get3A_180 : vector<1x16xf32> to vector<16xf32>
      %add3A_182 = arith.addf %add3A_175, %get3A_181 : vector<16xf32>
      %add3A_183 = arith.constant 3 : i32
      %add3A_184 = arith.addi %mul3A_165, %add3A_183 : i32
      %get3A_185 = arith.index_cast %add3A_184 : i32 to index
      %get3A_186 = arith.constant 0 : index
      %get3A_187 = tpu.vector_load %arg7[%get3A_185, %get3A_186] {strides = array<i32>} : memref<3200x16xf32, #tpu.memory_space<vmem>>, vector<1x16xf32>,
      %get3A_188 = vector.shape_cast %get3A_187 : vector<1x16xf32> to vector<16xf32>
      %add3A_189 = arith.addf %add3A_182, %get3A_188 : vector<16xf32>
      %add3A_190 = arith.constant 4 : i32
      %add3A_191 = arith.addi %mul3A_165, %add3A_190 : i32
      %get3A_192 = arith.index_cast %add3A_191 : i32 to index
      %get3A_193 = arith.constant 0 : index
      %get3A_194 = tpu.vector_load %arg7[%get3A_192, %get3A_193] {strides = array<i32>} : memref<3200x16xf32, #tpu.memory_space<vmem>>, vector<1x16xf32>,
      %get3A_195 = vector.shape_cast %get3A_194 : vector<1x16xf32> to vector<16xf32>
      %add3A_196 = arith.addf %add3A_189, %get3A_195 : vector<16xf32>
      %add3A_197 = arith.constant 5 : i32
      %add3A_198 = arith.addi %mul3A_165, %add3A_197 : i32
      %get3A_199 = arith.index_cast %add3A_198 : i32 to index
      %get3A_200 = arith.constant 0 : index
      %get3A_201 = tpu.vector_load %arg7[%get3A_199, %get3A_200] {strides = array<i32>} : memref<3200x16xf32, #tpu.memory_space<vmem>>, vector<1x16xf32>,
      %get3A_202 = vector.shape_cast %get3A_201 : vector<1x16xf32> to vector<16xf32>
      %add3A_203 = arith.addf %add3A_196, %get3A_202 : vector<16xf32>
      %add3A_204 = arith.constant 6 : i32
      %add3A_205 = arith.addi %mul3A_165, %add3A_204 : i32
      %get3A_206 = arith.index_cast %add3A_205 : i32 to index
      %get3A_207 = arith.constant 0 : index
      %get3A_208 = tpu.vector_load %arg7[%get3A_206, %get3A_207] {strides = array<i32>} : memref<3200x16xf32, #tpu.memory_space<vmem>>, vector<1x16xf32>,
      %get3A_209 = vector.shape_cast %get3A_208 : vector<1x16xf32> to vector<16xf32>
      %add3A_210 = arith.addf %add3A_203, %get3A_209 : vector<16xf32>
      %add3A_211 = arith.constant 7 : i32
      %add3A_212 = arith.addi %mul3A_165, %add3A_211 : i32
      %get3A_213 = arith.index_cast %add3A_212 : i32 to index
      %get3A_214 = arith.constant 0 : index
      %get3A_215 = tpu.vector_load %arg7[%get3A_213, %get3A_214] {strides = array<i32>} : memref<3200x16xf32, #tpu.memory_space<vmem>>, vector<1x16xf32>,
      %get3A_216 = vector.shape_cast %get3A_215 : vector<1x16xf32> to vector<16xf32>
      %add3A_217 = arith.addf %add3A_210, %get3A_216 : vector<16xf32>
      %add3A_218 = arith.constant 8 : i32
      %add3A_219 = arith.addi %mul3A_165, %add3A_218 : i32
      %get3A_220 = arith.index_cast %add3A_219 : i32 to index
      %get3A_221 = arith.constant 0 : index
      %get3A_222 = tpu.vector_load %arg7[%get3A_220, %get3A_221] {strides = array<i32>} : memref<3200x16xf32, #tpu.memory_space<vmem>>, vector<1x16xf32>,
      %get3A_223 = vector.shape_cast %get3A_222 : vector<1x16xf32> to vector<16xf32>
      %add3A_224 = arith.addf %add3A_217, %get3A_223 : vector<16xf32>
      %add3A_225 = arith.constant 9 : i32
      %add3A_226 = arith.addi %mul3A_165, %add3A_225 : i32
      %get3A_227 = arith.index_cast %add3A_226 : i32 to index
      %get3A_228 = arith.constant 0 : index
      %get3A_229 = tpu.vector_load %arg7[%get3A_227, %get3A_228] {strides = array<i32>} : memref<3200x16xf32, #tpu.memory_space<vmem>>, vector<1x16xf32>,
      %get3A_230 = vector.shape_cast %get3A_229 : vector<1x16xf32> to vector<16xf32>
      %add3A_231 = arith.addf %add3A_224, %get3A_230 : vector<16xf32>
      %add3A_232 = arith.constant 10 : i32
      %add3A_233 = arith.addi %mul3A_165, %add3A_232 : i32
      %get3A_234 = arith.index_cast %add3A_233 : i32 to index
      %get3A_235 = arith.constant 0 : index
      %get3A_236 = tpu.vector_load %arg7[%get3A_234, %get3A_235] {strides = array<i32>} : memref<3200x16xf32, #tpu.memory_space<vmem>>, vector<1x16xf32>,
      %get3A_237 = vector.shape_cast %get3A_236 : vector<1x16xf32> to vector<16xf32>
      %add3A_238 = arith.addf %add3A_231, %get3A_237 : vector<16xf32>
      %add3A_239 = arith.constant 11 : i32
      %add3A_240 = arith.addi %mul3A_165, %add3A_239 : i32
      %get3A_241 = arith.index_cast %add3A_240 : i32 to index
      %get3A_242 = arith.constant 0 : index
      %get3A_243 = tpu.vector_load %arg7[%get3A_241, %get3A_242] {strides = array<i32>} : memref<3200x16xf32, #tpu.memory_space<vmem>>, vector<1x16xf32>,
      %get3A_244 = vector.shape_cast %get3A_243 : vector<1x16xf32> to vector<16xf32>
      %add3A_245 = arith.addf %add3A_238, %get3A_244 : vector<16xf32>
      %add3A_246 = arith.constant 12 : i32
      %add3A_247 = arith.addi %mul3A_165, %add3A_246 : i32
      %get3A_248 = arith.index_cast %add3A_247 : i32 to index
      %get3A_249 = arith.constant 0 : index
      %get3A_250 = tpu.vector_load %arg7[%get3A_248, %get3A_249] {strides = array<i32>} : memref<3200x16xf32, #tpu.memory_space<vmem>>, vector<1x16xf32>,
      %get3A_251 = vector.shape_cast %get3A_250 : vector<1x16xf32> to vector<16xf32>
      %add3A_252 = arith.addf %add3A_245, %get3A_251 : vector<16xf32>
      %add3A_253 = arith.constant 13 : i32
      %add3A_254 = arith.addi %mul3A_165, %add3A_253 : i32
      %get3A_255 = arith.index_cast %add3A_254 : i32 to index
      %get3A_256 = arith.constant 0 : index
      %get3A_257 = tpu.vector_load %arg7[%get3A_255, %get3A_256] {strides = array<i32>} : memref<3200x16xf32, #tpu.memory_space<vmem>>, vector<1x16xf32>,
      %get3A_258 = vector.shape_cast %get3A_257 : vector<1x16xf32> to vector<16xf32>
      %add3A_259 = arith.addf %add3A_252, %get3A_258 : vector<16xf32>
      %add3A_260 = arith.constant 14 : i32
      %add3A_261 = arith.addi %mul3A_165, %add3A_260 : i32
      %get3A_262 = arith.index_cast %add3A_261 : i32 to index
      %get3A_263 = arith.constant 0 : index
      %get3A_264 = tpu.vector_load %arg7[%get3A_262, %get3A_263] {strides = array<i32>} : memref<3200x16xf32, #tpu.memory_space<vmem>>, vector<1x16xf32>,
      %get3A_265 = vector.shape_cast %get3A_264 : vector<1x16xf32> to vector<16xf32>
      %add3A_266 = arith.addf %add3A_259, %get3A_265 : vector<16xf32>
      %add3A_267 = arith.constant 15 : i32
      %add3A_268 = arith.addi %mul3A_165, %add3A_267 : i32
      %get3A_269 = arith.index_cast %add3A_268 : i32 to index
      %get3A_270 = arith.constant 0 : index
      %get3A_271 = tpu.vector_load %arg7[%get3A_269, %get3A_270] {strides = array<i32>} : memref<3200x16xf32, #tpu.memory_space<vmem>>, vector<1x16xf32>,
      %get3A_272 = vector.shape_cast %get3A_271 : vector<1x16xf32> to vector<16xf32>
      %add3A_273 = arith.addf %add3A_266, %get3A_272 : vector<16xf32>
      %add3A_274 = arith.constant 16 : i32
      %add3A_275 = arith.addi %mul3A_165, %add3A_274 : i32
      %get3A_276 = arith.index_cast %add3A_275 : i32 to index
      %get3A_277 = arith.constant 0 : index
      %get3A_278 = tpu.vector_load %arg7[%get3A_276, %get3A_277] {strides = array<i32>} : memref<3200x16xf32, #tpu.memory_space<vmem>>, vector<1x16xf32>,
      %get3A_279 = vector.shape_cast %get3A_278 : vector<1x16xf32> to vector<16xf32>
      %add3A_280 = arith.addf %add3A_273, %get3A_279 : vector<16xf32>
      %add3A_281 = arith.constant 17 : i32
      %add3A_282 = arith.addi %mul3A_165, %add3A_281 : i32
      %get3A_283 = arith.index_cast %add3A_282 : i32 to index
      %get3A_284 = arith.constant 0 : index
      %get3A_285 = tpu.vector_load %arg7[%get3A_283, %get3A_284] {strides = array<i32>} : memref<3200x16xf32, #tpu.memory_space<vmem>>, vector<1x16xf32>,
      %get3A_286 = vector.shape_cast %get3A_285 : vector<1x16xf32> to vector<16xf32>
      %add3A_287 = arith.addf %add3A_280, %get3A_286 : vector<16xf32>
      %add3A_288 = arith.constant 18 : i32
      %add3A_289 = arith.addi %mul3A_165, %add3A_288 : i32
      %get3A_290 = arith.index_cast %add3A_289 : i32 to index
      %get3A_291 = arith.constant 0 : index
      %get3A_292 = tpu.vector_load %arg7[%get3A_290, %get3A_291] {strides = array<i32>} : memref<3200x16xf32, #tpu.memory_space<vmem>>, vector<1x16xf32>,
      %get3A_293 = vector.shape_cast %get3A_292 : vector<1x16xf32> to vector<16xf32>
      %add3A_294 = arith.addf %add3A_287, %get3A_293 : vector<16xf32>
      %add3A_295 = arith.constant 19 : i32
      %add3A_296 = arith.addi %mul3A_165, %add3A_295 : i32
      %get3A_297 = arith.index_cast %add3A_296 : i32 to index
      %get3A_298 = arith.constant 0 : index
      %get3A_299 = tpu.vector_load %arg7[%get3A_297, %get3A_298] {strides = array<i32>} : memref<3200x16xf32, #tpu.memory_space<vmem>>, vector<1x16xf32>,
      %get3A_300 = vector.shape_cast %get3A_299 : vector<1x16xf32> to vector<16xf32>
      %add3A_301 = arith.addf %add3A_294, %get3A_300 : vector<16xf32>
      %add3A_302 = arith.constant 20 : i32
      %add3A_303 = arith.addi %mul3A_165, %add3A_302 : i32
      %get3A_304 = arith.index_cast %add3A_303 : i32 to index
      %get3A_305 = arith.constant 0 : index
      %get3A_306 = tpu.vector_load %arg7[%get3A_304, %get3A_305] {strides = array<i32>} : memref<3200x16xf32, #tpu.memory_space<vmem>>, vector<1x16xf32>,
      %get3A_307 = vector.shape_cast %get3A_306 : vector<1x16xf32> to vector<16xf32>
      %add3A_308 = arith.addf %add3A_301, %get3A_307 : vector<16xf32>
      %add3A_309 = arith.constant 21 : i32
      %add3A_310 = arith.addi %mul3A_165, %add3A_309 : i32
      %get3A_311 = arith.index_cast %add3A_310 : i32 to index
      %get3A_312 = arith.constant 0 : index
      %get3A_313 = tpu.vector_load %arg7[%get3A_311, %get3A_312] {strides = array<i32>} : memref<3200x16xf32, #tpu.memory_space<vmem>>, vector<1x16xf32>,
      %get3A_314 = vector.shape_cast %get3A_313 : vector<1x16xf32> to vector<16xf32>
      %add3A_315 = arith.addf %add3A_308, %get3A_314 : vector<16xf32>
      %add3A_316 = arith.constant 22 : i32
      %add3A_317 = arith.addi %mul3A_165, %add3A_316 : i32
      %get3A_318 = arith.index_cast %add3A_317 : i32 to index
      %get3A_319 = arith.constant 0 : index
      %get3A_320 = tpu.vector_load %arg7[%get3A_318, %get3A_319] {strides = array<i32>} : memref<3200x16xf32, #tpu.memory_space<vmem>>, vector<1x16xf32>,
      %get3A_321 = vector.shape_cast %get3A_320 : vector<1x16xf32> to vector<16xf32>
      %add3A_322 = arith.addf %add3A_315, %get3A_321 : vector<16xf32>
      %add3A_323 = arith.constant 23 : i32
      %add3A_324 = arith.addi %mul3A_165, %add3A_323 : i32
      %get3A_325 = arith.index_cast %add3A_324 : i32 to index
      %get3A_326 = arith.constant 0 : index
      %get3A_327 = tpu.vector_load %arg7[%get3A_325, %get3A_326] {strides = array<i32>} : memref<3200x16xf32, #tpu.memory_space<vmem>>, vector<1x16xf32>,
      %get3A_328 = vector.shape_cast %get3A_327 : vector<1x16xf32> to vector<16xf32>
      %add3A_329 = arith.addf %add3A_322, %get3A_328 : vector<16xf32>
      %add3A_330 = arith.constant 24 : i32
      %add3A_331 = arith.addi %mul3A_165, %add3A_330 : i32
      %get3A_332 = arith.index_cast %add3A_331 : i32 to index
      %get3A_333 = arith.constant 0 : index
      %get3A_334 = tpu.vector_load %arg7[%get3A_332, %get3A_333] {strides = array<i32>} : memref<3200x16xf32, #tpu.memory_space<vmem>>, vector<1x16xf32>,
      %get3A_335 = vector.shape_cast %get3A_334 : vector<1x16xf32> to vector<16xf32>
      %add3A_336 = arith.addf %add3A_329, %get3A_335 : vector<16xf32>
      %add3A_337 = arith.constant 25 : i32
      %add3A_338 = arith.addi %mul3A_165, %add3A_337 : i32
      %get3A_339 = arith.index_cast %add3A_338 : i32 to index
      %get3A_340 = arith.constant 0 : index
      %get3A_341 = tpu.vector_load %arg7[%get3A_339, %get3A_340] {strides = array<i32>} : memref<3200x16xf32, #tpu.memory_space<vmem>>, vector<1x16xf32>,
      %get3A_342 = vector.shape_cast %get3A_341 : vector<1x16xf32> to vector<16xf32>
      %add3A_343 = arith.addf %add3A_336, %get3A_342 : vector<16xf32>
      %add3A_344 = arith.constant 26 : i32
      %add3A_345 = arith.addi %mul3A_165, %add3A_344 : i32
      %get3A_346 = arith.index_cast %add3A_345 : i32 to index
      %get3A_347 = arith.constant 0 : index
      %get3A_348 = tpu.vector_load %arg7[%get3A_346, %get3A_347] {strides = array<i32>} : memref<3200x16xf32, #tpu.memory_space<vmem>>, vector<1x16xf32>,
      %get3A_349 = vector.shape_cast %get3A_348 : vector<1x16xf32> to vector<16xf32>
      %add3A_350 = arith.addf %add3A_343, %get3A_349 : vector<16xf32>
      %add3A_351 = arith.constant 27 : i32
      %add3A_352 = arith.addi %mul3A_165, %add3A_351 : i32
      %get3A_353 = arith.index_cast %add3A_352 : i32 to index
      %get3A_354 = arith.constant 0 : index
      %get3A_355 = tpu.vector_load %arg7[%get3A_353, %get3A_354] {strides = array<i32>} : memref<3200x16xf32, #tpu.memory_space<vmem>>, vector<1x16xf32>,
      %get3A_356 = vector.shape_cast %get3A_355 : vector<1x16xf32> to vector<16xf32>
      %add3A_357 = arith.addf %add3A_350, %get3A_356 : vector<16xf32>
      %add3A_358 = arith.constant 28 : i32
      %add3A_359 = arith.addi %mul3A_165, %add3A_358 : i32
      %get3A_360 = arith.index_cast %add3A_359 : i32 to index
      %get3A_361 = arith.constant 0 : index
      %get3A_362 = tpu.vector_load %arg7[%get3A_360, %get3A_361] {strides = array<i32>} : memref<3200x16xf32, #tpu.memory_space<vmem>>, vector<1x16xf32>,
      %get3A_363 = vector.shape_cast %get3A_362 : vector<1x16xf32> to vector<16xf32>
      %add3A_364 = arith.addf %add3A_357, %get3A_363 : vector<16xf32>
      %add3A_365 = arith.constant 29 : i32
      %add3A_366 = arith.addi %mul3A_165, %add3A_365 : i32
      %get3A_367 = arith.index_cast %add3A_366 : i32 to index
      %get3A_368 = arith.constant 0 : index
      %get3A_369 = tpu.vector_load %arg7[%get3A_367, %get3A_368] {strides = array<i32>} : memref<3200x16xf32, #tpu.memory_space<vmem>>, vector<1x16xf32>,
      %get3A_370 = vector.shape_cast %get3A_369 : vector<1x16xf32> to vector<16xf32>
      %add3A_371 = arith.addf %add3A_364, %get3A_370 : vector<16xf32>
      %add3A_372 = arith.constant 30 : i32
      %add3A_373 = arith.addi %mul3A_165, %add3A_372 : i32
      %get3A_374 = arith.index_cast %add3A_373 : i32 to index
      %get3A_375 = arith.constant 0 : index
      %get3A_376 = tpu.vector_load %arg7[%get3A_374, %get3A_375] {strides = array<i32>} : memref<3200x16xf32, #tpu.memory_space<vmem>>, vector<1x16xf32>,
      %get3A_377 = vector.shape_cast %get3A_376 : vector<1x16xf32> to vector<16xf32>
      %add3A_378 = arith.addf %add3A_371, %get3A_377 : vector<16xf32>
      %add3A_379 = arith.constant 31 : i32
      %add3A_380 = arith.addi %mul3A_165, %add3A_379 : i32
      %get3A_381 = arith.index_cast %add3A_380 : i32 to index
      %get3A_382 = arith.constant 0 : index
      %get3A_383 = tpu.vector_load %arg7[%get3A_381, %get3A_382] {strides = array<i32>} : memref<3200x16xf32, #tpu.memory_space<vmem>>, vector<1x16xf32>,
      %get3A_384 = vector.shape_cast %get3A_383 : vector<1x16xf32> to vector<16xf32>
      %add3A_385 = arith.addf %add3A_378, %get3A_384 : vector<16xf32>
      %add3A_386 = arith.constant 32 : i32
      %add3A_387 = arith.addi %mul3A_165, %add3A_386 : i32
      %get3A_388 = arith.index_cast %add3A_387 : i32 to index
      %get3A_389 = arith.constant 0 : index
      %get3A_390 = tpu.vector_load %arg7[%get3A_388, %get3A_389] {strides = array<i32>} : memref<3200x16xf32, #tpu.memory_space<vmem>>, vector<1x16xf32>,
      %get3A_391 = vector.shape_cast %get3A_390 : vector<1x16xf32> to vector<16xf32>
      %add3A_392 = arith.addf %add3A_385, %get3A_391 : vector<16xf32>
      %add3A_393 = arith.constant 33 : i32
      %add3A_394 = arith.addi %mul3A_165, %add3A_393 : i32
      %get3A_395 = arith.index_cast %add3A_394 : i32 to index
      %get3A_396 = arith.constant 0 : index
      %get3A_397 = tpu.vector_load %arg7[%get3A_395, %get3A_396] {strides = array<i32>} : memref<3200x16xf32, #tpu.memory_space<vmem>>, vector<1x16xf32>,
      %get3A_398 = vector.shape_cast %get3A_397 : vector<1x16xf32> to vector<16xf32>
      %add3A_399 = arith.addf %add3A_392, %get3A_398 : vector<16xf32>
      %add3A_400 = arith.constant 34 : i32
      %add3A_401 = arith.addi %mul3A_165, %add3A_400 : i32
      %get3A_402 = arith.index_cast %add3A_401 : i32 to index
      %get3A_403 = arith.constant 0 : index
      %get3A_404 = tpu.vector_load %arg7[%get3A_402, %get3A_403] {strides = array<i32>} : memref<3200x16xf32, #tpu.memory_space<vmem>>, vector<1x16xf32>,
      %get3A_405 = vector.shape_cast %get3A_404 : vector<1x16xf32> to vector<16xf32>
      %add3A_406 = arith.addf %add3A_399, %get3A_405 : vector<16xf32>
      %add3A_407 = arith.constant 35 : i32
      %add3A_408 = arith.addi %mul3A_165, %add3A_407 : i32
      %get3A_409 = arith.index_cast %add3A_408 : i32 to index
      %get3A_410 = arith.constant 0 : index
      %get3A_411 = tpu.vector_load %arg7[%get3A_409, %get3A_410] {strides = array<i32>} : memref<3200x16xf32, #tpu.memory_space<vmem>>, vector<1x16xf32>,
      %get3A_412 = vector.shape_cast %get3A_411 : vector<1x16xf32> to vector<16xf32>
      %add3A_413 = arith.addf %add3A_406, %get3A_412 : vector<16xf32>
      %add3A_414 = arith.constant 36 : i32
      %add3A_415 = arith.addi %mul3A_165, %add3A_414 : i32
      %get3A_416 = arith.index_cast %add3A_415 : i32 to index
      %get3A_417 = arith.constant 0 : index
      %get3A_418 = tpu.vector_load %arg7[%get3A_416, %get3A_417] {strides = array<i32>} : memref<3200x16xf32, #tpu.memory_space<vmem>>, vector<1x16xf32>,
      %get3A_419 = vector.shape_cast %get3A_418 : vector<1x16xf32> to vector<16xf32>
      %add3A_420 = arith.addf %add3A_413, %get3A_419 : vector<16xf32>
      %add3A_421 = arith.constant 37 : i32
      %add3A_422 = arith.addi %mul3A_165, %add3A_421 : i32
      %get3A_423 = arith.index_cast %add3A_422 : i32 to index
      %get3A_424 = arith.constant 0 : index
      %get3A_425 = tpu.vector_load %arg7[%get3A_423, %get3A_424] {strides = array<i32>} : memref<3200x16xf32, #tpu.memory_space<vmem>>, vector<1x16xf32>,
      %get3A_426 = vector.shape_cast %get3A_425 : vector<1x16xf32> to vector<16xf32>
      %add3A_427 = arith.addf %add3A_420, %get3A_426 : vector<16xf32>
      %add3A_428 = arith.constant 38 : i32
      %add3A_429 = arith.addi %mul3A_165, %add3A_428 : i32
      %get3A_430 = arith.index_cast %add3A_429 : i32 to index
      %get3A_431 = arith.constant 0 : index
      %get3A_432 = tpu.vector_load %arg7[%get3A_430, %get3A_431] {strides = array<i32>} : memref<3200x16xf32, #tpu.memory_space<vmem>>, vector<1x16xf32>,
      %get3A_433 = vector.shape_cast %get3A_432 : vector<1x16xf32> to vector<16xf32>
      %add3A_434 = arith.addf %add3A_427, %get3A_433 : vector<16xf32>
      %add3A_435 = arith.constant 39 : i32
      %add3A_436 = arith.addi %mul3A_165, %add3A_435 : i32
      %get3A_437 = arith.index_cast %add3A_436 : i32 to index
      %get3A_438 = arith.constant 0 : index
      %get3A_439 = tpu.vector_load %arg7[%get3A_437, %get3A_438] {strides = array<i32>} : memref<3200x16xf32, #tpu.memory_space<vmem>>, vector<1x16xf32>,
      %get3A_440 = vector.shape_cast %get3A_439 : vector<1x16xf32> to vector<16xf32>
      %add3A_441 = arith.addf %add3A_434, %get3A_440 : vector<16xf32>
      %add3A_442 = arith.constant 40 : i32
      %add3A_443 = arith.addi %mul3A_165, %add3A_442 : i32
      %get3A_444 = arith.index_cast %add3A_443 : i32 to index
      %get3A_445 = arith.constant 0 : index
      %get3A_446 = tpu.vector_load %arg7[%get3A_444, %get3A_445] {strides = array<i32>} : memref<3200x16xf32, #tpu.memory_space<vmem>>, vector<1x16xf32>,
      %get3A_447 = vector.shape_cast %get3A_446 : vector<1x16xf32> to vector<16xf32>
      %add3A_448 = arith.addf %add3A_441, %get3A_447 : vector<16xf32>
      %add3A_449 = arith.constant 41 : i32
      %add3A_450 = arith.addi %mul3A_165, %add3A_449 : i32
      %get3A_451 = arith.index_cast %add3A_450 : i32 to index
      %get3A_452 = arith.constant 0 : index
      %get3A_453 = tpu.vector_load %arg7[%get3A_451, %get3A_452] {strides = array<i32>} : memref<3200x16xf32, #tpu.memory_space<vmem>>, vector<1x16xf32>,
      %get3A_454 = vector.shape_cast %get3A_453 : vector<1x16xf32> to vector<16xf32>
      %add3A_455 = arith.addf %add3A_448, %get3A_454 : vector<16xf32>
      %add3A_456 = arith.constant 42 : i32
      %add3A_457 = arith.addi %mul3A_165, %add3A_456 : i32
      %get3A_458 = arith.index_cast %add3A_457 : i32 to index
      %get3A_459 = arith.constant 0 : index
      %get3A_460 = tpu.vector_load %arg7[%get3A_458, %get3A_459] {strides = array<i32>} : memref<3200x16xf32, #tpu.memory_space<vmem>>, vector<1x16xf32>,
      %get3A_461 = vector.shape_cast %get3A_460 : vector<1x16xf32> to vector<16xf32>
      %add3A_462 = arith.addf %add3A_455, %get3A_461 : vector<16xf32>
      %add3A_463 = arith.constant 43 : i32
      %add3A_464 = arith.addi %mul3A_165, %add3A_463 : i32
      %get3A_465 = arith.index_cast %add3A_464 : i32 to index
      %get3A_466 = arith.constant 0 : index
      %get3A_467 = tpu.vector_load %arg7[%get3A_465, %get3A_466] {strides = array<i32>} : memref<3200x16xf32, #tpu.memory_space<vmem>>, vector<1x16xf32>,
      %get3A_468 = vector.shape_cast %get3A_467 : vector<1x16xf32> to vector<16xf32>
      %add3A_469 = arith.addf %add3A_462, %get3A_468 : vector<16xf32>
      %add3A_470 = arith.constant 44 : i32
      %add3A_471 = arith.addi %mul3A_165, %add3A_470 : i32
      %get3A_472 = arith.index_cast %add3A_471 : i32 to index
      %get3A_473 = arith.constant 0 : index
      %get3A_474 = tpu.vector_load %arg7[%get3A_472, %get3A_473] {strides = array<i32>} : memref<3200x16xf32, #tpu.memory_space<vmem>>, vector<1x16xf32>,
      %get3A_475 = vector.shape_cast %get3A_474 : vector<1x16xf32> to vector<16xf32>
      %add3A_476 = arith.addf %add3A_469, %get3A_475 : vector<16xf32>
      %add3A_477 = arith.constant 45 : i32
      %add3A_478 = arith.addi %mul3A_165, %add3A_477 : i32
      %get3A_479 = arith.index_cast %add3A_478 : i32 to index
      %get3A_480 = arith.constant 0 : index
      %get3A_481 = tpu.vector_load %arg7[%get3A_479, %get3A_480] {strides = array<i32>} : memref<3200x16xf32, #tpu.memory_space<vmem>>, vector<1x16xf32>,
      %get3A_482 = vector.shape_cast %get3A_481 : vector<1x16xf32> to vector<16xf32>
      %add3A_483 = arith.addf %add3A_476, %get3A_482 : vector<16xf32>
      %add3A_484 = arith.constant 46 : i32
      %add3A_485 = arith.addi %mul3A_165, %add3A_484 : i32
      %get3A_486 = arith.index_cast %add3A_485 : i32 to index
      %get3A_487 = arith.constant 0 : index
      %get3A_488 = tpu.vector_load %arg7[%get3A_486, %get3A_487] {strides = array<i32>} : memref<3200x16xf32, #tpu.memory_space<vmem>>, vector<1x16xf32>,
      %get3A_489 = vector.shape_cast %get3A_488 : vector<1x16xf32> to vector<16xf32>
      %add3A_490 = arith.addf %add3A_483, %get3A_489 : vector<16xf32>
      %add3A_491 = arith.constant 47 : i32
      %add3A_492 = arith.addi %mul3A_165, %add3A_491 : i32
      %get3A_493 = arith.index_cast %add3A_492 : i32 to index
      %get3A_494 = arith.constant 0 : index
      %get3A_495 = tpu.vector_load %arg7[%get3A_493, %get3A_494] {strides = array<i32>} : memref<3200x16xf32, #tpu.memory_space<vmem>>, vector<1x16xf32>,
      %get3A_496 = vector.shape_cast %get3A_495 : vector<1x16xf32> to vector<16xf32>
      %add3A_497 = arith.addf %add3A_490, %get3A_496 : vector<16xf32>
      %add3A_498 = arith.constant 48 : i32
      %add3A_499 = arith.addi %mul3A_165, %add3A_498 : i32
      %get3A_500 = arith.index_cast %add3A_499 : i32 to index
      %get3A_501 = arith.constant 0 : index
      %get3A_502 = tpu.vector_load %arg7[%get3A_500, %get3A_501] {strides = array<i32>} : memref<3200x16xf32, #tpu.memory_space<vmem>>, vector<1x16xf32>,
      %get3A_503 = vector.shape_cast %get3A_502 : vector<1x16xf32> to vector<16xf32>
      %add3A_504 = arith.addf %add3A_497, %get3A_503 : vector<16xf32>
      %add3A_505 = arith.constant 49 : i32
      %add3A_506 = arith.addi %mul3A_165, %add3A_505 : i32
      %get3A_507 = arith.index_cast %add3A_506 : i32 to index
      %get3A_508 = arith.constant 0 : index
      %get3A_509 = tpu.vector_load %arg7[%get3A_507, %get3A_508] {strides = array<i32>} : memref<3200x16xf32, #tpu.memory_space<vmem>>, vector<1x16xf32>,
      %get3A_510 = vector.shape_cast %get3A_509 : vector<1x16xf32> to vector<16xf32>
      %add3A_511 = arith.addf %add3A_504, %get3A_510 : vector<16xf32>
      %swap3A = arith.index_cast %scan3A_163 : i32 to index
      %swap3A_512 = arith.constant 0 : index
      %swap3A_513 = tpu.vector_load %arg8[%swap3A, %swap3A_512] {strides = array<i32>} : memref<64x16xf32, #tpu.memory_space<vmem>>, vector<1x16xf32>,
      %swap3A_514 = vector.shape_cast %swap3A_513 : vector<1x16xf32> to vector<16xf32>
      %swap3A_515 = vector.shape_cast %add3A_511 : vector<16xf32> to vector<1x16xf32>
      tpu.vector_store %arg8[%swap3A, %swap3A_512], %swap3A_515 {strides = array<i32>} : memref<64x16xf32, #tpu.memory_space<vmem>>, vector<1x16xf32>,
    }
    %scan3A_126 = arith.constant 64 : i32
    %add3A_127 = arith.constant 320 : i32
    %add3A_128 = arith.addi %mul3A_4, %add3A_127 : i32
    "tpu.region"() ({
      %run_scoped3A = tpu.sem_alloc : memref<!tpu.dma_semaphore, #tpu.memory_space<semaphore_mem>>
      %dma_start3A = arith.constant 0 : i32
      %dma_start3A_163 = tpu.memref_slice %arg4[%add3A_128, %dma_start3A] : memref<16384x16xf32, #tpu.memory_space<hbm>> -> memref<64x16xf32, #tpu.memory_space<hbm>>
      %dma_start3A_164 = arith.constant 0 : i32
      %dma_start3A_165 = tpu.memref_slice %arg4[%add3A_128, %dma_start3A_164] : memref<16384x16xf32, #tpu.memory_space<hbm>> -> memref<64x16xf32, #tpu.memory_space<hbm>>
      tpu.enqueue_dma source(%arg8 : memref<64x16xf32, #tpu.memory_space<vmem>>) target(%dma_start3A_165 : memref<64x16xf32, #tpu.memory_space<hbm>>) target_semaphore(%run_scoped3A : memref<!tpu.dma_semaphore, #tpu.memory_space<semaphore_mem>>)
      %dma_wait3A_166 = arith.constant 0 : i32
      %dma_wait3A_167 = tpu.memref_slice %arg4[%add3A_128, %dma_wait3A_166] : memref<16384x16xf32, #tpu.memory_space<hbm>> -> memref<64x16xf32, #tpu.memory_space<hbm>>
      %dma_wait3A_168 = arith.constant 0 : i32
      %dma_wait3A_169 = tpu.memref_slice %arg4[%add3A_128, %dma_wait3A_168] : memref<16384x16xf32, #tpu.memory_space<hbm>> -> memref<64x16xf32, #tpu.memory_space<hbm>>
      tpu.wait_dma2 semaphore(%run_scoped3A : memref<!tpu.dma_semaphore, #tpu.memory_space<semaphore_mem>>) src(%arg8 : memref<64x16xf32, #tpu.memory_space<vmem>>) dst(%dma_wait3A_169 : memref<64x16xf32, #tpu.memory_space<hbm>>)
      tpu.yield
    }) : () -> ()
    %scan3A_129 = arith.constant 0 : i32
    %scan3A_130 = arith.constant 0 : i32
    %scan3A_131 = arith.constant 25 : i32
    %scan3A_132 = arith.addi %scan3A_130, %scan3A_131 : i32
    %scan3A_133 = arith.constant 1 : i32
    scf.for %scan3A_163 = %scan3A_130 to %scan3A_132 step %scan3A_133  : i32 {
      %add3A_164 = arith.constant 175 : i32
      %add3A_165 = arith.addi %add3A_164, %scan3A_163 : i32
      %mul3A_166 = arith.constant 128 : i32
      %mul3A_167 = arith.muli %add3A_165, %mul3A_166 : i32
      %mul3A_168 = arith.constant 128 : i32
      %mul3A_169 = arith.muli %scan3A_163, %mul3A_168 : i32
      %dma_start3A = arith.constant 0 : i32
      %dma_start3A_170 = tpu.memref_slice %arg7[%mul3A_169, %dma_start3A] : memref<3200x16xf32, #tpu.memory_space<vmem>> -> memref<128x16xf32, #tpu.memory_space<vmem>>
      %dma_start3A_171 = tpu.memref_slice %arg5[%mul3A_167] : memref<25600xi32, #tpu.memory_space<vmem>> -> memref<128xi32, #tpu.memory_space<vmem>>
      %dma_start3A_172 = arith.constant 0 : i32
      %dma_start3A_173 = arith.constant 0 : i32
      %dma_start3A_174 = tpu.memref_slice %arg3[%dma_start3A_172, %dma_start3A_173] : memref<1000000x16xf32, #tpu.memory_space<hbm>> -> memref<1000000x16xf32, #tpu.memory_space<hbm>>
      tpu.enqueue_indirect_dma source(%dma_start3A_174 : memref<1000000x16xf32, #tpu.memory_space<hbm>>) target(%dma_start3A_170 : memref<128x16xf32, #tpu.memory_space<vmem>>) offsets(%dma_start3A_171 : memref<128xi32, #tpu.memory_space<vmem>>) semaphore(%arg10 : memref<!tpu.dma_semaphore, #tpu.memory_space<semaphore_mem>>)
    }
    %scan3A_134 = arith.constant 25 : i32
    %dma_wait3A_135 = arith.constant 0 : i32
    %dma_wait3A_136 = arith.constant 0 : i32
    %dma_wait3A_137 = tpu.memref_slice %arg3[%dma_wait3A_135, %dma_wait3A_136] : memref<1000000x16xf32, #tpu.memory_space<hbm>> -> memref<3200x16xf32, #tpu.memory_space<hbm>>
    %dma_wait3A_138 = arith.constant 0 : i32
    %dma_wait3A_139 = arith.constant 0 : i32
    %dma_wait3A_140 = tpu.memref_slice %arg3[%dma_wait3A_138, %dma_wait3A_139] : memref<1000000x16xf32, #tpu.memory_space<hbm>> -> memref<3200x16xf32, #tpu.memory_space<hbm>>
    tpu.wait_dma2 semaphore(%arg9 : memref<!tpu.dma_semaphore, #tpu.memory_space<semaphore_mem>>) src(%dma_wait3A_140 : memref<3200x16xf32, #tpu.memory_space<hbm>>) dst(%arg6 : memref<3200x16xf32, #tpu.memory_space<vmem>>)
    %scan3A_141 = arith.constant 0 : i32
    %scan3A_142 = arith.constant 0 : i32
    %scan3A_143 = arith.constant 64 : i32
    %scan3A_144 = arith.addi %scan3A_142, %scan3A_143 : i32
    %scan3A_145 = arith.constant 1 : i32
    scf.for %scan3A_163 = %scan3A_142 to %scan3A_144 step %scan3A_145  : i32 {
      %mul3A_164 = arith.constant 50 : i32
      %mul3A_165 = arith.muli %scan3A_163, %mul3A_164 : i32
      %get3A = arith.index_cast %mul3A_165 : i32 to index
      %get3A_166 = arith.constant 0 : index
      %get3A_167 = tpu.vector_load %arg6[%get3A, %get3A_166] {strides = array<i32>} : memref<3200x16xf32, #tpu.memory_space<vmem>>, vector<1x16xf32>,
      %get3A_168 = vector.shape_cast %get3A_167 : vector<1x16xf32> to vector<16xf32>
      %add3A_169 = arith.constant 1 : i32
      %add3A_170 = arith.addi %mul3A_165, %add3A_169 : i32
      %get3A_171 = arith.index_cast %add3A_170 : i32 to index
      %get3A_172 = arith.constant 0 : index
      %get3A_173 = tpu.vector_load %arg6[%get3A_171, %get3A_172] {strides = array<i32>} : memref<3200x16xf32, #tpu.memory_space<vmem>>, vector<1x16xf32>,
      %get3A_174 = vector.shape_cast %get3A_173 : vector<1x16xf32> to vector<16xf32>
      %add3A_175 = arith.addf %get3A_168, %get3A_174 : vector<16xf32>
      %add3A_176 = arith.constant 2 : i32
      %add3A_177 = arith.addi %mul3A_165, %add3A_176 : i32
      %get3A_178 = arith.index_cast %add3A_177 : i32 to index
      %get3A_179 = arith.constant 0 : index
      %get3A_180 = tpu.vector_load %arg6[%get3A_178, %get3A_179] {strides = array<i32>} : memref<3200x16xf32, #tpu.memory_space<vmem>>, vector<1x16xf32>,
      %get3A_181 = vector.shape_cast %get3A_180 : vector<1x16xf32> to vector<16xf32>
      %add3A_182 = arith.addf %add3A_175, %get3A_181 : vector<16xf32>
      %add3A_183 = arith.constant 3 : i32
      %add3A_184 = arith.addi %mul3A_165, %add3A_183 : i32
      %get3A_185 = arith.index_cast %add3A_184 : i32 to index
      %get3A_186 = arith.constant 0 : index
      %get3A_187 = tpu.vector_load %arg6[%get3A_185, %get3A_186] {strides = array<i32>} : memref<3200x16xf32, #tpu.memory_space<vmem>>, vector<1x16xf32>,
      %get3A_188 = vector.shape_cast %get3A_187 : vector<1x16xf32> to vector<16xf32>
      %add3A_189 = arith.addf %add3A_182, %get3A_188 : vector<16xf32>
      %add3A_190 = arith.constant 4 : i32
      %add3A_191 = arith.addi %mul3A_165, %add3A_190 : i32
      %get3A_192 = arith.index_cast %add3A_191 : i32 to index
      %get3A_193 = arith.constant 0 : index
      %get3A_194 = tpu.vector_load %arg6[%get3A_192, %get3A_193] {strides = array<i32>} : memref<3200x16xf32, #tpu.memory_space<vmem>>, vector<1x16xf32>,
      %get3A_195 = vector.shape_cast %get3A_194 : vector<1x16xf32> to vector<16xf32>
      %add3A_196 = arith.addf %add3A_189, %get3A_195 : vector<16xf32>
      %add3A_197 = arith.constant 5 : i32
      %add3A_198 = arith.addi %mul3A_165, %add3A_197 : i32
      %get3A_199 = arith.index_cast %add3A_198 : i32 to index
      %get3A_200 = arith.constant 0 : index
      %get3A_201 = tpu.vector_load %arg6[%get3A_199, %get3A_200] {strides = array<i32>} : memref<3200x16xf32, #tpu.memory_space<vmem>>, vector<1x16xf32>,
      %get3A_202 = vector.shape_cast %get3A_201 : vector<1x16xf32> to vector<16xf32>
      %add3A_203 = arith.addf %add3A_196, %get3A_202 : vector<16xf32>
      %add3A_204 = arith.constant 6 : i32
      %add3A_205 = arith.addi %mul3A_165, %add3A_204 : i32
      %get3A_206 = arith.index_cast %add3A_205 : i32 to index
      %get3A_207 = arith.constant 0 : index
      %get3A_208 = tpu.vector_load %arg6[%get3A_206, %get3A_207] {strides = array<i32>} : memref<3200x16xf32, #tpu.memory_space<vmem>>, vector<1x16xf32>,
      %get3A_209 = vector.shape_cast %get3A_208 : vector<1x16xf32> to vector<16xf32>
      %add3A_210 = arith.addf %add3A_203, %get3A_209 : vector<16xf32>
      %add3A_211 = arith.constant 7 : i32
      %add3A_212 = arith.addi %mul3A_165, %add3A_211 : i32
      %get3A_213 = arith.index_cast %add3A_212 : i32 to index
      %get3A_214 = arith.constant 0 : index
      %get3A_215 = tpu.vector_load %arg6[%get3A_213, %get3A_214] {strides = array<i32>} : memref<3200x16xf32, #tpu.memory_space<vmem>>, vector<1x16xf32>,
      %get3A_216 = vector.shape_cast %get3A_215 : vector<1x16xf32> to vector<16xf32>
      %add3A_217 = arith.addf %add3A_210, %get3A_216 : vector<16xf32>
      %add3A_218 = arith.constant 8 : i32
      %add3A_219 = arith.addi %mul3A_165, %add3A_218 : i32
      %get3A_220 = arith.index_cast %add3A_219 : i32 to index
      %get3A_221 = arith.constant 0 : index
      %get3A_222 = tpu.vector_load %arg6[%get3A_220, %get3A_221] {strides = array<i32>} : memref<3200x16xf32, #tpu.memory_space<vmem>>, vector<1x16xf32>,
      %get3A_223 = vector.shape_cast %get3A_222 : vector<1x16xf32> to vector<16xf32>
      %add3A_224 = arith.addf %add3A_217, %get3A_223 : vector<16xf32>
      %add3A_225 = arith.constant 9 : i32
      %add3A_226 = arith.addi %mul3A_165, %add3A_225 : i32
      %get3A_227 = arith.index_cast %add3A_226 : i32 to index
      %get3A_228 = arith.constant 0 : index
      %get3A_229 = tpu.vector_load %arg6[%get3A_227, %get3A_228] {strides = array<i32>} : memref<3200x16xf32, #tpu.memory_space<vmem>>, vector<1x16xf32>,
      %get3A_230 = vector.shape_cast %get3A_229 : vector<1x16xf32> to vector<16xf32>
      %add3A_231 = arith.addf %add3A_224, %get3A_230 : vector<16xf32>
      %add3A_232 = arith.constant 10 : i32
      %add3A_233 = arith.addi %mul3A_165, %add3A_232 : i32
      %get3A_234 = arith.index_cast %add3A_233 : i32 to index
      %get3A_235 = arith.constant 0 : index
      %get3A_236 = tpu.vector_load %arg6[%get3A_234, %get3A_235] {strides = array<i32>} : memref<3200x16xf32, #tpu.memory_space<vmem>>, vector<1x16xf32>,
      %get3A_237 = vector.shape_cast %get3A_236 : vector<1x16xf32> to vector<16xf32>
      %add3A_238 = arith.addf %add3A_231, %get3A_237 : vector<16xf32>
      %add3A_239 = arith.constant 11 : i32
      %add3A_240 = arith.addi %mul3A_165, %add3A_239 : i32
      %get3A_241 = arith.index_cast %add3A_240 : i32 to index
      %get3A_242 = arith.constant 0 : index
      %get3A_243 = tpu.vector_load %arg6[%get3A_241, %get3A_242] {strides = array<i32>} : memref<3200x16xf32, #tpu.memory_space<vmem>>, vector<1x16xf32>,
      %get3A_244 = vector.shape_cast %get3A_243 : vector<1x16xf32> to vector<16xf32>
      %add3A_245 = arith.addf %add3A_238, %get3A_244 : vector<16xf32>
      %add3A_246 = arith.constant 12 : i32
      %add3A_247 = arith.addi %mul3A_165, %add3A_246 : i32
      %get3A_248 = arith.index_cast %add3A_247 : i32 to index
      %get3A_249 = arith.constant 0 : index
      %get3A_250 = tpu.vector_load %arg6[%get3A_248, %get3A_249] {strides = array<i32>} : memref<3200x16xf32, #tpu.memory_space<vmem>>, vector<1x16xf32>,
      %get3A_251 = vector.shape_cast %get3A_250 : vector<1x16xf32> to vector<16xf32>
      %add3A_252 = arith.addf %add3A_245, %get3A_251 : vector<16xf32>
      %add3A_253 = arith.constant 13 : i32
      %add3A_254 = arith.addi %mul3A_165, %add3A_253 : i32
      %get3A_255 = arith.index_cast %add3A_254 : i32 to index
      %get3A_256 = arith.constant 0 : index
      %get3A_257 = tpu.vector_load %arg6[%get3A_255, %get3A_256] {strides = array<i32>} : memref<3200x16xf32, #tpu.memory_space<vmem>>, vector<1x16xf32>,
      %get3A_258 = vector.shape_cast %get3A_257 : vector<1x16xf32> to vector<16xf32>
      %add3A_259 = arith.addf %add3A_252, %get3A_258 : vector<16xf32>
      %add3A_260 = arith.constant 14 : i32
      %add3A_261 = arith.addi %mul3A_165, %add3A_260 : i32
      %get3A_262 = arith.index_cast %add3A_261 : i32 to index
      %get3A_263 = arith.constant 0 : index
      %get3A_264 = tpu.vector_load %arg6[%get3A_262, %get3A_263] {strides = array<i32>} : memref<3200x16xf32, #tpu.memory_space<vmem>>, vector<1x16xf32>,
      %get3A_265 = vector.shape_cast %get3A_264 : vector<1x16xf32> to vector<16xf32>
      %add3A_266 = arith.addf %add3A_259, %get3A_265 : vector<16xf32>
      %add3A_267 = arith.constant 15 : i32
      %add3A_268 = arith.addi %mul3A_165, %add3A_267 : i32
      %get3A_269 = arith.index_cast %add3A_268 : i32 to index
      %get3A_270 = arith.constant 0 : index
      %get3A_271 = tpu.vector_load %arg6[%get3A_269, %get3A_270] {strides = array<i32>} : memref<3200x16xf32, #tpu.memory_space<vmem>>, vector<1x16xf32>,
      %get3A_272 = vector.shape_cast %get3A_271 : vector<1x16xf32> to vector<16xf32>
      %add3A_273 = arith.addf %add3A_266, %get3A_272 : vector<16xf32>
      %add3A_274 = arith.constant 16 : i32
      %add3A_275 = arith.addi %mul3A_165, %add3A_274 : i32
      %get3A_276 = arith.index_cast %add3A_275 : i32 to index
      %get3A_277 = arith.constant 0 : index
      %get3A_278 = tpu.vector_load %arg6[%get3A_276, %get3A_277] {strides = array<i32>} : memref<3200x16xf32, #tpu.memory_space<vmem>>, vector<1x16xf32>,
      %get3A_279 = vector.shape_cast %get3A_278 : vector<1x16xf32> to vector<16xf32>
      %add3A_280 = arith.addf %add3A_273, %get3A_279 : vector<16xf32>
      %add3A_281 = arith.constant 17 : i32
      %add3A_282 = arith.addi %mul3A_165, %add3A_281 : i32
      %get3A_283 = arith.index_cast %add3A_282 : i32 to index
      %get3A_284 = arith.constant 0 : index
      %get3A_285 = tpu.vector_load %arg6[%get3A_283, %get3A_284] {strides = array<i32>} : memref<3200x16xf32, #tpu.memory_space<vmem>>, vector<1x16xf32>,
      %get3A_286 = vector.shape_cast %get3A_285 : vector<1x16xf32> to vector<16xf32>
      %add3A_287 = arith.addf %add3A_280, %get3A_286 : vector<16xf32>
      %add3A_288 = arith.constant 18 : i32
      %add3A_289 = arith.addi %mul3A_165, %add3A_288 : i32
      %get3A_290 = arith.index_cast %add3A_289 : i32 to index
      %get3A_291 = arith.constant 0 : index
      %get3A_292 = tpu.vector_load %arg6[%get3A_290, %get3A_291] {strides = array<i32>} : memref<3200x16xf32, #tpu.memory_space<vmem>>, vector<1x16xf32>,
      %get3A_293 = vector.shape_cast %get3A_292 : vector<1x16xf32> to vector<16xf32>
      %add3A_294 = arith.addf %add3A_287, %get3A_293 : vector<16xf32>
      %add3A_295 = arith.constant 19 : i32
      %add3A_296 = arith.addi %mul3A_165, %add3A_295 : i32
      %get3A_297 = arith.index_cast %add3A_296 : i32 to index
      %get3A_298 = arith.constant 0 : index
      %get3A_299 = tpu.vector_load %arg6[%get3A_297, %get3A_298] {strides = array<i32>} : memref<3200x16xf32, #tpu.memory_space<vmem>>, vector<1x16xf32>,
      %get3A_300 = vector.shape_cast %get3A_299 : vector<1x16xf32> to vector<16xf32>
      %add3A_301 = arith.addf %add3A_294, %get3A_300 : vector<16xf32>
      %add3A_302 = arith.constant 20 : i32
      %add3A_303 = arith.addi %mul3A_165, %add3A_302 : i32
      %get3A_304 = arith.index_cast %add3A_303 : i32 to index
      %get3A_305 = arith.constant 0 : index
      %get3A_306 = tpu.vector_load %arg6[%get3A_304, %get3A_305] {strides = array<i32>} : memref<3200x16xf32, #tpu.memory_space<vmem>>, vector<1x16xf32>,
      %get3A_307 = vector.shape_cast %get3A_306 : vector<1x16xf32> to vector<16xf32>
      %add3A_308 = arith.addf %add3A_301, %get3A_307 : vector<16xf32>
      %add3A_309 = arith.constant 21 : i32
      %add3A_310 = arith.addi %mul3A_165, %add3A_309 : i32
      %get3A_311 = arith.index_cast %add3A_310 : i32 to index
      %get3A_312 = arith.constant 0 : index
      %get3A_313 = tpu.vector_load %arg6[%get3A_311, %get3A_312] {strides = array<i32>} : memref<3200x16xf32, #tpu.memory_space<vmem>>, vector<1x16xf32>,
      %get3A_314 = vector.shape_cast %get3A_313 : vector<1x16xf32> to vector<16xf32>
      %add3A_315 = arith.addf %add3A_308, %get3A_314 : vector<16xf32>
      %add3A_316 = arith.constant 22 : i32
      %add3A_317 = arith.addi %mul3A_165, %add3A_316 : i32
      %get3A_318 = arith.index_cast %add3A_317 : i32 to index
      %get3A_319 = arith.constant 0 : index
      %get3A_320 = tpu.vector_load %arg6[%get3A_318, %get3A_319] {strides = array<i32>} : memref<3200x16xf32, #tpu.memory_space<vmem>>, vector<1x16xf32>,
      %get3A_321 = vector.shape_cast %get3A_320 : vector<1x16xf32> to vector<16xf32>
      %add3A_322 = arith.addf %add3A_315, %get3A_321 : vector<16xf32>
      %add3A_323 = arith.constant 23 : i32
      %add3A_324 = arith.addi %mul3A_165, %add3A_323 : i32
      %get3A_325 = arith.index_cast %add3A_324 : i32 to index
      %get3A_326 = arith.constant 0 : index
      %get3A_327 = tpu.vector_load %arg6[%get3A_325, %get3A_326] {strides = array<i32>} : memref<3200x16xf32, #tpu.memory_space<vmem>>, vector<1x16xf32>,
      %get3A_328 = vector.shape_cast %get3A_327 : vector<1x16xf32> to vector<16xf32>
      %add3A_329 = arith.addf %add3A_322, %get3A_328 : vector<16xf32>
      %add3A_330 = arith.constant 24 : i32
      %add3A_331 = arith.addi %mul3A_165, %add3A_330 : i32
      %get3A_332 = arith.index_cast %add3A_331 : i32 to index
      %get3A_333 = arith.constant 0 : index
      %get3A_334 = tpu.vector_load %arg6[%get3A_332, %get3A_333] {strides = array<i32>} : memref<3200x16xf32, #tpu.memory_space<vmem>>, vector<1x16xf32>,
      %get3A_335 = vector.shape_cast %get3A_334 : vector<1x16xf32> to vector<16xf32>
      %add3A_336 = arith.addf %add3A_329, %get3A_335 : vector<16xf32>
      %add3A_337 = arith.constant 25 : i32
      %add3A_338 = arith.addi %mul3A_165, %add3A_337 : i32
      %get3A_339 = arith.index_cast %add3A_338 : i32 to index
      %get3A_340 = arith.constant 0 : index
      %get3A_341 = tpu.vector_load %arg6[%get3A_339, %get3A_340] {strides = array<i32>} : memref<3200x16xf32, #tpu.memory_space<vmem>>, vector<1x16xf32>,
      %get3A_342 = vector.shape_cast %get3A_341 : vector<1x16xf32> to vector<16xf32>
      %add3A_343 = arith.addf %add3A_336, %get3A_342 : vector<16xf32>
      %add3A_344 = arith.constant 26 : i32
      %add3A_345 = arith.addi %mul3A_165, %add3A_344 : i32
      %get3A_346 = arith.index_cast %add3A_345 : i32 to index
      %get3A_347 = arith.constant 0 : index
      %get3A_348 = tpu.vector_load %arg6[%get3A_346, %get3A_347] {strides = array<i32>} : memref<3200x16xf32, #tpu.memory_space<vmem>>, vector<1x16xf32>,
      %get3A_349 = vector.shape_cast %get3A_348 : vector<1x16xf32> to vector<16xf32>
      %add3A_350 = arith.addf %add3A_343, %get3A_349 : vector<16xf32>
      %add3A_351 = arith.constant 27 : i32
      %add3A_352 = arith.addi %mul3A_165, %add3A_351 : i32
      %get3A_353 = arith.index_cast %add3A_352 : i32 to index
      %get3A_354 = arith.constant 0 : index
      %get3A_355 = tpu.vector_load %arg6[%get3A_353, %get3A_354] {strides = array<i32>} : memref<3200x16xf32, #tpu.memory_space<vmem>>, vector<1x16xf32>,
      %get3A_356 = vector.shape_cast %get3A_355 : vector<1x16xf32> to vector<16xf32>
      %add3A_357 = arith.addf %add3A_350, %get3A_356 : vector<16xf32>
      %add3A_358 = arith.constant 28 : i32
      %add3A_359 = arith.addi %mul3A_165, %add3A_358 : i32
      %get3A_360 = arith.index_cast %add3A_359 : i32 to index
      %get3A_361 = arith.constant 0 : index
      %get3A_362 = tpu.vector_load %arg6[%get3A_360, %get3A_361] {strides = array<i32>} : memref<3200x16xf32, #tpu.memory_space<vmem>>, vector<1x16xf32>,
      %get3A_363 = vector.shape_cast %get3A_362 : vector<1x16xf32> to vector<16xf32>
      %add3A_364 = arith.addf %add3A_357, %get3A_363 : vector<16xf32>
      %add3A_365 = arith.constant 29 : i32
      %add3A_366 = arith.addi %mul3A_165, %add3A_365 : i32
      %get3A_367 = arith.index_cast %add3A_366 : i32 to index
      %get3A_368 = arith.constant 0 : index
      %get3A_369 = tpu.vector_load %arg6[%get3A_367, %get3A_368] {strides = array<i32>} : memref<3200x16xf32, #tpu.memory_space<vmem>>, vector<1x16xf32>,
      %get3A_370 = vector.shape_cast %get3A_369 : vector<1x16xf32> to vector<16xf32>
      %add3A_371 = arith.addf %add3A_364, %get3A_370 : vector<16xf32>
      %add3A_372 = arith.constant 30 : i32
      %add3A_373 = arith.addi %mul3A_165, %add3A_372 : i32
      %get3A_374 = arith.index_cast %add3A_373 : i32 to index
      %get3A_375 = arith.constant 0 : index
      %get3A_376 = tpu.vector_load %arg6[%get3A_374, %get3A_375] {strides = array<i32>} : memref<3200x16xf32, #tpu.memory_space<vmem>>, vector<1x16xf32>,
      %get3A_377 = vector.shape_cast %get3A_376 : vector<1x16xf32> to vector<16xf32>
      %add3A_378 = arith.addf %add3A_371, %get3A_377 : vector<16xf32>
      %add3A_379 = arith.constant 31 : i32
      %add3A_380 = arith.addi %mul3A_165, %add3A_379 : i32
      %get3A_381 = arith.index_cast %add3A_380 : i32 to index
      %get3A_382 = arith.constant 0 : index
      %get3A_383 = tpu.vector_load %arg6[%get3A_381, %get3A_382] {strides = array<i32>} : memref<3200x16xf32, #tpu.memory_space<vmem>>, vector<1x16xf32>,
      %get3A_384 = vector.shape_cast %get3A_383 : vector<1x16xf32> to vector<16xf32>
      %add3A_385 = arith.addf %add3A_378, %get3A_384 : vector<16xf32>
      %add3A_386 = arith.constant 32 : i32
      %add3A_387 = arith.addi %mul3A_165, %add3A_386 : i32
      %get3A_388 = arith.index_cast %add3A_387 : i32 to index
      %get3A_389 = arith.constant 0 : index
      %get3A_390 = tpu.vector_load %arg6[%get3A_388, %get3A_389] {strides = array<i32>} : memref<3200x16xf32, #tpu.memory_space<vmem>>, vector<1x16xf32>,
      %get3A_391 = vector.shape_cast %get3A_390 : vector<1x16xf32> to vector<16xf32>
      %add3A_392 = arith.addf %add3A_385, %get3A_391 : vector<16xf32>
      %add3A_393 = arith.constant 33 : i32
      %add3A_394 = arith.addi %mul3A_165, %add3A_393 : i32
      %get3A_395 = arith.index_cast %add3A_394 : i32 to index
      %get3A_396 = arith.constant 0 : index
      %get3A_397 = tpu.vector_load %arg6[%get3A_395, %get3A_396] {strides = array<i32>} : memref<3200x16xf32, #tpu.memory_space<vmem>>, vector<1x16xf32>,
      %get3A_398 = vector.shape_cast %get3A_397 : vector<1x16xf32> to vector<16xf32>
      %add3A_399 = arith.addf %add3A_392, %get3A_398 : vector<16xf32>
      %add3A_400 = arith.constant 34 : i32
      %add3A_401 = arith.addi %mul3A_165, %add3A_400 : i32
      %get3A_402 = arith.index_cast %add3A_401 : i32 to index
      %get3A_403 = arith.constant 0 : index
      %get3A_404 = tpu.vector_load %arg6[%get3A_402, %get3A_403] {strides = array<i32>} : memref<3200x16xf32, #tpu.memory_space<vmem>>, vector<1x16xf32>,
      %get3A_405 = vector.shape_cast %get3A_404 : vector<1x16xf32> to vector<16xf32>
      %add3A_406 = arith.addf %add3A_399, %get3A_405 : vector<16xf32>
      %add3A_407 = arith.constant 35 : i32
      %add3A_408 = arith.addi %mul3A_165, %add3A_407 : i32
      %get3A_409 = arith.index_cast %add3A_408 : i32 to index
      %get3A_410 = arith.constant 0 : index
      %get3A_411 = tpu.vector_load %arg6[%get3A_409, %get3A_410] {strides = array<i32>} : memref<3200x16xf32, #tpu.memory_space<vmem>>, vector<1x16xf32>,
      %get3A_412 = vector.shape_cast %get3A_411 : vector<1x16xf32> to vector<16xf32>
      %add3A_413 = arith.addf %add3A_406, %get3A_412 : vector<16xf32>
      %add3A_414 = arith.constant 36 : i32
      %add3A_415 = arith.addi %mul3A_165, %add3A_414 : i32
      %get3A_416 = arith.index_cast %add3A_415 : i32 to index
      %get3A_417 = arith.constant 0 : index
      %get3A_418 = tpu.vector_load %arg6[%get3A_416, %get3A_417] {strides = array<i32>} : memref<3200x16xf32, #tpu.memory_space<vmem>>, vector<1x16xf32>,
      %get3A_419 = vector.shape_cast %get3A_418 : vector<1x16xf32> to vector<16xf32>
      %add3A_420 = arith.addf %add3A_413, %get3A_419 : vector<16xf32>
      %add3A_421 = arith.constant 37 : i32
      %add3A_422 = arith.addi %mul3A_165, %add3A_421 : i32
      %get3A_423 = arith.index_cast %add3A_422 : i32 to index
      %get3A_424 = arith.constant 0 : index
      %get3A_425 = tpu.vector_load %arg6[%get3A_423, %get3A_424] {strides = array<i32>} : memref<3200x16xf32, #tpu.memory_space<vmem>>, vector<1x16xf32>,
      %get3A_426 = vector.shape_cast %get3A_425 : vector<1x16xf32> to vector<16xf32>
      %add3A_427 = arith.addf %add3A_420, %get3A_426 : vector<16xf32>
      %add3A_428 = arith.constant 38 : i32
      %add3A_429 = arith.addi %mul3A_165, %add3A_428 : i32
      %get3A_430 = arith.index_cast %add3A_429 : i32 to index
      %get3A_431 = arith.constant 0 : index
      %get3A_432 = tpu.vector_load %arg6[%get3A_430, %get3A_431] {strides = array<i32>} : memref<3200x16xf32, #tpu.memory_space<vmem>>, vector<1x16xf32>,
      %get3A_433 = vector.shape_cast %get3A_432 : vector<1x16xf32> to vector<16xf32>
      %add3A_434 = arith.addf %add3A_427, %get3A_433 : vector<16xf32>
      %add3A_435 = arith.constant 39 : i32
      %add3A_436 = arith.addi %mul3A_165, %add3A_435 : i32
      %get3A_437 = arith.index_cast %add3A_436 : i32 to index
      %get3A_438 = arith.constant 0 : index
      %get3A_439 = tpu.vector_load %arg6[%get3A_437, %get3A_438] {strides = array<i32>} : memref<3200x16xf32, #tpu.memory_space<vmem>>, vector<1x16xf32>,
      %get3A_440 = vector.shape_cast %get3A_439 : vector<1x16xf32> to vector<16xf32>
      %add3A_441 = arith.addf %add3A_434, %get3A_440 : vector<16xf32>
      %add3A_442 = arith.constant 40 : i32
      %add3A_443 = arith.addi %mul3A_165, %add3A_442 : i32
      %get3A_444 = arith.index_cast %add3A_443 : i32 to index
      %get3A_445 = arith.constant 0 : index
      %get3A_446 = tpu.vector_load %arg6[%get3A_444, %get3A_445] {strides = array<i32>} : memref<3200x16xf32, #tpu.memory_space<vmem>>, vector<1x16xf32>,
      %get3A_447 = vector.shape_cast %get3A_446 : vector<1x16xf32> to vector<16xf32>
      %add3A_448 = arith.addf %add3A_441, %get3A_447 : vector<16xf32>
      %add3A_449 = arith.constant 41 : i32
      %add3A_450 = arith.addi %mul3A_165, %add3A_449 : i32
      %get3A_451 = arith.index_cast %add3A_450 : i32 to index
      %get3A_452 = arith.constant 0 : index
      %get3A_453 = tpu.vector_load %arg6[%get3A_451, %get3A_452] {strides = array<i32>} : memref<3200x16xf32, #tpu.memory_space<vmem>>, vector<1x16xf32>,
      %get3A_454 = vector.shape_cast %get3A_453 : vector<1x16xf32> to vector<16xf32>
      %add3A_455 = arith.addf %add3A_448, %get3A_454 : vector<16xf32>
      %add3A_456 = arith.constant 42 : i32
      %add3A_457 = arith.addi %mul3A_165, %add3A_456 : i32
      %get3A_458 = arith.index_cast %add3A_457 : i32 to index
      %get3A_459 = arith.constant 0 : index
      %get3A_460 = tpu.vector_load %arg6[%get3A_458, %get3A_459] {strides = array<i32>} : memref<3200x16xf32, #tpu.memory_space<vmem>>, vector<1x16xf32>,
      %get3A_461 = vector.shape_cast %get3A_460 : vector<1x16xf32> to vector<16xf32>
      %add3A_462 = arith.addf %add3A_455, %get3A_461 : vector<16xf32>
      %add3A_463 = arith.constant 43 : i32
      %add3A_464 = arith.addi %mul3A_165, %add3A_463 : i32
      %get3A_465 = arith.index_cast %add3A_464 : i32 to index
      %get3A_466 = arith.constant 0 : index
      %get3A_467 = tpu.vector_load %arg6[%get3A_465, %get3A_466] {strides = array<i32>} : memref<3200x16xf32, #tpu.memory_space<vmem>>, vector<1x16xf32>,
      %get3A_468 = vector.shape_cast %get3A_467 : vector<1x16xf32> to vector<16xf32>
      %add3A_469 = arith.addf %add3A_462, %get3A_468 : vector<16xf32>
      %add3A_470 = arith.constant 44 : i32
      %add3A_471 = arith.addi %mul3A_165, %add3A_470 : i32
      %get3A_472 = arith.index_cast %add3A_471 : i32 to index
      %get3A_473 = arith.constant 0 : index
      %get3A_474 = tpu.vector_load %arg6[%get3A_472, %get3A_473] {strides = array<i32>} : memref<3200x16xf32, #tpu.memory_space<vmem>>, vector<1x16xf32>,
      %get3A_475 = vector.shape_cast %get3A_474 : vector<1x16xf32> to vector<16xf32>
      %add3A_476 = arith.addf %add3A_469, %get3A_475 : vector<16xf32>
      %add3A_477 = arith.constant 45 : i32
      %add3A_478 = arith.addi %mul3A_165, %add3A_477 : i32
      %get3A_479 = arith.index_cast %add3A_478 : i32 to index
      %get3A_480 = arith.constant 0 : index
      %get3A_481 = tpu.vector_load %arg6[%get3A_479, %get3A_480] {strides = array<i32>} : memref<3200x16xf32, #tpu.memory_space<vmem>>, vector<1x16xf32>,
      %get3A_482 = vector.shape_cast %get3A_481 : vector<1x16xf32> to vector<16xf32>
      %add3A_483 = arith.addf %add3A_476, %get3A_482 : vector<16xf32>
      %add3A_484 = arith.constant 46 : i32
      %add3A_485 = arith.addi %mul3A_165, %add3A_484 : i32
      %get3A_486 = arith.index_cast %add3A_485 : i32 to index
      %get3A_487 = arith.constant 0 : index
      %get3A_488 = tpu.vector_load %arg6[%get3A_486, %get3A_487] {strides = array<i32>} : memref<3200x16xf32, #tpu.memory_space<vmem>>, vector<1x16xf32>,
      %get3A_489 = vector.shape_cast %get3A_488 : vector<1x16xf32> to vector<16xf32>
      %add3A_490 = arith.addf %add3A_483, %get3A_489 : vector<16xf32>
      %add3A_491 = arith.constant 47 : i32
      %add3A_492 = arith.addi %mul3A_165, %add3A_491 : i32
      %get3A_493 = arith.index_cast %add3A_492 : i32 to index
      %get3A_494 = arith.constant 0 : index
      %get3A_495 = tpu.vector_load %arg6[%get3A_493, %get3A_494] {strides = array<i32>} : memref<3200x16xf32, #tpu.memory_space<vmem>>, vector<1x16xf32>,
      %get3A_496 = vector.shape_cast %get3A_495 : vector<1x16xf32> to vector<16xf32>
      %add3A_497 = arith.addf %add3A_490, %get3A_496 : vector<16xf32>
      %add3A_498 = arith.constant 48 : i32
      %add3A_499 = arith.addi %mul3A_165, %add3A_498 : i32
      %get3A_500 = arith.index_cast %add3A_499 : i32 to index
      %get3A_501 = arith.constant 0 : index
      %get3A_502 = tpu.vector_load %arg6[%get3A_500, %get3A_501] {strides = array<i32>} : memref<3200x16xf32, #tpu.memory_space<vmem>>, vector<1x16xf32>,
      %get3A_503 = vector.shape_cast %get3A_502 : vector<1x16xf32> to vector<16xf32>
      %add3A_504 = arith.addf %add3A_497, %get3A_503 : vector<16xf32>
      %add3A_505 = arith.constant 49 : i32
      %add3A_506 = arith.addi %mul3A_165, %add3A_505 : i32
      %get3A_507 = arith.index_cast %add3A_506 : i32 to index
      %get3A_508 = arith.constant 0 : index
      %get3A_509 = tpu.vector_load %arg6[%get3A_507, %get3A_508] {strides = array<i32>} : memref<3200x16xf32, #tpu.memory_space<vmem>>, vector<1x16xf32>,
      %get3A_510 = vector.shape_cast %get3A_509 : vector<1x16xf32> to vector<16xf32>
      %add3A_511 = arith.addf %add3A_504, %get3A_510 : vector<16xf32>
      %swap3A = arith.index_cast %scan3A_163 : i32 to index
      %swap3A_512 = arith.constant 0 : index
      %swap3A_513 = tpu.vector_load %arg8[%swap3A, %swap3A_512] {strides = array<i32>} : memref<64x16xf32, #tpu.memory_space<vmem>>, vector<1x16xf32>,
      %swap3A_514 = vector.shape_cast %swap3A_513 : vector<1x16xf32> to vector<16xf32>
      %swap3A_515 = vector.shape_cast %add3A_511 : vector<16xf32> to vector<1x16xf32>
      tpu.vector_store %arg8[%swap3A, %swap3A_512], %swap3A_515 {strides = array<i32>} : memref<64x16xf32, #tpu.memory_space<vmem>>, vector<1x16xf32>,
    }
    %scan3A_146 = arith.constant 64 : i32
    %add3A_147 = arith.constant 384 : i32
    %add3A_148 = arith.addi %mul3A_4, %add3A_147 : i32
    "tpu.region"() ({
      %run_scoped3A = tpu.sem_alloc : memref<!tpu.dma_semaphore, #tpu.memory_space<semaphore_mem>>
      %dma_start3A = arith.constant 0 : i32
      %dma_start3A_163 = tpu.memref_slice %arg4[%add3A_148, %dma_start3A] : memref<16384x16xf32, #tpu.memory_space<hbm>> -> memref<64x16xf32, #tpu.memory_space<hbm>>
      %dma_start3A_164 = arith.constant 0 : i32
      %dma_start3A_165 = tpu.memref_slice %arg4[%add3A_148, %dma_start3A_164] : memref<16384x16xf32, #tpu.memory_space<hbm>> -> memref<64x16xf32, #tpu.memory_space<hbm>>
      tpu.enqueue_dma source(%arg8 : memref<64x16xf32, #tpu.memory_space<vmem>>) target(%dma_start3A_165 : memref<64x16xf32, #tpu.memory_space<hbm>>) target_semaphore(%run_scoped3A : memref<!tpu.dma_semaphore, #tpu.memory_space<semaphore_mem>>)
      %dma_wait3A_166 = arith.constant 0 : i32
      %dma_wait3A_167 = tpu.memref_slice %arg4[%add3A_148, %dma_wait3A_166] : memref<16384x16xf32, #tpu.memory_space<hbm>> -> memref<64x16xf32, #tpu.memory_space<hbm>>
      %dma_wait3A_168 = arith.constant 0 : i32
      %dma_wait3A_169 = tpu.memref_slice %arg4[%add3A_148, %dma_wait3A_168] : memref<16384x16xf32, #tpu.memory_space<hbm>> -> memref<64x16xf32, #tpu.memory_space<hbm>>
      tpu.wait_dma2 semaphore(%run_scoped3A : memref<!tpu.dma_semaphore, #tpu.memory_space<semaphore_mem>>) src(%arg8 : memref<64x16xf32, #tpu.memory_space<vmem>>) dst(%dma_wait3A_169 : memref<64x16xf32, #tpu.memory_space<hbm>>)
      tpu.yield
    }) : () -> ()
    %dma_wait3A_149 = arith.constant 0 : i32
    %dma_wait3A_150 = arith.constant 0 : i32
    %dma_wait3A_151 = tpu.memref_slice %arg3[%dma_wait3A_149, %dma_wait3A_150] : memref<1000000x16xf32, #tpu.memory_space<hbm>> -> memref<3200x16xf32, #tpu.memory_space<hbm>>
    %dma_wait3A_152 = arith.constant 0 : i32
    %dma_wait3A_153 = arith.constant 0 : i32
    %dma_wait3A_154 = tpu.memref_slice %arg3[%dma_wait3A_152, %dma_wait3A_153] : memref<1000000x16xf32, #tpu.memory_space<hbm>> -> memref<3200x16xf32, #tpu.memory_space<hbm>>
    tpu.wait_dma2 semaphore(%arg10 : memref<!tpu.dma_semaphore, #tpu.memory_space<semaphore_mem>>) src(%dma_wait3A_154 : memref<3200x16xf32, #tpu.memory_space<hbm>>) dst(%arg7 : memref<3200x16xf32, #tpu.memory_space<vmem>>)
    %scan3A_155 = arith.constant 0 : i32
    %scan3A_156 = arith.constant 0 : i32
    %scan3A_157 = arith.constant 64 : i32
    %scan3A_158 = arith.addi %scan3A_156, %scan3A_157 : i32
    %scan3A_159 = arith.constant 1 : i32
    scf.for %scan3A_163 = %scan3A_156 to %scan3A_158 step %scan3A_159  : i32 {
      %mul3A_164 = arith.constant 50 : i32
      %mul3A_165 = arith.muli %scan3A_163, %mul3A_164 : i32
      %get3A = arith.index_cast %mul3A_165 : i32 to index
      %get3A_166 = arith.constant 0 : index
      %get3A_167 = tpu.vector_load %arg7[%get3A, %get3A_166] {strides = array<i32>} : memref<3200x16xf32, #tpu.memory_space<vmem>>, vector<1x16xf32>,
      %get3A_168 = vector.shape_cast %get3A_167 : vector<1x16xf32> to vector<16xf32>
      %add3A_169 = arith.constant 1 : i32
      %add3A_170 = arith.addi %mul3A_165, %add3A_169 : i32
      %get3A_171 = arith.index_cast %add3A_170 : i32 to index
      %get3A_172 = arith.constant 0 : index
      %get3A_173 = tpu.vector_load %arg7[%get3A_171, %get3A_172] {strides = array<i32>} : memref<3200x16xf32, #tpu.memory_space<vmem>>, vector<1x16xf32>,
      %get3A_174 = vector.shape_cast %get3A_173 : vector<1x16xf32> to vector<16xf32>
      %add3A_175 = arith.addf %get3A_168, %get3A_174 : vector<16xf32>
      %add3A_176 = arith.constant 2 : i32
      %add3A_177 = arith.addi %mul3A_165, %add3A_176 : i32
      %get3A_178 = arith.index_cast %add3A_177 : i32 to index
      %get3A_179 = arith.constant 0 : index
      %get3A_180 = tpu.vector_load %arg7[%get3A_178, %get3A_179] {strides = array<i32>} : memref<3200x16xf32, #tpu.memory_space<vmem>>, vector<1x16xf32>,
      %get3A_181 = vector.shape_cast %get3A_180 : vector<1x16xf32> to vector<16xf32>
      %add3A_182 = arith.addf %add3A_175, %get3A_181 : vector<16xf32>
      %add3A_183 = arith.constant 3 : i32
      %add3A_184 = arith.addi %mul3A_165, %add3A_183 : i32
      %get3A_185 = arith.index_cast %add3A_184 : i32 to index
      %get3A_186 = arith.constant 0 : index
      %get3A_187 = tpu.vector_load %arg7[%get3A_185, %get3A_186] {strides = array<i32>} : memref<3200x16xf32, #tpu.memory_space<vmem>>, vector<1x16xf32>,
      %get3A_188 = vector.shape_cast %get3A_187 : vector<1x16xf32> to vector<16xf32>
      %add3A_189 = arith.addf %add3A_182, %get3A_188 : vector<16xf32>
      %add3A_190 = arith.constant 4 : i32
      %add3A_191 = arith.addi %mul3A_165, %add3A_190 : i32
      %get3A_192 = arith.index_cast %add3A_191 : i32 to index
      %get3A_193 = arith.constant 0 : index
      %get3A_194 = tpu.vector_load %arg7[%get3A_192, %get3A_193] {strides = array<i32>} : memref<3200x16xf32, #tpu.memory_space<vmem>>, vector<1x16xf32>,
      %get3A_195 = vector.shape_cast %get3A_194 : vector<1x16xf32> to vector<16xf32>
      %add3A_196 = arith.addf %add3A_189, %get3A_195 : vector<16xf32>
      %add3A_197 = arith.constant 5 : i32
      %add3A_198 = arith.addi %mul3A_165, %add3A_197 : i32
      %get3A_199 = arith.index_cast %add3A_198 : i32 to index
      %get3A_200 = arith.constant 0 : index
      %get3A_201 = tpu.vector_load %arg7[%get3A_199, %get3A_200] {strides = array<i32>} : memref<3200x16xf32, #tpu.memory_space<vmem>>, vector<1x16xf32>,
      %get3A_202 = vector.shape_cast %get3A_201 : vector<1x16xf32> to vector<16xf32>
      %add3A_203 = arith.addf %add3A_196, %get3A_202 : vector<16xf32>
      %add3A_204 = arith.constant 6 : i32
      %add3A_205 = arith.addi %mul3A_165, %add3A_204 : i32
      %get3A_206 = arith.index_cast %add3A_205 : i32 to index
      %get3A_207 = arith.constant 0 : index
      %get3A_208 = tpu.vector_load %arg7[%get3A_206, %get3A_207] {strides = array<i32>} : memref<3200x16xf32, #tpu.memory_space<vmem>>, vector<1x16xf32>,
      %get3A_209 = vector.shape_cast %get3A_208 : vector<1x16xf32> to vector<16xf32>
      %add3A_210 = arith.addf %add3A_203, %get3A_209 : vector<16xf32>
      %add3A_211 = arith.constant 7 : i32
      %add3A_212 = arith.addi %mul3A_165, %add3A_211 : i32
      %get3A_213 = arith.index_cast %add3A_212 : i32 to index
      %get3A_214 = arith.constant 0 : index
      %get3A_215 = tpu.vector_load %arg7[%get3A_213, %get3A_214] {strides = array<i32>} : memref<3200x16xf32, #tpu.memory_space<vmem>>, vector<1x16xf32>,
      %get3A_216 = vector.shape_cast %get3A_215 : vector<1x16xf32> to vector<16xf32>
      %add3A_217 = arith.addf %add3A_210, %get3A_216 : vector<16xf32>
      %add3A_218 = arith.constant 8 : i32
      %add3A_219 = arith.addi %mul3A_165, %add3A_218 : i32
      %get3A_220 = arith.index_cast %add3A_219 : i32 to index
      %get3A_221 = arith.constant 0 : index
      %get3A_222 = tpu.vector_load %arg7[%get3A_220, %get3A_221] {strides = array<i32>} : memref<3200x16xf32, #tpu.memory_space<vmem>>, vector<1x16xf32>,
      %get3A_223 = vector.shape_cast %get3A_222 : vector<1x16xf32> to vector<16xf32>
      %add3A_224 = arith.addf %add3A_217, %get3A_223 : vector<16xf32>
      %add3A_225 = arith.constant 9 : i32
      %add3A_226 = arith.addi %mul3A_165, %add3A_225 : i32
      %get3A_227 = arith.index_cast %add3A_226 : i32 to index
      %get3A_228 = arith.constant 0 : index
      %get3A_229 = tpu.vector_load %arg7[%get3A_227, %get3A_228] {strides = array<i32>} : memref<3200x16xf32, #tpu.memory_space<vmem>>, vector<1x16xf32>,
      %get3A_230 = vector.shape_cast %get3A_229 : vector<1x16xf32> to vector<16xf32>
      %add3A_231 = arith.addf %add3A_224, %get3A_230 : vector<16xf32>
      %add3A_232 = arith.constant 10 : i32
      %add3A_233 = arith.addi %mul3A_165, %add3A_232 : i32
      %get3A_234 = arith.index_cast %add3A_233 : i32 to index
      %get3A_235 = arith.constant 0 : index
      %get3A_236 = tpu.vector_load %arg7[%get3A_234, %get3A_235] {strides = array<i32>} : memref<3200x16xf32, #tpu.memory_space<vmem>>, vector<1x16xf32>,
      %get3A_237 = vector.shape_cast %get3A_236 : vector<1x16xf32> to vector<16xf32>
      %add3A_238 = arith.addf %add3A_231, %get3A_237 : vector<16xf32>
      %add3A_239 = arith.constant 11 : i32
      %add3A_240 = arith.addi %mul3A_165, %add3A_239 : i32
      %get3A_241 = arith.index_cast %add3A_240 : i32 to index
      %get3A_242 = arith.constant 0 : index
      %get3A_243 = tpu.vector_load %arg7[%get3A_241, %get3A_242] {strides = array<i32>} : memref<3200x16xf32, #tpu.memory_space<vmem>>, vector<1x16xf32>,
      %get3A_244 = vector.shape_cast %get3A_243 : vector<1x16xf32> to vector<16xf32>
      %add3A_245 = arith.addf %add3A_238, %get3A_244 : vector<16xf32>
      %add3A_246 = arith.constant 12 : i32
      %add3A_247 = arith.addi %mul3A_165, %add3A_246 : i32
      %get3A_248 = arith.index_cast %add3A_247 : i32 to index
      %get3A_249 = arith.constant 0 : index
      %get3A_250 = tpu.vector_load %arg7[%get3A_248, %get3A_249] {strides = array<i32>} : memref<3200x16xf32, #tpu.memory_space<vmem>>, vector<1x16xf32>,
      %get3A_251 = vector.shape_cast %get3A_250 : vector<1x16xf32> to vector<16xf32>
      %add3A_252 = arith.addf %add3A_245, %get3A_251 : vector<16xf32>
      %add3A_253 = arith.constant 13 : i32
      %add3A_254 = arith.addi %mul3A_165, %add3A_253 : i32
      %get3A_255 = arith.index_cast %add3A_254 : i32 to index
      %get3A_256 = arith.constant 0 : index
      %get3A_257 = tpu.vector_load %arg7[%get3A_255, %get3A_256] {strides = array<i32>} : memref<3200x16xf32, #tpu.memory_space<vmem>>, vector<1x16xf32>,
      %get3A_258 = vector.shape_cast %get3A_257 : vector<1x16xf32> to vector<16xf32>
      %add3A_259 = arith.addf %add3A_252, %get3A_258 : vector<16xf32>
      %add3A_260 = arith.constant 14 : i32
      %add3A_261 = arith.addi %mul3A_165, %add3A_260 : i32
      %get3A_262 = arith.index_cast %add3A_261 : i32 to index
      %get3A_263 = arith.constant 0 : index
      %get3A_264 = tpu.vector_load %arg7[%get3A_262, %get3A_263] {strides = array<i32>} : memref<3200x16xf32, #tpu.memory_space<vmem>>, vector<1x16xf32>,
      %get3A_265 = vector.shape_cast %get3A_264 : vector<1x16xf32> to vector<16xf32>
      %add3A_266 = arith.addf %add3A_259, %get3A_265 : vector<16xf32>
      %add3A_267 = arith.constant 15 : i32
      %add3A_268 = arith.addi %mul3A_165, %add3A_267 : i32
      %get3A_269 = arith.index_cast %add3A_268 : i32 to index
      %get3A_270 = arith.constant 0 : index
      %get3A_271 = tpu.vector_load %arg7[%get3A_269, %get3A_270] {strides = array<i32>} : memref<3200x16xf32, #tpu.memory_space<vmem>>, vector<1x16xf32>,
      %get3A_272 = vector.shape_cast %get3A_271 : vector<1x16xf32> to vector<16xf32>
      %add3A_273 = arith.addf %add3A_266, %get3A_272 : vector<16xf32>
      %add3A_274 = arith.constant 16 : i32
      %add3A_275 = arith.addi %mul3A_165, %add3A_274 : i32
      %get3A_276 = arith.index_cast %add3A_275 : i32 to index
      %get3A_277 = arith.constant 0 : index
      %get3A_278 = tpu.vector_load %arg7[%get3A_276, %get3A_277] {strides = array<i32>} : memref<3200x16xf32, #tpu.memory_space<vmem>>, vector<1x16xf32>,
      %get3A_279 = vector.shape_cast %get3A_278 : vector<1x16xf32> to vector<16xf32>
      %add3A_280 = arith.addf %add3A_273, %get3A_279 : vector<16xf32>
      %add3A_281 = arith.constant 17 : i32
      %add3A_282 = arith.addi %mul3A_165, %add3A_281 : i32
      %get3A_283 = arith.index_cast %add3A_282 : i32 to index
      %get3A_284 = arith.constant 0 : index
      %get3A_285 = tpu.vector_load %arg7[%get3A_283, %get3A_284] {strides = array<i32>} : memref<3200x16xf32, #tpu.memory_space<vmem>>, vector<1x16xf32>,
      %get3A_286 = vector.shape_cast %get3A_285 : vector<1x16xf32> to vector<16xf32>
      %add3A_287 = arith.addf %add3A_280, %get3A_286 : vector<16xf32>
      %add3A_288 = arith.constant 18 : i32
      %add3A_289 = arith.addi %mul3A_165, %add3A_288 : i32
      %get3A_290 = arith.index_cast %add3A_289 : i32 to index
      %get3A_291 = arith.constant 0 : index
      %get3A_292 = tpu.vector_load %arg7[%get3A_290, %get3A_291] {strides = array<i32>} : memref<3200x16xf32, #tpu.memory_space<vmem>>, vector<1x16xf32>,
      %get3A_293 = vector.shape_cast %get3A_292 : vector<1x16xf32> to vector<16xf32>
      %add3A_294 = arith.addf %add3A_287, %get3A_293 : vector<16xf32>
      %add3A_295 = arith.constant 19 : i32
      %add3A_296 = arith.addi %mul3A_165, %add3A_295 : i32
      %get3A_297 = arith.index_cast %add3A_296 : i32 to index
      %get3A_298 = arith.constant 0 : index
      %get3A_299 = tpu.vector_load %arg7[%get3A_297, %get3A_298] {strides = array<i32>} : memref<3200x16xf32, #tpu.memory_space<vmem>>, vector<1x16xf32>,
      %get3A_300 = vector.shape_cast %get3A_299 : vector<1x16xf32> to vector<16xf32>
      %add3A_301 = arith.addf %add3A_294, %get3A_300 : vector<16xf32>
      %add3A_302 = arith.constant 20 : i32
      %add3A_303 = arith.addi %mul3A_165, %add3A_302 : i32
      %get3A_304 = arith.index_cast %add3A_303 : i32 to index
      %get3A_305 = arith.constant 0 : index
      %get3A_306 = tpu.vector_load %arg7[%get3A_304, %get3A_305] {strides = array<i32>} : memref<3200x16xf32, #tpu.memory_space<vmem>>, vector<1x16xf32>,
      %get3A_307 = vector.shape_cast %get3A_306 : vector<1x16xf32> to vector<16xf32>
      %add3A_308 = arith.addf %add3A_301, %get3A_307 : vector<16xf32>
      %add3A_309 = arith.constant 21 : i32
      %add3A_310 = arith.addi %mul3A_165, %add3A_309 : i32
      %get3A_311 = arith.index_cast %add3A_310 : i32 to index
      %get3A_312 = arith.constant 0 : index
      %get3A_313 = tpu.vector_load %arg7[%get3A_311, %get3A_312] {strides = array<i32>} : memref<3200x16xf32, #tpu.memory_space<vmem>>, vector<1x16xf32>,
      %get3A_314 = vector.shape_cast %get3A_313 : vector<1x16xf32> to vector<16xf32>
      %add3A_315 = arith.addf %add3A_308, %get3A_314 : vector<16xf32>
      %add3A_316 = arith.constant 22 : i32
      %add3A_317 = arith.addi %mul3A_165, %add3A_316 : i32
      %get3A_318 = arith.index_cast %add3A_317 : i32 to index
      %get3A_319 = arith.constant 0 : index
      %get3A_320 = tpu.vector_load %arg7[%get3A_318, %get3A_319] {strides = array<i32>} : memref<3200x16xf32, #tpu.memory_space<vmem>>, vector<1x16xf32>,
      %get3A_321 = vector.shape_cast %get3A_320 : vector<1x16xf32> to vector<16xf32>
      %add3A_322 = arith.addf %add3A_315, %get3A_321 : vector<16xf32>
      %add3A_323 = arith.constant 23 : i32
      %add3A_324 = arith.addi %mul3A_165, %add3A_323 : i32
      %get3A_325 = arith.index_cast %add3A_324 : i32 to index
      %get3A_326 = arith.constant 0 : index
      %get3A_327 = tpu.vector_load %arg7[%get3A_325, %get3A_326] {strides = array<i32>} : memref<3200x16xf32, #tpu.memory_space<vmem>>, vector<1x16xf32>,
      %get3A_328 = vector.shape_cast %get3A_327 : vector<1x16xf32> to vector<16xf32>
      %add3A_329 = arith.addf %add3A_322, %get3A_328 : vector<16xf32>
      %add3A_330 = arith.constant 24 : i32
      %add3A_331 = arith.addi %mul3A_165, %add3A_330 : i32
      %get3A_332 = arith.index_cast %add3A_331 : i32 to index
      %get3A_333 = arith.constant 0 : index
      %get3A_334 = tpu.vector_load %arg7[%get3A_332, %get3A_333] {strides = array<i32>} : memref<3200x16xf32, #tpu.memory_space<vmem>>, vector<1x16xf32>,
      %get3A_335 = vector.shape_cast %get3A_334 : vector<1x16xf32> to vector<16xf32>
      %add3A_336 = arith.addf %add3A_329, %get3A_335 : vector<16xf32>
      %add3A_337 = arith.constant 25 : i32
      %add3A_338 = arith.addi %mul3A_165, %add3A_337 : i32
      %get3A_339 = arith.index_cast %add3A_338 : i32 to index
      %get3A_340 = arith.constant 0 : index
      %get3A_341 = tpu.vector_load %arg7[%get3A_339, %get3A_340] {strides = array<i32>} : memref<3200x16xf32, #tpu.memory_space<vmem>>, vector<1x16xf32>,
      %get3A_342 = vector.shape_cast %get3A_341 : vector<1x16xf32> to vector<16xf32>
      %add3A_343 = arith.addf %add3A_336, %get3A_342 : vector<16xf32>
      %add3A_344 = arith.constant 26 : i32
      %add3A_345 = arith.addi %mul3A_165, %add3A_344 : i32
      %get3A_346 = arith.index_cast %add3A_345 : i32 to index
      %get3A_347 = arith.constant 0 : index
      %get3A_348 = tpu.vector_load %arg7[%get3A_346, %get3A_347] {strides = array<i32>} : memref<3200x16xf32, #tpu.memory_space<vmem>>, vector<1x16xf32>,
      %get3A_349 = vector.shape_cast %get3A_348 : vector<1x16xf32> to vector<16xf32>
      %add3A_350 = arith.addf %add3A_343, %get3A_349 : vector<16xf32>
      %add3A_351 = arith.constant 27 : i32
      %add3A_352 = arith.addi %mul3A_165, %add3A_351 : i32
      %get3A_353 = arith.index_cast %add3A_352 : i32 to index
      %get3A_354 = arith.constant 0 : index
      %get3A_355 = tpu.vector_load %arg7[%get3A_353, %get3A_354] {strides = array<i32>} : memref<3200x16xf32, #tpu.memory_space<vmem>>, vector<1x16xf32>,
      %get3A_356 = vector.shape_cast %get3A_355 : vector<1x16xf32> to vector<16xf32>
      %add3A_357 = arith.addf %add3A_350, %get3A_356 : vector<16xf32>
      %add3A_358 = arith.constant 28 : i32
      %add3A_359 = arith.addi %mul3A_165, %add3A_358 : i32
      %get3A_360 = arith.index_cast %add3A_359 : i32 to index
      %get3A_361 = arith.constant 0 : index
      %get3A_362 = tpu.vector_load %arg7[%get3A_360, %get3A_361] {strides = array<i32>} : memref<3200x16xf32, #tpu.memory_space<vmem>>, vector<1x16xf32>,
      %get3A_363 = vector.shape_cast %get3A_362 : vector<1x16xf32> to vector<16xf32>
      %add3A_364 = arith.addf %add3A_357, %get3A_363 : vector<16xf32>
      %add3A_365 = arith.constant 29 : i32
      %add3A_366 = arith.addi %mul3A_165, %add3A_365 : i32
      %get3A_367 = arith.index_cast %add3A_366 : i32 to index
      %get3A_368 = arith.constant 0 : index
      %get3A_369 = tpu.vector_load %arg7[%get3A_367, %get3A_368] {strides = array<i32>} : memref<3200x16xf32, #tpu.memory_space<vmem>>, vector<1x16xf32>,
      %get3A_370 = vector.shape_cast %get3A_369 : vector<1x16xf32> to vector<16xf32>
      %add3A_371 = arith.addf %add3A_364, %get3A_370 : vector<16xf32>
      %add3A_372 = arith.constant 30 : i32
      %add3A_373 = arith.addi %mul3A_165, %add3A_372 : i32
      %get3A_374 = arith.index_cast %add3A_373 : i32 to index
      %get3A_375 = arith.constant 0 : index
      %get3A_376 = tpu.vector_load %arg7[%get3A_374, %get3A_375] {strides = array<i32>} : memref<3200x16xf32, #tpu.memory_space<vmem>>, vector<1x16xf32>,
      %get3A_377 = vector.shape_cast %get3A_376 : vector<1x16xf32> to vector<16xf32>
      %add3A_378 = arith.addf %add3A_371, %get3A_377 : vector<16xf32>
      %add3A_379 = arith.constant 31 : i32
      %add3A_380 = arith.addi %mul3A_165, %add3A_379 : i32
      %get3A_381 = arith.index_cast %add3A_380 : i32 to index
      %get3A_382 = arith.constant 0 : index
      %get3A_383 = tpu.vector_load %arg7[%get3A_381, %get3A_382] {strides = array<i32>} : memref<3200x16xf32, #tpu.memory_space<vmem>>, vector<1x16xf32>,
      %get3A_384 = vector.shape_cast %get3A_383 : vector<1x16xf32> to vector<16xf32>
      %add3A_385 = arith.addf %add3A_378, %get3A_384 : vector<16xf32>
      %add3A_386 = arith.constant 32 : i32
      %add3A_387 = arith.addi %mul3A_165, %add3A_386 : i32
      %get3A_388 = arith.index_cast %add3A_387 : i32 to index
      %get3A_389 = arith.constant 0 : index
      %get3A_390 = tpu.vector_load %arg7[%get3A_388, %get3A_389] {strides = array<i32>} : memref<3200x16xf32, #tpu.memory_space<vmem>>, vector<1x16xf32>,
      %get3A_391 = vector.shape_cast %get3A_390 : vector<1x16xf32> to vector<16xf32>
      %add3A_392 = arith.addf %add3A_385, %get3A_391 : vector<16xf32>
      %add3A_393 = arith.constant 33 : i32
      %add3A_394 = arith.addi %mul3A_165, %add3A_393 : i32
      %get3A_395 = arith.index_cast %add3A_394 : i32 to index
      %get3A_396 = arith.constant 0 : index
      %get3A_397 = tpu.vector_load %arg7[%get3A_395, %get3A_396] {strides = array<i32>} : memref<3200x16xf32, #tpu.memory_space<vmem>>, vector<1x16xf32>,
      %get3A_398 = vector.shape_cast %get3A_397 : vector<1x16xf32> to vector<16xf32>
      %add3A_399 = arith.addf %add3A_392, %get3A_398 : vector<16xf32>
      %add3A_400 = arith.constant 34 : i32
      %add3A_401 = arith.addi %mul3A_165, %add3A_400 : i32
      %get3A_402 = arith.index_cast %add3A_401 : i32 to index
      %get3A_403 = arith.constant 0 : index
      %get3A_404 = tpu.vector_load %arg7[%get3A_402, %get3A_403] {strides = array<i32>} : memref<3200x16xf32, #tpu.memory_space<vmem>>, vector<1x16xf32>,
      %get3A_405 = vector.shape_cast %get3A_404 : vector<1x16xf32> to vector<16xf32>
      %add3A_406 = arith.addf %add3A_399, %get3A_405 : vector<16xf32>
      %add3A_407 = arith.constant 35 : i32
      %add3A_408 = arith.addi %mul3A_165, %add3A_407 : i32
      %get3A_409 = arith.index_cast %add3A_408 : i32 to index
      %get3A_410 = arith.constant 0 : index
      %get3A_411 = tpu.vector_load %arg7[%get3A_409, %get3A_410] {strides = array<i32>} : memref<3200x16xf32, #tpu.memory_space<vmem>>, vector<1x16xf32>,
      %get3A_412 = vector.shape_cast %get3A_411 : vector<1x16xf32> to vector<16xf32>
      %add3A_413 = arith.addf %add3A_406, %get3A_412 : vector<16xf32>
      %add3A_414 = arith.constant 36 : i32
      %add3A_415 = arith.addi %mul3A_165, %add3A_414 : i32
      %get3A_416 = arith.index_cast %add3A_415 : i32 to index
      %get3A_417 = arith.constant 0 : index
      %get3A_418 = tpu.vector_load %arg7[%get3A_416, %get3A_417] {strides = array<i32>} : memref<3200x16xf32, #tpu.memory_space<vmem>>, vector<1x16xf32>,
      %get3A_419 = vector.shape_cast %get3A_418 : vector<1x16xf32> to vector<16xf32>
      %add3A_420 = arith.addf %add3A_413, %get3A_419 : vector<16xf32>
      %add3A_421 = arith.constant 37 : i32
      %add3A_422 = arith.addi %mul3A_165, %add3A_421 : i32
      %get3A_423 = arith.index_cast %add3A_422 : i32 to index
      %get3A_424 = arith.constant 0 : index
      %get3A_425 = tpu.vector_load %arg7[%get3A_423, %get3A_424] {strides = array<i32>} : memref<3200x16xf32, #tpu.memory_space<vmem>>, vector<1x16xf32>,
      %get3A_426 = vector.shape_cast %get3A_425 : vector<1x16xf32> to vector<16xf32>
      %add3A_427 = arith.addf %add3A_420, %get3A_426 : vector<16xf32>
      %add3A_428 = arith.constant 38 : i32
      %add3A_429 = arith.addi %mul3A_165, %add3A_428 : i32
      %get3A_430 = arith.index_cast %add3A_429 : i32 to index
      %get3A_431 = arith.constant 0 : index
      %get3A_432 = tpu.vector_load %arg7[%get3A_430, %get3A_431] {strides = array<i32>} : memref<3200x16xf32, #tpu.memory_space<vmem>>, vector<1x16xf32>,
      %get3A_433 = vector.shape_cast %get3A_432 : vector<1x16xf32> to vector<16xf32>
      %add3A_434 = arith.addf %add3A_427, %get3A_433 : vector<16xf32>
      %add3A_435 = arith.constant 39 : i32
      %add3A_436 = arith.addi %mul3A_165, %add3A_435 : i32
      %get3A_437 = arith.index_cast %add3A_436 : i32 to index
      %get3A_438 = arith.constant 0 : index
      %get3A_439 = tpu.vector_load %arg7[%get3A_437, %get3A_438] {strides = array<i32>} : memref<3200x16xf32, #tpu.memory_space<vmem>>, vector<1x16xf32>,
      %get3A_440 = vector.shape_cast %get3A_439 : vector<1x16xf32> to vector<16xf32>
      %add3A_441 = arith.addf %add3A_434, %get3A_440 : vector<16xf32>
      %add3A_442 = arith.constant 40 : i32
      %add3A_443 = arith.addi %mul3A_165, %add3A_442 : i32
      %get3A_444 = arith.index_cast %add3A_443 : i32 to index
      %get3A_445 = arith.constant 0 : index
      %get3A_446 = tpu.vector_load %arg7[%get3A_444, %get3A_445] {strides = array<i32>} : memref<3200x16xf32, #tpu.memory_space<vmem>>, vector<1x16xf32>,
      %get3A_447 = vector.shape_cast %get3A_446 : vector<1x16xf32> to vector<16xf32>
      %add3A_448 = arith.addf %add3A_441, %get3A_447 : vector<16xf32>
      %add3A_449 = arith.constant 41 : i32
      %add3A_450 = arith.addi %mul3A_165, %add3A_449 : i32
      %get3A_451 = arith.index_cast %add3A_450 : i32 to index
      %get3A_452 = arith.constant 0 : index
      %get3A_453 = tpu.vector_load %arg7[%get3A_451, %get3A_452] {strides = array<i32>} : memref<3200x16xf32, #tpu.memory_space<vmem>>, vector<1x16xf32>,
      %get3A_454 = vector.shape_cast %get3A_453 : vector<1x16xf32> to vector<16xf32>
      %add3A_455 = arith.addf %add3A_448, %get3A_454 : vector<16xf32>
      %add3A_456 = arith.constant 42 : i32
      %add3A_457 = arith.addi %mul3A_165, %add3A_456 : i32
      %get3A_458 = arith.index_cast %add3A_457 : i32 to index
      %get3A_459 = arith.constant 0 : index
      %get3A_460 = tpu.vector_load %arg7[%get3A_458, %get3A_459] {strides = array<i32>} : memref<3200x16xf32, #tpu.memory_space<vmem>>, vector<1x16xf32>,
      %get3A_461 = vector.shape_cast %get3A_460 : vector<1x16xf32> to vector<16xf32>
      %add3A_462 = arith.addf %add3A_455, %get3A_461 : vector<16xf32>
      %add3A_463 = arith.constant 43 : i32
      %add3A_464 = arith.addi %mul3A_165, %add3A_463 : i32
      %get3A_465 = arith.index_cast %add3A_464 : i32 to index
      %get3A_466 = arith.constant 0 : index
      %get3A_467 = tpu.vector_load %arg7[%get3A_465, %get3A_466] {strides = array<i32>} : memref<3200x16xf32, #tpu.memory_space<vmem>>, vector<1x16xf32>,
      %get3A_468 = vector.shape_cast %get3A_467 : vector<1x16xf32> to vector<16xf32>
      %add3A_469 = arith.addf %add3A_462, %get3A_468 : vector<16xf32>
      %add3A_470 = arith.constant 44 : i32
      %add3A_471 = arith.addi %mul3A_165, %add3A_470 : i32
      %get3A_472 = arith.index_cast %add3A_471 : i32 to index
      %get3A_473 = arith.constant 0 : index
      %get3A_474 = tpu.vector_load %arg7[%get3A_472, %get3A_473] {strides = array<i32>} : memref<3200x16xf32, #tpu.memory_space<vmem>>, vector<1x16xf32>,
      %get3A_475 = vector.shape_cast %get3A_474 : vector<1x16xf32> to vector<16xf32>
      %add3A_476 = arith.addf %add3A_469, %get3A_475 : vector<16xf32>
      %add3A_477 = arith.constant 45 : i32
      %add3A_478 = arith.addi %mul3A_165, %add3A_477 : i32
      %get3A_479 = arith.index_cast %add3A_478 : i32 to index
      %get3A_480 = arith.constant 0 : index
      %get3A_481 = tpu.vector_load %arg7[%get3A_479, %get3A_480] {strides = array<i32>} : memref<3200x16xf32, #tpu.memory_space<vmem>>, vector<1x16xf32>,
      %get3A_482 = vector.shape_cast %get3A_481 : vector<1x16xf32> to vector<16xf32>
      %add3A_483 = arith.addf %add3A_476, %get3A_482 : vector<16xf32>
      %add3A_484 = arith.constant 46 : i32
      %add3A_485 = arith.addi %mul3A_165, %add3A_484 : i32
      %get3A_486 = arith.index_cast %add3A_485 : i32 to index
      %get3A_487 = arith.constant 0 : index
      %get3A_488 = tpu.vector_load %arg7[%get3A_486, %get3A_487] {strides = array<i32>} : memref<3200x16xf32, #tpu.memory_space<vmem>>, vector<1x16xf32>,
      %get3A_489 = vector.shape_cast %get3A_488 : vector<1x16xf32> to vector<16xf32>
      %add3A_490 = arith.addf %add3A_483, %get3A_489 : vector<16xf32>
      %add3A_491 = arith.constant 47 : i32
      %add3A_492 = arith.addi %mul3A_165, %add3A_491 : i32
      %get3A_493 = arith.index_cast %add3A_492 : i32 to index
      %get3A_494 = arith.constant 0 : index
      %get3A_495 = tpu.vector_load %arg7[%get3A_493, %get3A_494] {strides = array<i32>} : memref<3200x16xf32, #tpu.memory_space<vmem>>, vector<1x16xf32>,
      %get3A_496 = vector.shape_cast %get3A_495 : vector<1x16xf32> to vector<16xf32>
      %add3A_497 = arith.addf %add3A_490, %get3A_496 : vector<16xf32>
      %add3A_498 = arith.constant 48 : i32
      %add3A_499 = arith.addi %mul3A_165, %add3A_498 : i32
      %get3A_500 = arith.index_cast %add3A_499 : i32 to index
      %get3A_501 = arith.constant 0 : index
      %get3A_502 = tpu.vector_load %arg7[%get3A_500, %get3A_501] {strides = array<i32>} : memref<3200x16xf32, #tpu.memory_space<vmem>>, vector<1x16xf32>,
      %get3A_503 = vector.shape_cast %get3A_502 : vector<1x16xf32> to vector<16xf32>
      %add3A_504 = arith.addf %add3A_497, %get3A_503 : vector<16xf32>
      %add3A_505 = arith.constant 49 : i32
      %add3A_506 = arith.addi %mul3A_165, %add3A_505 : i32
      %get3A_507 = arith.index_cast %add3A_506 : i32 to index
      %get3A_508 = arith.constant 0 : index
      %get3A_509 = tpu.vector_load %arg7[%get3A_507, %get3A_508] {strides = array<i32>} : memref<3200x16xf32, #tpu.memory_space<vmem>>, vector<1x16xf32>,
      %get3A_510 = vector.shape_cast %get3A_509 : vector<1x16xf32> to vector<16xf32>
      %add3A_511 = arith.addf %add3A_504, %get3A_510 : vector<16xf32>
      %swap3A = arith.index_cast %scan3A_163 : i32 to index
      %swap3A_512 = arith.constant 0 : index
      %swap3A_513 = tpu.vector_load %arg8[%swap3A, %swap3A_512] {strides = array<i32>} : memref<64x16xf32, #tpu.memory_space<vmem>>, vector<1x16xf32>,
      %swap3A_514 = vector.shape_cast %swap3A_513 : vector<1x16xf32> to vector<16xf32>
      %swap3A_515 = vector.shape_cast %add3A_511 : vector<16xf32> to vector<1x16xf32>
      tpu.vector_store %arg8[%swap3A, %swap3A_512], %swap3A_515 {strides = array<i32>} : memref<64x16xf32, #tpu.memory_space<vmem>>, vector<1x16xf32>,
    }
    %scan3A_160 = arith.constant 64 : i32
    %add3A_161 = arith.constant 448 : i32
    %add3A_162 = arith.addi %mul3A_4, %add3A_161 : i32
    "tpu.region"() ({
      %run_scoped3A = tpu.sem_alloc : memref<!tpu.dma_semaphore, #tpu.memory_space<semaphore_mem>>
      %dma_start3A = arith.constant 0 : i32
      %dma_start3A_163 = tpu.memref_slice %arg4[%add3A_162, %dma_start3A] : memref<16384x16xf32, #tpu.memory_space<hbm>> -> memref<64x16xf32, #tpu.memory_space<hbm>>
      %dma_start3A_164 = arith.constant 0 : i32
      %dma_start3A_165 = tpu.memref_slice %arg4[%add3A_162, %dma_start3A_164] : memref<16384x16xf32, #tpu.memory_space<hbm>> -> memref<64x16xf32, #tpu.memory_space<hbm>>
      tpu.enqueue_dma source(%arg8 : memref<64x16xf32, #tpu.memory_space<vmem>>) target(%dma_start3A_165 : memref<64x16xf32, #tpu.memory_space<hbm>>) target_semaphore(%run_scoped3A : memref<!tpu.dma_semaphore, #tpu.memory_space<semaphore_mem>>)
      %dma_wait3A_166 = arith.constant 0 : i32
      %dma_wait3A_167 = tpu.memref_slice %arg4[%add3A_162, %dma_wait3A_166] : memref<16384x16xf32, #tpu.memory_space<hbm>> -> memref<64x16xf32, #tpu.memory_space<hbm>>
      %dma_wait3A_168 = arith.constant 0 : i32
      %dma_wait3A_169 = tpu.memref_slice %arg4[%add3A_162, %dma_wait3A_168] : memref<16384x16xf32, #tpu.memory_space<hbm>> -> memref<64x16xf32, #tpu.memory_space<hbm>>
      tpu.wait_dma2 semaphore(%run_scoped3A : memref<!tpu.dma_semaphore, #tpu.memory_space<semaphore_mem>>) src(%arg8 : memref<64x16xf32, #tpu.memory_space<vmem>>) dst(%dma_wait3A_169 : memref<64x16xf32, #tpu.memory_space<hbm>>)
      tpu.yield
    }) : () -> ()
    return
  }
}

module attributes {stable_mosaic.version = 14 : i64} {
  func.func @_tc_untile_body(%arg0: i32, %arg1: memref<16x16384xf32, #tpu.memory_space<vmem>>, %arg2: memref<262144xf32, #tpu.memory_space<vmem>>) attributes {dimension_semantics = [#tpu.dimension_semantics<parallel>], iteration_bounds = array<i64: 62>, scalar_prefetch = 0 : i64, scratch_operands = 0 : i64, tpu.core_type = #tpu.core_type<tc>, window_params = [{transform_indices = @transform_0, window_bounds = array<i64: 16, 16384>}, {transform_indices = @transform_1, window_bounds = array<i64: 262144>}]} {
    %get3A = arith.constant 0 : index
    %get3A_0 = arith.constant 0 : index
    %get3A_1 = vector.load %arg1[%get3A, %get3A_0] : memref<16x16384xf32, #tpu.memory_space<vmem>>, vector<16x16384xf32>
    %transpose3A = tpu.transpose %get3A_1, [1, 0] : vector<16x16384xf32> -> vector<16384x16xf32>
    %reshape3A = vector.shape_cast %transpose3A : vector<16384x16xf32> to vector<2048x8x16xf32>
    %slice3A = vector.extract_strided_slice %reshape3A {offsets = [0, 0, 0], sizes = [2048, 1, 16], strides = [1, 1, 1]} : vector<2048x8x16xf32> to vector<2048x1x16xf32>
    %squeeze3A = vector.shape_cast %slice3A : vector<2048x1x16xf32> to vector<2048x16xf32>
    %slice3A_2 = vector.extract_strided_slice %reshape3A {offsets = [0, 1, 0], sizes = [2048, 1, 16], strides = [1, 1, 1]} : vector<2048x8x16xf32> to vector<2048x1x16xf32>
    %squeeze3A_3 = vector.shape_cast %slice3A_2 : vector<2048x1x16xf32> to vector<2048x16xf32>
    %slice3A_4 = vector.extract_strided_slice %reshape3A {offsets = [0, 2, 0], sizes = [2048, 1, 16], strides = [1, 1, 1]} : vector<2048x8x16xf32> to vector<2048x1x16xf32>
    %squeeze3A_5 = vector.shape_cast %slice3A_4 : vector<2048x1x16xf32> to vector<2048x16xf32>
    %slice3A_6 = vector.extract_strided_slice %reshape3A {offsets = [0, 3, 0], sizes = [2048, 1, 16], strides = [1, 1, 1]} : vector<2048x8x16xf32> to vector<2048x1x16xf32>
    %squeeze3A_7 = vector.shape_cast %slice3A_6 : vector<2048x1x16xf32> to vector<2048x16xf32>
    %slice3A_8 = vector.extract_strided_slice %reshape3A {offsets = [0, 4, 0], sizes = [2048, 1, 16], strides = [1, 1, 1]} : vector<2048x8x16xf32> to vector<2048x1x16xf32>
    %squeeze3A_9 = vector.shape_cast %slice3A_8 : vector<2048x1x16xf32> to vector<2048x16xf32>
    %slice3A_10 = vector.extract_strided_slice %reshape3A {offsets = [0, 5, 0], sizes = [2048, 1, 16], strides = [1, 1, 1]} : vector<2048x8x16xf32> to vector<2048x1x16xf32>
    %squeeze3A_11 = vector.shape_cast %slice3A_10 : vector<2048x1x16xf32> to vector<2048x16xf32>
    %slice3A_12 = vector.extract_strided_slice %reshape3A {offsets = [0, 6, 0], sizes = [2048, 1, 16], strides = [1, 1, 1]} : vector<2048x8x16xf32> to vector<2048x1x16xf32>
    %squeeze3A_13 = vector.shape_cast %slice3A_12 : vector<2048x1x16xf32> to vector<2048x16xf32>
    %slice3A_14 = vector.extract_strided_slice %reshape3A {offsets = [0, 7, 0], sizes = [2048, 1, 16], strides = [1, 1, 1]} : vector<2048x8x16xf32> to vector<2048x1x16xf32>
    %squeeze3A_15 = vector.shape_cast %slice3A_14 : vector<2048x1x16xf32> to vector<2048x16xf32>
    %concatenate3A = tpu.concatenate %squeeze3A, %squeeze3A_3, %squeeze3A_5, %squeeze3A_7, %squeeze3A_9, %squeeze3A_11, %squeeze3A_13, %squeeze3A_15 in 1 : vector<2048x16xf32>, vector<2048x16xf32>, vector<2048x16xf32>, vector<2048x16xf32>, vector<2048x16xf32>, vector<2048x16xf32>, vector<2048x16xf32>, vector<2048x16xf32> -> vector<2048x128xf32>
    %reshape3A_16 = vector.shape_cast %concatenate3A : vector<2048x128xf32> to vector<262144xf32>
    %swap3A = arith.constant 0 : index
    %swap3A_17 = vector.load %arg2[%swap3A] : memref<262144xf32, #tpu.memory_space<vmem>>, vector<262144xf32>
    tpu.vector_store %arg2[%swap3A], %reshape3A_16 {strides = array<i32>} : memref<262144xf32, #tpu.memory_space<vmem>>, vector<262144xf32>,
    return
  }
  func.func @transform_0(%arg0: i32) -> (i32, i32) {
    %c0_i32 = arith.constant 0 : i32
    %c0_i32_0 = arith.constant 0 : i32
    return %c0_i32, %arg0 : i32, i32
  }
  func.func @transform_1(%arg0: i32) -> i32 {
    %c0_i32 = arith.constant 0 : i32
    return %arg0 : i32
  }
}

module attributes {stable_mosaic.version = 14 : i64} {
  func.func @_tc_linear_body(%arg0: i32, %arg1: memref<2048x16xf32, #tpu.memory_space<vmem>>, %arg2: memref<16x8xf32, #tpu.memory_space<vmem>>, %arg3: memref<1x8xf32, #tpu.memory_space<vmem>>, %arg4: memref<2048x8xf32, #tpu.memory_space<vmem>>) attributes {dimension_semantics = [#tpu.dimension_semantics<arbitrary>], iteration_bounds = array<i64: 8>, scalar_prefetch = 0 : i64, scratch_operands = 0 : i64, tpu.core_type = #tpu.core_type<tc>, window_params = [{transform_indices = @transform_0, window_bounds = array<i64: 2048, 16>}, {pipeline_mode = #tpu.pipeline_mode<synchronous>, transform_indices = @transform_1, window_bounds = array<i64: 16, 8>}, {pipeline_mode = #tpu.pipeline_mode<synchronous>, transform_indices = @transform_2, window_bounds = array<i64: 1, 8>}, {transform_indices = @transform_3, window_bounds = array<i64: 2048, 8>}]} {
    %get3A = arith.constant 0 : index
    %get3A_0 = arith.constant 0 : index
    %get3A_1 = vector.load %arg1[%get3A, %get3A_0] : memref<2048x16xf32, #tpu.memory_space<vmem>>, vector<2048x16xf32>
    %get3A_2 = arith.constant 0 : index
    %get3A_3 = arith.constant 0 : index
    %get3A_4 = vector.load %arg2[%get3A_2, %get3A_3] : memref<16x8xf32, #tpu.memory_space<vmem>>, vector<16x8xf32>
    %dot_general3A = arith.constant dense<0.000000e+00> : vector<2048x8xf32>
    %dot_general3A_5 = tpu.matmul %get3A_1, %get3A_4, %dot_general3A {dimension_numbers = #tpu.dot_dimension_numbers<[1], [0], [0], [1], [0, 0, 1, 1], [], []>, transpose_lhs_hint = false} : vector<2048x16xf32>, vector<16x8xf32>, vector<2048x8xf32> -> vector<2048x8xf32>
    %get3A_6 = arith.constant 0 : index
    %get3A_7 = arith.constant 0 : index
    %get3A_8 = vector.load %arg3[%get3A_6, %get3A_7] : memref<1x8xf32, #tpu.memory_space<vmem>>, vector<1x8xf32>
    %add3A = vector.broadcast %get3A_8 : vector<1x8xf32> to vector<2048x8xf32>
    %add3A_9 = arith.addf %dot_general3A_5, %add3A : vector<2048x8xf32>
    %swap3A = arith.constant 0 : index
    %swap3A_10 = arith.constant 0 : index
    %swap3A_11 = vector.load %arg4[%swap3A, %swap3A_10] : memref<2048x8xf32, #tpu.memory_space<vmem>>, vector<2048x8xf32>
    tpu.vector_store %arg4[%swap3A, %swap3A_10], %add3A_9 {strides = array<i32>} : memref<2048x8xf32, #tpu.memory_space<vmem>>, vector<2048x8xf32>,
    return
  }
  func.func @transform_0(%arg0: i32) -> (i32, i32) {
    %c0_i32 = arith.constant 0 : i32
    %c0_i32_0 = arith.constant 0 : i32
    return %arg0, %c0_i32 : i32, i32
  }
  func.func @transform_1(%arg0: i32) -> (i32, i32) {
    %c0_i32 = arith.constant 0 : i32
    %c0_i32_0 = arith.constant 0 : i32
    %c0_i32_1 = arith.constant 0 : i32
    return %c0_i32, %c0_i32_0 : i32, i32
  }
  func.func @transform_2(%arg0: i32) -> (i32, i32) {
    %c0_i32 = arith.constant 0 : i32
    %c0_i32_0 = arith.constant 0 : i32
    %c0_i32_1 = arith.constant 0 : i32
    return %c0_i32, %c0_i32_0 : i32, i32
  }
  func.func @transform_3(%arg0: i32) -> (i32, i32) {
    %c0_i32 = arith.constant 0 : i32
    %c0_i32_0 = arith.constant 0 : i32
    return %arg0, %c0_i32 : i32, i32
  }
}

</mosaic_0001>

<sc_bundles>
// kernel: kernel.5.cloned.1.call-start
scs
__scs_entry_jumppad:
0x0: {  	(pc) =	sbr.rel $0x88, $3  }
0x1: {  	(tag) =	ssettag $0x0;
	lr =	simm.s32 $0x1  }
0x2: {  	[smem:$0x3F9D] =	sst lr;
	_ =	strace $0xD0000000  }
0x3: {  	_ = 	snop  }
0x4: {  	_ = 	snop  }
0x5: {  	_ = 	snop  }
0x6: {  	_ = 	snop  }
0x7: {  	_ = 	snop  }
__scs_overlays_trampoline_lowered:
0x8: {  	[smem:$0x3FAC] =	sst s0  }
0x9: {  	[smem:$0x3FAD] =	sst s1  }
0xa: {  	[smem:$0x3FAE] =	sst s2  }
0xb: {  	[smem:$0x3FAF] =	sst s3  }
0xc: {  	[smem:$0x3FB0] =	sst s4  }
0xd: {  	[smem:$0x3FB1] =	sst s5  }
0xe: {  	[smem:$0x3FB2] =	sst s6  }
0xf: {  	[smem:$0x3FB3] =	sst s7  }
0x10: {  	[smem:$0x3FB4] =	sst s8  }
0x11: {  	[smem:$0x3FB5] =	sst s9;
	s0 =	simm.s32 @!p0 $0x0  }
0x12: {  	s1 =	sld [smem:$0x3F9B];
	s0 =	simm.s32 @p0 $0x1  }
0x13: {  	[smem:$0x3FB6] =	sst s0;
	s0 =	simm.s32 @!p1 $0x0  }
0x14: {  	s2 =	sld [smem:$0x3F9A];
	s0 =	simm.s32 @p1 $0x1  }
0x15: {  	[smem:$0x3FB7] =	sst s0;
	s0 =	simm.s32 @!p2 $0x0  }
0x16: {  	s3 =	sld [smem:$0x3FDB];
	s0 =	simm.s32 @p2 $0x1  }
0x17: {  	s4 =	simm.s32 $0x1BF5;
	[smem:$0x3FB9] =	sst s0  }
0x18: {  	s0 =	sld [smem:$0x3F9C];
	_ =	swait.ge [sflag:s4], $0x0  }
0x19: {  	s7 =	sld [smem:$0x3F9D]  }
0x1a: {  	s8 =	sadd.s32 $0xFFFFE003, lr  }
0x1b: {  	s9 =	sadd.s32 $0xFFFFFEF7, lr;
	s5 =	simm.s32 $0xFFFFFFFF;
	p2 =	slt.u32 s8, $0xFFFFF086  }
0x1c: {  	p1 =	slt.u32 s9, $0xF7A;
	s5 =	simm.s32 @!p2 $0x0  }
0x1d: {  	s5 =	simm.s32 @p1 $0x1;
	p0 =	seq.s32 s7, s2  }
0x1e: {  	s7 =	smul.u32 @!p0 $0xF7A, s2;
	p2 =	seq.s32 @!p0 s5, $0x0  }
0x1f: {  	s9 =	smul.u32 $0xF7A, s1;
	s8 =	simm.s32 @!p0 $0x1BF5;
	p2 =	por !p2, p0  }
0x20: {  	[sflag:s8] =	ssyncset.s32 @!p0 $0xFFFFF086;
	s6 =	sadd.s32 @!p0 s3, s7;
	s7 =	simm.s32 @!p0 $0x108  }
0x21: {  	s3 =	sadd.s32 s3, s9;
	s6 =	sadd.s32 @!p0 $0x88, s6;
	s7 =	simm.s32 @p2 $0x1082  }
0x22: {  	[simem:s7], [sflag:s8] =	dma.local @!p0 [hbm:s6], $0xF7A  }
0x23: {  	s9 =	sor.u32 $0xD0000000, s2;
	s6 =	simm.s32 $0x108;
	_ =	swait.ge @!p0 [sflag:s8], $0x0  }
0x24: {  	s3 =	sadd.s32 $0x88, s3;
	s6 =	simm.s32 @!p1 $0x1082;
	[sflag:s4] =	ssyncset.s32 $0xFFFFF086  }
0x25: {  	[simem:s6], [sflag:s4] =	dma.local [hbm:s3], $0xF7A  }
0x26: {  	[smem:$0x3F9D] =	sst s1;
	(tag) =	ssettag s2;
	_ =	strace s9  }
0x27: {  	s1 =	sld [smem:$0x3FAD]  }
0x28: {  	s2 =	sld [smem:$0x3FAE]  }
0x29: {  	s4 =	sld [smem:$0x3FB0]  }
0x2a: {  	p0 =	seq.s32 s5, $0x0;
	s5 =	sld [smem:$0x3FB1]  }
0x2b: {  	s6 =	sld [smem:$0x3FB2]  }
0x2c: {  	s7 =	sld [smem:$0x3FB3]  }
0x2d: {  	s3 =	simm.s32 $0x108;
	s8 =	sld [smem:$0x3FB4]  }
0x2e: {  	s3 =	simm.s32 @!p0 $0x1082;
	s9 =	sld [smem:$0x3FB5]  }
0x2f: {  	lr =	sadd.s32 s0, s3;
	s0 =	sld [smem:$0x3FAC]  }
0x30: {  	s3 =	sld [smem:$0x3FAF]  }
0x31: {  	[smem:$0x3FB8] =	sst s10  }
0x32: {  	s10 =	sld [smem:$0x3FB6];
	_ =	sdelay $0x3  }
0x33: {  	p0 =	seq.s32 s10, $0x1;
	s10 =	sld [smem:$0x3FB8];
	_ =	sdelay $0x3  }
0x34: {  	[smem:$0x3FB8] =	sst s10  }
0x35: {  	s10 =	sld [smem:$0x3FB7];
	_ =	sdelay $0x3  }
0x36: {  	p1 =	seq.s32 s10, $0x1;
	s10 =	sld [smem:$0x3FB8];
	_ =	sdelay $0x3  }
0x37: {  	[smem:$0x3FB8] =	sst s10  }
0x38: {  	s10 =	sld [smem:$0x3FB9]  }
0x39: {  	_ = 	snop;
	(pc) =	sbr.ind lr, $3  }
0x3a: {  	_ = 	snop  }
0x3b: {  	_ = 	snop  }
0x3c: {  	p2 =	seq.s32 s10, $0x1;
	s10 =	sld [smem:$0x3FB8]  }
0x3d: {  	_ =	shalt  }
0x3e: {  	_ =	shalt  }
0x3f: {  	_ =	shalt  }
0x40: {  	_ =	shalt  }
0x41: {  	_ =	shalt  }
0x42: {  	_ =	shalt  }
0x43: {  	_ =	shalt  }
0x44: {  	_ =	shalt  }
0x45: {  	_ =	shalt  }
0x46: {  	_ =	shalt  }
0x47: {  	_ =	shalt  }
0x48: {  	_ =	shalt  }
0x49: {  	_ =	shalt  }
0x4a: {  	_ =	shalt  }
0x4b: {  	_ =	shalt  }
0x4c: {  	_ =	shalt  }
0x4d: {  	_ =	shalt  }
0x4e: {  	_ =	shalt  }
0x4f: {  	_ =	shalt  }
0x50: {  	_ =	shalt  }
0x51: {  	_ =	shalt  }
0x52: {  	_ =	shalt  }
0x53: {  	_ =	shalt  }
0x54: {  	_ =	shalt  }
0x55: {  	_ =	shalt  }
0x56: {  	_ =	shalt  }
0x57: {  	_ =	shalt  }
0x58: {  	_ =	shalt  }
0x59: {  	_ =	shalt  }
0x5a: {  	_ =	shalt  }
0x5b: {  	_ =	shalt  }
0x5c: {  	_ =	shalt  }
0x5d: {  	_ =	shalt  }
0x5e: {  	_ =	shalt  }
0x5f: {  	_ =	shalt  }
0x60: {  	_ =	shalt  }
0x61: {  	_ =	shalt  }
0x62: {  	_ =	shalt  }
0x63: {  	_ =	shalt  }
0x64: {  	_ =	shalt  }
0x65: {  	_ =	shalt  }
0x66: {  	_ =	shalt  }
0x67: {  	_ =	shalt  }
0x68: {  	_ =	shalt  }
0x69: {  	_ =	shalt  }
0x6a: {  	_ =	shalt  }
0x6b: {  	_ =	shalt  }
0x6c: {  	_ =	shalt  }
0x6d: {  	_ =	shalt  }
0x6e: {  	_ =	shalt  }
0x6f: {  	_ =	shalt  }
0x70: {  	_ =	shalt  }
0x71: {  	_ =	shalt  }
0x72: {  	_ =	shalt  }
0x73: {  	_ =	shalt  }
0x74: {  	_ =	shalt  }
0x75: {  	_ =	shalt  }
0x76: {  	_ =	shalt  }
0x77: {  	_ =	shalt  }
0x78: {  	_ =	shalt  }
0x79: {  	_ =	shalt  }
0x7a: {  	_ =	shalt  }
0x7b: {  	_ =	shalt  }
0x7c: {  	_ =	shalt  }
0x7d: {  	_ =	shalt  }
0x7e: {  	_ =	shalt  }
0x7f: {  	_ =	shalt  }
0x80: {  	_ =	shalt  }
0x81: {  	_ =	shalt  }
0x82: {  	_ =	shalt  }
0x83: {  	_ =	shalt  }
0x84: {  	_ =	shalt  }
0x85: {  	_ =	shalt  }
0x86: {  	_ =	shalt  }
0x87: {  	_ =	shalt  }
.Lfunc_end0:
.L_simem_size_0:
called_computation_lowered:
.L_overlay_start_0:
0x88: {  	s2 =	sld [smem:$0x3FD9]  }
0x89: {  	s3 =	sld [smem:$0x3FFE];
	_ =	sdelay $0x1  }
0x8a: {  	s1 =	srdreg.scid  }
0x8b: {  	s0 =	sand.u32 $0x1, s1  }
0x8c: {  	s17 =	sshll.u32 s0, $0xA;
	s2 =	sadd.s32 s3, s2  }
0x8d: {  	s2 =	sadd.s32 s2, s17  }
0x8e: {  	[smem:$0x3FC4] =	sst s2  }
0x8f: {  	_ = 	snop  }
0x90: {  	s2 =	sld [smem:$0x3FC9];
	(tm) =	ssettm $0x1  }
0x91: {  	s18 =	sld [smem:$0x3FFB];
	_ =	sdelay $0x3  }
0x92: {  	_ =	strace s18  }
0x93: {  	s3 =	sld [smem:$0x3FFC];
	_ =	sdelay $0x3  }
0x94: {  	_ =	strace s3  }
0x95: {  	s3 =	sld [smem:$0x3FFD];
	_ =	sdelay $0x3  }
0x96: {  	_ =	strace s3  }
0x97: {  	_ =	strace $0x8FFFFFFF  }
0x98: {  	s19 =	sld [smem:$0x3FDB];
	_ =	sdelay $0x1  }
0x99: {  	s4 =	simm.s32 $_scs_section_size  }
0x9a: {  	s5 =	simm.s32 $_size__tile_overlayer_lowered;
	s6 =	simm.s32 $_tile_overlayer_lowered  }
0x9b: {  	s22 =	simm.s32 $0x1BFF;
	s21 =	sshll.u32 s6, $0x1;
	s3 =	sadd.s32 s4, s19  }
0x9c: {  	s7 =	simm.s32 $0x0;
	s20 =	sshll.u32 s5, $0x1;
	s5 =	sadd.s32 s21, s3  }
0x9d: {  	[timem:s7], [sflag:s22] =	dma.local [hbm:s5], s20  }
0x9e: {  	_ =	swait.ge [sflag:s22], s20  }
0x9f: {  	s4 =	ssub.s32 $0x0, s20;
	[sflag:s22] =	ssyncset.done $0x0  }
0xa0: {  	[sflag:s22] =	ssyncadd.s32 s4;
	_ =	sdelay $0x1  }
0xa1: {  	s23 =	simm.s32 $0x1B8B  }
0xa2: {  	_ =	swait.ge [sflag:s23], $0x1  }
0xa3: {  	[sflag:s23] =	ssyncset.done $0x0  }
0xa4: {  	s25 =	simm.s32 $0x1B8E;
	s24 =	sld [smem:$0x3FFE];
	[sflag:s23] =	ssyncadd.s32 $0xFFFFFFFF  }
0xa5: {  	s26 =	simm.s32 $execute0_lowered;
	[smem:$0x3FD2] =	sst s25  }
0xa6: {  	s5 =	sshll.u32 s26, $0x1;
	_ =	strace $0x80000046;
	[dreg:$0x1] =	wrdreg $0xFFFFFFFF  }
0xa7: {  	s28 =	simm.s32 $_size_execute0_lowered;
	s3 =	sadd.s32 s3, s5;
	[dreg:$0x0] =	wrdreg $0x0  }
0xa8: {  	s5 =	sshll.u32 s28, $0x1;
	[dreg:$0x2] =	wrdreg s3  }
0xa9: {  	[dreg:$0x3] =	wrdreg s5  }
0xaa: {  	[dreg:$0x4] =	wrdreg $0xC0  }
0xab: {  	_ =	task [dreg:s7], $0x5FFFF  }
0xac: {  	[dreg:$0x1] =	wrdreg $0xFFFFFFFF  }
0xad: {  	[dreg:$0x0] =	wrdreg $0x60  }
0xae: {  	[dreg:$0x2] =	wrdreg s2  }
0xaf: {  	[dreg:$0x3] =	wrdreg s24  }
0xb0: {  	[dreg:$0x4] =	wrdreg $0x9  }
0xb1: {  	_ =	task.clear_ibuf [dreg:s7], $0x5FFFF;
	_ =	strace $0x90000046  }
0xb2: {  	s29 =	simm.s32 $0x9;
	_ =	strace $0x80000048  }
0xb3: {  	_ =	swait.ge [sflag:s29], $0x1  }
0xb4: {  	[sflag:s29] =	ssyncadd.s32 $0xFFFFFFFF  }
0xb5: {  	_ =	strace $0x90000048  }
0xb6: {  	_ =	sfence  }
0xb7: {  	s30 =	sld [smem:$0x0];
	_ =	sdelay $0x2  }
0xb8: {  	s31 =	sshll.u32 s1, $0xD;
	s1 =	sshrl.u32 s1, $0x2  }
0xb9: {  	s3 =	sand.u32 $0x4000, s31;
	s1 =	sadd.s32 s1, s30  }
0xba: {  	s0 =	sor.u32 s3, s0;
	s1 =	sshll.u32 s1, $0x11  }
0xbb: {  	s0 =	sor.u32 s1, s0  }
0xbc: {  	s0 =	sadd.s32 $0x8F2B, s0  }
0xbd: {  	[sflag:s0] =	ssyncadd.remote.s32 $0x1  }
0xbe: {  	_ =	sfence.sel $0xFFFF  }
0xbf: {  	[dreg:$0x0] =	wrdreg $0xFFFFFFFF;
	(pc) =	sbr.abs _section_cstart, $3  }
0xc0: {  	[dreg:$0x1] =	wrdreg $0xFFFFFFFF  }
0xc1: {  	_ =	task.clear_ibuf [dreg:s7], $0x2FFFF;
	_ =	strace $0x9FFFFFFF  }
0xc2: {  	(tm) =	ssettm $0x7FFFFFFF  }
0xc3: {  	_ =	shalt  }
tec
execute0_lowered:
.L_overlay_start_1:
0x0: {  	(tag) =	ssettag $0x1  }
0x1: {  	s0 =	rddreg [dreg:$0x0]  }
0x2: {  	s1 =	rddreg [dreg:$0x1];
	s2 =	srdreg.scid  }
0x3: {  	s13 =	simm.s32 $0x0;
	s4 =	stileid.u32;
	s14 =	simm.s32 $0x3  }
0x4: {  	s15 =	simm.s32 $0x80;
	s28 =	simm.s32 $0x17400;
	s30 =	simm.s32 $0x17C00  }
0x5: {  	s18 =	simm.s32 $0x18C00;
	s31 =	simm.s32 $0x1A400;
	s2 =	sand.u32 $0x1, s2  }
0x6: {  	s29 =	simm.s32 $0x1B400;
	s3 =	sshll.u32 s2, $0x4;
	s2 =	ssub.s32 $0x2, s2  }
0x7: {  	s7 =	simm.s32 $0x1E400;
	s4 =	sor.u32 s4, s3;
	s20 =	sshrl.u32 s2, $0x1  }
0x8: {  	[smem:$0x7FF] =	sst s13;
	s5 =	sshll.u32 s4, $0xA;
	s2 =	ssub.s32 s2, s20  }
0x9: {  	s3 =	sadd.s32 $0x800, s1;
	s1 =	sadd.s32 s5, s1;
	s26 =	smax.u32 s2, $0x1  }
0xa: {  	_ =	strace $0x80000047;
	s5 =	sadd.s32 $0x1E8E00, s1;
	[dreg:$0xc] =	wrdreg s26  }
0xb: {  	s8 =	simm.s32 $0x1EC00;
	s19 =	sadd.s32 $0x1E8E80, s1;
	[dreg:$0x3] =	wrdreg s5  }
0xc: {  	s9 =	simm.s32 $0x1;
	s6 =	sadd.s32 $0x1E8F00, s1;
	[dreg:$0x4] =	wrdreg s19  }
0xd: {  	s10 =	simm.s32 $0x1F400;
	s21 =	sadd.s32 $0x1E8F80, s1;
	[dreg:$0x5] =	wrdreg s6  }
0xe: {  	s4 =	smul.u32 $0xC80, s4;
	s22 =	sadd.s32 $0x1E9000, s1;
	[dreg:$0x6] =	wrdreg s21  }
0xf: {  	s11 =	simm.s32 $0x2;
	s23 =	sadd.s32 $0x1E9080, s1;
	[dreg:$0x7] =	wrdreg s22  }
0x10: {  	s12 =	simm.s32 $0x0;
	s0 =	sadd.s32 s0, s4;
	[dreg:$0x8] =	wrdreg s23  }
0x11: {  	s20 =	simm.s32 $0x1AC00;
	s24 =	sadd.s32 $0x1E9100, s1;
	[dreg:$0x9] =	wrdreg s0  }
0x12: {  	s25 =	sadd.s32 $0x1E9180, s1;
	s26 =	simm.s32 $0x19C00;
	[dreg:$0xa] =	wrdreg s24  }
0x13: {  	s1 =	simm.s32 $0x1C400;
	s4 =	simm.s32 $0x1CC00;
	[dreg:$0xb] =	wrdreg s25  }
0x14: {  	s19 =	simm.s32 $0x15400;
	s21 =	simm.s32 $0x15C00;
	s23 =	simm.s32 $0x16400  }
0x15: {  	s25 =	simm.s32 $0x16C00;
	s0 =	simm.s32 $0x18400;
	s22 =	simm.s32 $0x19400  }
0x16: {  	s24 =	simm.s32 $0x1BC00;
	s5 =	simm.s32 $0x1D400;
	s6 =	simm.s32 $0x1DC00  }
.LBB2_1:
0x17: {  	s2 =	rddreg [dreg:$0x9]  }
0x18: {  	[tilespmem:s13], [sflag:$0x3] =	stream.linear.gather [hbm4b:s2+s13], $0x6400, $0x38;
	[tilespmem:$0x1F800] =	vst v63  }
0x19: {  	_ =	swait.ge [sflag:s14], $0x6400  }
0x1a: {  	[sflag:s14] =	ssyncset.done $0x0  }
0x1b: {  	s17 =	simm.s32 $0x6400;
	[sflag:s14] =	ssyncadd.s32 $0xFFFF9C00  }
0x1c: {  	[tilespmem:s17], [sflag:$0x1] =	stream.indirect.gather [hbm4b:s3+s15], $0x10, s13, s15, $0xb8;
	[tilespmem:$0x1F800] =	vst v63  }
0x1d: {  	s13 =	simm.s32 $0x6C00  }
0x1e: {  	[tilespmem:s13], [sflag:$0x1] =	stream.indirect.gather [hbm4b:s3+s15], $0x10, s15, s15, $0xb8;
	[tilespmem:$0x1F800] =	vst v63  }
0x1f: {  	s16 =	simm.s32 $0x100;
	s17 =	simm.s32 $0x7400  }
0x20: {  	[tilespmem:s17], [sflag:$0x1] =	stream.indirect.gather [hbm4b:s3+s15], $0x10, s16, s15, $0xb8;
	[tilespmem:$0x1F800] =	vst v63  }
0x21: {  	s16 =	simm.s32 $0x180;
	s17 =	simm.s32 $0x7C00  }
0x22: {  	[tilespmem:s17], [sflag:$0x1] =	stream.indirect.gather [hbm4b:s3+s15], $0x10, s16, s15, $0xb8;
	[tilespmem:$0x1F800] =	vst v63  }
0x23: {  	s16 =	simm.s32 $0x200;
	s17 =	simm.s32 $0x8400  }
0x24: {  	[tilespmem:s17], [sflag:$0x1] =	stream.indirect.gather [hbm4b:s3+s15], $0x10, s16, s15, $0xb8;
	[tilespmem:$0x1F800] =	vst v63  }
0x25: {  	s16 =	simm.s32 $0x280;
	s17 =	simm.s32 $0x8C00  }
0x26: {  	[tilespmem:s17], [sflag:$0x1] =	stream.indirect.gather [hbm4b:s3+s15], $0x10, s16, s15, $0xb8;
	[tilespmem:$0x1F800] =	vst v63  }
0x27: {  	s16 =	simm.s32 $0x300;
	s17 =	simm.s32 $0x9400  }
0x28: {  	[tilespmem:s17], [sflag:$0x1] =	stream.indirect.gather [hbm4b:s3+s15], $0x10, s16, s15, $0xb8;
	[tilespmem:$0x1F800] =	vst v63  }
0x29: {  	s16 =	simm.s32 $0x380;
	s17 =	simm.s32 $0x9C00  }
0x2a: {  	[tilespmem:s17], [sflag:$0x1] =	stream.indirect.gather [hbm4b:s3+s15], $0x10, s16, s15, $0xb8;
	[tilespmem:$0x1F800] =	vst v63  }
0x2b: {  	s16 =	simm.s32 $0x400;
	s17 =	simm.s32 $0xA400  }
0x2c: {  	[tilespmem:s17], [sflag:$0x1] =	stream.indirect.gather [hbm4b:s3+s15], $0x10, s16, s15, $0xb8;
	[tilespmem:$0x1F800] =	vst v63  }
0x2d: {  	s16 =	simm.s32 $0x480;
	s17 =	simm.s32 $0xAC00  }
0x2e: {  	[tilespmem:s17], [sflag:$0x1] =	stream.indirect.gather [hbm4b:s3+s15], $0x10, s16, s15, $0xb8;
	[tilespmem:$0x1F800] =	vst v63  }
0x2f: {  	s16 =	simm.s32 $0x500;
	s17 =	simm.s32 $0xB400  }
0x30: {  	[tilespmem:s17], [sflag:$0x1] =	stream.indirect.gather [hbm4b:s3+s15], $0x10, s16, s15, $0xb8;
	[tilespmem:$0x1F800] =	vst v63  }
0x31: {  	s16 =	simm.s32 $0x580;
	s17 =	simm.s32 $0xBC00  }
0x32: {  	[tilespmem:s17], [sflag:$0x1] =	stream.indirect.gather [hbm4b:s3+s15], $0x10, s16, s15, $0xb8;
	[tilespmem:$0x1F800] =	vst v63  }
0x33: {  	s16 =	simm.s32 $0x600;
	s17 =	simm.s32 $0xC400  }
0x34: {  	[tilespmem:s17], [sflag:$0x1] =	stream.indirect.gather [hbm4b:s3+s15], $0x10, s16, s15, $0xb8;
	[tilespmem:$0x1F800] =	vst v63  }
0x35: {  	s16 =	simm.s32 $0x680;
	s17 =	simm.s32 $0xCC00  }
0x36: {  	[tilespmem:s17], [sflag:$0x1] =	stream.indirect.gather [hbm4b:s3+s15], $0x10, s16, s15, $0xb8;
	[tilespmem:$0x1F800] =	vst v63  }
0x37: {  	s16 =	simm.s32 $0x700;
	s17 =	simm.s32 $0xD400  }
0x38: {  	[tilespmem:s17], [sflag:$0x1] =	stream.indirect.gather [hbm4b:s3+s15], $0x10, s16, s15, $0xb8;
	[tilespmem:$0x1F800] =	vst v63  }
0x39: {  	s16 =	simm.s32 $0x780;
	s17 =	simm.s32 $0xDC00  }
0x3a: {  	[tilespmem:s17], [sflag:$0x1] =	stream.indirect.gather [hbm4b:s3+s15], $0x10, s16, s15, $0xb8;
	[tilespmem:$0x1F800] =	vst v63  }
0x3b: {  	s16 =	simm.s32 $0x800;
	s17 =	simm.s32 $0xE400  }
0x3c: {  	[tilespmem:s17], [sflag:$0x1] =	stream.indirect.gather [hbm4b:s3+s15], $0x10, s16, s15, $0xb8;
	[tilespmem:$0x1F800] =	vst v63  }
0x3d: {  	s16 =	simm.s32 $0x880;
	s17 =	simm.s32 $0xEC00  }
0x3e: {  	[tilespmem:s17], [sflag:$0x1] =	stream.indirect.gather [hbm4b:s3+s15], $0x10, s16, s15, $0xb8;
	[tilespmem:$0x1F800] =	vst v63  }
0x3f: {  	s16 =	simm.s32 $0x900;
	s17 =	simm.s32 $0xF400  }
0x40: {  	[tilespmem:s17], [sflag:$0x1] =	stream.indirect.gather [hbm4b:s3+s15], $0x10, s16, s15, $0xb8;
	[tilespmem:$0x1F800] =	vst v63  }
0x41: {  	s16 =	simm.s32 $0x980;
	s17 =	simm.s32 $0xFC00  }
0x42: {  	[tilespmem:s17], [sflag:$0x1] =	stream.indirect.gather [hbm4b:s3+s15], $0x10, s16, s15, $0xb8;
	[tilespmem:$0x1F800] =	vst v63  }
0x43: {  	s16 =	simm.s32 $0xA00;
	s17 =	simm.s32 $0x10400  }
0x44: {  	[tilespmem:s17], [sflag:$0x1] =	stream.indirect.gather [hbm4b:s3+s15], $0x10, s16, s15, $0xb8;
	[tilespmem:$0x1F800] =	vst v63  }
0x45: {  	s16 =	simm.s32 $0xA80;
	s17 =	simm.s32 $0x10C00  }
0x46: {  	[tilespmem:s17], [sflag:$0x1] =	stream.indirect.gather [hbm4b:s3+s15], $0x10, s16, s15, $0xb8;
	[tilespmem:$0x1F800] =	vst v63  }
0x47: {  	s16 =	simm.s32 $0xB00;
	s17 =	simm.s32 $0x11400  }
0x48: {  	[tilespmem:s17], [sflag:$0x1] =	stream.indirect.gather [hbm4b:s3+s15], $0x10, s16, s15, $0xb8;
	[tilespmem:$0x1F800] =	vst v63  }
0x49: {  	s16 =	simm.s32 $0xB80;
	s17 =	simm.s32 $0x11C00  }
0x4a: {  	[tilespmem:s17], [sflag:$0x1] =	stream.indirect.gather [hbm4b:s3+s15], $0x10, s16, s15, $0xb8;
	[tilespmem:$0x1F800] =	vst v63  }
0x4b: {  	s16 =	simm.s32 $0xC00;
	s17 =	simm.s32 $0x12400  }
0x4c: {  	[tilespmem:s17], [sflag:$0x1] =	stream.indirect.gather [hbm4b:s3+s15], $0x10, s16, s15, $0xb8;
	[tilespmem:$0x1F800] =	vst v63  }
0x4d: {  	s16 =	simm.s32 $0xC80;
	s17 =	simm.s32 $0x12C00  }
0x4e: {  	[tilespmem:s17], [sflag:$0x2] =	stream.indirect.gather [hbm4b:s3+s15], $0x10, s16, s15, $0xb8;
	[tilespmem:$0x1F800] =	vst v63  }
0x4f: {  	s16 =	simm.s32 $0xD00;
	s17 =	simm.s32 $0x13400  }
0x50: {  	[tilespmem:s17], [sflag:$0x2] =	stream.indirect.gather [hbm4b:s3+s15], $0x10, s16, s15, $0xb8;
	[tilespmem:$0x1F800] =	vst v63  }
0x51: {  	s16 =	simm.s32 $0xD80;
	s17 =	simm.s32 $0x13C00  }
0x52: {  	[tilespmem:s17], [sflag:$0x2] =	stream.indirect.gather [hbm4b:s3+s15], $0x10, s16, s15, $0xb8;
	[tilespmem:$0x1F800] =	vst v63  }
0x53: {  	s16 =	simm.s32 $0xE00;
	s17 =	simm.s32 $0x14400  }
0x54: {  	[tilespmem:s17], [sflag:$0x2] =	stream.indirect.gather [hbm4b:s3+s15], $0x10, s16, s15, $0xb8;
	[tilespmem:$0x1F800] =	vst v63  }
0x55: {  	s16 =	simm.s32 $0xE80;
	s17 =	simm.s32 $0x14C00  }
0x56: {  	[tilespmem:s17], [sflag:$0x2] =	stream.indirect.gather [hbm4b:s3+s15], $0x10, s16, s15, $0xb8;
	[tilespmem:$0x1F800] =	vst v63  }
0x57: {  	s16 =	simm.s32 $0xF00  }
0x58: {  	[tilespmem:s19], [sflag:$0x2] =	stream.indirect.gather [hbm4b:s3+s15], $0x10, s16, s15, $0xb8;
	[tilespmem:$0x1F800] =	vst v63  }
0x59: {  	s17 =	simm.s32 $0xF80  }
0x5a: {  	[tilespmem:s21], [sflag:$0x2] =	stream.indirect.gather [hbm4b:s3+s15], $0x10, s17, s15, $0xb8;
	[tilespmem:$0x1F800] =	vst v63  }
0x5b: {  	s13 =	simm.s32 $0x1000  }
0x5c: {  	[tilespmem:s23], [sflag:$0x2] =	stream.indirect.gather [hbm4b:s3+s15], $0x10, s13, s15, $0xb8;
	[tilespmem:$0x1F800] =	vst v63  }
0x5d: {  	s16 =	simm.s32 $0x1080  }
0x5e: {  	[tilespmem:s25], [sflag:$0x2] =	stream.indirect.gather [hbm4b:s3+s15], $0x10, s16, s15, $0xb8;
	[tilespmem:$0x1F800] =	vst v63  }
0x5f: {  	s17 =	simm.s32 $0x1100  }
0x60: {  	[tilespmem:s28], [sflag:$0x2] =	stream.indirect.gather [hbm4b:s3+s15], $0x10, s17, s15, $0xb8;
	[tilespmem:$0x1F800] =	vst v63  }
0x61: {  	s13 =	simm.s32 $0x1180  }
0x62: {  	[tilespmem:s30], [sflag:$0x2] =	stream.indirect.gather [hbm4b:s3+s15], $0x10, s13, s15, $0xb8;
	[tilespmem:$0x1F800] =	vst v63  }
0x63: {  	s16 =	simm.s32 $0x1200  }
0x64: {  	[tilespmem:s0], [sflag:$0x2] =	stream.indirect.gather [hbm4b:s3+s15], $0x10, s16, s15, $0xb8;
	[tilespmem:$0x1F800] =	vst v63  }
0x65: {  	s17 =	simm.s32 $0x1280  }
0x66: {  	[tilespmem:s18], [sflag:$0x2] =	stream.indirect.gather [hbm4b:s3+s15], $0x10, s17, s15, $0xb8;
	[tilespmem:$0x1F800] =	vst v63  }
0x67: {  	s13 =	simm.s32 $0x1300  }
0x68: {  	[tilespmem:s22], [sflag:$0x2] =	stream.indirect.gather [hbm4b:s3+s15], $0x10, s13, s15, $0xb8;
	[tilespmem:$0x1F800] =	vst v63  }
0x69: {  	s16 =	simm.s32 $0x1380  }
0x6a: {  	[tilespmem:s26], [sflag:$0x2] =	stream.indirect.gather [hbm4b:s3+s15], $0x10, s16, s15, $0xb8;
	[tilespmem:$0x1F800] =	vst v63  }
0x6b: {  	s17 =	simm.s32 $0x1400  }
0x6c: {  	[tilespmem:s31], [sflag:$0x2] =	stream.indirect.gather [hbm4b:s3+s15], $0x10, s17, s15, $0xb8;
	[tilespmem:$0x1F800] =	vst v63  }
0x6d: {  	s13 =	simm.s32 $0x1480  }
0x6e: {  	[tilespmem:s20], [sflag:$0x2] =	stream.indirect.gather [hbm4b:s3+s15], $0x10, s13, s15, $0xb8;
	[tilespmem:$0x1F800] =	vst v63  }
0x6f: {  	s16 =	simm.s32 $0x1500  }
0x70: {  	[tilespmem:s29], [sflag:$0x2] =	stream.indirect.gather [hbm4b:s3+s15], $0x10, s16, s15, $0xb8;
	[tilespmem:$0x1F800] =	vst v63  }
0x71: {  	s17 =	simm.s32 $0x1580  }
0x72: {  	[tilespmem:s24], [sflag:$0x2] =	stream.indirect.gather [hbm4b:s3+s15], $0x10, s17, s15, $0xb8;
	[tilespmem:$0x1F800] =	vst v63  }
0x73: {  	s13 =	simm.s32 $0x1600  }
0x74: {  	[tilespmem:s1], [sflag:$0x2] =	stream.indirect.gather [hbm4b:s3+s15], $0x10, s13, s15, $0xb8;
	[tilespmem:$0x1F800] =	vst v63  }
0x75: {  	s16 =	simm.s32 $0x1680  }
0x76: {  	[tilespmem:s4], [sflag:$0x2] =	stream.indirect.gather [hbm4b:s3+s15], $0x10, s16, s15, $0xb8;
	[tilespmem:$0x1F800] =	vst v63  }
0x77: {  	s17 =	simm.s32 $0x1700  }
0x78: {  	[tilespmem:s5], [sflag:$0x2] =	stream.indirect.gather [hbm4b:s3+s15], $0x10, s17, s15, $0xb8;
	[tilespmem:$0x1F800] =	vst v63  }
0x79: {  	s13 =	simm.s32 $0x1780  }
0x7a: {  	[tilespmem:s6], [sflag:$0x2] =	stream.indirect.gather [hbm4b:s3+s15], $0x10, s13, s15, $0xb8;
	[tilespmem:$0x1F800] =	vst v63  }
0x7b: {  	s16 =	simm.s32 $0x1800  }
0x7c: {  	[tilespmem:s7], [sflag:$0x2] =	stream.indirect.gather [hbm4b:s3+s15], $0x10, s16, s15, $0xb8;
	[tilespmem:$0x1F800] =	vst v63  }
0x7d: {  	s17 =	simm.s32 $0x1880  }
0x7e: {  	[tilespmem:s8], [sflag:$0x2] =	stream.indirect.gather [hbm4b:s3+s15], $0x10, s17, s15, $0xb8;
	[tilespmem:$0x1F800] =	vst v63  }
0x7f: {  	_ =	swait.ge [sflag:s9], $0xC800  }
0x80: {  	[sflag:s9] =	ssyncset.done $0x0  }
0x81: {  	s13 =	simm.s32 $0x6590;
	[sflag:s9] =	ssyncadd.s32 $0xFFFF3800  }
0x82: {  	v0 =	vld [tilespmem:s13+$0xFFFFFE80]  }
0x83: {  	s2 =	simm.s32 $0x0;
	s16 =	simm.s32 $0x40;
	v1 =	vld [tilespmem:s13+$0xFFFFFE70]  }
.LBB2_2:
0x84: {  	p0 =	sne.s32 s16, $0xFC0  }
0x85: {  	v2 =	vld [tilespmem:s13+$0xFFFFFE90];
	_ =	sdelay $0x1  }
0x86: {  	v3 =	vld [tilespmem:s13+$0xFFFFFEA0]  }
0x87: {  	v0 =	vadd.f32 v0, v1  }
0x88: {  	v1 =	vld [tilespmem:s13+$0xFFFFFEB0]  }
0x89: {  	v0 =	vadd.f32 v2, v0  }
0x8a: {  	v2 =	vld [tilespmem:s13+$0xFFFFFEC0]  }
0x8b: {  	v0 =	vadd.f32 v3, v0  }
0x8c: {  	v3 =	vld [tilespmem:s13+$0xFFFFFED0]  }
0x8d: {  	v0 =	vadd.f32 v1, v0  }
0x8e: {  	v1 =	vld [tilespmem:s13+$0xFFFFFEE0]  }
0x8f: {  	v0 =	vadd.f32 v2, v0  }
0x90: {  	v2 =	vld [tilespmem:s13+$0xFFFFFEF0]  }
0x91: {  	v0 =	vadd.f32 v3, v0  }
0x92: {  	v3 =	vld [tilespmem:s13+$0xFFFFFF00]  }
0x93: {  	v0 =	vadd.f32 v1, v0  }
0x94: {  	v1 =	vld [tilespmem:s13+$0xFFFFFF10]  }
0x95: {  	v0 =	vadd.f32 v2, v0  }
0x96: {  	v2 =	vld [tilespmem:s13+$0xFFFFFF20]  }
0x97: {  	v0 =	vadd.f32 v3, v0  }
0x98: {  	v3 =	vld [tilespmem:s13+$0xFFFFFF30]  }
0x99: {  	v0 =	vadd.f32 v1, v0  }
0x9a: {  	v1 =	vld [tilespmem:s13+$0xFFFFFF40]  }
0x9b: {  	v0 =	vadd.f32 v2, v0  }
0x9c: {  	v2 =	vld [tilespmem:s13+$0xFFFFFF50]  }
0x9d: {  	v0 =	vadd.f32 v3, v0  }
0x9e: {  	v3 =	vld [tilespmem:s13+$0xFFFFFF60]  }
0x9f: {  	v0 =	vadd.f32 v1, v0  }
0xa0: {  	v1 =	vld [tilespmem:s13+$0xFFFFFF70]  }
0xa1: {  	v0 =	vadd.f32 v2, v0  }
0xa2: {  	v2 =	vld [tilespmem:s13+$0xFFFFFF80]  }
0xa3: {  	v0 =	vadd.f32 v3, v0  }
0xa4: {  	v3 =	vld [tilespmem:s13+$0xFFFFFF90]  }
0xa5: {  	v0 =	vadd.f32 v1, v0  }
0xa6: {  	v1 =	vld [tilespmem:s13+$0xFFFFFFA0]  }
0xa7: {  	v0 =	vadd.f32 v2, v0  }
0xa8: {  	v2 =	vld [tilespmem:s13+$0xFFFFFFB0]  }
0xa9: {  	v0 =	vadd.f32 v3, v0  }
0xaa: {  	v3 =	vld [tilespmem:s13+$0xFFFFFFC0]  }
0xab: {  	v0 =	vadd.f32 v1, v0  }
0xac: {  	v1 =	vld [tilespmem:s13+$0xFFFFFFD0]  }
0xad: {  	v0 =	vadd.f32 v2, v0  }
0xae: {  	v2 =	vld [tilespmem:s13+$0xFFFFFFE0]  }
0xaf: {  	v0 =	vadd.f32 v3, v0  }
0xb0: {  	v3 =	vld [tilespmem:s13+$0xFFFFFFF0]  }
0xb1: {  	v0 =	vadd.f32 v1, v0  }
0xb2: {  	v1 =	vld [tilespmem:s13+$0x0]  }
0xb3: {  	v0 =	vadd.f32 v2, v0  }
0xb4: {  	v2 =	vld [tilespmem:s13+$0x10]  }
0xb5: {  	v0 =	vadd.f32 v3, v0  }
0xb6: {  	v3 =	vld [tilespmem:s13+$0x20]  }
0xb7: {  	v0 =	vadd.f32 v1, v0  }
0xb8: {  	v1 =	vld [tilespmem:s13+$0x30]  }
0xb9: {  	v0 =	vadd.f32 v2, v0  }
0xba: {  	v2 =	vld [tilespmem:s13+$0x40]  }
0xbb: {  	v0 =	vadd.f32 v3, v0  }
0xbc: {  	v3 =	vld [tilespmem:s13+$0x50]  }
0xbd: {  	v0 =	vadd.f32 v1, v0  }
0xbe: {  	v1 =	vld [tilespmem:s13+$0x60]  }
0xbf: {  	v0 =	vadd.f32 v2, v0  }
0xc0: {  	v2 =	vld [tilespmem:s13+$0x70]  }
0xc1: {  	v0 =	vadd.f32 v3, v0  }
0xc2: {  	v3 =	vld [tilespmem:s13+$0x80]  }
0xc3: {  	v0 =	vadd.f32 v1, v0  }
0xc4: {  	v1 =	vld [tilespmem:s13+$0x90]  }
0xc5: {  	v0 =	vadd.f32 v2, v0  }
0xc6: {  	v2 =	vld [tilespmem:s13+$0xA0]  }
0xc7: {  	v0 =	vadd.f32 v3, v0  }
0xc8: {  	v3 =	vld [tilespmem:s13+$0xB0]  }
0xc9: {  	v0 =	vadd.f32 v1, v0  }
0xca: {  	v1 =	vld [tilespmem:s13+$0xC0]  }
0xcb: {  	v0 =	vadd.f32 v2, v0  }
0xcc: {  	v2 =	vld [tilespmem:s13+$0xD0]  }
0xcd: {  	v0 =	vadd.f32 v3, v0  }
0xce: {  	v3 =	vld [tilespmem:s13+$0xE0]  }
0xcf: {  	v0 =	vadd.f32 v1, v0  }
0xd0: {  	v1 =	vld [tilespmem:s13+$0xF0]  }
0xd1: {  	v0 =	vadd.f32 v2, v0  }
0xd2: {  	v2 =	vld [tilespmem:s13+$0x100]  }
0xd3: {  	v0 =	vadd.f32 v3, v0  }
0xd4: {  	v3 =	vld [tilespmem:s13+$0x110]  }
0xd5: {  	v0 =	vadd.f32 v1, v0  }
0xd6: {  	v1 =	vld [tilespmem:s13+$0x120]  }
0xd7: {  	v0 =	vadd.f32 v2, v0  }
0xd8: {  	v2 =	vld [tilespmem:s13+$0x130]  }
0xd9: {  	v0 =	vadd.f32 v3, v0  }
0xda: {  	v3 =	vld [tilespmem:s13+$0x140]  }
0xdb: {  	v0 =	vadd.f32 v1, v0  }
0xdc: {  	v1 =	vld [tilespmem:s13+$0x150]  }
0xdd: {  	v0 =	vadd.f32 v2, v0  }
0xde: {  	v2 =	vld [tilespmem:s13+$0x160]  }
0xdf: {  	v0 =	vadd.f32 v3, v0  }
0xe0: {  	v3 =	vld [tilespmem:s13+$0x170]  }
0xe1: {  	v0 =	vadd.f32 v1, v0  }
0xe2: {  	v1 =	vld [tilespmem:s13+$0x180]  }
0xe3: {  	v0 =	vadd.f32 v2, v0;
	_ =	sdelay $0x1  }
0xe4: {  	v0 =	vadd.f32 v3, v0;
	_ =	sdelay $0x1  }
.Ltmp0:
0xe5: {  	v0 =	vadd.f32 v1, v0;
	(pc) =	sbr.rel @p0 .LBB2_2-.Ltmp0, $4  }
0xe6: {  	s17 =	sshra.s32 s2, $0x2;
	s2 =	smov.u32 s16  }
0xe7: {  	s13 =	sadd.s32 $0x320, s13;
	[tilespmem:s17+$0x1F400] =	vst v0  }
0xe8: {  	v0 =	vld [tilespmem:s13+$0xFFFFFE80]  }
0xe9: {  	s16 =	sadd.s32 $0x40, s16;
	v1 =	vld [tilespmem:s13+$0xFFFFFE70]  }
0xea: {  	_ = 	snop  }
0xeb: {  	v2 =	vld [tilespmem:s13+$0xFFFFFE90];
	_ =	sdelay $0x1  }
0xec: {  	v3 =	vld [tilespmem:s13+$0xFFFFFEA0]  }
0xed: {  	v0 =	vadd.f32 v0, v1  }
0xee: {  	v1 =	vld [tilespmem:s13+$0xFFFFFEB0]  }
0xef: {  	v0 =	vadd.f32 v2, v0  }
0xf0: {  	v2 =	vld [tilespmem:s13+$0xFFFFFEC0]  }
0xf1: {  	v0 =	vadd.f32 v3, v0  }
0xf2: {  	v3 =	vld [tilespmem:s13+$0xFFFFFED0]  }
0xf3: {  	v0 =	vadd.f32 v1, v0  }
0xf4: {  	v1 =	vld [tilespmem:s13+$0xFFFFFEE0]  }
0xf5: {  	v0 =	vadd.f32 v2, v0  }
0xf6: {  	v2 =	vld [tilespmem:s13+$0xFFFFFEF0]  }
0xf7: {  	v0 =	vadd.f32 v3, v0  }
0xf8: {  	v3 =	vld [tilespmem:s13+$0xFFFFFF00]  }
0xf9: {  	v0 =	vadd.f32 v1, v0  }
0xfa: {  	v1 =	vld [tilespmem:s13+$0xFFFFFF10]  }
0xfb: {  	v0 =	vadd.f32 v2, v0  }
0xfc: {  	v2 =	vld [tilespmem:s13+$0xFFFFFF20]  }
0xfd: {  	v0 =	vadd.f32 v3, v0  }
0xfe: {  	v3 =	vld [tilespmem:s13+$0xFFFFFF30]  }
0xff: {  	v0 =	vadd.f32 v1, v0  }
0x100: {  	v1 =	vld [tilespmem:s13+$0xFFFFFF40]  }
0x101: {  	v0 =	vadd.f32 v2, v0  }
0x102: {  	v2 =	vld [tilespmem:s13+$0xFFFFFF50]  }
0x103: {  	v0 =	vadd.f32 v3, v0  }
0x104: {  	v3 =	vld [tilespmem:s13+$0xFFFFFF60]  }
0x105: {  	v0 =	vadd.f32 v1, v0  }
0x106: {  	v1 =	vld [tilespmem:s13+$0xFFFFFF70]  }
0x107: {  	v0 =	vadd.f32 v2, v0  }
0x108: {  	v2 =	vld [tilespmem:s13+$0xFFFFFF80]  }
0x109: {  	v0 =	vadd.f32 v3, v0  }
0x10a: {  	v3 =	vld [tilespmem:s13+$0xFFFFFF90]  }
0x10b: {  	v0 =	vadd.f32 v1, v0  }
0x10c: {  	v1 =	vld [tilespmem:s13+$0xFFFFFFA0]  }
0x10d: {  	v0 =	vadd.f32 v2, v0  }
0x10e: {  	v2 =	vld [tilespmem:s13+$0xFFFFFFB0]  }
0x10f: {  	v0 =	vadd.f32 v3, v0  }
0x110: {  	v3 =	vld [tilespmem:s13+$0xFFFFFFC0]  }
0x111: {  	v0 =	vadd.f32 v1, v0  }
0x112: {  	v1 =	vld [tilespmem:s13+$0xFFFFFFD0]  }
0x113: {  	v0 =	vadd.f32 v2, v0  }
0x114: {  	v2 =	vld [tilespmem:s13+$0xFFFFFFE0]  }
0x115: {  	v0 =	vadd.f32 v3, v0  }
0x116: {  	v3 =	vld [tilespmem:s13+$0xFFFFFFF0]  }
0x117: {  	v0 =	vadd.f32 v1, v0  }
0x118: {  	v1 =	vld [tilespmem:s13+$0x0]  }
0x119: {  	v0 =	vadd.f32 v2, v0  }
0x11a: {  	v2 =	vld [tilespmem:s13+$0x10]  }
0x11b: {  	v0 =	vadd.f32 v3, v0  }
0x11c: {  	v3 =	vld [tilespmem:s13+$0x20]  }
0x11d: {  	v0 =	vadd.f32 v1, v0  }
0x11e: {  	v1 =	vld [tilespmem:s13+$0x30]  }
0x11f: {  	v0 =	vadd.f32 v2, v0  }
0x120: {  	v2 =	vld [tilespmem:s13+$0x40]  }
0x121: {  	v0 =	vadd.f32 v3, v0  }
0x122: {  	v3 =	vld [tilespmem:s13+$0x50]  }
0x123: {  	v0 =	vadd.f32 v1, v0  }
0x124: {  	v1 =	vld [tilespmem:s13+$0x60]  }
0x125: {  	v0 =	vadd.f32 v2, v0  }
0x126: {  	v2 =	vld [tilespmem:s13+$0x70]  }
0x127: {  	v0 =	vadd.f32 v3, v0  }
0x128: {  	v3 =	vld [tilespmem:s13+$0x80]  }
0x129: {  	v0 =	vadd.f32 v1, v0  }
0x12a: {  	v1 =	vld [tilespmem:s13+$0x90]  }
0x12b: {  	v0 =	vadd.f32 v2, v0  }
0x12c: {  	v2 =	vld [tilespmem:s13+$0xA0]  }
0x12d: {  	v0 =	vadd.f32 v3, v0  }
0x12e: {  	v3 =	vld [tilespmem:s13+$0xB0]  }
0x12f: {  	v0 =	vadd.f32 v1, v0  }
0x130: {  	v1 =	vld [tilespmem:s13+$0xC0]  }
0x131: {  	v0 =	vadd.f32 v2, v0  }
0x132: {  	v2 =	vld [tilespmem:s13+$0xD0]  }
0x133: {  	v0 =	vadd.f32 v3, v0  }
0x134: {  	v3 =	vld [tilespmem:s13+$0xE0]  }
0x135: {  	v0 =	vadd.f32 v1, v0  }
0x136: {  	v1 =	vld [tilespmem:s13+$0xF0]  }
0x137: {  	v0 =	vadd.f32 v2, v0  }
0x138: {  	v2 =	vld [tilespmem:s13+$0x100]  }
0x139: {  	v0 =	vadd.f32 v3, v0  }
0x13a: {  	v3 =	vld [tilespmem:s13+$0x110]  }
0x13b: {  	v0 =	vadd.f32 v1, v0  }
0x13c: {  	v1 =	vld [tilespmem:s13+$0x120]  }
0x13d: {  	v0 =	vadd.f32 v2, v0  }
0x13e: {  	v2 =	vld [tilespmem:s13+$0x130]  }
0x13f: {  	v0 =	vadd.f32 v3, v0  }
0x140: {  	v3 =	vld [tilespmem:s13+$0x140]  }
0x141: {  	v0 =	vadd.f32 v1, v0  }
0x142: {  	v1 =	vld [tilespmem:s13+$0x150]  }
0x143: {  	v0 =	vadd.f32 v2, v0  }
0x144: {  	v2 =	vld [tilespmem:s13+$0x160]  }
0x145: {  	v0 =	vadd.f32 v3, v0  }
0x146: {  	v3 =	vld [tilespmem:s13+$0x170]  }
0x147: {  	v0 =	vadd.f32 v1, v0  }
0x148: {  	v1 =	vld [tilespmem:s13+$0x180]  }
0x149: {  	v0 =	vadd.f32 v2, v0;
	_ =	sdelay $0x1  }
0x14a: {  	v0 =	vadd.f32 v3, v0;
	_ =	sdelay $0x1  }
0x14b: {  	v0 =	vadd.f32 v1, v0  }
0x14c: {  	s2 =	sshra.s32 s2, $0x2  }
0x14d: {  	s16 =	rddreg [dreg:$0x3];
	s13 =	simm.s32 $0x0;
	[tilespmem:s2+$0x1F400] =	vst v0  }
0x14e: {  	[hbm4b:s16+s13] =	stream.linear.scatter [tilespmem:s10], [sflag:$0x3], $0x400, $0x38;
	[tilespmem:$0x1F800] =	vst v63  }
0x14f: {  	_ =	swait.ge [sflag:s14], $0x400  }
0x150: {  	[sflag:s14] =	ssyncset.done $0x0  }
0x151: {  	s17 =	simm.s32 $0x6400;
	s16 =	simm.s32 $0x1900;
	[sflag:s14] =	ssyncadd.s32 $0xFFFFFC00  }
0x152: {  	[tilespmem:s17], [sflag:$0x1] =	stream.indirect.gather [hbm4b:s3+s15], $0x10, s16, s15, $0xb8;
	[tilespmem:$0x1F800] =	vst v63  }
0x153: {  	s16 =	simm.s32 $0x6C00;
	s17 =	simm.s32 $0x1980  }
0x154: {  	[tilespmem:s16], [sflag:$0x1] =	stream.indirect.gather [hbm4b:s3+s15], $0x10, s17, s15, $0xb8;
	[tilespmem:$0x1F800] =	vst v63  }
0x155: {  	s16 =	simm.s32 $0x7400;
	s17 =	simm.s32 $0x1A00  }
0x156: {  	[tilespmem:s16], [sflag:$0x1] =	stream.indirect.gather [hbm4b:s3+s15], $0x10, s17, s15, $0xb8;
	[tilespmem:$0x1F800] =	vst v63  }
0x157: {  	s16 =	simm.s32 $0x7C00;
	s17 =	simm.s32 $0x1A80  }
0x158: {  	[tilespmem:s16], [sflag:$0x1] =	stream.indirect.gather [hbm4b:s3+s15], $0x10, s17, s15, $0xb8;
	[tilespmem:$0x1F800] =	vst v63  }
0x159: {  	s16 =	simm.s32 $0x8400;
	s17 =	simm.s32 $0x1B00  }
0x15a: {  	[tilespmem:s16], [sflag:$0x1] =	stream.indirect.gather [hbm4b:s3+s15], $0x10, s17, s15, $0xb8;
	[tilespmem:$0x1F800] =	vst v63  }
0x15b: {  	s16 =	simm.s32 $0x8C00;
	s17 =	simm.s32 $0x1B80  }
0x15c: {  	[tilespmem:s16], [sflag:$0x1] =	stream.indirect.gather [hbm4b:s3+s15], $0x10, s17, s15, $0xb8;
	[tilespmem:$0x1F800] =	vst v63  }
0x15d: {  	s16 =	simm.s32 $0x9400;
	s17 =	simm.s32 $0x1C00  }
0x15e: {  	[tilespmem:s16], [sflag:$0x1] =	stream.indirect.gather [hbm4b:s3+s15], $0x10, s17, s15, $0xb8;
	[tilespmem:$0x1F800] =	vst v63  }
0x15f: {  	s16 =	simm.s32 $0x9C00;
	s17 =	simm.s32 $0x1C80  }
0x160: {  	[tilespmem:s16], [sflag:$0x1] =	stream.indirect.gather [hbm4b:s3+s15], $0x10, s17, s15, $0xb8;
	[tilespmem:$0x1F800] =	vst v63  }
0x161: {  	s16 =	simm.s32 $0xA400;
	s17 =	simm.s32 $0x1D00  }
0x162: {  	[tilespmem:s16], [sflag:$0x1] =	stream.indirect.gather [hbm4b:s3+s15], $0x10, s17, s15, $0xb8;
	[tilespmem:$0x1F800] =	vst v63  }
0x163: {  	s16 =	simm.s32 $0xAC00;
	s17 =	simm.s32 $0x1D80  }
0x164: {  	[tilespmem:s16], [sflag:$0x1] =	stream.indirect.gather [hbm4b:s3+s15], $0x10, s17, s15, $0xb8;
	[tilespmem:$0x1F800] =	vst v63  }
0x165: {  	s16 =	simm.s32 $0xB400;
	s17 =	simm.s32 $0x1E00  }
0x166: {  	[tilespmem:s16], [sflag:$0x1] =	stream.indirect.gather [hbm4b:s3+s15], $0x10, s17, s15, $0xb8;
	[tilespmem:$0x1F800] =	vst v63  }
0x167: {  	s16 =	simm.s32 $0xBC00;
	s17 =	simm.s32 $0x1E80  }
0x168: {  	[tilespmem:s16], [sflag:$0x1] =	stream.indirect.gather [hbm4b:s3+s15], $0x10, s17, s15, $0xb8;
	[tilespmem:$0x1F800] =	vst v63  }
0x169: {  	s16 =	simm.s32 $0xC400;
	s17 =	simm.s32 $0x1F00  }
0x16a: {  	[tilespmem:s16], [sflag:$0x1] =	stream.indirect.gather [hbm4b:s3+s15], $0x10, s17, s15, $0xb8;
	[tilespmem:$0x1F800] =	vst v63  }
0x16b: {  	s16 =	simm.s32 $0xCC00;
	s17 =	simm.s32 $0x1F80  }
0x16c: {  	[tilespmem:s16], [sflag:$0x1] =	stream.indirect.gather [hbm4b:s3+s15], $0x10, s17, s15, $0xb8;
	[tilespmem:$0x1F800] =	vst v63  }
0x16d: {  	s16 =	simm.s32 $0xD400;
	s17 =	simm.s32 $0x2000  }
0x16e: {  	[tilespmem:s16], [sflag:$0x1] =	stream.indirect.gather [hbm4b:s3+s15], $0x10, s17, s15, $0xb8;
	[tilespmem:$0x1F800] =	vst v63  }
0x16f: {  	s16 =	simm.s32 $0xDC00;
	s17 =	simm.s32 $0x2080  }
0x170: {  	[tilespmem:s16], [sflag:$0x1] =	stream.indirect.gather [hbm4b:s3+s15], $0x10, s17, s15, $0xb8;
	[tilespmem:$0x1F800] =	vst v63  }
0x171: {  	s16 =	simm.s32 $0xE400;
	s17 =	simm.s32 $0x2100  }
0x172: {  	[tilespmem:s16], [sflag:$0x1] =	stream.indirect.gather [hbm4b:s3+s15], $0x10, s17, s15, $0xb8;
	[tilespmem:$0x1F800] =	vst v63  }
0x173: {  	s16 =	simm.s32 $0xEC00;
	s17 =	simm.s32 $0x2180  }
0x174: {  	[tilespmem:s16], [sflag:$0x1] =	stream.indirect.gather [hbm4b:s3+s15], $0x10, s17, s15, $0xb8;
	[tilespmem:$0x1F800] =	vst v63  }
0x175: {  	s16 =	simm.s32 $0xF400;
	s17 =	simm.s32 $0x2200  }
0x176: {  	[tilespmem:s16], [sflag:$0x1] =	stream.indirect.gather [hbm4b:s3+s15], $0x10, s17, s15, $0xb8;
	[tilespmem:$0x1F800] =	vst v63  }
0x177: {  	s16 =	simm.s32 $0xFC00;
	s17 =	simm.s32 $0x2280  }
0x178: {  	[tilespmem:s16], [sflag:$0x1] =	stream.indirect.gather [hbm4b:s3+s15], $0x10, s17, s15, $0xb8;
	[tilespmem:$0x1F800] =	vst v63  }
0x179: {  	s16 =	simm.s32 $0x10400;
	s17 =	simm.s32 $0x2300  }
0x17a: {  	[tilespmem:s16], [sflag:$0x1] =	stream.indirect.gather [hbm4b:s3+s15], $0x10, s17, s15, $0xb8;
	[tilespmem:$0x1F800] =	vst v63  }
0x17b: {  	s16 =	simm.s32 $0x10C00;
	s17 =	simm.s32 $0x2380  }
0x17c: {  	[tilespmem:s16], [sflag:$0x1] =	stream.indirect.gather [hbm4b:s3+s15], $0x10, s17, s15, $0xb8;
	[tilespmem:$0x1F800] =	vst v63  }
0x17d: {  	s16 =	simm.s32 $0x11400;
	s17 =	simm.s32 $0x2400  }
0x17e: {  	[tilespmem:s16], [sflag:$0x1] =	stream.indirect.gather [hbm4b:s3+s15], $0x10, s17, s15, $0xb8;
	[tilespmem:$0x1F800] =	vst v63  }
0x17f: {  	s16 =	simm.s32 $0x11C00;
	s17 =	simm.s32 $0x2480  }
0x180: {  	[tilespmem:s16], [sflag:$0x1] =	stream.indirect.gather [hbm4b:s3+s15], $0x10, s17, s15, $0xb8;
	[tilespmem:$0x1F800] =	vst v63  }
0x181: {  	s16 =	simm.s32 $0x12400;
	s17 =	simm.s32 $0x2500  }
0x182: {  	[tilespmem:s16], [sflag:$0x1] =	stream.indirect.gather [hbm4b:s3+s15], $0x10, s17, s15, $0xb8;
	[tilespmem:$0x1F800] =	vst v63  }
0x183: {  	_ =	swait.ge [sflag:s11], $0xC800  }
0x184: {  	[sflag:s11] =	ssyncset.done $0x0  }
0x185: {  	s2 =	simm.s32 $0x12D90;
	[sflag:s11] =	ssyncadd.s32 $0xFFFF3800  }
0x186: {  	v0 =	vld [tilespmem:s2+$0xFFFFFE80]  }
0x187: {  	s16 =	simm.s32 $0x40;
	v1 =	vld [tilespmem:s2+$0xFFFFFE70]  }
.LBB2_4:
0x188: {  	p0 =	sne.s32 s16, $0xFC0  }
0x189: {  	v2 =	vld [tilespmem:s2+$0xFFFFFE90];
	_ =	sdelay $0x1  }
0x18a: {  	v3 =	vld [tilespmem:s2+$0xFFFFFEA0]  }
0x18b: {  	v0 =	vadd.f32 v0, v1  }
0x18c: {  	v1 =	vld [tilespmem:s2+$0xFFFFFEB0]  }
0x18d: {  	v0 =	vadd.f32 v2, v0  }
0x18e: {  	v2 =	vld [tilespmem:s2+$0xFFFFFEC0]  }
0x18f: {  	v0 =	vadd.f32 v3, v0  }
0x190: {  	v3 =	vld [tilespmem:s2+$0xFFFFFED0]  }
0x191: {  	v0 =	vadd.f32 v1, v0  }
0x192: {  	v1 =	vld [tilespmem:s2+$0xFFFFFEE0]  }
0x193: {  	v0 =	vadd.f32 v2, v0  }
0x194: {  	v2 =	vld [tilespmem:s2+$0xFFFFFEF0]  }
0x195: {  	v0 =	vadd.f32 v3, v0  }
0x196: {  	v3 =	vld [tilespmem:s2+$0xFFFFFF00]  }
0x197: {  	v0 =	vadd.f32 v1, v0  }
0x198: {  	v1 =	vld [tilespmem:s2+$0xFFFFFF10]  }
0x199: {  	v0 =	vadd.f32 v2, v0  }
0x19a: {  	v2 =	vld [tilespmem:s2+$0xFFFFFF20]  }
0x19b: {  	v0 =	vadd.f32 v3, v0  }
0x19c: {  	v3 =	vld [tilespmem:s2+$0xFFFFFF30]  }
0x19d: {  	v0 =	vadd.f32 v1, v0  }
0x19e: {  	v1 =	vld [tilespmem:s2+$0xFFFFFF40]  }
0x19f: {  	v0 =	vadd.f32 v2, v0  }
0x1a0: {  	v2 =	vld [tilespmem:s2+$0xFFFFFF50]  }
0x1a1: {  	v0 =	vadd.f32 v3, v0  }
0x1a2: {  	v3 =	vld [tilespmem:s2+$0xFFFFFF60]  }
0x1a3: {  	v0 =	vadd.f32 v1, v0  }
0x1a4: {  	v1 =	vld [tilespmem:s2+$0xFFFFFF70]  }
0x1a5: {  	v0 =	vadd.f32 v2, v0  }
0x1a6: {  	v2 =	vld [tilespmem:s2+$0xFFFFFF80]  }
0x1a7: {  	v0 =	vadd.f32 v3, v0  }
0x1a8: {  	v3 =	vld [tilespmem:s2+$0xFFFFFF90]  }
0x1a9: {  	v0 =	vadd.f32 v1, v0  }
0x1aa: {  	v1 =	vld [tilespmem:s2+$0xFFFFFFA0]  }
0x1ab: {  	v0 =	vadd.f32 v2, v0  }
0x1ac: {  	v2 =	vld [tilespmem:s2+$0xFFFFFFB0]  }
0x1ad: {  	v0 =	vadd.f32 v3, v0  }
0x1ae: {  	v3 =	vld [tilespmem:s2+$0xFFFFFFC0]  }
0x1af: {  	v0 =	vadd.f32 v1, v0  }
0x1b0: {  	v1 =	vld [tilespmem:s2+$0xFFFFFFD0]  }
0x1b1: {  	v0 =	vadd.f32 v2, v0  }
0x1b2: {  	v2 =	vld [tilespmem:s2+$0xFFFFFFE0]  }
0x1b3: {  	v0 =	vadd.f32 v3, v0  }
0x1b4: {  	v3 =	vld [tilespmem:s2+$0xFFFFFFF0]  }
0x1b5: {  	v0 =	vadd.f32 v1, v0  }
0x1b6: {  	v1 =	vld [tilespmem:s2+$0x0]  }
0x1b7: {  	v0 =	vadd.f32 v2, v0  }
0x1b8: {  	v2 =	vld [tilespmem:s2+$0x10]  }
0x1b9: {  	v0 =	vadd.f32 v3, v0  }
0x1ba: {  	v3 =	vld [tilespmem:s2+$0x20]  }
0x1bb: {  	v0 =	vadd.f32 v1, v0  }
0x1bc: {  	v1 =	vld [tilespmem:s2+$0x30]  }
0x1bd: {  	v0 =	vadd.f32 v2, v0  }
0x1be: {  	v2 =	vld [tilespmem:s2+$0x40]  }
0x1bf: {  	v0 =	vadd.f32 v3, v0  }
0x1c0: {  	v3 =	vld [tilespmem:s2+$0x50]  }
0x1c1: {  	v0 =	vadd.f32 v1, v0  }
0x1c2: {  	v1 =	vld [tilespmem:s2+$0x60]  }
0x1c3: {  	v0 =	vadd.f32 v2, v0  }
0x1c4: {  	v2 =	vld [tilespmem:s2+$0x70]  }
0x1c5: {  	v0 =	vadd.f32 v3, v0  }
0x1c6: {  	v3 =	vld [tilespmem:s2+$0x80]  }
0x1c7: {  	v0 =	vadd.f32 v1, v0  }
0x1c8: {  	v1 =	vld [tilespmem:s2+$0x90]  }
0x1c9: {  	v0 =	vadd.f32 v2, v0  }
0x1ca: {  	v2 =	vld [tilespmem:s2+$0xA0]  }
0x1cb: {  	v0 =	vadd.f32 v3, v0  }
0x1cc: {  	v3 =	vld [tilespmem:s2+$0xB0]  }
0x1cd: {  	v0 =	vadd.f32 v1, v0  }
0x1ce: {  	v1 =	vld [tilespmem:s2+$0xC0]  }
0x1cf: {  	v0 =	vadd.f32 v2, v0  }
0x1d0: {  	v2 =	vld [tilespmem:s2+$0xD0]  }
0x1d1: {  	v0 =	vadd.f32 v3, v0  }
0x1d2: {  	v3 =	vld [tilespmem:s2+$0xE0]  }
0x1d3: {  	v0 =	vadd.f32 v1, v0  }
0x1d4: {  	v1 =	vld [tilespmem:s2+$0xF0]  }
0x1d5: {  	v0 =	vadd.f32 v2, v0  }
0x1d6: {  	v2 =	vld [tilespmem:s2+$0x100]  }
0x1d7: {  	v0 =	vadd.f32 v3, v0  }
0x1d8: {  	v3 =	vld [tilespmem:s2+$0x110]  }
0x1d9: {  	v0 =	vadd.f32 v1, v0  }
0x1da: {  	v1 =	vld [tilespmem:s2+$0x120]  }
0x1db: {  	v0 =	vadd.f32 v2, v0  }
0x1dc: {  	v2 =	vld [tilespmem:s2+$0x130]  }
0x1dd: {  	v0 =	vadd.f32 v3, v0  }
0x1de: {  	v3 =	vld [tilespmem:s2+$0x140]  }
0x1df: {  	v0 =	vadd.f32 v1, v0  }
0x1e0: {  	v1 =	vld [tilespmem:s2+$0x150]  }
0x1e1: {  	v0 =	vadd.f32 v2, v0  }
0x1e2: {  	v2 =	vld [tilespmem:s2+$0x160]  }
0x1e3: {  	v0 =	vadd.f32 v3, v0  }
0x1e4: {  	v3 =	vld [tilespmem:s2+$0x170]  }
0x1e5: {  	v0 =	vadd.f32 v1, v0  }
0x1e6: {  	v1 =	vld [tilespmem:s2+$0x180]  }
0x1e7: {  	v0 =	vadd.f32 v2, v0;
	_ =	sdelay $0x1  }
0x1e8: {  	v0 =	vadd.f32 v3, v0;
	_ =	sdelay $0x1  }
.Ltmp1:
0x1e9: {  	v0 =	vadd.f32 v1, v0;
	(pc) =	sbr.rel @p0 .LBB2_4-.Ltmp1, $4  }
0x1ea: {  	s17 =	sshra.s32 s13, $0x2;
	s13 =	smov.u32 s16  }
0x1eb: {  	s2 =	sadd.s32 $0x320, s2;
	[tilespmem:s17+$0x1F400] =	vst v0  }
0x1ec: {  	v0 =	vld [tilespmem:s2+$0xFFFFFE80]  }
0x1ed: {  	s16 =	sadd.s32 $0x40, s16;
	v1 =	vld [tilespmem:s2+$0xFFFFFE70]  }
0x1ee: {  	_ = 	snop  }
0x1ef: {  	v2 =	vld [tilespmem:s2+$0xFFFFFE90];
	_ =	sdelay $0x1  }
0x1f0: {  	v3 =	vld [tilespmem:s2+$0xFFFFFEA0]  }
0x1f1: {  	v0 =	vadd.f32 v0, v1  }
0x1f2: {  	v1 =	vld [tilespmem:s2+$0xFFFFFEB0]  }
0x1f3: {  	v0 =	vadd.f32 v2, v0  }
0x1f4: {  	v2 =	vld [tilespmem:s2+$0xFFFFFEC0]  }
0x1f5: {  	v0 =	vadd.f32 v3, v0  }
0x1f6: {  	v3 =	vld [tilespmem:s2+$0xFFFFFED0]  }
0x1f7: {  	v0 =	vadd.f32 v1, v0  }
0x1f8: {  	v1 =	vld [tilespmem:s2+$0xFFFFFEE0]  }
0x1f9: {  	v0 =	vadd.f32 v2, v0  }
0x1fa: {  	v2 =	vld [tilespmem:s2+$0xFFFFFEF0]  }
0x1fb: {  	v0 =	vadd.f32 v3, v0  }
0x1fc: {  	v3 =	vld [tilespmem:s2+$0xFFFFFF00]  }
0x1fd: {  	v0 =	vadd.f32 v1, v0  }
0x1fe: {  	v1 =	vld [tilespmem:s2+$0xFFFFFF10]  }
0x1ff: {  	v0 =	vadd.f32 v2, v0  }
0x200: {  	v2 =	vld [tilespmem:s2+$0xFFFFFF20]  }
0x201: {  	v0 =	vadd.f32 v3, v0  }
0x202: {  	v3 =	vld [tilespmem:s2+$0xFFFFFF30]  }
0x203: {  	v0 =	vadd.f32 v1, v0  }
0x204: {  	v1 =	vld [tilespmem:s2+$0xFFFFFF40]  }
0x205: {  	v0 =	vadd.f32 v2, v0  }
0x206: {  	v2 =	vld [tilespmem:s2+$0xFFFFFF50]  }
0x207: {  	v0 =	vadd.f32 v3, v0  }
0x208: {  	v3 =	vld [tilespmem:s2+$0xFFFFFF60]  }
0x209: {  	v0 =	vadd.f32 v1, v0  }
0x20a: {  	v1 =	vld [tilespmem:s2+$0xFFFFFF70]  }
0x20b: {  	v0 =	vadd.f32 v2, v0  }
0x20c: {  	v2 =	vld [tilespmem:s2+$0xFFFFFF80]  }
0x20d: {  	v0 =	vadd.f32 v3, v0  }
0x20e: {  	v3 =	vld [tilespmem:s2+$0xFFFFFF90]  }
0x20f: {  	v0 =	vadd.f32 v1, v0  }
0x210: {  	v1 =	vld [tilespmem:s2+$0xFFFFFFA0]  }
0x211: {  	v0 =	vadd.f32 v2, v0  }
0x212: {  	v2 =	vld [tilespmem:s2+$0xFFFFFFB0]  }
0x213: {  	v0 =	vadd.f32 v3, v0  }
0x214: {  	v3 =	vld [tilespmem:s2+$0xFFFFFFC0]  }
0x215: {  	v0 =	vadd.f32 v1, v0  }
0x216: {  	v1 =	vld [tilespmem:s2+$0xFFFFFFD0]  }
0x217: {  	v0 =	vadd.f32 v2, v0  }
0x218: {  	v2 =	vld [tilespmem:s2+$0xFFFFFFE0]  }
0x219: {  	v0 =	vadd.f32 v3, v0  }
0x21a: {  	v3 =	vld [tilespmem:s2+$0xFFFFFFF0]  }
0x21b: {  	v0 =	vadd.f32 v1, v0  }
0x21c: {  	v1 =	vld [tilespmem:s2+$0x0]  }
0x21d: {  	v0 =	vadd.f32 v2, v0  }
0x21e: {  	v2 =	vld [tilespmem:s2+$0x10]  }
0x21f: {  	v0 =	vadd.f32 v3, v0  }
0x220: {  	v3 =	vld [tilespmem:s2+$0x20]  }
0x221: {  	v0 =	vadd.f32 v1, v0  }
0x222: {  	v1 =	vld [tilespmem:s2+$0x30]  }
0x223: {  	v0 =	vadd.f32 v2, v0  }
0x224: {  	v2 =	vld [tilespmem:s2+$0x40]  }
0x225: {  	v0 =	vadd.f32 v3, v0  }
0x226: {  	v3 =	vld [tilespmem:s2+$0x50]  }
0x227: {  	v0 =	vadd.f32 v1, v0  }
0x228: {  	v1 =	vld [tilespmem:s2+$0x60]  }
0x229: {  	v0 =	vadd.f32 v2, v0  }
0x22a: {  	v2 =	vld [tilespmem:s2+$0x70]  }
0x22b: {  	v0 =	vadd.f32 v3, v0  }
0x22c: {  	v3 =	vld [tilespmem:s2+$0x80]  }
0x22d: {  	v0 =	vadd.f32 v1, v0  }
0x22e: {  	v1 =	vld [tilespmem:s2+$0x90]  }
0x22f: {  	v0 =	vadd.f32 v2, v0  }
0x230: {  	v2 =	vld [tilespmem:s2+$0xA0]  }
0x231: {  	v0 =	vadd.f32 v3, v0  }
0x232: {  	v3 =	vld [tilespmem:s2+$0xB0]  }
0x233: {  	v0 =	vadd.f32 v1, v0  }
0x234: {  	v1 =	vld [tilespmem:s2+$0xC0]  }
0x235: {  	v0 =	vadd.f32 v2, v0  }
0x236: {  	v2 =	vld [tilespmem:s2+$0xD0]  }
0x237: {  	v0 =	vadd.f32 v3, v0  }
0x238: {  	v3 =	vld [tilespmem:s2+$0xE0]  }
0x239: {  	v0 =	vadd.f32 v1, v0  }
0x23a: {  	v1 =	vld [tilespmem:s2+$0xF0]  }
0x23b: {  	v0 =	vadd.f32 v2, v0  }
0x23c: {  	v2 =	vld [tilespmem:s2+$0x100]  }
0x23d: {  	v0 =	vadd.f32 v3, v0  }
0x23e: {  	v3 =	vld [tilespmem:s2+$0x110]  }
0x23f: {  	v0 =	vadd.f32 v1, v0  }
0x240: {  	v1 =	vld [tilespmem:s2+$0x120]  }
0x241: {  	v0 =	vadd.f32 v2, v0  }
0x242: {  	v2 =	vld [tilespmem:s2+$0x130]  }
0x243: {  	v0 =	vadd.f32 v3, v0  }
0x244: {  	v3 =	vld [tilespmem:s2+$0x140]  }
0x245: {  	v0 =	vadd.f32 v1, v0  }
0x246: {  	v1 =	vld [tilespmem:s2+$0x150]  }
0x247: {  	v0 =	vadd.f32 v2, v0  }
0x248: {  	v2 =	vld [tilespmem:s2+$0x160]  }
0x249: {  	v0 =	vadd.f32 v3, v0  }
0x24a: {  	v3 =	vld [tilespmem:s2+$0x170]  }
0x24b: {  	v0 =	vadd.f32 v1, v0  }
0x24c: {  	v1 =	vld [tilespmem:s2+$0x180]  }
0x24d: {  	v0 =	vadd.f32 v2, v0;
	_ =	sdelay $0x1  }
0x24e: {  	v0 =	vadd.f32 v3, v0;
	_ =	sdelay $0x1  }
0x24f: {  	v0 =	vadd.f32 v1, v0  }
0x250: {  	s13 =	sshra.s32 s13, $0x2  }
0x251: {  	s16 =	rddreg [dreg:$0x4];
	[tilespmem:s13+$0x1F400] =	vst v0;
	s13 =	simm.s32 $0x0  }
0x252: {  	[hbm4b:s16+s13] =	stream.linear.scatter [tilespmem:s10], [sflag:$0x3], $0x400, $0x38;
	[tilespmem:$0x1F800] =	vst v63  }
0x253: {  	_ =	swait.ge [sflag:s14], $0x400  }
0x254: {  	[sflag:s14] =	ssyncset.done $0x0  }
0x255: {  	s17 =	simm.s32 $0x12C00;
	s16 =	simm.s32 $0x2580;
	[sflag:s14] =	ssyncadd.s32 $0xFFFFFC00  }
0x256: {  	[tilespmem:s17], [sflag:$0x2] =	stream.indirect.gather [hbm4b:s3+s15], $0x10, s16, s15, $0xb8;
	[tilespmem:$0x1F800] =	vst v63  }
0x257: {  	s16 =	simm.s32 $0x13400;
	s17 =	simm.s32 $0x2600  }
0x258: {  	[tilespmem:s16], [sflag:$0x2] =	stream.indirect.gather [hbm4b:s3+s15], $0x10, s17, s15, $0xb8;
	[tilespmem:$0x1F800] =	vst v63  }
0x259: {  	s16 =	simm.s32 $0x13C00;
	s17 =	simm.s32 $0x2680  }
0x25a: {  	[tilespmem:s16], [sflag:$0x2] =	stream.indirect.gather [hbm4b:s3+s15], $0x10, s17, s15, $0xb8;
	[tilespmem:$0x1F800] =	vst v63  }
0x25b: {  	s16 =	simm.s32 $0x14400;
	s17 =	simm.s32 $0x2700  }
0x25c: {  	[tilespmem:s16], [sflag:$0x2] =	stream.indirect.gather [hbm4b:s3+s15], $0x10, s17, s15, $0xb8;
	[tilespmem:$0x1F800] =	vst v63  }
0x25d: {  	s16 =	simm.s32 $0x14C00;
	s17 =	simm.s32 $0x2780  }
0x25e: {  	[tilespmem:s16], [sflag:$0x2] =	stream.indirect.gather [hbm4b:s3+s15], $0x10, s17, s15, $0xb8;
	[tilespmem:$0x1F800] =	vst v63  }
0x25f: {  	s16 =	simm.s32 $0x2800  }
0x260: {  	[tilespmem:s19], [sflag:$0x2] =	stream.indirect.gather [hbm4b:s3+s15], $0x10, s16, s15, $0xb8;
	[tilespmem:$0x1F800] =	vst v63  }
0x261: {  	s17 =	simm.s32 $0x2880  }
0x262: {  	[tilespmem:s21], [sflag:$0x2] =	stream.indirect.gather [hbm4b:s3+s15], $0x10, s17, s15, $0xb8;
	[tilespmem:$0x1F800] =	vst v63  }
0x263: {  	s16 =	simm.s32 $0x2900  }
0x264: {  	[tilespmem:s23], [sflag:$0x2] =	stream.indirect.gather [hbm4b:s3+s15], $0x10, s16, s15, $0xb8;
	[tilespmem:$0x1F800] =	vst v63  }
0x265: {  	s17 =	simm.s32 $0x2980  }
0x266: {  	[tilespmem:s25], [sflag:$0x2] =	stream.indirect.gather [hbm4b:s3+s15], $0x10, s17, s15, $0xb8;
	[tilespmem:$0x1F800] =	vst v63  }
0x267: {  	s16 =	simm.s32 $0x2A00  }
0x268: {  	[tilespmem:s28], [sflag:$0x2] =	stream.indirect.gather [hbm4b:s3+s15], $0x10, s16, s15, $0xb8;
	[tilespmem:$0x1F800] =	vst v63  }
0x269: {  	s17 =	simm.s32 $0x2A80  }
0x26a: {  	[tilespmem:s30], [sflag:$0x2] =	stream.indirect.gather [hbm4b:s3+s15], $0x10, s17, s15, $0xb8;
	[tilespmem:$0x1F800] =	vst v63  }
0x26b: {  	s16 =	simm.s32 $0x2B00  }
0x26c: {  	[tilespmem:s0], [sflag:$0x2] =	stream.indirect.gather [hbm4b:s3+s15], $0x10, s16, s15, $0xb8;
	[tilespmem:$0x1F800] =	vst v63  }
0x26d: {  	s17 =	simm.s32 $0x2B80  }
0x26e: {  	[tilespmem:s18], [sflag:$0x2] =	stream.indirect.gather [hbm4b:s3+s15], $0x10, s17, s15, $0xb8;
	[tilespmem:$0x1F800] =	vst v63  }
0x26f: {  	s16 =	simm.s32 $0x2C00  }
0x270: {  	[tilespmem:s22], [sflag:$0x2] =	stream.indirect.gather [hbm4b:s3+s15], $0x10, s16, s15, $0xb8;
	[tilespmem:$0x1F800] =	vst v63  }
0x271: {  	s17 =	simm.s32 $0x2C80  }
0x272: {  	[tilespmem:s26], [sflag:$0x2] =	stream.indirect.gather [hbm4b:s3+s15], $0x10, s17, s15, $0xb8;
	[tilespmem:$0x1F800] =	vst v63  }
0x273: {  	s16 =	simm.s32 $0x2D00  }
0x274: {  	[tilespmem:s31], [sflag:$0x2] =	stream.indirect.gather [hbm4b:s3+s15], $0x10, s16, s15, $0xb8;
	[tilespmem:$0x1F800] =	vst v63  }
0x275: {  	s17 =	simm.s32 $0x2D80  }
0x276: {  	[tilespmem:s20], [sflag:$0x2] =	stream.indirect.gather [hbm4b:s3+s15], $0x10, s17, s15, $0xb8;
	[tilespmem:$0x1F800] =	vst v63  }
0x277: {  	s16 =	simm.s32 $0x2E00  }
0x278: {  	[tilespmem:s29], [sflag:$0x2] =	stream.indirect.gather [hbm4b:s3+s15], $0x10, s16, s15, $0xb8;
	[tilespmem:$0x1F800] =	vst v63  }
0x279: {  	s17 =	simm.s32 $0x2E80  }
0x27a: {  	[tilespmem:s24], [sflag:$0x2] =	stream.indirect.gather [hbm4b:s3+s15], $0x10, s17, s15, $0xb8;
	[tilespmem:$0x1F800] =	vst v63  }
0x27b: {  	s16 =	simm.s32 $0x2F00  }
0x27c: {  	[tilespmem:s1], [sflag:$0x2] =	stream.indirect.gather [hbm4b:s3+s15], $0x10, s16, s15, $0xb8;
	[tilespmem:$0x1F800] =	vst v63  }
0x27d: {  	s17 =	simm.s32 $0x2F80  }
0x27e: {  	[tilespmem:s4], [sflag:$0x2] =	stream.indirect.gather [hbm4b:s3+s15], $0x10, s17, s15, $0xb8;
	[tilespmem:$0x1F800] =	vst v63  }
0x27f: {  	s16 =	simm.s32 $0x3000  }
0x280: {  	[tilespmem:s5], [sflag:$0x2] =	stream.indirect.gather [hbm4b:s3+s15], $0x10, s16, s15, $0xb8;
	[tilespmem:$0x1F800] =	vst v63  }
0x281: {  	s17 =	simm.s32 $0x3080  }
0x282: {  	[tilespmem:s6], [sflag:$0x2] =	stream.indirect.gather [hbm4b:s3+s15], $0x10, s17, s15, $0xb8;
	[tilespmem:$0x1F800] =	vst v63  }
0x283: {  	s16 =	simm.s32 $0x3100  }
0x284: {  	[tilespmem:s7], [sflag:$0x2] =	stream.indirect.gather [hbm4b:s3+s15], $0x10, s16, s15, $0xb8;
	[tilespmem:$0x1F800] =	vst v63  }
0x285: {  	s17 =	simm.s32 $0x3180  }
0x286: {  	[tilespmem:s8], [sflag:$0x2] =	stream.indirect.gather [hbm4b:s3+s15], $0x10, s17, s15, $0xb8;
	[tilespmem:$0x1F800] =	vst v63  }
0x287: {  	_ =	swait.ge [sflag:s9], $0xC800  }
0x288: {  	[sflag:s9] =	ssyncset.done $0x0  }
0x289: {  	s2 =	simm.s32 $0x6590;
	[sflag:s9] =	ssyncadd.s32 $0xFFFF3800  }
0x28a: {  	v0 =	vld [tilespmem:s2+$0xFFFFFE80]  }
0x28b: {  	s16 =	simm.s32 $0x40;
	v1 =	vld [tilespmem:s2+$0xFFFFFE70]  }
.LBB2_6:
0x28c: {  	p0 =	sne.s32 s16, $0xFC0  }
0x28d: {  	v2 =	vld [tilespmem:s2+$0xFFFFFE90];
	_ =	sdelay $0x1  }
0x28e: {  	v3 =	vld [tilespmem:s2+$0xFFFFFEA0]  }
0x28f: {  	v0 =	vadd.f32 v0, v1  }
0x290: {  	v1 =	vld [tilespmem:s2+$0xFFFFFEB0]  }
0x291: {  	v0 =	vadd.f32 v2, v0  }
0x292: {  	v2 =	vld [tilespmem:s2+$0xFFFFFEC0]  }
0x293: {  	v0 =	vadd.f32 v3, v0  }
0x294: {  	v3 =	vld [tilespmem:s2+$0xFFFFFED0]  }
0x295: {  	v0 =	vadd.f32 v1, v0  }
0x296: {  	v1 =	vld [tilespmem:s2+$0xFFFFFEE0]  }
0x297: {  	v0 =	vadd.f32 v2, v0  }
0x298: {  	v2 =	vld [tilespmem:s2+$0xFFFFFEF0]  }
0x299: {  	v0 =	vadd.f32 v3, v0  }
0x29a: {  	v3 =	vld [tilespmem:s2+$0xFFFFFF00]  }
0x29b: {  	v0 =	vadd.f32 v1, v0  }
0x29c: {  	v1 =	vld [tilespmem:s2+$0xFFFFFF10]  }
0x29d: {  	v0 =	vadd.f32 v2, v0  }
0x29e: {  	v2 =	vld [tilespmem:s2+$0xFFFFFF20]  }
0x29f: {  	v0 =	vadd.f32 v3, v0  }
0x2a0: {  	v3 =	vld [tilespmem:s2+$0xFFFFFF30]  }
0x2a1: {  	v0 =	vadd.f32 v1, v0  }
0x2a2: {  	v1 =	vld [tilespmem:s2+$0xFFFFFF40]  }
0x2a3: {  	v0 =	vadd.f32 v2, v0  }
0x2a4: {  	v2 =	vld [tilespmem:s2+$0xFFFFFF50]  }
0x2a5: {  	v0 =	vadd.f32 v3, v0  }
0x2a6: {  	v3 =	vld [tilespmem:s2+$0xFFFFFF60]  }
0x2a7: {  	v0 =	vadd.f32 v1, v0  }
0x2a8: {  	v1 =	vld [tilespmem:s2+$0xFFFFFF70]  }
0x2a9: {  	v0 =	vadd.f32 v2, v0  }
0x2aa: {  	v2 =	vld [tilespmem:s2+$0xFFFFFF80]  }
0x2ab: {  	v0 =	vadd.f32 v3, v0  }
0x2ac: {  	v3 =	vld [tilespmem:s2+$0xFFFFFF90]  }
0x2ad: {  	v0 =	vadd.f32 v1, v0  }
0x2ae: {  	v1 =	vld [tilespmem:s2+$0xFFFFFFA0]  }
0x2af: {  	v0 =	vadd.f32 v2, v0  }
0x2b0: {  	v2 =	vld [tilespmem:s2+$0xFFFFFFB0]  }
0x2b1: {  	v0 =	vadd.f32 v3, v0  }
0x2b2: {  	v3 =	vld [tilespmem:s2+$0xFFFFFFC0]  }
0x2b3: {  	v0 =	vadd.f32 v1, v0  }
0x2b4: {  	v1 =	vld [tilespmem:s2+$0xFFFFFFD0]  }
0x2b5: {  	v0 =	vadd.f32 v2, v0  }
0x2b6: {  	v2 =	vld [tilespmem:s2+$0xFFFFFFE0]  }
0x2b7: {  	v0 =	vadd.f32 v3, v0  }
0x2b8: {  	v3 =	vld [tilespmem:s2+$0xFFFFFFF0]  }
0x2b9: {  	v0 =	vadd.f32 v1, v0  }
0x2ba: {  	v1 =	vld [tilespmem:s2+$0x0]  }
0x2bb: {  	v0 =	vadd.f32 v2, v0  }
0x2bc: {  	v2 =	vld [tilespmem:s2+$0x10]  }
0x2bd: {  	v0 =	vadd.f32 v3, v0  }
0x2be: {  	v3 =	vld [tilespmem:s2+$0x20]  }
0x2bf: {  	v0 =	vadd.f32 v1, v0  }
0x2c0: {  	v1 =	vld [tilespmem:s2+$0x30]  }
0x2c1: {  	v0 =	vadd.f32 v2, v0  }
0x2c2: {  	v2 =	vld [tilespmem:s2+$0x40]  }
0x2c3: {  	v0 =	vadd.f32 v3, v0  }
0x2c4: {  	v3 =	vld [tilespmem:s2+$0x50]  }
0x2c5: {  	v0 =	vadd.f32 v1, v0  }
0x2c6: {  	v1 =	vld [tilespmem:s2+$0x60]  }
0x2c7: {  	v0 =	vadd.f32 v2, v0  }
0x2c8: {  	v2 =	vld [tilespmem:s2+$0x70]  }
0x2c9: {  	v0 =	vadd.f32 v3, v0  }
0x2ca: {  	v3 =	vld [tilespmem:s2+$0x80]  }
0x2cb: {  	v0 =	vadd.f32 v1, v0  }
0x2cc: {  	v1 =	vld [tilespmem:s2+$0x90]  }
0x2cd: {  	v0 =	vadd.f32 v2, v0  }
0x2ce: {  	v2 =	vld [tilespmem:s2+$0xA0]  }
0x2cf: {  	v0 =	vadd.f32 v3, v0  }
0x2d0: {  	v3 =	vld [tilespmem:s2+$0xB0]  }
0x2d1: {  	v0 =	vadd.f32 v1, v0  }
0x2d2: {  	v1 =	vld [tilespmem:s2+$0xC0]  }
0x2d3: {  	v0 =	vadd.f32 v2, v0  }
0x2d4: {  	v2 =	vld [tilespmem:s2+$0xD0]  }
0x2d5: {  	v0 =	vadd.f32 v3, v0  }
0x2d6: {  	v3 =	vld [tilespmem:s2+$0xE0]  }
0x2d7: {  	v0 =	vadd.f32 v1, v0  }
0x2d8: {  	v1 =	vld [tilespmem:s2+$0xF0]  }
0x2d9: {  	v0 =	vadd.f32 v2, v0  }
0x2da: {  	v2 =	vld [tilespmem:s2+$0x100]  }
0x2db: {  	v0 =	vadd.f32 v3, v0  }
0x2dc: {  	v3 =	vld [tilespmem:s2+$0x110]  }
0x2dd: {  	v0 =	vadd.f32 v1, v0  }
0x2de: {  	v1 =	vld [tilespmem:s2+$0x120]  }
0x2df: {  	v0 =	vadd.f32 v2, v0  }
0x2e0: {  	v2 =	vld [tilespmem:s2+$0x130]  }
0x2e1: {  	v0 =	vadd.f32 v3, v0  }
0x2e2: {  	v3 =	vld [tilespmem:s2+$0x140]  }
0x2e3: {  	v0 =	vadd.f32 v1, v0  }
0x2e4: {  	v1 =	vld [tilespmem:s2+$0x150]  }
0x2e5: {  	v0 =	vadd.f32 v2, v0  }
0x2e6: {  	v2 =	vld [tilespmem:s2+$0x160]  }
0x2e7: {  	v0 =	vadd.f32 v3, v0  }
0x2e8: {  	v3 =	vld [tilespmem:s2+$0x170]  }
0x2e9: {  	v0 =	vadd.f32 v1, v0  }
0x2ea: {  	v1 =	vld [tilespmem:s2+$0x180]  }
0x2eb: {  	v0 =	vadd.f32 v2, v0;
	_ =	sdelay $0x1  }
0x2ec: {  	v0 =	vadd.f32 v3, v0;
	_ =	sdelay $0x1  }
.Ltmp2:
0x2ed: {  	v0 =	vadd.f32 v1, v0;
	(pc) =	sbr.rel @p0 .LBB2_6-.Ltmp2, $4  }
0x2ee: {  	s17 =	sshra.s32 s13, $0x2;
	s13 =	smov.u32 s16  }
0x2ef: {  	s2 =	sadd.s32 $0x320, s2;
	[tilespmem:s17+$0x1F400] =	vst v0  }
0x2f0: {  	v0 =	vld [tilespmem:s2+$0xFFFFFE80]  }
0x2f1: {  	s16 =	sadd.s32 $0x40, s16;
	v1 =	vld [tilespmem:s2+$0xFFFFFE70]  }
0x2f2: {  	_ = 	snop  }
0x2f3: {  	v2 =	vld [tilespmem:s2+$0xFFFFFE90];
	_ =	sdelay $0x1  }
0x2f4: {  	v3 =	vld [tilespmem:s2+$0xFFFFFEA0]  }
0x2f5: {  	v0 =	vadd.f32 v0, v1  }
0x2f6: {  	v1 =	vld [tilespmem:s2+$0xFFFFFEB0]  }
0x2f7: {  	v0 =	vadd.f32 v2, v0  }
0x2f8: {  	v2 =	vld [tilespmem:s2+$0xFFFFFEC0]  }
0x2f9: {  	v0 =	vadd.f32 v3, v0  }
0x2fa: {  	v3 =	vld [tilespmem:s2+$0xFFFFFED0]  }
0x2fb: {  	v0 =	vadd.f32 v1, v0  }
0x2fc: {  	v1 =	vld [tilespmem:s2+$0xFFFFFEE0]  }
0x2fd: {  	v0 =	vadd.f32 v2, v0  }
0x2fe: {  	v2 =	vld [tilespmem:s2+$0xFFFFFEF0]  }
0x2ff: {  	v0 =	vadd.f32 v3, v0  }
0x300: {  	v3 =	vld [tilespmem:s2+$0xFFFFFF00]  }
0x301: {  	v0 =	vadd.f32 v1, v0  }
0x302: {  	v1 =	vld [tilespmem:s2+$0xFFFFFF10]  }
0x303: {  	v0 =	vadd.f32 v2, v0  }
0x304: {  	v2 =	vld [tilespmem:s2+$0xFFFFFF20]  }
0x305: {  	v0 =	vadd.f32 v3, v0  }
0x306: {  	v3 =	vld [tilespmem:s2+$0xFFFFFF30]  }
0x307: {  	v0 =	vadd.f32 v1, v0  }
0x308: {  	v1 =	vld [tilespmem:s2+$0xFFFFFF40]  }
0x309: {  	v0 =	vadd.f32 v2, v0  }
0x30a: {  	v2 =	vld [tilespmem:s2+$0xFFFFFF50]  }
0x30b: {  	v0 =	vadd.f32 v3, v0  }
0x30c: {  	v3 =	vld [tilespmem:s2+$0xFFFFFF60]  }
0x30d: {  	v0 =	vadd.f32 v1, v0  }
0x30e: {  	v1 =	vld [tilespmem:s2+$0xFFFFFF70]  }
0x30f: {  	v0 =	vadd.f32 v2, v0  }
0x310: {  	v2 =	vld [tilespmem:s2+$0xFFFFFF80]  }
0x311: {  	v0 =	vadd.f32 v3, v0  }
0x312: {  	v3 =	vld [tilespmem:s2+$0xFFFFFF90]  }
0x313: {  	v0 =	vadd.f32 v1, v0  }
0x314: {  	v1 =	vld [tilespmem:s2+$0xFFFFFFA0]  }
0x315: {  	v0 =	vadd.f32 v2, v0  }
0x316: {  	v2 =	vld [tilespmem:s2+$0xFFFFFFB0]  }
0x317: {  	v0 =	vadd.f32 v3, v0  }
0x318: {  	v3 =	vld [tilespmem:s2+$0xFFFFFFC0]  }
0x319: {  	v0 =	vadd.f32 v1, v0  }
0x31a: {  	v1 =	vld [tilespmem:s2+$0xFFFFFFD0]  }
0x31b: {  	v0 =	vadd.f32 v2, v0  }
0x31c: {  	v2 =	vld [tilespmem:s2+$0xFFFFFFE0]  }
0x31d: {  	v0 =	vadd.f32 v3, v0  }
0x31e: {  	v3 =	vld [tilespmem:s2+$0xFFFFFFF0]  }
0x31f: {  	v0 =	vadd.f32 v1, v0  }
0x320: {  	v1 =	vld [tilespmem:s2+$0x0]  }
0x321: {  	v0 =	vadd.f32 v2, v0  }
0x322: {  	v2 =	vld [tilespmem:s2+$0x10]  }
0x323: {  	v0 =	vadd.f32 v3, v0  }
0x324: {  	v3 =	vld [tilespmem:s2+$0x20]  }
0x325: {  	v0 =	vadd.f32 v1, v0  }
0x326: {  	v1 =	vld [tilespmem:s2+$0x30]  }
0x327: {  	v0 =	vadd.f32 v2, v0  }
0x328: {  	v2 =	vld [tilespmem:s2+$0x40]  }
0x329: {  	v0 =	vadd.f32 v3, v0  }
0x32a: {  	v3 =	vld [tilespmem:s2+$0x50]  }
0x32b: {  	v0 =	vadd.f32 v1, v0  }
0x32c: {  	v1 =	vld [tilespmem:s2+$0x60]  }
0x32d: {  	v0 =	vadd.f32 v2, v0  }
0x32e: {  	v2 =	vld [tilespmem:s2+$0x70]  }
0x32f: {  	v0 =	vadd.f32 v3, v0  }
0x330: {  	v3 =	vld [tilespmem:s2+$0x80]  }
0x331: {  	v0 =	vadd.f32 v1, v0  }
0x332: {  	v1 =	vld [tilespmem:s2+$0x90]  }
0x333: {  	v0 =	vadd.f32 v2, v0  }
0x334: {  	v2 =	vld [tilespmem:s2+$0xA0]  }
0x335: {  	v0 =	vadd.f32 v3, v0  }
0x336: {  	v3 =	vld [tilespmem:s2+$0xB0]  }
0x337: {  	v0 =	vadd.f32 v1, v0  }
0x338: {  	v1 =	vld [tilespmem:s2+$0xC0]  }
0x339: {  	v0 =	vadd.f32 v2, v0  }
0x33a: {  	v2 =	vld [tilespmem:s2+$0xD0]  }
0x33b: {  	v0 =	vadd.f32 v3, v0  }
0x33c: {  	v3 =	vld [tilespmem:s2+$0xE0]  }
0x33d: {  	v0 =	vadd.f32 v1, v0  }
0x33e: {  	v1 =	vld [tilespmem:s2+$0xF0]  }
0x33f: {  	v0 =	vadd.f32 v2, v0  }
0x340: {  	v2 =	vld [tilespmem:s2+$0x100]  }
0x341: {  	v0 =	vadd.f32 v3, v0  }
0x342: {  	v3 =	vld [tilespmem:s2+$0x110]  }
0x343: {  	v0 =	vadd.f32 v1, v0  }
0x344: {  	v1 =	vld [tilespmem:s2+$0x120]  }
0x345: {  	v0 =	vadd.f32 v2, v0  }
0x346: {  	v2 =	vld [tilespmem:s2+$0x130]  }
0x347: {  	v0 =	vadd.f32 v3, v0  }
0x348: {  	v3 =	vld [tilespmem:s2+$0x140]  }
0x349: {  	v0 =	vadd.f32 v1, v0  }
0x34a: {  	v1 =	vld [tilespmem:s2+$0x150]  }
0x34b: {  	v0 =	vadd.f32 v2, v0  }
0x34c: {  	v2 =	vld [tilespmem:s2+$0x160]  }
0x34d: {  	v0 =	vadd.f32 v3, v0  }
0x34e: {  	v3 =	vld [tilespmem:s2+$0x170]  }
0x34f: {  	v0 =	vadd.f32 v1, v0  }
0x350: {  	v1 =	vld [tilespmem:s2+$0x180]  }
0x351: {  	v0 =	vadd.f32 v2, v0;
	_ =	sdelay $0x1  }
0x352: {  	v0 =	vadd.f32 v3, v0;
	_ =	sdelay $0x1  }
0x353: {  	v0 =	vadd.f32 v1, v0  }
0x354: {  	s13 =	sshra.s32 s13, $0x2  }
0x355: {  	s16 =	rddreg [dreg:$0x5];
	[tilespmem:s13+$0x1F400] =	vst v0;
	s13 =	simm.s32 $0x0  }
0x356: {  	[hbm4b:s16+s13] =	stream.linear.scatter [tilespmem:s10], [sflag:$0x3], $0x400, $0x38;
	[tilespmem:$0x1F800] =	vst v63  }
0x357: {  	_ =	swait.ge [sflag:s14], $0x400  }
0x358: {  	[sflag:s14] =	ssyncset.done $0x0  }
0x359: {  	s17 =	simm.s32 $0x6400;
	s16 =	simm.s32 $0x3200;
	[sflag:s14] =	ssyncadd.s32 $0xFFFFFC00  }
0x35a: {  	[tilespmem:s17], [sflag:$0x1] =	stream.indirect.gather [hbm4b:s3+s15], $0x10, s16, s15, $0xb8;
	[tilespmem:$0x1F800] =	vst v63  }
0x35b: {  	s16 =	simm.s32 $0x6C00;
	s17 =	simm.s32 $0x3280  }
0x35c: {  	[tilespmem:s16], [sflag:$0x1] =	stream.indirect.gather [hbm4b:s3+s15], $0x10, s17, s15, $0xb8;
	[tilespmem:$0x1F800] =	vst v63  }
0x35d: {  	s16 =	simm.s32 $0x7400;
	s17 =	simm.s32 $0x3300  }
0x35e: {  	[tilespmem:s16], [sflag:$0x1] =	stream.indirect.gather [hbm4b:s3+s15], $0x10, s17, s15, $0xb8;
	[tilespmem:$0x1F800] =	vst v63  }
0x35f: {  	s16 =	simm.s32 $0x7C00;
	s17 =	simm.s32 $0x3380  }
0x360: {  	[tilespmem:s16], [sflag:$0x1] =	stream.indirect.gather [hbm4b:s3+s15], $0x10, s17, s15, $0xb8;
	[tilespmem:$0x1F800] =	vst v63  }
0x361: {  	s16 =	simm.s32 $0x8400;
	s17 =	simm.s32 $0x3400  }
0x362: {  	[tilespmem:s16], [sflag:$0x1] =	stream.indirect.gather [hbm4b:s3+s15], $0x10, s17, s15, $0xb8;
	[tilespmem:$0x1F800] =	vst v63  }
0x363: {  	s16 =	simm.s32 $0x8C00;
	s17 =	simm.s32 $0x3480  }
0x364: {  	[tilespmem:s16], [sflag:$0x1] =	stream.indirect.gather [hbm4b:s3+s15], $0x10, s17, s15, $0xb8;
	[tilespmem:$0x1F800] =	vst v63  }
0x365: {  	s16 =	simm.s32 $0x9400;
	s17 =	simm.s32 $0x3500  }
0x366: {  	[tilespmem:s16], [sflag:$0x1] =	stream.indirect.gather [hbm4b:s3+s15], $0x10, s17, s15, $0xb8;
	[tilespmem:$0x1F800] =	vst v63  }
0x367: {  	s16 =	simm.s32 $0x9C00;
	s17 =	simm.s32 $0x3580  }
0x368: {  	[tilespmem:s16], [sflag:$0x1] =	stream.indirect.gather [hbm4b:s3+s15], $0x10, s17, s15, $0xb8;
	[tilespmem:$0x1F800] =	vst v63  }
0x369: {  	s16 =	simm.s32 $0xA400;
	s17 =	simm.s32 $0x3600  }
0x36a: {  	[tilespmem:s16], [sflag:$0x1] =	stream.indirect.gather [hbm4b:s3+s15], $0x10, s17, s15, $0xb8;
	[tilespmem:$0x1F800] =	vst v63  }
0x36b: {  	s16 =	simm.s32 $0xAC00;
	s17 =	simm.s32 $0x3680  }
0x36c: {  	[tilespmem:s16], [sflag:$0x1] =	stream.indirect.gather [hbm4b:s3+s15], $0x10, s17, s15, $0xb8;
	[tilespmem:$0x1F800] =	vst v63  }
0x36d: {  	s16 =	simm.s32 $0xB400;
	s17 =	simm.s32 $0x3700  }
0x36e: {  	[tilespmem:s16], [sflag:$0x1] =	stream.indirect.gather [hbm4b:s3+s15], $0x10, s17, s15, $0xb8;
	[tilespmem:$0x1F800] =	vst v63  }
0x36f: {  	s16 =	simm.s32 $0xBC00;
	s17 =	simm.s32 $0x3780  }
0x370: {  	[tilespmem:s16], [sflag:$0x1] =	stream.indirect.gather [hbm4b:s3+s15], $0x10, s17, s15, $0xb8;
	[tilespmem:$0x1F800] =	vst v63  }
0x371: {  	s16 =	simm.s32 $0xC400;
	s17 =	simm.s32 $0x3800  }
0x372: {  	[tilespmem:s16], [sflag:$0x1] =	stream.indirect.gather [hbm4b:s3+s15], $0x10, s17, s15, $0xb8;
	[tilespmem:$0x1F800] =	vst v63  }
0x373: {  	s16 =	simm.s32 $0xCC00;
	s17 =	simm.s32 $0x3880  }
0x374: {  	[tilespmem:s16], [sflag:$0x1] =	stream.indirect.gather [hbm4b:s3+s15], $0x10, s17, s15, $0xb8;
	[tilespmem:$0x1F800] =	vst v63  }
0x375: {  	s16 =	simm.s32 $0xD400;
	s17 =	simm.s32 $0x3900  }
0x376: {  	[tilespmem:s16], [sflag:$0x1] =	stream.indirect.gather [hbm4b:s3+s15], $0x10, s17, s15, $0xb8;
	[tilespmem:$0x1F800] =	vst v63  }
0x377: {  	s16 =	simm.s32 $0xDC00;
	s17 =	simm.s32 $0x3980  }
0x378: {  	[tilespmem:s16], [sflag:$0x1] =	stream.indirect.gather [hbm4b:s3+s15], $0x10, s17, s15, $0xb8;
	[tilespmem:$0x1F800] =	vst v63  }
0x379: {  	s16 =	simm.s32 $0xE400;
	s17 =	simm.s32 $0x3A00  }
0x37a: {  	[tilespmem:s16], [sflag:$0x1] =	stream.indirect.gather [hbm4b:s3+s15], $0x10, s17, s15, $0xb8;
	[tilespmem:$0x1F800] =	vst v63  }
0x37b: {  	s16 =	simm.s32 $0xEC00;
	s17 =	simm.s32 $0x3A80  }
0x37c: {  	[tilespmem:s16], [sflag:$0x1] =	stream.indirect.gather [hbm4b:s3+s15], $0x10, s17, s15, $0xb8;
	[tilespmem:$0x1F800] =	vst v63  }
0x37d: {  	s16 =	simm.s32 $0xF400;
	s17 =	simm.s32 $0x3B00  }
0x37e: {  	[tilespmem:s16], [sflag:$0x1] =	stream.indirect.gather [hbm4b:s3+s15], $0x10, s17, s15, $0xb8;
	[tilespmem:$0x1F800] =	vst v63  }
0x37f: {  	s16 =	simm.s32 $0xFC00;
	s17 =	simm.s32 $0x3B80  }
0x380: {  	[tilespmem:s16], [sflag:$0x1] =	stream.indirect.gather [hbm4b:s3+s15], $0x10, s17, s15, $0xb8;
	[tilespmem:$0x1F800] =	vst v63  }
0x381: {  	s16 =	simm.s32 $0x10400;
	s17 =	simm.s32 $0x3C00  }
0x382: {  	[tilespmem:s16], [sflag:$0x1] =	stream.indirect.gather [hbm4b:s3+s15], $0x10, s17, s15, $0xb8;
	[tilespmem:$0x1F800] =	vst v63  }
0x383: {  	s16 =	simm.s32 $0x10C00;
	s17 =	simm.s32 $0x3C80  }
0x384: {  	[tilespmem:s16], [sflag:$0x1] =	stream.indirect.gather [hbm4b:s3+s15], $0x10, s17, s15, $0xb8;
	[tilespmem:$0x1F800] =	vst v63  }
0x385: {  	s16 =	simm.s32 $0x11400;
	s17 =	simm.s32 $0x3D00  }
0x386: {  	[tilespmem:s16], [sflag:$0x1] =	stream.indirect.gather [hbm4b:s3+s15], $0x10, s17, s15, $0xb8;
	[tilespmem:$0x1F800] =	vst v63  }
0x387: {  	s16 =	simm.s32 $0x11C00;
	s17 =	simm.s32 $0x3D80  }
0x388: {  	[tilespmem:s16], [sflag:$0x1] =	stream.indirect.gather [hbm4b:s3+s15], $0x10, s17, s15, $0xb8;
	[tilespmem:$0x1F800] =	vst v63  }
0x389: {  	s16 =	simm.s32 $0x12400;
	s17 =	simm.s32 $0x3E00  }
0x38a: {  	[tilespmem:s16], [sflag:$0x1] =	stream.indirect.gather [hbm4b:s3+s15], $0x10, s17, s15, $0xb8;
	[tilespmem:$0x1F800] =	vst v63  }
0x38b: {  	_ =	swait.ge [sflag:s11], $0xC800  }
0x38c: {  	[sflag:s11] =	ssyncset.done $0x0  }
0x38d: {  	s2 =	simm.s32 $0x12D90;
	[sflag:s11] =	ssyncadd.s32 $0xFFFF3800  }
0x38e: {  	v0 =	vld [tilespmem:s2+$0xFFFFFE80]  }
0x38f: {  	s16 =	simm.s32 $0x40;
	v1 =	vld [tilespmem:s2+$0xFFFFFE70]  }
.LBB2_8:
0x390: {  	p0 =	sne.s32 s16, $0xFC0  }
0x391: {  	v2 =	vld [tilespmem:s2+$0xFFFFFE90];
	_ =	sdelay $0x1  }
0x392: {  	v3 =	vld [tilespmem:s2+$0xFFFFFEA0]  }
0x393: {  	v0 =	vadd.f32 v0, v1  }
0x394: {  	v1 =	vld [tilespmem:s2+$0xFFFFFEB0]  }
0x395: {  	v0 =	vadd.f32 v2, v0  }
0x396: {  	v2 =	vld [tilespmem:s2+$0xFFFFFEC0]  }
0x397: {  	v0 =	vadd.f32 v3, v0  }
0x398: {  	v3 =	vld [tilespmem:s2+$0xFFFFFED0]  }
0x399: {  	v0 =	vadd.f32 v1, v0  }
0x39a: {  	v1 =	vld [tilespmem:s2+$0xFFFFFEE0]  }
0x39b: {  	v0 =	vadd.f32 v2, v0  }
0x39c: {  	v2 =	vld [tilespmem:s2+$0xFFFFFEF0]  }
0x39d: {  	v0 =	vadd.f32 v3, v0  }
0x39e: {  	v3 =	vld [tilespmem:s2+$0xFFFFFF00]  }
0x39f: {  	v0 =	vadd.f32 v1, v0  }
0x3a0: {  	v1 =	vld [tilespmem:s2+$0xFFFFFF10]  }
0x3a1: {  	v0 =	vadd.f32 v2, v0  }
0x3a2: {  	v2 =	vld [tilespmem:s2+$0xFFFFFF20]  }
0x3a3: {  	v0 =	vadd.f32 v3, v0  }
0x3a4: {  	v3 =	vld [tilespmem:s2+$0xFFFFFF30]  }
0x3a5: {  	v0 =	vadd.f32 v1, v0  }
0x3a6: {  	v1 =	vld [tilespmem:s2+$0xFFFFFF40]  }
0x3a7: {  	v0 =	vadd.f32 v2, v0  }
0x3a8: {  	v2 =	vld [tilespmem:s2+$0xFFFFFF50]  }
0x3a9: {  	v0 =	vadd.f32 v3, v0  }
0x3aa: {  	v3 =	vld [tilespmem:s2+$0xFFFFFF60]  }
0x3ab: {  	v0 =	vadd.f32 v1, v0  }
0x3ac: {  	v1 =	vld [tilespmem:s2+$0xFFFFFF70]  }
0x3ad: {  	v0 =	vadd.f32 v2, v0  }
0x3ae: {  	v2 =	vld [tilespmem:s2+$0xFFFFFF80]  }
0x3af: {  	v0 =	vadd.f32 v3, v0  }
0x3b0: {  	v3 =	vld [tilespmem:s2+$0xFFFFFF90]  }
0x3b1: {  	v0 =	vadd.f32 v1, v0  }
0x3b2: {  	v1 =	vld [tilespmem:s2+$0xFFFFFFA0]  }
0x3b3: {  	v0 =	vadd.f32 v2, v0  }
0x3b4: {  	v2 =	vld [tilespmem:s2+$0xFFFFFFB0]  }
0x3b5: {  	v0 =	vadd.f32 v3, v0  }
0x3b6: {  	v3 =	vld [tilespmem:s2+$0xFFFFFFC0]  }
0x3b7: {  	v0 =	vadd.f32 v1, v0  }
0x3b8: {  	v1 =	vld [tilespmem:s2+$0xFFFFFFD0]  }
0x3b9: {  	v0 =	vadd.f32 v2, v0  }
0x3ba: {  	v2 =	vld [tilespmem:s2+$0xFFFFFFE0]  }
0x3bb: {  	v0 =	vadd.f32 v3, v0  }
0x3bc: {  	v3 =	vld [tilespmem:s2+$0xFFFFFFF0]  }
0x3bd: {  	v0 =	vadd.f32 v1, v0  }
0x3be: {  	v1 =	vld [tilespmem:s2+$0x0]  }
0x3bf: {  	v0 =	vadd.f32 v2, v0  }
0x3c0: {  	v2 =	vld [tilespmem:s2+$0x10]  }
0x3c1: {  	v0 =	vadd.f32 v3, v0  }
0x3c2: {  	v3 =	vld [tilespmem:s2+$0x20]  }
0x3c3: {  	v0 =	vadd.f32 v1, v0  }
0x3c4: {  	v1 =	vld [tilespmem:s2+$0x30]  }
0x3c5: {  	v0 =	vadd.f32 v2, v0  }
0x3c6: {  	v2 =	vld [tilespmem:s2+$0x40]  }
0x3c7: {  	v0 =	vadd.f32 v3, v0  }
0x3c8: {  	v3 =	vld [tilespmem:s2+$0x50]  }
0x3c9: {  	v0 =	vadd.f32 v1, v0  }
0x3ca: {  	v1 =	vld [tilespmem:s2+$0x60]  }
0x3cb: {  	v0 =	vadd.f32 v2, v0  }
0x3cc: {  	v2 =	vld [tilespmem:s2+$0x70]  }
0x3cd: {  	v0 =	vadd.f32 v3, v0  }
0x3ce: {  	v3 =	vld [tilespmem:s2+$0x80]  }
0x3cf: {  	v0 =	vadd.f32 v1, v0  }
0x3d0: {  	v1 =	vld [tilespmem:s2+$0x90]  }
0x3d1: {  	v0 =	vadd.f32 v2, v0  }
0x3d2: {  	v2 =	vld [tilespmem:s2+$0xA0]  }
0x3d3: {  	v0 =	vadd.f32 v3, v0  }
0x3d4: {  	v3 =	vld [tilespmem:s2+$0xB0]  }
0x3d5: {  	v0 =	vadd.f32 v1, v0  }
0x3d6: {  	v1 =	vld [tilespmem:s2+$0xC0]  }
0x3d7: {  	v0 =	vadd.f32 v2, v0  }
0x3d8: {  	v2 =	vld [tilespmem:s2+$0xD0]  }
0x3d9: {  	v0 =	vadd.f32 v3, v0  }
0x3da: {  	v3 =	vld [tilespmem:s2+$0xE0]  }
0x3db: {  	v0 =	vadd.f32 v1, v0  }
0x3dc: {  	v1 =	vld [tilespmem:s2+$0xF0]  }
0x3dd: {  	v0 =	vadd.f32 v2, v0  }
0x3de: {  	v2 =	vld [tilespmem:s2+$0x100]  }
0x3df: {  	v0 =	vadd.f32 v3, v0  }
0x3e0: {  	v3 =	vld [tilespmem:s2+$0x110]  }
0x3e1: {  	v0 =	vadd.f32 v1, v0  }
0x3e2: {  	v1 =	vld [tilespmem:s2+$0x120]  }
0x3e3: {  	v0 =	vadd.f32 v2, v0  }
0x3e4: {  	v2 =	vld [tilespmem:s2+$0x130]  }
0x3e5: {  	v0 =	vadd.f32 v3, v0  }
0x3e6: {  	v3 =	vld [tilespmem:s2+$0x140]  }
0x3e7: {  	v0 =	vadd.f32 v1, v0  }
0x3e8: {  	v1 =	vld [tilespmem:s2+$0x150]  }
0x3e9: {  	v0 =	vadd.f32 v2, v0  }
0x3ea: {  	v2 =	vld [tilespmem:s2+$0x160]  }
0x3eb: {  	v0 =	vadd.f32 v3, v0  }
0x3ec: {  	v3 =	vld [tilespmem:s2+$0x170]  }
0x3ed: {  	v0 =	vadd.f32 v1, v0  }
0x3ee: {  	v1 =	vld [tilespmem:s2+$0x180]  }
0x3ef: {  	v0 =	vadd.f32 v2, v0;
	_ =	sdelay $0x1  }
0x3f0: {  	v0 =	vadd.f32 v3, v0;
	_ =	sdelay $0x1  }
.Ltmp3:
0x3f1: {  	v0 =	vadd.f32 v1, v0;
	(pc) =	sbr.rel @p0 .LBB2_8-.Ltmp3, $4  }
0x3f2: {  	s17 =	sshra.s32 s13, $0x2;
	s13 =	smov.u32 s16  }
0x3f3: {  	s2 =	sadd.s32 $0x320, s2;
	[tilespmem:s17+$0x1F400] =	vst v0  }
0x3f4: {  	v0 =	vld [tilespmem:s2+$0xFFFFFE80]  }
0x3f5: {  	s16 =	sadd.s32 $0x40, s16;
	v1 =	vld [tilespmem:s2+$0xFFFFFE70]  }
0x3f6: {  	_ = 	snop  }
0x3f7: {  	v2 =	vld [tilespmem:s2+$0xFFFFFE90];
	_ =	sdelay $0x1  }
0x3f8: {  	v3 =	vld [tilespmem:s2+$0xFFFFFEA0]  }
0x3f9: {  	v0 =	vadd.f32 v0, v1  }
0x3fa: {  	v1 =	vld [tilespmem:s2+$0xFFFFFEB0]  }
0x3fb: {  	v0 =	vadd.f32 v2, v0  }
0x3fc: {  	v2 =	vld [tilespmem:s2+$0xFFFFFEC0]  }
0x3fd: {  	v0 =	vadd.f32 v3, v0  }
0x3fe: {  	v3 =	vld [tilespmem:s2+$0xFFFFFED0]  }
0x3ff: {  	v0 =	vadd.f32 v1, v0  }
0x400: {  	v1 =	vld [tilespmem:s2+$0xFFFFFEE0]  }
0x401: {  	v0 =	vadd.f32 v2, v0  }
0x402: {  	v2 =	vld [tilespmem:s2+$0xFFFFFEF0]  }
0x403: {  	v0 =	vadd.f32 v3, v0  }
0x404: {  	v3 =	vld [tilespmem:s2+$0xFFFFFF00]  }
0x405: {  	v0 =	vadd.f32 v1, v0  }
0x406: {  	v1 =	vld [tilespmem:s2+$0xFFFFFF10]  }
0x407: {  	v0 =	vadd.f32 v2, v0  }
0x408: {  	v2 =	vld [tilespmem:s2+$0xFFFFFF20]  }
0x409: {  	v0 =	vadd.f32 v3, v0  }
0x40a: {  	v3 =	vld [tilespmem:s2+$0xFFFFFF30]  }
0x40b: {  	v0 =	vadd.f32 v1, v0  }
0x40c: {  	v1 =	vld [tilespmem:s2+$0xFFFFFF40]  }
0x40d: {  	v0 =	vadd.f32 v2, v0  }
0x40e: {  	v2 =	vld [tilespmem:s2+$0xFFFFFF50]  }
0x40f: {  	v0 =	vadd.f32 v3, v0  }
0x410: {  	v3 =	vld [tilespmem:s2+$0xFFFFFF60]  }
0x411: {  	v0 =	vadd.f32 v1, v0  }
0x412: {  	v1 =	vld [tilespmem:s2+$0xFFFFFF70]  }
0x413: {  	v0 =	vadd.f32 v2, v0  }
0x414: {  	v2 =	vld [tilespmem:s2+$0xFFFFFF80]  }
0x415: {  	v0 =	vadd.f32 v3, v0  }
0x416: {  	v3 =	vld [tilespmem:s2+$0xFFFFFF90]  }
0x417: {  	v0 =	vadd.f32 v1, v0  }
0x418: {  	v1 =	vld [tilespmem:s2+$0xFFFFFFA0]  }
0x419: {  	v0 =	vadd.f32 v2, v0  }
0x41a: {  	v2 =	vld [tilespmem:s2+$0xFFFFFFB0]  }
0x41b: {  	v0 =	vadd.f32 v3, v0  }
0x41c: {  	v3 =	vld [tilespmem:s2+$0xFFFFFFC0]  }
0x41d: {  	v0 =	vadd.f32 v1, v0  }
0x41e: {  	v1 =	vld [tilespmem:s2+$0xFFFFFFD0]  }
0x41f: {  	v0 =	vadd.f32 v2, v0  }
0x420: {  	v2 =	vld [tilespmem:s2+$0xFFFFFFE0]  }
0x421: {  	v0 =	vadd.f32 v3, v0  }
0x422: {  	v3 =	vld [tilespmem:s2+$0xFFFFFFF0]  }
0x423: {  	v0 =	vadd.f32 v1, v0  }
0x424: {  	v1 =	vld [tilespmem:s2+$0x0]  }
0x425: {  	v0 =	vadd.f32 v2, v0  }
0x426: {  	v2 =	vld [tilespmem:s2+$0x10]  }
0x427: {  	v0 =	vadd.f32 v3, v0  }
0x428: {  	v3 =	vld [tilespmem:s2+$0x20]  }
0x429: {  	v0 =	vadd.f32 v1, v0  }
0x42a: {  	v1 =	vld [tilespmem:s2+$0x30]  }
0x42b: {  	v0 =	vadd.f32 v2, v0  }
0x42c: {  	v2 =	vld [tilespmem:s2+$0x40]  }
0x42d: {  	v0 =	vadd.f32 v3, v0  }
0x42e: {  	v3 =	vld [tilespmem:s2+$0x50]  }
0x42f: {  	v0 =	vadd.f32 v1, v0  }
0x430: {  	v1 =	vld [tilespmem:s2+$0x60]  }
0x431: {  	v0 =	vadd.f32 v2, v0  }
0x432: {  	v2 =	vld [tilespmem:s2+$0x70]  }
0x433: {  	v0 =	vadd.f32 v3, v0  }
0x434: {  	v3 =	vld [tilespmem:s2+$0x80]  }
0x435: {  	v0 =	vadd.f32 v1, v0  }
0x436: {  	v1 =	vld [tilespmem:s2+$0x90]  }
0x437: {  	v0 =	vadd.f32 v2, v0  }
0x438: {  	v2 =	vld [tilespmem:s2+$0xA0]  }
0x439: {  	v0 =	vadd.f32 v3, v0  }
0x43a: {  	v3 =	vld [tilespmem:s2+$0xB0]  }
0x43b: {  	v0 =	vadd.f32 v1, v0  }
0x43c: {  	v1 =	vld [tilespmem:s2+$0xC0]  }
0x43d: {  	v0 =	vadd.f32 v2, v0  }
0x43e: {  	v2 =	vld [tilespmem:s2+$0xD0]  }
0x43f: {  	v0 =	vadd.f32 v3, v0  }
0x440: {  	v3 =	vld [tilespmem:s2+$0xE0]  }
0x441: {  	v0 =	vadd.f32 v1, v0  }
0x442: {  	v1 =	vld [tilespmem:s2+$0xF0]  }
0x443: {  	v0 =	vadd.f32 v2, v0  }
0x444: {  	v2 =	vld [tilespmem:s2+$0x100]  }
0x445: {  	v0 =	vadd.f32 v3, v0  }
0x446: {  	v3 =	vld [tilespmem:s2+$0x110]  }
0x447: {  	v0 =	vadd.f32 v1, v0  }
0x448: {  	v1 =	vld [tilespmem:s2+$0x120]  }
0x449: {  	v0 =	vadd.f32 v2, v0  }
0x44a: {  	v2 =	vld [tilespmem:s2+$0x130]  }
0x44b: {  	v0 =	vadd.f32 v3, v0  }
0x44c: {  	v3 =	vld [tilespmem:s2+$0x140]  }
0x44d: {  	v0 =	vadd.f32 v1, v0  }
0x44e: {  	v1 =	vld [tilespmem:s2+$0x150]  }
0x44f: {  	v0 =	vadd.f32 v2, v0  }
0x450: {  	v2 =	vld [tilespmem:s2+$0x160]  }
0x451: {  	v0 =	vadd.f32 v3, v0  }
0x452: {  	v3 =	vld [tilespmem:s2+$0x170]  }
0x453: {  	v0 =	vadd.f32 v1, v0  }
0x454: {  	v1 =	vld [tilespmem:s2+$0x180]  }
0x455: {  	v0 =	vadd.f32 v2, v0;
	_ =	sdelay $0x1  }
0x456: {  	v0 =	vadd.f32 v3, v0;
	_ =	sdelay $0x1  }
0x457: {  	v0 =	vadd.f32 v1, v0  }
0x458: {  	s13 =	sshra.s32 s13, $0x2  }
0x459: {  	s16 =	rddreg [dreg:$0x6];
	[tilespmem:s13+$0x1F400] =	vst v0;
	s13 =	simm.s32 $0x0  }
0x45a: {  	[hbm4b:s16+s13] =	stream.linear.scatter [tilespmem:s10], [sflag:$0x3], $0x400, $0x38;
	[tilespmem:$0x1F800] =	vst v63  }
0x45b: {  	_ =	swait.ge [sflag:s14], $0x400  }
0x45c: {  	[sflag:s14] =	ssyncset.done $0x0  }
0x45d: {  	s17 =	simm.s32 $0x12C00;
	s16 =	simm.s32 $0x3E80;
	[sflag:s14] =	ssyncadd.s32 $0xFFFFFC00  }
0x45e: {  	[tilespmem:s17], [sflag:$0x2] =	stream.indirect.gather [hbm4b:s3+s15], $0x10, s16, s15, $0xb8;
	[tilespmem:$0x1F800] =	vst v63  }
0x45f: {  	s16 =	simm.s32 $0x13400;
	s17 =	simm.s32 $0x3F00  }
0x460: {  	[tilespmem:s16], [sflag:$0x2] =	stream.indirect.gather [hbm4b:s3+s15], $0x10, s17, s15, $0xb8;
	[tilespmem:$0x1F800] =	vst v63  }
0x461: {  	s16 =	simm.s32 $0x13C00;
	s17 =	simm.s32 $0x3F80  }
0x462: {  	[tilespmem:s16], [sflag:$0x2] =	stream.indirect.gather [hbm4b:s3+s15], $0x10, s17, s15, $0xb8;
	[tilespmem:$0x1F800] =	vst v63  }
0x463: {  	s16 =	simm.s32 $0x14400;
	s17 =	simm.s32 $0x4000  }
0x464: {  	[tilespmem:s16], [sflag:$0x2] =	stream.indirect.gather [hbm4b:s3+s15], $0x10, s17, s15, $0xb8;
	[tilespmem:$0x1F800] =	vst v63  }
0x465: {  	s16 =	simm.s32 $0x14C00;
	s17 =	simm.s32 $0x4080  }
0x466: {  	[tilespmem:s16], [sflag:$0x2] =	stream.indirect.gather [hbm4b:s3+s15], $0x10, s17, s15, $0xb8;
	[tilespmem:$0x1F800] =	vst v63  }
0x467: {  	s16 =	simm.s32 $0x4100  }
0x468: {  	[tilespmem:s19], [sflag:$0x2] =	stream.indirect.gather [hbm4b:s3+s15], $0x10, s16, s15, $0xb8;
	[tilespmem:$0x1F800] =	vst v63  }
0x469: {  	s17 =	simm.s32 $0x4180  }
0x46a: {  	[tilespmem:s21], [sflag:$0x2] =	stream.indirect.gather [hbm4b:s3+s15], $0x10, s17, s15, $0xb8;
	[tilespmem:$0x1F800] =	vst v63  }
0x46b: {  	s16 =	simm.s32 $0x4200  }
0x46c: {  	[tilespmem:s23], [sflag:$0x2] =	stream.indirect.gather [hbm4b:s3+s15], $0x10, s16, s15, $0xb8;
	[tilespmem:$0x1F800] =	vst v63  }
0x46d: {  	s17 =	simm.s32 $0x4280  }
0x46e: {  	[tilespmem:s25], [sflag:$0x2] =	stream.indirect.gather [hbm4b:s3+s15], $0x10, s17, s15, $0xb8;
	[tilespmem:$0x1F800] =	vst v63  }
0x46f: {  	s16 =	simm.s32 $0x4300  }
0x470: {  	[tilespmem:s28], [sflag:$0x2] =	stream.indirect.gather [hbm4b:s3+s15], $0x10, s16, s15, $0xb8;
	[tilespmem:$0x1F800] =	vst v63  }
0x471: {  	s17 =	simm.s32 $0x4380  }
0x472: {  	[tilespmem:s30], [sflag:$0x2] =	stream.indirect.gather [hbm4b:s3+s15], $0x10, s17, s15, $0xb8;
	[tilespmem:$0x1F800] =	vst v63  }
0x473: {  	s16 =	simm.s32 $0x4400  }
0x474: {  	[tilespmem:s0], [sflag:$0x2] =	stream.indirect.gather [hbm4b:s3+s15], $0x10, s16, s15, $0xb8;
	[tilespmem:$0x1F800] =	vst v63  }
0x475: {  	s17 =	simm.s32 $0x4480  }
0x476: {  	[tilespmem:s18], [sflag:$0x2] =	stream.indirect.gather [hbm4b:s3+s15], $0x10, s17, s15, $0xb8;
	[tilespmem:$0x1F800] =	vst v63  }
0x477: {  	s16 =	simm.s32 $0x4500  }
0x478: {  	[tilespmem:s22], [sflag:$0x2] =	stream.indirect.gather [hbm4b:s3+s15], $0x10, s16, s15, $0xb8;
	[tilespmem:$0x1F800] =	vst v63  }
0x479: {  	s17 =	simm.s32 $0x4580  }
0x47a: {  	[tilespmem:s26], [sflag:$0x2] =	stream.indirect.gather [hbm4b:s3+s15], $0x10, s17, s15, $0xb8;
	[tilespmem:$0x1F800] =	vst v63  }
0x47b: {  	s16 =	simm.s32 $0x4600  }
0x47c: {  	[tilespmem:s31], [sflag:$0x2] =	stream.indirect.gather [hbm4b:s3+s15], $0x10, s16, s15, $0xb8;
	[tilespmem:$0x1F800] =	vst v63  }
0x47d: {  	s17 =	simm.s32 $0x4680  }
0x47e: {  	[tilespmem:s20], [sflag:$0x2] =	stream.indirect.gather [hbm4b:s3+s15], $0x10, s17, s15, $0xb8;
	[tilespmem:$0x1F800] =	vst v63  }
0x47f: {  	s16 =	simm.s32 $0x4700  }
0x480: {  	[tilespmem:s29], [sflag:$0x2] =	stream.indirect.gather [hbm4b:s3+s15], $0x10, s16, s15, $0xb8;
	[tilespmem:$0x1F800] =	vst v63  }
0x481: {  	s17 =	simm.s32 $0x4780  }
0x482: {  	[tilespmem:s24], [sflag:$0x2] =	stream.indirect.gather [hbm4b:s3+s15], $0x10, s17, s15, $0xb8;
	[tilespmem:$0x1F800] =	vst v63  }
0x483: {  	s16 =	simm.s32 $0x4800  }
0x484: {  	[tilespmem:s1], [sflag:$0x2] =	stream.indirect.gather [hbm4b:s3+s15], $0x10, s16, s15, $0xb8;
	[tilespmem:$0x1F800] =	vst v63  }
0x485: {  	s17 =	simm.s32 $0x4880  }
0x486: {  	[tilespmem:s4], [sflag:$0x2] =	stream.indirect.gather [hbm4b:s3+s15], $0x10, s17, s15, $0xb8;
	[tilespmem:$0x1F800] =	vst v63  }
0x487: {  	s16 =	simm.s32 $0x4900  }
0x488: {  	[tilespmem:s5], [sflag:$0x2] =	stream.indirect.gather [hbm4b:s3+s15], $0x10, s16, s15, $0xb8;
	[tilespmem:$0x1F800] =	vst v63  }
0x489: {  	s17 =	simm.s32 $0x4980  }
0x48a: {  	[tilespmem:s6], [sflag:$0x2] =	stream.indirect.gather [hbm4b:s3+s15], $0x10, s17, s15, $0xb8;
	[tilespmem:$0x1F800] =	vst v63  }
0x48b: {  	s16 =	simm.s32 $0x4A00  }
0x48c: {  	[tilespmem:s7], [sflag:$0x2] =	stream.indirect.gather [hbm4b:s3+s15], $0x10, s16, s15, $0xb8;
	[tilespmem:$0x1F800] =	vst v63  }
0x48d: {  	s17 =	simm.s32 $0x4A80  }
0x48e: {  	[tilespmem:s8], [sflag:$0x2] =	stream.indirect.gather [hbm4b:s3+s15], $0x10, s17, s15, $0xb8;
	[tilespmem:$0x1F800] =	vst v63  }
0x48f: {  	_ =	swait.ge [sflag:s9], $0xC800  }
0x490: {  	[sflag:s9] =	ssyncset.done $0x0  }
0x491: {  	s2 =	simm.s32 $0x6590;
	[sflag:s9] =	ssyncadd.s32 $0xFFFF3800  }
0x492: {  	v0 =	vld [tilespmem:s2+$0xFFFFFE80]  }
0x493: {  	s16 =	simm.s32 $0x40;
	v1 =	vld [tilespmem:s2+$0xFFFFFE70]  }
.LBB2_10:
0x494: {  	p0 =	sne.s32 s16, $0xFC0  }
0x495: {  	v2 =	vld [tilespmem:s2+$0xFFFFFE90];
	_ =	sdelay $0x1  }
0x496: {  	v3 =	vld [tilespmem:s2+$0xFFFFFEA0]  }
0x497: {  	v0 =	vadd.f32 v0, v1  }
0x498: {  	v1 =	vld [tilespmem:s2+$0xFFFFFEB0]  }
0x499: {  	v0 =	vadd.f32 v2, v0  }
0x49a: {  	v2 =	vld [tilespmem:s2+$0xFFFFFEC0]  }
0x49b: {  	v0 =	vadd.f32 v3, v0  }
0x49c: {  	v3 =	vld [tilespmem:s2+$0xFFFFFED0]  }
0x49d: {  	v0 =	vadd.f32 v1, v0  }
0x49e: {  	v1 =	vld [tilespmem:s2+$0xFFFFFEE0]  }
0x49f: {  	v0 =	vadd.f32 v2, v0  }
0x4a0: {  	v2 =	vld [tilespmem:s2+$0xFFFFFEF0]  }
0x4a1: {  	v0 =	vadd.f32 v3, v0  }
0x4a2: {  	v3 =	vld [tilespmem:s2+$0xFFFFFF00]  }
0x4a3: {  	v0 =	vadd.f32 v1, v0  }
0x4a4: {  	v1 =	vld [tilespmem:s2+$0xFFFFFF10]  }
0x4a5: {  	v0 =	vadd.f32 v2, v0  }
0x4a6: {  	v2 =	vld [tilespmem:s2+$0xFFFFFF20]  }
0x4a7: {  	v0 =	vadd.f32 v3, v0  }
0x4a8: {  	v3 =	vld [tilespmem:s2+$0xFFFFFF30]  }
0x4a9: {  	v0 =	vadd.f32 v1, v0  }
0x4aa: {  	v1 =	vld [tilespmem:s2+$0xFFFFFF40]  }
0x4ab: {  	v0 =	vadd.f32 v2, v0  }
0x4ac: {  	v2 =	vld [tilespmem:s2+$0xFFFFFF50]  }
0x4ad: {  	v0 =	vadd.f32 v3, v0  }
0x4ae: {  	v3 =	vld [tilespmem:s2+$0xFFFFFF60]  }
0x4af: {  	v0 =	vadd.f32 v1, v0  }
0x4b0: {  	v1 =	vld [tilespmem:s2+$0xFFFFFF70]  }
0x4b1: {  	v0 =	vadd.f32 v2, v0  }
0x4b2: {  	v2 =	vld [tilespmem:s2+$0xFFFFFF80]  }
0x4b3: {  	v0 =	vadd.f32 v3, v0  }
0x4b4: {  	v3 =	vld [tilespmem:s2+$0xFFFFFF90]  }
0x4b5: {  	v0 =	vadd.f32 v1, v0  }
0x4b6: {  	v1 =	vld [tilespmem:s2+$0xFFFFFFA0]  }
0x4b7: {  	v0 =	vadd.f32 v2, v0  }
0x4b8: {  	v2 =	vld [tilespmem:s2+$0xFFFFFFB0]  }
0x4b9: {  	v0 =	vadd.f32 v3, v0  }
0x4ba: {  	v3 =	vld [tilespmem:s2+$0xFFFFFFC0]  }
0x4bb: {  	v0 =	vadd.f32 v1, v0  }
0x4bc: {  	v1 =	vld [tilespmem:s2+$0xFFFFFFD0]  }
0x4bd: {  	v0 =	vadd.f32 v2, v0  }
0x4be: {  	v2 =	vld [tilespmem:s2+$0xFFFFFFE0]  }
0x4bf: {  	v0 =	vadd.f32 v3, v0  }
0x4c0: {  	v3 =	vld [tilespmem:s2+$0xFFFFFFF0]  }
0x4c1: {  	v0 =	vadd.f32 v1, v0  }
0x4c2: {  	v1 =	vld [tilespmem:s2+$0x0]  }
0x4c3: {  	v0 =	vadd.f32 v2, v0  }
0x4c4: {  	v2 =	vld [tilespmem:s2+$0x10]  }
0x4c5: {  	v0 =	vadd.f32 v3, v0  }
0x4c6: {  	v3 =	vld [tilespmem:s2+$0x20]  }
0x4c7: {  	v0 =	vadd.f32 v1, v0  }
0x4c8: {  	v1 =	vld [tilespmem:s2+$0x30]  }
0x4c9: {  	v0 =	vadd.f32 v2, v0  }
0x4ca: {  	v2 =	vld [tilespmem:s2+$0x40]  }
0x4cb: {  	v0 =	vadd.f32 v3, v0  }
0x4cc: {  	v3 =	vld [tilespmem:s2+$0x50]  }
0x4cd: {  	v0 =	vadd.f32 v1, v0  }
0x4ce: {  	v1 =	vld [tilespmem:s2+$0x60]  }
0x4cf: {  	v0 =	vadd.f32 v2, v0  }
0x4d0: {  	v2 =	vld [tilespmem:s2+$0x70]  }
0x4d1: {  	v0 =	vadd.f32 v3, v0  }
0x4d2: {  	v3 =	vld [tilespmem:s2+$0x80]  }
0x4d3: {  	v0 =	vadd.f32 v1, v0  }
0x4d4: {  	v1 =	vld [tilespmem:s2+$0x90]  }
0x4d5: {  	v0 =	vadd.f32 v2, v0  }
0x4d6: {  	v2 =	vld [tilespmem:s2+$0xA0]  }
0x4d7: {  	v0 =	vadd.f32 v3, v0  }
0x4d8: {  	v3 =	vld [tilespmem:s2+$0xB0]  }
0x4d9: {  	v0 =	vadd.f32 v1, v0  }
0x4da: {  	v1 =	vld [tilespmem:s2+$0xC0]  }
0x4db: {  	v0 =	vadd.f32 v2, v0  }
0x4dc: {  	v2 =	vld [tilespmem:s2+$0xD0]  }
0x4dd: {  	v0 =	vadd.f32 v3, v0  }
0x4de: {  	v3 =	vld [tilespmem:s2+$0xE0]  }
0x4df: {  	v0 =	vadd.f32 v1, v0  }
0x4e0: {  	v1 =	vld [tilespmem:s2+$0xF0]  }
0x4e1: {  	v0 =	vadd.f32 v2, v0  }
0x4e2: {  	v2 =	vld [tilespmem:s2+$0x100]  }
0x4e3: {  	v0 =	vadd.f32 v3, v0  }
0x4e4: {  	v3 =	vld [tilespmem:s2+$0x110]  }
0x4e5: {  	v0 =	vadd.f32 v1, v0  }
0x4e6: {  	v1 =	vld [tilespmem:s2+$0x120]  }
0x4e7: {  	v0 =	vadd.f32 v2, v0  }
0x4e8: {  	v2 =	vld [tilespmem:s2+$0x130]  }
0x4e9: {  	v0 =	vadd.f32 v3, v0  }
0x4ea: {  	v3 =	vld [tilespmem:s2+$0x140]  }
0x4eb: {  	v0 =	vadd.f32 v1, v0  }
0x4ec: {  	v1 =	vld [tilespmem:s2+$0x150]  }
0x4ed: {  	v0 =	vadd.f32 v2, v0  }
0x4ee: {  	v2 =	vld [tilespmem:s2+$0x160]  }
0x4ef: {  	v0 =	vadd.f32 v3, v0  }
0x4f0: {  	v3 =	vld [tilespmem:s2+$0x170]  }
0x4f1: {  	v0 =	vadd.f32 v1, v0  }
0x4f2: {  	v1 =	vld [tilespmem:s2+$0x180]  }
0x4f3: {  	v0 =	vadd.f32 v2, v0;
	_ =	sdelay $0x1  }
0x4f4: {  	v0 =	vadd.f32 v3, v0;
	_ =	sdelay $0x1  }
.Ltmp4:
0x4f5: {  	v0 =	vadd.f32 v1, v0;
	(pc) =	sbr.rel @p0 .LBB2_10-.Ltmp4, $4  }
0x4f6: {  	s17 =	sshra.s32 s13, $0x2;
	s13 =	smov.u32 s16  }
0x4f7: {  	s2 =	sadd.s32 $0x320, s2;
	[tilespmem:s17+$0x1F400] =	vst v0  }
0x4f8: {  	v0 =	vld [tilespmem:s2+$0xFFFFFE80]  }
0x4f9: {  	s16 =	sadd.s32 $0x40, s16;
	v1 =	vld [tilespmem:s2+$0xFFFFFE70]  }
0x4fa: {  	_ = 	snop  }
0x4fb: {  	v2 =	vld [tilespmem:s2+$0xFFFFFE90];
	_ =	sdelay $0x1  }
0x4fc: {  	v3 =	vld [tilespmem:s2+$0xFFFFFEA0]  }
0x4fd: {  	v0 =	vadd.f32 v0, v1  }
0x4fe: {  	v1 =	vld [tilespmem:s2+$0xFFFFFEB0]  }
0x4ff: {  	v0 =	vadd.f32 v2, v0  }
0x500: {  	v2 =	vld [tilespmem:s2+$0xFFFFFEC0]  }
0x501: {  	v0 =	vadd.f32 v3, v0  }
0x502: {  	v3 =	vld [tilespmem:s2+$0xFFFFFED0]  }
0x503: {  	v0 =	vadd.f32 v1, v0  }
0x504: {  	v1 =	vld [tilespmem:s2+$0xFFFFFEE0]  }
0x505: {  	v0 =	vadd.f32 v2, v0  }
0x506: {  	v2 =	vld [tilespmem:s2+$0xFFFFFEF0]  }
0x507: {  	v0 =	vadd.f32 v3, v0  }
0x508: {  	v3 =	vld [tilespmem:s2+$0xFFFFFF00]  }
0x509: {  	v0 =	vadd.f32 v1, v0  }
0x50a: {  	v1 =	vld [tilespmem:s2+$0xFFFFFF10]  }
0x50b: {  	v0 =	vadd.f32 v2, v0  }
0x50c: {  	v2 =	vld [tilespmem:s2+$0xFFFFFF20]  }
0x50d: {  	v0 =	vadd.f32 v3, v0  }
0x50e: {  	v3 =	vld [tilespmem:s2+$0xFFFFFF30]  }
0x50f: {  	v0 =	vadd.f32 v1, v0  }
0x510: {  	v1 =	vld [tilespmem:s2+$0xFFFFFF40]  }
0x511: {  	v0 =	vadd.f32 v2, v0  }
0x512: {  	v2 =	vld [tilespmem:s2+$0xFFFFFF50]  }
0x513: {  	v0 =	vadd.f32 v3, v0  }
0x514: {  	v3 =	vld [tilespmem:s2+$0xFFFFFF60]  }
0x515: {  	v0 =	vadd.f32 v1, v0  }
0x516: {  	v1 =	vld [tilespmem:s2+$0xFFFFFF70]  }
0x517: {  	v0 =	vadd.f32 v2, v0  }
0x518: {  	v2 =	vld [tilespmem:s2+$0xFFFFFF80]  }
0x519: {  	v0 =	vadd.f32 v3, v0  }
0x51a: {  	v3 =	vld [tilespmem:s2+$0xFFFFFF90]  }
0x51b: {  	v0 =	vadd.f32 v1, v0  }
0x51c: {  	v1 =	vld [tilespmem:s2+$0xFFFFFFA0]  }
0x51d: {  	v0 =	vadd.f32 v2, v0  }
0x51e: {  	v2 =	vld [tilespmem:s2+$0xFFFFFFB0]  }
0x51f: {  	v0 =	vadd.f32 v3, v0  }
0x520: {  	v3 =	vld [tilespmem:s2+$0xFFFFFFC0]  }
0x521: {  	v0 =	vadd.f32 v1, v0  }
0x522: {  	v1 =	vld [tilespmem:s2+$0xFFFFFFD0]  }
0x523: {  	v0 =	vadd.f32 v2, v0  }
0x524: {  	v2 =	vld [tilespmem:s2+$0xFFFFFFE0]  }
0x525: {  	v0 =	vadd.f32 v3, v0  }
0x526: {  	v3 =	vld [tilespmem:s2+$0xFFFFFFF0]  }
0x527: {  	v0 =	vadd.f32 v1, v0  }
0x528: {  	v1 =	vld [tilespmem:s2+$0x0]  }
0x529: {  	v0 =	vadd.f32 v2, v0  }
0x52a: {  	v2 =	vld [tilespmem:s2+$0x10]  }
0x52b: {  	v0 =	vadd.f32 v3, v0  }
0x52c: {  	v3 =	vld [tilespmem:s2+$0x20]  }
0x52d: {  	v0 =	vadd.f32 v1, v0  }
0x52e: {  	v1 =	vld [tilespmem:s2+$0x30]  }
0x52f: {  	v0 =	vadd.f32 v2, v0  }
0x530: {  	v2 =	vld [tilespmem:s2+$0x40]  }
0x531: {  	v0 =	vadd.f32 v3, v0  }
0x532: {  	v3 =	vld [tilespmem:s2+$0x50]  }
0x533: {  	v0 =	vadd.f32 v1, v0  }
0x534: {  	v1 =	vld [tilespmem:s2+$0x60]  }
0x535: {  	v0 =	vadd.f32 v2, v0  }
0x536: {  	v2 =	vld [tilespmem:s2+$0x70]  }
0x537: {  	v0 =	vadd.f32 v3, v0  }
0x538: {  	v3 =	vld [tilespmem:s2+$0x80]  }
0x539: {  	v0 =	vadd.f32 v1, v0  }
0x53a: {  	v1 =	vld [tilespmem:s2+$0x90]  }
0x53b: {  	v0 =	vadd.f32 v2, v0  }
0x53c: {  	v2 =	vld [tilespmem:s2+$0xA0]  }
0x53d: {  	v0 =	vadd.f32 v3, v0  }
0x53e: {  	v3 =	vld [tilespmem:s2+$0xB0]  }
0x53f: {  	v0 =	vadd.f32 v1, v0  }
0x540: {  	v1 =	vld [tilespmem:s2+$0xC0]  }
0x541: {  	v0 =	vadd.f32 v2, v0  }
0x542: {  	v2 =	vld [tilespmem:s2+$0xD0]  }
0x543: {  	v0 =	vadd.f32 v3, v0  }
0x544: {  	v3 =	vld [tilespmem:s2+$0xE0]  }
0x545: {  	v0 =	vadd.f32 v1, v0  }
0x546: {  	v1 =	vld [tilespmem:s2+$0xF0]  }
0x547: {  	v0 =	vadd.f32 v2, v0  }
0x548: {  	v2 =	vld [tilespmem:s2+$0x100]  }
0x549: {  	v0 =	vadd.f32 v3, v0  }
0x54a: {  	v3 =	vld [tilespmem:s2+$0x110]  }
0x54b: {  	v0 =	vadd.f32 v1, v0  }
0x54c: {  	v1 =	vld [tilespmem:s2+$0x120]  }
0x54d: {  	v0 =	vadd.f32 v2, v0  }
0x54e: {  	v2 =	vld [tilespmem:s2+$0x130]  }
0x54f: {  	v0 =	vadd.f32 v3, v0  }
0x550: {  	v3 =	vld [tilespmem:s2+$0x140]  }
0x551: {  	v0 =	vadd.f32 v1, v0  }
0x552: {  	v1 =	vld [tilespmem:s2+$0x150]  }
0x553: {  	v0 =	vadd.f32 v2, v0  }
0x554: {  	v2 =	vld [tilespmem:s2+$0x160]  }
0x555: {  	v0 =	vadd.f32 v3, v0  }
0x556: {  	v3 =	vld [tilespmem:s2+$0x170]  }
0x557: {  	v0 =	vadd.f32 v1, v0  }
0x558: {  	v1 =	vld [tilespmem:s2+$0x180]  }
0x559: {  	v0 =	vadd.f32 v2, v0;
	_ =	sdelay $0x1  }
0x55a: {  	v0 =	vadd.f32 v3, v0;
	_ =	sdelay $0x1  }
0x55b: {  	v0 =	vadd.f32 v1, v0  }
0x55c: {  	s13 =	sshra.s32 s13, $0x2  }
0x55d: {  	s16 =	rddreg [dreg:$0x7];
	[tilespmem:s13+$0x1F400] =	vst v0;
	s13 =	simm.s32 $0x0  }
0x55e: {  	[hbm4b:s16+s13] =	stream.linear.scatter [tilespmem:s10], [sflag:$0x3], $0x400, $0x38;
	[tilespmem:$0x1F800] =	vst v63  }
0x55f: {  	_ =	swait.ge [sflag:s14], $0x400  }
0x560: {  	[sflag:s14] =	ssyncset.done $0x0  }
0x561: {  	s17 =	simm.s32 $0x6400;
	s16 =	simm.s32 $0x4B00;
	[sflag:s14] =	ssyncadd.s32 $0xFFFFFC00  }
0x562: {  	[tilespmem:s17], [sflag:$0x1] =	stream.indirect.gather [hbm4b:s3+s15], $0x10, s16, s15, $0xb8;
	[tilespmem:$0x1F800] =	vst v63  }
0x563: {  	s16 =	simm.s32 $0x6C00;
	s17 =	simm.s32 $0x4B80  }
0x564: {  	[tilespmem:s16], [sflag:$0x1] =	stream.indirect.gather [hbm4b:s3+s15], $0x10, s17, s15, $0xb8;
	[tilespmem:$0x1F800] =	vst v63  }
0x565: {  	s16 =	simm.s32 $0x7400;
	s17 =	simm.s32 $0x4C00  }
0x566: {  	[tilespmem:s16], [sflag:$0x1] =	stream.indirect.gather [hbm4b:s3+s15], $0x10, s17, s15, $0xb8;
	[tilespmem:$0x1F800] =	vst v63  }
0x567: {  	s16 =	simm.s32 $0x7C00;
	s17 =	simm.s32 $0x4C80  }
0x568: {  	[tilespmem:s16], [sflag:$0x1] =	stream.indirect.gather [hbm4b:s3+s15], $0x10, s17, s15, $0xb8;
	[tilespmem:$0x1F800] =	vst v63  }
0x569: {  	s16 =	simm.s32 $0x8400;
	s17 =	simm.s32 $0x4D00  }
0x56a: {  	[tilespmem:s16], [sflag:$0x1] =	stream.indirect.gather [hbm4b:s3+s15], $0x10, s17, s15, $0xb8;
	[tilespmem:$0x1F800] =	vst v63  }
0x56b: {  	s16 =	simm.s32 $0x8C00;
	s17 =	simm.s32 $0x4D80  }
0x56c: {  	[tilespmem:s16], [sflag:$0x1] =	stream.indirect.gather [hbm4b:s3+s15], $0x10, s17, s15, $0xb8;
	[tilespmem:$0x1F800] =	vst v63  }
0x56d: {  	s16 =	simm.s32 $0x9400;
	s17 =	simm.s32 $0x4E00  }
0x56e: {  	[tilespmem:s16], [sflag:$0x1] =	stream.indirect.gather [hbm4b:s3+s15], $0x10, s17, s15, $0xb8;
	[tilespmem:$0x1F800] =	vst v63  }
0x56f: {  	s16 =	simm.s32 $0x9C00;
	s17 =	simm.s32 $0x4E80  }
0x570: {  	[tilespmem:s16], [sflag:$0x1] =	stream.indirect.gather [hbm4b:s3+s15], $0x10, s17, s15, $0xb8;
	[tilespmem:$0x1F800] =	vst v63  }
0x571: {  	s16 =	simm.s32 $0xA400;
	s17 =	simm.s32 $0x4F00  }
0x572: {  	[tilespmem:s16], [sflag:$0x1] =	stream.indirect.gather [hbm4b:s3+s15], $0x10, s17, s15, $0xb8;
	[tilespmem:$0x1F800] =	vst v63  }
0x573: {  	s16 =	simm.s32 $0xAC00;
	s17 =	simm.s32 $0x4F80  }
0x574: {  	[tilespmem:s16], [sflag:$0x1] =	stream.indirect.gather [hbm4b:s3+s15], $0x10, s17, s15, $0xb8;
	[tilespmem:$0x1F800] =	vst v63  }
0x575: {  	s16 =	simm.s32 $0xB400;
	s17 =	simm.s32 $0x5000  }
0x576: {  	[tilespmem:s16], [sflag:$0x1] =	stream.indirect.gather [hbm4b:s3+s15], $0x10, s17, s15, $0xb8;
	[tilespmem:$0x1F800] =	vst v63  }
0x577: {  	s16 =	simm.s32 $0xBC00;
	s17 =	simm.s32 $0x5080  }
0x578: {  	[tilespmem:s16], [sflag:$0x1] =	stream.indirect.gather [hbm4b:s3+s15], $0x10, s17, s15, $0xb8;
	[tilespmem:$0x1F800] =	vst v63  }
0x579: {  	s16 =	simm.s32 $0xC400;
	s17 =	simm.s32 $0x5100  }
0x57a: {  	[tilespmem:s16], [sflag:$0x1] =	stream.indirect.gather [hbm4b:s3+s15], $0x10, s17, s15, $0xb8;
	[tilespmem:$0x1F800] =	vst v63  }
0x57b: {  	s16 =	simm.s32 $0xCC00;
	s17 =	simm.s32 $0x5180  }
0x57c: {  	[tilespmem:s16], [sflag:$0x1] =	stream.indirect.gather [hbm4b:s3+s15], $0x10, s17, s15, $0xb8;
	[tilespmem:$0x1F800] =	vst v63  }
0x57d: {  	s16 =	simm.s32 $0xD400;
	s17 =	simm.s32 $0x5200  }
0x57e: {  	[tilespmem:s16], [sflag:$0x1] =	stream.indirect.gather [hbm4b:s3+s15], $0x10, s17, s15, $0xb8;
	[tilespmem:$0x1F800] =	vst v63  }
0x57f: {  	s16 =	simm.s32 $0xDC00;
	s17 =	simm.s32 $0x5280  }
0x580: {  	[tilespmem:s16], [sflag:$0x1] =	stream.indirect.gather [hbm4b:s3+s15], $0x10, s17, s15, $0xb8;
	[tilespmem:$0x1F800] =	vst v63  }
0x581: {  	s16 =	simm.s32 $0xE400;
	s17 =	simm.s32 $0x5300  }
0x582: {  	[tilespmem:s16], [sflag:$0x1] =	stream.indirect.gather [hbm4b:s3+s15], $0x10, s17, s15, $0xb8;
	[tilespmem:$0x1F800] =	vst v63  }
0x583: {  	s16 =	simm.s32 $0xEC00;
	s17 =	simm.s32 $0x5380  }
0x584: {  	[tilespmem:s16], [sflag:$0x1] =	stream.indirect.gather [hbm4b:s3+s15], $0x10, s17, s15, $0xb8;
	[tilespmem:$0x1F800] =	vst v63  }
0x585: {  	s16 =	simm.s32 $0xF400;
	s17 =	simm.s32 $0x5400  }
0x586: {  	[tilespmem:s16], [sflag:$0x1] =	stream.indirect.gather [hbm4b:s3+s15], $0x10, s17, s15, $0xb8;
	[tilespmem:$0x1F800] =	vst v63  }
0x587: {  	s16 =	simm.s32 $0xFC00;
	s17 =	simm.s32 $0x5480  }
0x588: {  	[tilespmem:s16], [sflag:$0x1] =	stream.indirect.gather [hbm4b:s3+s15], $0x10, s17, s15, $0xb8;
	[tilespmem:$0x1F800] =	vst v63  }
0x589: {  	s16 =	simm.s32 $0x10400;
	s17 =	simm.s32 $0x5500  }
0x58a: {  	[tilespmem:s16], [sflag:$0x1] =	stream.indirect.gather [hbm4b:s3+s15], $0x10, s17, s15, $0xb8;
	[tilespmem:$0x1F800] =	vst v63  }
0x58b: {  	s16 =	simm.s32 $0x10C00;
	s17 =	simm.s32 $0x5580  }
0x58c: {  	[tilespmem:s16], [sflag:$0x1] =	stream.indirect.gather [hbm4b:s3+s15], $0x10, s17, s15, $0xb8;
	[tilespmem:$0x1F800] =	vst v63  }
0x58d: {  	s16 =	simm.s32 $0x11400;
	s17 =	simm.s32 $0x5600  }
0x58e: {  	[tilespmem:s16], [sflag:$0x1] =	stream.indirect.gather [hbm4b:s3+s15], $0x10, s17, s15, $0xb8;
	[tilespmem:$0x1F800] =	vst v63  }
0x58f: {  	s16 =	simm.s32 $0x11C00;
	s17 =	simm.s32 $0x5680  }
0x590: {  	[tilespmem:s16], [sflag:$0x1] =	stream.indirect.gather [hbm4b:s3+s15], $0x10, s17, s15, $0xb8;
	[tilespmem:$0x1F800] =	vst v63  }
0x591: {  	s16 =	simm.s32 $0x12400;
	s17 =	simm.s32 $0x5700  }
0x592: {  	[tilespmem:s16], [sflag:$0x1] =	stream.indirect.gather [hbm4b:s3+s15], $0x10, s17, s15, $0xb8;
	[tilespmem:$0x1F800] =	vst v63  }
0x593: {  	_ =	swait.ge [sflag:s11], $0xC800  }
0x594: {  	[sflag:s11] =	ssyncset.done $0x0  }
0x595: {  	s2 =	simm.s32 $0x12D90;
	[sflag:s11] =	ssyncadd.s32 $0xFFFF3800  }
0x596: {  	v0 =	vld [tilespmem:s2+$0xFFFFFE80]  }
0x597: {  	s16 =	simm.s32 $0x40;
	v1 =	vld [tilespmem:s2+$0xFFFFFE70]  }
.LBB2_12:
0x598: {  	p0 =	sne.s32 s16, $0xFC0  }
0x599: {  	v2 =	vld [tilespmem:s2+$0xFFFFFE90];
	_ =	sdelay $0x1  }
0x59a: {  	v3 =	vld [tilespmem:s2+$0xFFFFFEA0]  }
0x59b: {  	v0 =	vadd.f32 v0, v1  }
0x59c: {  	v1 =	vld [tilespmem:s2+$0xFFFFFEB0]  }
0x59d: {  	v0 =	vadd.f32 v2, v0  }
0x59e: {  	v2 =	vld [tilespmem:s2+$0xFFFFFEC0]  }
0x59f: {  	v0 =	vadd.f32 v3, v0  }
0x5a0: {  	v3 =	vld [tilespmem:s2+$0xFFFFFED0]  }
0x5a1: {  	v0 =	vadd.f32 v1, v0  }
0x5a2: {  	v1 =	vld [tilespmem:s2+$0xFFFFFEE0]  }
0x5a3: {  	v0 =	vadd.f32 v2, v0  }
0x5a4: {  	v2 =	vld [tilespmem:s2+$0xFFFFFEF0]  }
0x5a5: {  	v0 =	vadd.f32 v3, v0  }
0x5a6: {  	v3 =	vld [tilespmem:s2+$0xFFFFFF00]  }
0x5a7: {  	v0 =	vadd.f32 v1, v0  }
0x5a8: {  	v1 =	vld [tilespmem:s2+$0xFFFFFF10]  }
0x5a9: {  	v0 =	vadd.f32 v2, v0  }
0x5aa: {  	v2 =	vld [tilespmem:s2+$0xFFFFFF20]  }
0x5ab: {  	v0 =	vadd.f32 v3, v0  }
0x5ac: {  	v3 =	vld [tilespmem:s2+$0xFFFFFF30]  }
0x5ad: {  	v0 =	vadd.f32 v1, v0  }
0x5ae: {  	v1 =	vld [tilespmem:s2+$0xFFFFFF40]  }
0x5af: {  	v0 =	vadd.f32 v2, v0  }
0x5b0: {  	v2 =	vld [tilespmem:s2+$0xFFFFFF50]  }
0x5b1: {  	v0 =	vadd.f32 v3, v0  }
0x5b2: {  	v3 =	vld [tilespmem:s2+$0xFFFFFF60]  }
0x5b3: {  	v0 =	vadd.f32 v1, v0  }
0x5b4: {  	v1 =	vld [tilespmem:s2+$0xFFFFFF70]  }
0x5b5: {  	v0 =	vadd.f32 v2, v0  }
0x5b6: {  	v2 =	vld [tilespmem:s2+$0xFFFFFF80]  }
0x5b7: {  	v0 =	vadd.f32 v3, v0  }
0x5b8: {  	v3 =	vld [tilespmem:s2+$0xFFFFFF90]  }
0x5b9: {  	v0 =	vadd.f32 v1, v0  }
0x5ba: {  	v1 =	vld [tilespmem:s2+$0xFFFFFFA0]  }
0x5bb: {  	v0 =	vadd.f32 v2, v0  }
0x5bc: {  	v2 =	vld [tilespmem:s2+$0xFFFFFFB0]  }
0x5bd: {  	v0 =	vadd.f32 v3, v0  }
0x5be: {  	v3 =	vld [tilespmem:s2+$0xFFFFFFC0]  }
0x5bf: {  	v0 =	vadd.f32 v1, v0  }
0x5c0: {  	v1 =	vld [tilespmem:s2+$0xFFFFFFD0]  }
0x5c1: {  	v0 =	vadd.f32 v2, v0  }
0x5c2: {  	v2 =	vld [tilespmem:s2+$0xFFFFFFE0]  }
0x5c3: {  	v0 =	vadd.f32 v3, v0  }
0x5c4: {  	v3 =	vld [tilespmem:s2+$0xFFFFFFF0]  }
0x5c5: {  	v0 =	vadd.f32 v1, v0  }
0x5c6: {  	v1 =	vld [tilespmem:s2+$0x0]  }
0x5c7: {  	v0 =	vadd.f32 v2, v0  }
0x5c8: {  	v2 =	vld [tilespmem:s2+$0x10]  }
0x5c9: {  	v0 =	vadd.f32 v3, v0  }
0x5ca: {  	v3 =	vld [tilespmem:s2+$0x20]  }
0x5cb: {  	v0 =	vadd.f32 v1, v0  }
0x5cc: {  	v1 =	vld [tilespmem:s2+$0x30]  }
0x5cd: {  	v0 =	vadd.f32 v2, v0  }
0x5ce: {  	v2 =	vld [tilespmem:s2+$0x40]  }
0x5cf: {  	v0 =	vadd.f32 v3, v0  }
0x5d0: {  	v3 =	vld [tilespmem:s2+$0x50]  }
0x5d1: {  	v0 =	vadd.f32 v1, v0  }
0x5d2: {  	v1 =	vld [tilespmem:s2+$0x60]  }
0x5d3: {  	v0 =	vadd.f32 v2, v0  }
0x5d4: {  	v2 =	vld [tilespmem:s2+$0x70]  }
0x5d5: {  	v0 =	vadd.f32 v3, v0  }
0x5d6: {  	v3 =	vld [tilespmem:s2+$0x80]  }
0x5d7: {  	v0 =	vadd.f32 v1, v0  }
0x5d8: {  	v1 =	vld [tilespmem:s2+$0x90]  }
0x5d9: {  	v0 =	vadd.f32 v2, v0  }
0x5da: {  	v2 =	vld [tilespmem:s2+$0xA0]  }
0x5db: {  	v0 =	vadd.f32 v3, v0  }
0x5dc: {  	v3 =	vld [tilespmem:s2+$0xB0]  }
0x5dd: {  	v0 =	vadd.f32 v1, v0  }
0x5de: {  	v1 =	vld [tilespmem:s2+$0xC0]  }
0x5df: {  	v0 =	vadd.f32 v2, v0  }
0x5e0: {  	v2 =	vld [tilespmem:s2+$0xD0]  }
0x5e1: {  	v0 =	vadd.f32 v3, v0  }
0x5e2: {  	v3 =	vld [tilespmem:s2+$0xE0]  }
0x5e3: {  	v0 =	vadd.f32 v1, v0  }
0x5e4: {  	v1 =	vld [tilespmem:s2+$0xF0]  }
0x5e5: {  	v0 =	vadd.f32 v2, v0  }
0x5e6: {  	v2 =	vld [tilespmem:s2+$0x100]  }
0x5e7: {  	v0 =	vadd.f32 v3, v0  }
0x5e8: {  	v3 =	vld [tilespmem:s2+$0x110]  }
0x5e9: {  	v0 =	vadd.f32 v1, v0  }
0x5ea: {  	v1 =	vld [tilespmem:s2+$0x120]  }
0x5eb: {  	v0 =	vadd.f32 v2, v0  }
0x5ec: {  	v2 =	vld [tilespmem:s2+$0x130]  }
0x5ed: {  	v0 =	vadd.f32 v3, v0  }
0x5ee: {  	v3 =	vld [tilespmem:s2+$0x140]  }
0x5ef: {  	v0 =	vadd.f32 v1, v0  }
0x5f0: {  	v1 =	vld [tilespmem:s2+$0x150]  }
0x5f1: {  	v0 =	vadd.f32 v2, v0  }
0x5f2: {  	v2 =	vld [tilespmem:s2+$0x160]  }
0x5f3: {  	v0 =	vadd.f32 v3, v0  }
0x5f4: {  	v3 =	vld [tilespmem:s2+$0x170]  }
0x5f5: {  	v0 =	vadd.f32 v1, v0  }
0x5f6: {  	v1 =	vld [tilespmem:s2+$0x180]  }
0x5f7: {  	v0 =	vadd.f32 v2, v0;
	_ =	sdelay $0x1  }
0x5f8: {  	v0 =	vadd.f32 v3, v0;
	_ =	sdelay $0x1  }
.Ltmp5:
0x5f9: {  	v0 =	vadd.f32 v1, v0;
	(pc) =	sbr.rel @p0 .LBB2_12-.Ltmp5, $4  }
0x5fa: {  	s17 =	sshra.s32 s13, $0x2;
	s13 =	smov.u32 s16  }
0x5fb: {  	s2 =	sadd.s32 $0x320, s2;
	[tilespmem:s17+$0x1F400] =	vst v0  }
0x5fc: {  	v0 =	vld [tilespmem:s2+$0xFFFFFE80]  }
0x5fd: {  	s16 =	sadd.s32 $0x40, s16;
	v1 =	vld [tilespmem:s2+$0xFFFFFE70]  }
0x5fe: {  	_ = 	snop  }
0x5ff: {  	v2 =	vld [tilespmem:s2+$0xFFFFFE90];
	_ =	sdelay $0x1  }
0x600: {  	v3 =	vld [tilespmem:s2+$0xFFFFFEA0]  }
0x601: {  	v0 =	vadd.f32 v0, v1  }
0x602: {  	v1 =	vld [tilespmem:s2+$0xFFFFFEB0]  }
0x603: {  	v0 =	vadd.f32 v2, v0  }
0x604: {  	v2 =	vld [tilespmem:s2+$0xFFFFFEC0]  }
0x605: {  	v0 =	vadd.f32 v3, v0  }
0x606: {  	v3 =	vld [tilespmem:s2+$0xFFFFFED0]  }
0x607: {  	v0 =	vadd.f32 v1, v0  }
0x608: {  	v1 =	vld [tilespmem:s2+$0xFFFFFEE0]  }
0x609: {  	v0 =	vadd.f32 v2, v0  }
0x60a: {  	v2 =	vld [tilespmem:s2+$0xFFFFFEF0]  }
0x60b: {  	v0 =	vadd.f32 v3, v0  }
0x60c: {  	v3 =	vld [tilespmem:s2+$0xFFFFFF00]  }
0x60d: {  	v0 =	vadd.f32 v1, v0  }
0x60e: {  	v1 =	vld [tilespmem:s2+$0xFFFFFF10]  }
0x60f: {  	v0 =	vadd.f32 v2, v0  }
0x610: {  	v2 =	vld [tilespmem:s2+$0xFFFFFF20]  }
0x611: {  	v0 =	vadd.f32 v3, v0  }
0x612: {  	v3 =	vld [tilespmem:s2+$0xFFFFFF30]  }
0x613: {  	v0 =	vadd.f32 v1, v0  }
0x614: {  	v1 =	vld [tilespmem:s2+$0xFFFFFF40]  }
0x615: {  	v0 =	vadd.f32 v2, v0  }
0x616: {  	v2 =	vld [tilespmem:s2+$0xFFFFFF50]  }
0x617: {  	v0 =	vadd.f32 v3, v0  }
0x618: {  	v3 =	vld [tilespmem:s2+$0xFFFFFF60]  }
0x619: {  	v0 =	vadd.f32 v1, v0  }
0x61a: {  	v1 =	vld [tilespmem:s2+$0xFFFFFF70]  }
0x61b: {  	v0 =	vadd.f32 v2, v0  }
0x61c: {  	v2 =	vld [tilespmem:s2+$0xFFFFFF80]  }
0x61d: {  	v0 =	vadd.f32 v3, v0  }
0x61e: {  	v3 =	vld [tilespmem:s2+$0xFFFFFF90]  }
0x61f: {  	v0 =	vadd.f32 v1, v0  }
0x620: {  	v1 =	vld [tilespmem:s2+$0xFFFFFFA0]  }
0x621: {  	v0 =	vadd.f32 v2, v0  }
0x622: {  	v2 =	vld [tilespmem:s2+$0xFFFFFFB0]  }
0x623: {  	v0 =	vadd.f32 v3, v0  }
0x624: {  	v3 =	vld [tilespmem:s2+$0xFFFFFFC0]  }
0x625: {  	v0 =	vadd.f32 v1, v0  }
0x626: {  	v1 =	vld [tilespmem:s2+$0xFFFFFFD0]  }
0x627: {  	v0 =	vadd.f32 v2, v0  }
0x628: {  	v2 =	vld [tilespmem:s2+$0xFFFFFFE0]  }
0x629: {  	v0 =	vadd.f32 v3, v0  }
0x62a: {  	v3 =	vld [tilespmem:s2+$0xFFFFFFF0]  }
0x62b: {  	v0 =	vadd.f32 v1, v0  }
0x62c: {  	v1 =	vld [tilespmem:s2+$0x0]  }
0x62d: {  	v0 =	vadd.f32 v2, v0  }
0x62e: {  	v2 =	vld [tilespmem:s2+$0x10]  }
0x62f: {  	v0 =	vadd.f32 v3, v0  }
0x630: {  	v3 =	vld [tilespmem:s2+$0x20]  }
0x631: {  	v0 =	vadd.f32 v1, v0  }
0x632: {  	v1 =	vld [tilespmem:s2+$0x30]  }
0x633: {  	v0 =	vadd.f32 v2, v0  }
0x634: {  	v2 =	vld [tilespmem:s2+$0x40]  }
0x635: {  	v0 =	vadd.f32 v3, v0  }
0x636: {  	v3 =	vld [tilespmem:s2+$0x50]  }
0x637: {  	v0 =	vadd.f32 v1, v0  }
0x638: {  	v1 =	vld [tilespmem:s2+$0x60]  }
0x639: {  	v0 =	vadd.f32 v2, v0  }
0x63a: {  	v2 =	vld [tilespmem:s2+$0x70]  }
0x63b: {  	v0 =	vadd.f32 v3, v0  }
0x63c: {  	v3 =	vld [tilespmem:s2+$0x80]  }
0x63d: {  	v0 =	vadd.f32 v1, v0  }
0x63e: {  	v1 =	vld [tilespmem:s2+$0x90]  }
0x63f: {  	v0 =	vadd.f32 v2, v0  }
0x640: {  	v2 =	vld [tilespmem:s2+$0xA0]  }
0x641: {  	v0 =	vadd.f32 v3, v0  }
0x642: {  	v3 =	vld [tilespmem:s2+$0xB0]  }
0x643: {  	v0 =	vadd.f32 v1, v0  }
0x644: {  	v1 =	vld [tilespmem:s2+$0xC0]  }
0x645: {  	v0 =	vadd.f32 v2, v0  }
0x646: {  	v2 =	vld [tilespmem:s2+$0xD0]  }
0x647: {  	v0 =	vadd.f32 v3, v0  }
0x648: {  	v3 =	vld [tilespmem:s2+$0xE0]  }
0x649: {  	v0 =	vadd.f32 v1, v0  }
0x64a: {  	v1 =	vld [tilespmem:s2+$0xF0]  }
0x64b: {  	v0 =	vadd.f32 v2, v0  }
0x64c: {  	v2 =	vld [tilespmem:s2+$0x100]  }
0x64d: {  	v0 =	vadd.f32 v3, v0  }
0x64e: {  	v3 =	vld [tilespmem:s2+$0x110]  }
0x64f: {  	v0 =	vadd.f32 v1, v0  }
0x650: {  	v1 =	vld [tilespmem:s2+$0x120]  }
0x651: {  	v0 =	vadd.f32 v2, v0  }
0x652: {  	v2 =	vld [tilespmem:s2+$0x130]  }
0x653: {  	v0 =	vadd.f32 v3, v0  }
0x654: {  	v3 =	vld [tilespmem:s2+$0x140]  }
0x655: {  	v0 =	vadd.f32 v1, v0  }
0x656: {  	v1 =	vld [tilespmem:s2+$0x150]  }
0x657: {  	v0 =	vadd.f32 v2, v0  }
0x658: {  	v2 =	vld [tilespmem:s2+$0x160]  }
0x659: {  	v0 =	vadd.f32 v3, v0  }
0x65a: {  	v3 =	vld [tilespmem:s2+$0x170]  }
0x65b: {  	v0 =	vadd.f32 v1, v0  }
0x65c: {  	v1 =	vld [tilespmem:s2+$0x180]  }
0x65d: {  	v0 =	vadd.f32 v2, v0;
	_ =	sdelay $0x1  }
0x65e: {  	v0 =	vadd.f32 v3, v0;
	_ =	sdelay $0x1  }
0x65f: {  	v0 =	vadd.f32 v1, v0  }
0x660: {  	s13 =	sshra.s32 s13, $0x2  }
0x661: {  	s16 =	rddreg [dreg:$0x8];
	[tilespmem:s13+$0x1F400] =	vst v0;
	s13 =	simm.s32 $0x0  }
0x662: {  	[hbm4b:s16+s13] =	stream.linear.scatter [tilespmem:s10], [sflag:$0x3], $0x400, $0x38;
	[tilespmem:$0x1F800] =	vst v63  }
0x663: {  	_ =	swait.ge [sflag:s14], $0x400  }
0x664: {  	[sflag:s14] =	ssyncset.done $0x0  }
0x665: {  	s17 =	simm.s32 $0x12C00;
	s16 =	simm.s32 $0x5780;
	[sflag:s14] =	ssyncadd.s32 $0xFFFFFC00  }
0x666: {  	[tilespmem:s17], [sflag:$0x2] =	stream.indirect.gather [hbm4b:s3+s15], $0x10, s16, s15, $0xb8;
	[tilespmem:$0x1F800] =	vst v63  }
0x667: {  	s16 =	simm.s32 $0x13400;
	s17 =	simm.s32 $0x5800  }
0x668: {  	[tilespmem:s16], [sflag:$0x2] =	stream.indirect.gather [hbm4b:s3+s15], $0x10, s17, s15, $0xb8;
	[tilespmem:$0x1F800] =	vst v63  }
0x669: {  	s16 =	simm.s32 $0x13C00;
	s17 =	simm.s32 $0x5880  }
0x66a: {  	[tilespmem:s16], [sflag:$0x2] =	stream.indirect.gather [hbm4b:s3+s15], $0x10, s17, s15, $0xb8;
	[tilespmem:$0x1F800] =	vst v63  }
0x66b: {  	s16 =	simm.s32 $0x14400;
	s17 =	simm.s32 $0x5900  }
0x66c: {  	[tilespmem:s16], [sflag:$0x2] =	stream.indirect.gather [hbm4b:s3+s15], $0x10, s17, s15, $0xb8;
	[tilespmem:$0x1F800] =	vst v63  }
0x66d: {  	s16 =	simm.s32 $0x14C00;
	s17 =	simm.s32 $0x5980  }
0x66e: {  	[tilespmem:s16], [sflag:$0x2] =	stream.indirect.gather [hbm4b:s3+s15], $0x10, s17, s15, $0xb8;
	[tilespmem:$0x1F800] =	vst v63  }
0x66f: {  	s16 =	simm.s32 $0x5A00  }
0x670: {  	[tilespmem:s19], [sflag:$0x2] =	stream.indirect.gather [hbm4b:s3+s15], $0x10, s16, s15, $0xb8;
	[tilespmem:$0x1F800] =	vst v63  }
0x671: {  	s17 =	simm.s32 $0x5A80  }
0x672: {  	[tilespmem:s21], [sflag:$0x2] =	stream.indirect.gather [hbm4b:s3+s15], $0x10, s17, s15, $0xb8;
	[tilespmem:$0x1F800] =	vst v63  }
0x673: {  	s16 =	simm.s32 $0x5B00  }
0x674: {  	[tilespmem:s23], [sflag:$0x2] =	stream.indirect.gather [hbm4b:s3+s15], $0x10, s16, s15, $0xb8;
	[tilespmem:$0x1F800] =	vst v63  }
0x675: {  	s17 =	simm.s32 $0x5B80  }
0x676: {  	[tilespmem:s25], [sflag:$0x2] =	stream.indirect.gather [hbm4b:s3+s15], $0x10, s17, s15, $0xb8;
	[tilespmem:$0x1F800] =	vst v63  }
0x677: {  	s16 =	simm.s32 $0x5C00  }
0x678: {  	[tilespmem:s28], [sflag:$0x2] =	stream.indirect.gather [hbm4b:s3+s15], $0x10, s16, s15, $0xb8;
	[tilespmem:$0x1F800] =	vst v63  }
0x679: {  	s17 =	simm.s32 $0x5C80  }
0x67a: {  	[tilespmem:s30], [sflag:$0x2] =	stream.indirect.gather [hbm4b:s3+s15], $0x10, s17, s15, $0xb8;
	[tilespmem:$0x1F800] =	vst v63  }
0x67b: {  	s16 =	simm.s32 $0x5D00  }
0x67c: {  	[tilespmem:s0], [sflag:$0x2] =	stream.indirect.gather [hbm4b:s3+s15], $0x10, s16, s15, $0xb8;
	[tilespmem:$0x1F800] =	vst v63  }
0x67d: {  	s17 =	simm.s32 $0x5D80  }
0x67e: {  	[tilespmem:s18], [sflag:$0x2] =	stream.indirect.gather [hbm4b:s3+s15], $0x10, s17, s15, $0xb8;
	[tilespmem:$0x1F800] =	vst v63  }
0x67f: {  	s16 =	simm.s32 $0x5E00  }
0x680: {  	[tilespmem:s22], [sflag:$0x2] =	stream.indirect.gather [hbm4b:s3+s15], $0x10, s16, s15, $0xb8;
	[tilespmem:$0x1F800] =	vst v63  }
0x681: {  	s17 =	simm.s32 $0x5E80  }
0x682: {  	[tilespmem:s26], [sflag:$0x2] =	stream.indirect.gather [hbm4b:s3+s15], $0x10, s17, s15, $0xb8;
	[tilespmem:$0x1F800] =	vst v63  }
0x683: {  	s16 =	simm.s32 $0x5F00  }
0x684: {  	[tilespmem:s31], [sflag:$0x2] =	stream.indirect.gather [hbm4b:s3+s15], $0x10, s16, s15, $0xb8;
	[tilespmem:$0x1F800] =	vst v63  }
0x685: {  	s17 =	simm.s32 $0x5F80  }
0x686: {  	[tilespmem:s20], [sflag:$0x2] =	stream.indirect.gather [hbm4b:s3+s15], $0x10, s17, s15, $0xb8;
	[tilespmem:$0x1F800] =	vst v63  }
0x687: {  	s16 =	simm.s32 $0x6000  }
0x688: {  	[tilespmem:s29], [sflag:$0x2] =	stream.indirect.gather [hbm4b:s3+s15], $0x10, s16, s15, $0xb8;
	[tilespmem:$0x1F800] =	vst v63  }
0x689: {  	s17 =	simm.s32 $0x6080  }
0x68a: {  	[tilespmem:s24], [sflag:$0x2] =	stream.indirect.gather [hbm4b:s3+s15], $0x10, s17, s15, $0xb8;
	[tilespmem:$0x1F800] =	vst v63  }
0x68b: {  	s16 =	simm.s32 $0x6100  }
0x68c: {  	[tilespmem:s1], [sflag:$0x2] =	stream.indirect.gather [hbm4b:s3+s15], $0x10, s16, s15, $0xb8;
	[tilespmem:$0x1F800] =	vst v63  }
0x68d: {  	s17 =	simm.s32 $0x6180  }
0x68e: {  	[tilespmem:s4], [sflag:$0x2] =	stream.indirect.gather [hbm4b:s3+s15], $0x10, s17, s15, $0xb8;
	[tilespmem:$0x1F800] =	vst v63  }
0x68f: {  	s16 =	simm.s32 $0x6200  }
0x690: {  	[tilespmem:s5], [sflag:$0x2] =	stream.indirect.gather [hbm4b:s3+s15], $0x10, s16, s15, $0xb8;
	[tilespmem:$0x1F800] =	vst v63  }
0x691: {  	s17 =	simm.s32 $0x6280  }
0x692: {  	[tilespmem:s6], [sflag:$0x2] =	stream.indirect.gather [hbm4b:s3+s15], $0x10, s17, s15, $0xb8;
	[tilespmem:$0x1F800] =	vst v63  }
0x693: {  	s16 =	simm.s32 $0x6300  }
0x694: {  	[tilespmem:s7], [sflag:$0x2] =	stream.indirect.gather [hbm4b:s3+s15], $0x10, s16, s15, $0xb8;
	[tilespmem:$0x1F800] =	vst v63  }
0x695: {  	s17 =	simm.s32 $0x6380  }
0x696: {  	[tilespmem:s8], [sflag:$0x2] =	stream.indirect.gather [hbm4b:s3+s15], $0x10, s17, s15, $0xb8;
	[tilespmem:$0x1F800] =	vst v63  }
0x697: {  	_ =	swait.ge [sflag:s9], $0xC800  }
0x698: {  	[sflag:s9] =	ssyncset.done $0x0  }
0x699: {  	s2 =	simm.s32 $0x6590;
	[sflag:s9] =	ssyncadd.s32 $0xFFFF3800  }
0x69a: {  	v0 =	vld [tilespmem:s2+$0xFFFFFE80]  }
0x69b: {  	s16 =	simm.s32 $0x40;
	v1 =	vld [tilespmem:s2+$0xFFFFFE70]  }
.LBB2_14:
0x69c: {  	p0 =	sne.s32 s16, $0xFC0  }
0x69d: {  	v2 =	vld [tilespmem:s2+$0xFFFFFE90];
	_ =	sdelay $0x1  }
0x69e: {  	v3 =	vld [tilespmem:s2+$0xFFFFFEA0]  }
0x69f: {  	v0 =	vadd.f32 v0, v1  }
0x6a0: {  	v1 =	vld [tilespmem:s2+$0xFFFFFEB0]  }
0x6a1: {  	v0 =	vadd.f32 v2, v0  }
0x6a2: {  	v2 =	vld [tilespmem:s2+$0xFFFFFEC0]  }
0x6a3: {  	v0 =	vadd.f32 v3, v0  }
0x6a4: {  	v3 =	vld [tilespmem:s2+$0xFFFFFED0]  }
0x6a5: {  	v0 =	vadd.f32 v1, v0  }
0x6a6: {  	v1 =	vld [tilespmem:s2+$0xFFFFFEE0]  }
0x6a7: {  	v0 =	vadd.f32 v2, v0  }
0x6a8: {  	v2 =	vld [tilespmem:s2+$0xFFFFFEF0]  }
0x6a9: {  	v0 =	vadd.f32 v3, v0  }
0x6aa: {  	v3 =	vld [tilespmem:s2+$0xFFFFFF00]  }
0x6ab: {  	v0 =	vadd.f32 v1, v0  }
0x6ac: {  	v1 =	vld [tilespmem:s2+$0xFFFFFF10]  }
0x6ad: {  	v0 =	vadd.f32 v2, v0  }
0x6ae: {  	v2 =	vld [tilespmem:s2+$0xFFFFFF20]  }
0x6af: {  	v0 =	vadd.f32 v3, v0  }
0x6b0: {  	v3 =	vld [tilespmem:s2+$0xFFFFFF30]  }
0x6b1: {  	v0 =	vadd.f32 v1, v0  }
0x6b2: {  	v1 =	vld [tilespmem:s2+$0xFFFFFF40]  }
0x6b3: {  	v0 =	vadd.f32 v2, v0  }
0x6b4: {  	v2 =	vld [tilespmem:s2+$0xFFFFFF50]  }
0x6b5: {  	v0 =	vadd.f32 v3, v0  }
0x6b6: {  	v3 =	vld [tilespmem:s2+$0xFFFFFF60]  }
0x6b7: {  	v0 =	vadd.f32 v1, v0  }
0x6b8: {  	v1 =	vld [tilespmem:s2+$0xFFFFFF70]  }
0x6b9: {  	v0 =	vadd.f32 v2, v0  }
0x6ba: {  	v2 =	vld [tilespmem:s2+$0xFFFFFF80]  }
0x6bb: {  	v0 =	vadd.f32 v3, v0  }
0x6bc: {  	v3 =	vld [tilespmem:s2+$0xFFFFFF90]  }
0x6bd: {  	v0 =	vadd.f32 v1, v0  }
0x6be: {  	v1 =	vld [tilespmem:s2+$0xFFFFFFA0]  }
0x6bf: {  	v0 =	vadd.f32 v2, v0  }
0x6c0: {  	v2 =	vld [tilespmem:s2+$0xFFFFFFB0]  }
0x6c1: {  	v0 =	vadd.f32 v3, v0  }
0x6c2: {  	v3 =	vld [tilespmem:s2+$0xFFFFFFC0]  }
0x6c3: {  	v0 =	vadd.f32 v1, v0  }
0x6c4: {  	v1 =	vld [tilespmem:s2+$0xFFFFFFD0]  }
0x6c5: {  	v0 =	vadd.f32 v2, v0  }
0x6c6: {  	v2 =	vld [tilespmem:s2+$0xFFFFFFE0]  }
0x6c7: {  	v0 =	vadd.f32 v3, v0  }
0x6c8: {  	v3 =	vld [tilespmem:s2+$0xFFFFFFF0]  }
0x6c9: {  	v0 =	vadd.f32 v1, v0  }
0x6ca: {  	v1 =	vld [tilespmem:s2+$0x0]  }
0x6cb: {  	v0 =	vadd.f32 v2, v0  }
0x6cc: {  	v2 =	vld [tilespmem:s2+$0x10]  }
0x6cd: {  	v0 =	vadd.f32 v3, v0  }
0x6ce: {  	v3 =	vld [tilespmem:s2+$0x20]  }
0x6cf: {  	v0 =	vadd.f32 v1, v0  }
0x6d0: {  	v1 =	vld [tilespmem:s2+$0x30]  }
0x6d1: {  	v0 =	vadd.f32 v2, v0  }
0x6d2: {  	v2 =	vld [tilespmem:s2+$0x40]  }
0x6d3: {  	v0 =	vadd.f32 v3, v0  }
0x6d4: {  	v3 =	vld [tilespmem:s2+$0x50]  }
0x6d5: {  	v0 =	vadd.f32 v1, v0  }
0x6d6: {  	v1 =	vld [tilespmem:s2+$0x60]  }
0x6d7: {  	v0 =	vadd.f32 v2, v0  }
0x6d8: {  	v2 =	vld [tilespmem:s2+$0x70]  }
0x6d9: {  	v0 =	vadd.f32 v3, v0  }
0x6da: {  	v3 =	vld [tilespmem:s2+$0x80]  }
0x6db: {  	v0 =	vadd.f32 v1, v0  }
0x6dc: {  	v1 =	vld [tilespmem:s2+$0x90]  }
0x6dd: {  	v0 =	vadd.f32 v2, v0  }
0x6de: {  	v2 =	vld [tilespmem:s2+$0xA0]  }
0x6df: {  	v0 =	vadd.f32 v3, v0  }
0x6e0: {  	v3 =	vld [tilespmem:s2+$0xB0]  }
0x6e1: {  	v0 =	vadd.f32 v1, v0  }
0x6e2: {  	v1 =	vld [tilespmem:s2+$0xC0]  }
0x6e3: {  	v0 =	vadd.f32 v2, v0  }
0x6e4: {  	v2 =	vld [tilespmem:s2+$0xD0]  }
0x6e5: {  	v0 =	vadd.f32 v3, v0  }
0x6e6: {  	v3 =	vld [tilespmem:s2+$0xE0]  }
0x6e7: {  	v0 =	vadd.f32 v1, v0  }
0x6e8: {  	v1 =	vld [tilespmem:s2+$0xF0]  }
0x6e9: {  	v0 =	vadd.f32 v2, v0  }
0x6ea: {  	v2 =	vld [tilespmem:s2+$0x100]  }
0x6eb: {  	v0 =	vadd.f32 v3, v0  }
0x6ec: {  	v3 =	vld [tilespmem:s2+$0x110]  }
0x6ed: {  	v0 =	vadd.f32 v1, v0  }
0x6ee: {  	v1 =	vld [tilespmem:s2+$0x120]  }
0x6ef: {  	v0 =	vadd.f32 v2, v0  }
0x6f0: {  	v2 =	vld [tilespmem:s2+$0x130]  }
0x6f1: {  	v0 =	vadd.f32 v3, v0  }
0x6f2: {  	v3 =	vld [tilespmem:s2+$0x140]  }
0x6f3: {  	v0 =	vadd.f32 v1, v0  }
0x6f4: {  	v1 =	vld [tilespmem:s2+$0x150]  }
0x6f5: {  	v0 =	vadd.f32 v2, v0  }
0x6f6: {  	v2 =	vld [tilespmem:s2+$0x160]  }
0x6f7: {  	v0 =	vadd.f32 v3, v0  }
0x6f8: {  	v3 =	vld [tilespmem:s2+$0x170]  }
0x6f9: {  	v0 =	vadd.f32 v1, v0  }
0x6fa: {  	v1 =	vld [tilespmem:s2+$0x180]  }
0x6fb: {  	v0 =	vadd.f32 v2, v0;
	_ =	sdelay $0x1  }
0x6fc: {  	v0 =	vadd.f32 v3, v0;
	_ =	sdelay $0x1  }
.Ltmp6:
0x6fd: {  	v0 =	vadd.f32 v1, v0;
	(pc) =	sbr.rel @p0 .LBB2_14-.Ltmp6, $4  }
0x6fe: {  	s17 =	sshra.s32 s13, $0x2;
	s13 =	smov.u32 s16  }
0x6ff: {  	s2 =	sadd.s32 $0x320, s2;
	[tilespmem:s17+$0x1F400] =	vst v0  }
0x700: {  	v0 =	vld [tilespmem:s2+$0xFFFFFE80]  }
0x701: {  	s16 =	sadd.s32 $0x40, s16;
	v1 =	vld [tilespmem:s2+$0xFFFFFE70]  }
0x702: {  	_ = 	snop  }
0x703: {  	v2 =	vld [tilespmem:s2+$0xFFFFFE90];
	_ =	sdelay $0x1  }
0x704: {  	v3 =	vld [tilespmem:s2+$0xFFFFFEA0]  }
0x705: {  	v0 =	vadd.f32 v0, v1  }
0x706: {  	v1 =	vld [tilespmem:s2+$0xFFFFFEB0]  }
0x707: {  	v0 =	vadd.f32 v2, v0  }
0x708: {  	v2 =	vld [tilespmem:s2+$0xFFFFFEC0]  }
0x709: {  	v0 =	vadd.f32 v3, v0  }
0x70a: {  	v3 =	vld [tilespmem:s2+$0xFFFFFED0]  }
0x70b: {  	v0 =	vadd.f32 v1, v0  }
0x70c: {  	v1 =	vld [tilespmem:s2+$0xFFFFFEE0]  }
0x70d: {  	v0 =	vadd.f32 v2, v0  }
0x70e: {  	v2 =	vld [tilespmem:s2+$0xFFFFFEF0]  }
0x70f: {  	v0 =	vadd.f32 v3, v0  }
0x710: {  	v3 =	vld [tilespmem:s2+$0xFFFFFF00]  }
0x711: {  	v0 =	vadd.f32 v1, v0  }
0x712: {  	v1 =	vld [tilespmem:s2+$0xFFFFFF10]  }
0x713: {  	v0 =	vadd.f32 v2, v0  }
0x714: {  	v2 =	vld [tilespmem:s2+$0xFFFFFF20]  }
0x715: {  	v0 =	vadd.f32 v3, v0  }
0x716: {  	v3 =	vld [tilespmem:s2+$0xFFFFFF30]  }
0x717: {  	v0 =	vadd.f32 v1, v0  }
0x718: {  	v1 =	vld [tilespmem:s2+$0xFFFFFF40]  }
0x719: {  	v0 =	vadd.f32 v2, v0  }
0x71a: {  	v2 =	vld [tilespmem:s2+$0xFFFFFF50]  }
0x71b: {  	v0 =	vadd.f32 v3, v0  }
0x71c: {  	v3 =	vld [tilespmem:s2+$0xFFFFFF60]  }
0x71d: {  	v0 =	vadd.f32 v1, v0  }
0x71e: {  	v1 =	vld [tilespmem:s2+$0xFFFFFF70]  }
0x71f: {  	v0 =	vadd.f32 v2, v0  }
0x720: {  	v2 =	vld [tilespmem:s2+$0xFFFFFF80]  }
0x721: {  	v0 =	vadd.f32 v3, v0  }
0x722: {  	v3 =	vld [tilespmem:s2+$0xFFFFFF90]  }
0x723: {  	v0 =	vadd.f32 v1, v0  }
0x724: {  	v1 =	vld [tilespmem:s2+$0xFFFFFFA0]  }
0x725: {  	v0 =	vadd.f32 v2, v0  }
0x726: {  	v2 =	vld [tilespmem:s2+$0xFFFFFFB0]  }
0x727: {  	v0 =	vadd.f32 v3, v0  }
0x728: {  	v3 =	vld [tilespmem:s2+$0xFFFFFFC0]  }
0x729: {  	v0 =	vadd.f32 v1, v0  }
0x72a: {  	v1 =	vld [tilespmem:s2+$0xFFFFFFD0]  }
0x72b: {  	v0 =	vadd.f32 v2, v0  }
0x72c: {  	v2 =	vld [tilespmem:s2+$0xFFFFFFE0]  }
0x72d: {  	v0 =	vadd.f32 v3, v0  }
0x72e: {  	v3 =	vld [tilespmem:s2+$0xFFFFFFF0]  }
0x72f: {  	v0 =	vadd.f32 v1, v0  }
0x730: {  	v1 =	vld [tilespmem:s2+$0x0]  }
0x731: {  	v0 =	vadd.f32 v2, v0  }
0x732: {  	v2 =	vld [tilespmem:s2+$0x10]  }
0x733: {  	v0 =	vadd.f32 v3, v0  }
0x734: {  	v3 =	vld [tilespmem:s2+$0x20]  }
0x735: {  	v0 =	vadd.f32 v1, v0  }
0x736: {  	v1 =	vld [tilespmem:s2+$0x30]  }
0x737: {  	v0 =	vadd.f32 v2, v0  }
0x738: {  	v2 =	vld [tilespmem:s2+$0x40]  }
0x739: {  	v0 =	vadd.f32 v3, v0  }
0x73a: {  	v3 =	vld [tilespmem:s2+$0x50]  }
0x73b: {  	v0 =	vadd.f32 v1, v0  }
0x73c: {  	v1 =	vld [tilespmem:s2+$0x60]  }
0x73d: {  	v0 =	vadd.f32 v2, v0  }
0x73e: {  	v2 =	vld [tilespmem:s2+$0x70]  }
0x73f: {  	v0 =	vadd.f32 v3, v0  }
0x740: {  	v3 =	vld [tilespmem:s2+$0x80]  }
0x741: {  	v0 =	vadd.f32 v1, v0  }
0x742: {  	v1 =	vld [tilespmem:s2+$0x90]  }
0x743: {  	v0 =	vadd.f32 v2, v0  }
0x744: {  	v2 =	vld [tilespmem:s2+$0xA0]  }
0x745: {  	v0 =	vadd.f32 v3, v0  }
0x746: {  	v3 =	vld [tilespmem:s2+$0xB0]  }
0x747: {  	v0 =	vadd.f32 v1, v0  }
0x748: {  	v1 =	vld [tilespmem:s2+$0xC0]  }
0x749: {  	v0 =	vadd.f32 v2, v0  }
0x74a: {  	v2 =	vld [tilespmem:s2+$0xD0]  }
0x74b: {  	v0 =	vadd.f32 v3, v0  }
0x74c: {  	v3 =	vld [tilespmem:s2+$0xE0]  }
0x74d: {  	v0 =	vadd.f32 v1, v0  }
0x74e: {  	v1 =	vld [tilespmem:s2+$0xF0]  }
0x74f: {  	v0 =	vadd.f32 v2, v0  }
0x750: {  	v2 =	vld [tilespmem:s2+$0x100]  }
0x751: {  	v0 =	vadd.f32 v3, v0  }
0x752: {  	v3 =	vld [tilespmem:s2+$0x110]  }
0x753: {  	v0 =	vadd.f32 v1, v0  }
0x754: {  	v1 =	vld [tilespmem:s2+$0x120]  }
0x755: {  	v0 =	vadd.f32 v2, v0  }
0x756: {  	v2 =	vld [tilespmem:s2+$0x130]  }
0x757: {  	v0 =	vadd.f32 v3, v0  }
0x758: {  	v3 =	vld [tilespmem:s2+$0x140]  }
0x759: {  	v0 =	vadd.f32 v1, v0  }
0x75a: {  	v1 =	vld [tilespmem:s2+$0x150]  }
0x75b: {  	v0 =	vadd.f32 v2, v0  }
0x75c: {  	v2 =	vld [tilespmem:s2+$0x160]  }
0x75d: {  	v0 =	vadd.f32 v3, v0  }
0x75e: {  	v3 =	vld [tilespmem:s2+$0x170]  }
0x75f: {  	v0 =	vadd.f32 v1, v0  }
0x760: {  	v1 =	vld [tilespmem:s2+$0x180]  }
0x761: {  	v0 =	vadd.f32 v2, v0;
	_ =	sdelay $0x1  }
0x762: {  	v0 =	vadd.f32 v3, v0;
	_ =	sdelay $0x1  }
0x763: {  	v0 =	vadd.f32 v1, v0  }
0x764: {  	s16 =	sshra.s32 s13, $0x2  }
0x765: {  	s13 =	simm.s32 $0x0;
	s17 =	rddreg [dreg:$0xa];
	[tilespmem:s16+$0x1F400] =	vst v0  }
0x766: {  	[hbm4b:s17+s13] =	stream.linear.scatter [tilespmem:s10], [sflag:$0x3], $0x400, $0x38;
	[tilespmem:$0x1F800] =	vst v63  }
0x767: {  	_ =	swait.ge [sflag:s14], $0x400  }
0x768: {  	[sflag:s14] =	ssyncset.done $0x0  }
0x769: {  	[sflag:s14] =	ssyncadd.s32 $0xFFFFFC00  }
0x76a: {  	_ =	swait.ge [sflag:s11], $0xC800  }
0x76b: {  	[sflag:s11] =	ssyncset.done $0x0  }
0x76c: {  	s2 =	simm.s32 $0x12D90;
	[sflag:s11] =	ssyncadd.s32 $0xFFFF3800  }
0x76d: {  	v0 =	vld [tilespmem:s2+$0xFFFFFE80]  }
0x76e: {  	s16 =	simm.s32 $0x40;
	v1 =	vld [tilespmem:s2+$0xFFFFFE70]  }
.LBB2_16:
0x76f: {  	p0 =	sne.s32 s16, $0xFC0  }
0x770: {  	v2 =	vld [tilespmem:s2+$0xFFFFFE90];
	_ =	sdelay $0x1  }
0x771: {  	v3 =	vld [tilespmem:s2+$0xFFFFFEA0]  }
0x772: {  	v0 =	vadd.f32 v0, v1  }
0x773: {  	v1 =	vld [tilespmem:s2+$0xFFFFFEB0]  }
0x774: {  	v0 =	vadd.f32 v2, v0  }
0x775: {  	v2 =	vld [tilespmem:s2+$0xFFFFFEC0]  }
0x776: {  	v0 =	vadd.f32 v3, v0  }
0x777: {  	v3 =	vld [tilespmem:s2+$0xFFFFFED0]  }
0x778: {  	v0 =	vadd.f32 v1, v0  }
0x779: {  	v1 =	vld [tilespmem:s2+$0xFFFFFEE0]  }
0x77a: {  	v0 =	vadd.f32 v2, v0  }
0x77b: {  	v2 =	vld [tilespmem:s2+$0xFFFFFEF0]  }
0x77c: {  	v0 =	vadd.f32 v3, v0  }
0x77d: {  	v3 =	vld [tilespmem:s2+$0xFFFFFF00]  }
0x77e: {  	v0 =	vadd.f32 v1, v0  }
0x77f: {  	v1 =	vld [tilespmem:s2+$0xFFFFFF10]  }
0x780: {  	v0 =	vadd.f32 v2, v0  }
0x781: {  	v2 =	vld [tilespmem:s2+$0xFFFFFF20]  }
0x782: {  	v0 =	vadd.f32 v3, v0  }
0x783: {  	v3 =	vld [tilespmem:s2+$0xFFFFFF30]  }
0x784: {  	v0 =	vadd.f32 v1, v0  }
0x785: {  	v1 =	vld [tilespmem:s2+$0xFFFFFF40]  }
0x786: {  	v0 =	vadd.f32 v2, v0  }
0x787: {  	v2 =	vld [tilespmem:s2+$0xFFFFFF50]  }
0x788: {  	v0 =	vadd.f32 v3, v0  }
0x789: {  	v3 =	vld [tilespmem:s2+$0xFFFFFF60]  }
0x78a: {  	v0 =	vadd.f32 v1, v0  }
0x78b: {  	v1 =	vld [tilespmem:s2+$0xFFFFFF70]  }
0x78c: {  	v0 =	vadd.f32 v2, v0  }
0x78d: {  	v2 =	vld [tilespmem:s2+$0xFFFFFF80]  }
0x78e: {  	v0 =	vadd.f32 v3, v0  }
0x78f: {  	v3 =	vld [tilespmem:s2+$0xFFFFFF90]  }
0x790: {  	v0 =	vadd.f32 v1, v0  }
0x791: {  	v1 =	vld [tilespmem:s2+$0xFFFFFFA0]  }
0x792: {  	v0 =	vadd.f32 v2, v0  }
0x793: {  	v2 =	vld [tilespmem:s2+$0xFFFFFFB0]  }
0x794: {  	v0 =	vadd.f32 v3, v0  }
0x795: {  	v3 =	vld [tilespmem:s2+$0xFFFFFFC0]  }
0x796: {  	v0 =	vadd.f32 v1, v0  }
0x797: {  	v1 =	vld [tilespmem:s2+$0xFFFFFFD0]  }
0x798: {  	v0 =	vadd.f32 v2, v0  }
0x799: {  	v2 =	vld [tilespmem:s2+$0xFFFFFFE0]  }
0x79a: {  	v0 =	vadd.f32 v3, v0  }
0x79b: {  	v3 =	vld [tilespmem:s2+$0xFFFFFFF0]  }
0x79c: {  	v0 =	vadd.f32 v1, v0  }
0x79d: {  	v1 =	vld [tilespmem:s2+$0x0]  }
0x79e: {  	v0 =	vadd.f32 v2, v0  }
0x79f: {  	v2 =	vld [tilespmem:s2+$0x10]  }
0x7a0: {  	v0 =	vadd.f32 v3, v0  }
0x7a1: {  	v3 =	vld [tilespmem:s2+$0x20]  }
0x7a2: {  	v0 =	vadd.f32 v1, v0  }
0x7a3: {  	v1 =	vld [tilespmem:s2+$0x30]  }
0x7a4: {  	v0 =	vadd.f32 v2, v0  }
0x7a5: {  	v2 =	vld [tilespmem:s2+$0x40]  }
0x7a6: {  	v0 =	vadd.f32 v3, v0  }
0x7a7: {  	v3 =	vld [tilespmem:s2+$0x50]  }
0x7a8: {  	v0 =	vadd.f32 v1, v0  }
0x7a9: {  	v1 =	vld [tilespmem:s2+$0x60]  }
0x7aa: {  	v0 =	vadd.f32 v2, v0  }
0x7ab: {  	v2 =	vld [tilespmem:s2+$0x70]  }
0x7ac: {  	v0 =	vadd.f32 v3, v0  }
0x7ad: {  	v3 =	vld [tilespmem:s2+$0x80]  }
0x7ae: {  	v0 =	vadd.f32 v1, v0  }
0x7af: {  	v1 =	vld [tilespmem:s2+$0x90]  }
0x7b0: {  	v0 =	vadd.f32 v2, v0  }
0x7b1: {  	v2 =	vld [tilespmem:s2+$0xA0]  }
0x7b2: {  	v0 =	vadd.f32 v3, v0  }
0x7b3: {  	v3 =	vld [tilespmem:s2+$0xB0]  }
0x7b4: {  	v0 =	vadd.f32 v1, v0  }
0x7b5: {  	v1 =	vld [tilespmem:s2+$0xC0]  }
0x7b6: {  	v0 =	vadd.f32 v2, v0  }
0x7b7: {  	v2 =	vld [tilespmem:s2+$0xD0]  }
0x7b8: {  	v0 =	vadd.f32 v3, v0  }
0x7b9: {  	v3 =	vld [tilespmem:s2+$0xE0]  }
0x7ba: {  	v0 =	vadd.f32 v1, v0  }
0x7bb: {  	v1 =	vld [tilespmem:s2+$0xF0]  }
0x7bc: {  	v0 =	vadd.f32 v2, v0  }
0x7bd: {  	v2 =	vld [tilespmem:s2+$0x100]  }
0x7be: {  	v0 =	vadd.f32 v3, v0  }
0x7bf: {  	v3 =	vld [tilespmem:s2+$0x110]  }
0x7c0: {  	v0 =	vadd.f32 v1, v0  }
0x7c1: {  	v1 =	vld [tilespmem:s2+$0x120]  }
0x7c2: {  	v0 =	vadd.f32 v2, v0  }
0x7c3: {  	v2 =	vld [tilespmem:s2+$0x130]  }
0x7c4: {  	v0 =	vadd.f32 v3, v0  }
0x7c5: {  	v3 =	vld [tilespmem:s2+$0x140]  }
0x7c6: {  	v0 =	vadd.f32 v1, v0  }
0x7c7: {  	v1 =	vld [tilespmem:s2+$0x150]  }
0x7c8: {  	v0 =	vadd.f32 v2, v0  }
0x7c9: {  	v2 =	vld [tilespmem:s2+$0x160]  }
0x7ca: {  	v0 =	vadd.f32 v3, v0  }
0x7cb: {  	v3 =	vld [tilespmem:s2+$0x170]  }
0x7cc: {  	v0 =	vadd.f32 v1, v0  }
0x7cd: {  	v1 =	vld [tilespmem:s2+$0x180]  }
0x7ce: {  	v0 =	vadd.f32 v2, v0;
	_ =	sdelay $0x1  }
0x7cf: {  	v0 =	vadd.f32 v3, v0;
	_ =	sdelay $0x1  }
.Ltmp7:
0x7d0: {  	v0 =	vadd.f32 v1, v0;
	(pc) =	sbr.rel @p0 .LBB2_16-.Ltmp7, $4  }
0x7d1: {  	s17 =	sshra.s32 s13, $0x2;
	s13 =	smov.u32 s16  }
0x7d2: {  	s2 =	sadd.s32 $0x320, s2;
	[tilespmem:s17+$0x1F400] =	vst v0  }
0x7d3: {  	v0 =	vld [tilespmem:s2+$0xFFFFFE80]  }
0x7d4: {  	s16 =	sadd.s32 $0x40, s16;
	v1 =	vld [tilespmem:s2+$0xFFFFFE70]  }
0x7d5: {  	_ = 	snop  }
0x7d6: {  	v2 =	vld [tilespmem:s2+$0xFFFFFE90];
	_ =	sdelay $0x1  }
0x7d7: {  	v3 =	vld [tilespmem:s2+$0xFFFFFEA0]  }
0x7d8: {  	v0 =	vadd.f32 v0, v1  }
0x7d9: {  	v18 =	vld [tilespmem:s2+$0xFFFFFEB0]  }
0x7da: {  	v0 =	vadd.f32 v2, v0  }
0x7db: {  	v19 =	vld [tilespmem:s2+$0xFFFFFEC0]  }
0x7dc: {  	v0 =	vadd.f32 v3, v0  }
0x7dd: {  	v20 =	vld [tilespmem:s2+$0xFFFFFED0]  }
0x7de: {  	v0 =	vadd.f32 v18, v0  }
0x7df: {  	v21 =	vld [tilespmem:s2+$0xFFFFFEE0]  }
0x7e0: {  	v0 =	vadd.f32 v19, v0  }
0x7e1: {  	v22 =	vld [tilespmem:s2+$0xFFFFFEF0]  }
0x7e2: {  	v0 =	vadd.f32 v20, v0  }
0x7e3: {  	v23 =	vld [tilespmem:s2+$0xFFFFFF00]  }
0x7e4: {  	v0 =	vadd.f32 v21, v0  }
0x7e5: {  	v24 =	vld [tilespmem:s2+$0xFFFFFF10]  }
0x7e6: {  	v0 =	vadd.f32 v22, v0  }
0x7e7: {  	v25 =	vld [tilespmem:s2+$0xFFFFFF20]  }
0x7e8: {  	v0 =	vadd.f32 v23, v0  }
0x7e9: {  	v26 =	vld [tilespmem:s2+$0xFFFFFF30]  }
0x7ea: {  	v0 =	vadd.f32 v24, v0  }
0x7eb: {  	v27 =	vld [tilespmem:s2+$0xFFFFFF40]  }
0x7ec: {  	v0 =	vadd.f32 v25, v0  }
0x7ed: {  	v28 =	vld [tilespmem:s2+$0xFFFFFF50]  }
0x7ee: {  	v0 =	vadd.f32 v26, v0  }
0x7ef: {  	v29 =	vld [tilespmem:s2+$0xFFFFFF60]  }
0x7f0: {  	v0 =	vadd.f32 v27, v0  }
0x7f1: {  	v30 =	vld [tilespmem:s2+$0xFFFFFF70]  }
0x7f2: {  	v0 =	vadd.f32 v28, v0  }
0x7f3: {  	v31 =	vld [tilespmem:s2+$0xFFFFFF80]  }
0x7f4: {  	v0 =	vadd.f32 v29, v0  }
0x7f5: {  	v32 =	vld [tilespmem:s2+$0xFFFFFF90]  }
0x7f6: {  	v0 =	vadd.f32 v30, v0  }
0x7f7: {  	v33 =	vld [tilespmem:s2+$0xFFFFFFA0]  }
0x7f8: {  	v0 =	vadd.f32 v31, v0  }
0x7f9: {  	v34 =	vld [tilespmem:s2+$0xFFFFFFB0]  }
0x7fa: {  	v0 =	vadd.f32 v32, v0  }
0x7fb: {  	v35 =	vld [tilespmem:s2+$0xFFFFFFC0]  }
0x7fc: {  	v0 =	vadd.f32 v33, v0  }
0x7fd: {  	v36 =	vld [tilespmem:s2+$0xFFFFFFD0]  }
0x7fe: {  	v0 =	vadd.f32 v34, v0  }
0x7ff: {  	v37 =	vld [tilespmem:s2+$0xFFFFFFE0]  }
0x800: {  	v0 =	vadd.f32 v35, v0  }
0x801: {  	v38 =	vld [tilespmem:s2+$0xFFFFFFF0]  }
0x802: {  	v0 =	vadd.f32 v36, v0  }
0x803: {  	v39 =	vld [tilespmem:s2+$0x0]  }
0x804: {  	v0 =	vadd.f32 v37, v0  }
0x805: {  	v40 =	vld [tilespmem:s2+$0x10]  }
0x806: {  	v0 =	vadd.f32 v38, v0  }
0x807: {  	v41 =	vld [tilespmem:s2+$0x20]  }
0x808: {  	v0 =	vadd.f32 v39, v0  }
0x809: {  	v42 =	vld [tilespmem:s2+$0x30]  }
0x80a: {  	v0 =	vadd.f32 v40, v0  }
0x80b: {  	v43 =	vld [tilespmem:s2+$0x40]  }
0x80c: {  	v0 =	vadd.f32 v41, v0  }
0x80d: {  	v44 =	vld [tilespmem:s2+$0x50]  }
0x80e: {  	v0 =	vadd.f32 v42, v0  }
0x80f: {  	v45 =	vld [tilespmem:s2+$0x60]  }
0x810: {  	v0 =	vadd.f32 v43, v0  }
0x811: {  	v46 =	vld [tilespmem:s2+$0x70]  }
0x812: {  	v0 =	vadd.f32 v44, v0  }
0x813: {  	v47 =	vld [tilespmem:s2+$0x80]  }
0x814: {  	v0 =	vadd.f32 v45, v0  }
0x815: {  	v48 =	vld [tilespmem:s2+$0x90]  }
0x816: {  	v0 =	vadd.f32 v46, v0  }
0x817: {  	v49 =	vld [tilespmem:s2+$0xA0]  }
0x818: {  	v0 =	vadd.f32 v47, v0  }
0x819: {  	v50 =	vld [tilespmem:s2+$0xB0]  }
0x81a: {  	v0 =	vadd.f32 v48, v0  }
0x81b: {  	v51 =	vld [tilespmem:s2+$0xC0]  }
0x81c: {  	v0 =	vadd.f32 v49, v0  }
0x81d: {  	v52 =	vld [tilespmem:s2+$0xD0]  }
0x81e: {  	v0 =	vadd.f32 v50, v0  }
0x81f: {  	v53 =	vld [tilespmem:s2+$0xE0]  }
0x820: {  	v0 =	vadd.f32 v51, v0  }
0x821: {  	v54 =	vld [tilespmem:s2+$0xF0]  }
0x822: {  	v0 =	vadd.f32 v52, v0  }
0x823: {  	v55 =	vld [tilespmem:s2+$0x100]  }
0x824: {  	v0 =	vadd.f32 v53, v0  }
0x825: {  	v56 =	vld [tilespmem:s2+$0x110]  }
0x826: {  	v0 =	vadd.f32 v54, v0  }
0x827: {  	v57 =	vld [tilespmem:s2+$0x120]  }
0x828: {  	v0 =	vadd.f32 v55, v0  }
0x829: {  	v58 =	vld [tilespmem:s2+$0x130]  }
0x82a: {  	v0 =	vadd.f32 v56, v0  }
0x82b: {  	v59 =	vld [tilespmem:s2+$0x140]  }
0x82c: {  	v0 =	vadd.f32 v57, v0  }
0x82d: {  	v60 =	vld [tilespmem:s2+$0x150]  }
0x82e: {  	v0 =	vadd.f32 v58, v0  }
0x82f: {  	v61 =	vld [tilespmem:s2+$0x160]  }
0x830: {  	v0 =	vadd.f32 v59, v0  }
0x831: {  	v62 =	vld [tilespmem:s2+$0x170]  }
0x832: {  	v0 =	vadd.f32 v60, v0  }
0x833: {  	v63 =	vld [tilespmem:s2+$0x180]  }
0x834: {  	v0 =	vadd.f32 v61, v0;
	_ =	sdelay $0x1  }
0x835: {  	v0 =	vadd.f32 v62, v0;
	_ =	sdelay $0x1  }
0x836: {  	v0 =	vadd.f32 v63, v0  }
0x837: {  	s13 =	sshra.s32 s13, $0x2  }
0x838: {  	s16 =	rddreg [dreg:$0xb];
	[tilespmem:s13+$0x1F400] =	vst v0;
	s13 =	simm.s32 $0x0  }
0x839: {  	[hbm4b:s16+s13] =	stream.linear.scatter [tilespmem:s10], [sflag:$0x3], $0x400, $0x38;
	[tilespmem:$0x1F800] =	vst v63  }
0x83a: {  	_ =	swait.ge [sflag:s14], $0x400  }
0x83b: {  	s12 =	sadd.s32 $0x1, s12;
	s17 =	rddreg [dreg:$0xc]  }
0x83c: {  	p0 =	sne.s32 s12, s17  }
.Ltmp8:
0x83d: {  	_ = 	snop;
	(pc) =	sbr.rel @p0 .LBB2_1-.Ltmp8, $3  }
0x83e: {  	_ =	sdelay $0x1  }
0x83f: {  	[sflag:s14] =	ssyncset.done $0x0  }
0x840: {  	[sflag:s14] =	ssyncadd.s32 $0xFFFFFC00  }
0x841: {  	_ =	sfence.sel $0x180000  }
0x842: {  	[bflag:$0x0] =	sbarrier.arrive $0xFFFF  }
0x843: {  	_ =	strace $0x90000047  }
0x844: {  	s0 =	stileid.u32;
	[bflag:$0x2] =	sbarrier.arrive $0xFFFF  }
0x845: {  	p0 =	sne.s32 s0, $0x0;
	s0 =	rddreg [dreg:$0x2]  }
0x846: {  	s0 =	sadd.s32 @!p0 $0x100000, s0  }
0x847: {  	[sflag:s0] =	ssyncadd.tile.s32 @!p0 $0x1;
	_ =	shalt  }
.Lfunc_end2:
_tile_overlayer_lowered:
.L_overlay_start_2:
0x848: {  	(tag) =	ssettag $0x2  }
0x849: {  	s0 =	rddreg [dreg:$0x0];
	s2 =	stileid.u32  }
0x84a: {  	s1 =	rddreg [dreg:$0x1];
	p0 =	sne.s32 s2, $0x0  }
0x84b: {  	s3 =	rddreg [dreg:$0x2];
	[bflag:$0x3] =	sbarrier.arrive $0xFFFF;
	s2 =	simm.s32 @!p0 $0x1C03  }
0x84c: {  	[timem:s3], [sflag:s2] =	dma.local @!p0 [hbm:s0], s1  }
0x84d: {  	s0 =	simm.s32 @!p0 $0x3  }
0x84e: {  	_ =	swait.ge @!p0 [sflag:s0], s1  }
0x84f: {  	s1 =	ssub.s32 @!p0 $0x0, s1;
	[sflag:s0] =	ssyncset.done @!p0 $0x0  }
0x850: {  	[sflag:s0] =	ssyncadd.s32 @!p0 s1  }
0x851: {  	[bflag:$0x3] =	sbarrier.arrive $0xFFFF  }
0x852: {  	_ =	shalt  }

</sc_bundles>
